<compile_context>
chip_gen: v7x
topology: tpu7x:2x2x1
jax: 0.10.2.dev20260603
libtpu: 0.0.44.dev20260713+nightly
codegen_flags: <defaults>
</compile_context>

<pallas_src>
import functools

import jax
import jax.numpy as jnp
from jax import lax
from jax.experimental import pallas as pl
from jax.experimental.pallas import tpu as pltpu
from jax.experimental.pallas import tpu_sc as plsc

MAXB = 256
NFEAT = 64
NC, NS, LANES = 2, 16, 16
NW = NC * NS
HIST = NFEAT * MAXB


def _sc_partial_hists(Xt, gradient, hessian):
    N = Xt.shape[1]
    per_w = N // NW
    CH = 256
    n_ch = per_w // CH
    mesh = plsc.VectorSubcoreMesh(
        core_axis_name="c", subcore_axis_name="s", num_cores=NC, num_subcores=NS
    )

    @functools.partial(
        pl.kernel,
        out_type=(
            jax.ShapeDtypeStruct((NW, HIST), jnp.float32),
            jax.ShapeDtypeStruct((NW, HIST), jnp.float32),
        ),
        mesh=mesh,
        compiler_params=pltpu.CompilerParams(needs_layout_passes=False),
        scratch_types=[
            pltpu.VMEM((2, NFEAT, CH), jnp.int32),
            pltpu.VMEM((per_w,), jnp.float32),
            pltpu.VMEM((per_w,), jnp.float32),
            pltpu.VMEM((HIST,), jnp.float32),
            pltpu.VMEM((HIST,), jnp.float32),
            pltpu.SemaphoreType.DMA,
            pltpu.SemaphoreType.DMA,
            pltpu.SemaphoreType.DMA,
        ],
    )
    def hist_kernel(x_hbm, g_hbm, h_hbm, og_hbm, oh_hbm, xv, gv, hv, hg, hh,
                    sem0, sem1, semw):
        wid = lax.axis_index("s") * NC + lax.axis_index("c")
        base = wid * per_w
        sems = (sem0, sem1)

        wg = pltpu.async_copy(g_hbm.at[pl.ds(base, per_w)], gv, semw)
        wh = pltpu.async_copy(h_hbm.at[pl.ds(base, per_w)], hv, semw)
        pltpu.async_copy(x_hbm.at[:, pl.ds(base, CH)], xv.at[0], sem0)
        pltpu.async_copy(x_hbm.at[:, pl.ds(base + CH, CH)], xv.at[1], sem1)

        zeros = jnp.zeros((LANES,), jnp.float32)

        @pl.loop(0, HIST // LANES)
        def _zero(j):
            hg[pl.ds(j * LANES, LANES)] = zeros
            hh[pl.ds(j * LANES, LANES)] = zeros

        wg.wait()
        wh.wait()

        @pl.loop(0, n_ch, step=2)
        def _chunk(c):
            for b in range(2):
                cc = c + b
                pltpu.make_async_copy(
                    x_hbm.at[:, pl.ds(0, CH)], xv.at[b], sems[b]
                ).wait()

                @plsc.parallel_loop(0, CH // LANES, unroll=8)
                def _blk(blk):
                    i0 = blk * LANES
                    gblk = gv[pl.ds(cc * CH + i0, LANES)]
                    hblk = hv[pl.ds(cc * CH + i0, LANES)]
                    for f in range(NFEAT):
                        xvec = xv[b, f, pl.ds(i0, LANES)]
                        plsc.addupdate_scatter(
                            hg.at[pl.ds(f * MAXB, MAXB)], [xvec], gblk)
                        plsc.addupdate_scatter(
                            hh.at[pl.ds(f * MAXB, MAXB)], [xvec], hblk)

                @pl.when(cc + 2 < n_ch)
                def _prefetch():
                    s = base + (cc + 2) * CH
                    pltpu.async_copy(x_hbm.at[:, pl.ds(s, CH)], xv.at[b], sems[b])

        pltpu.sync_copy(hg, og_hbm.at[wid])
        pltpu.sync_copy(hh, oh_hbm.at[wid])

    return hist_kernel(Xt, gradient, hessian)


def _tc_merge_suffix(pg, ph):
    def body(pg_ref, ph_ref, og_ref, oh_ref):
        sg = jnp.sum(pg_ref[...], axis=0)
        sh = jnp.sum(ph_ref[...], axis=0)
        row = lax.broadcasted_iota(jnp.int32, (MAXB, MAXB), 0)
        col = lax.broadcasted_iota(jnp.int32, (MAXB, MAXB), 1)
        tri = (row > col).astype(jnp.float32)
        og_ref[...] = jnp.dot(sg, tri, preferred_element_type=jnp.float32)
        oh_ref[...] = jnp.dot(sh, tri, preferred_element_type=jnp.float32)

    return pl.pallas_call(
        body,
        out_shape=(
            jax.ShapeDtypeStruct((NFEAT, MAXB), jnp.float32),
            jax.ShapeDtypeStruct((NFEAT, MAXB), jnp.float32),
        ),
    )(pg, ph)


def kernel(X, gradient, hessian):
    Xt = X.T
    pg, ph = _sc_partial_hists(Xt, gradient, hessian)
    pg = pg.reshape(NW, NFEAT, MAXB)
    ph = ph.reshape(NW, NFEAT, MAXB)
    Gl, Hl = _tc_merge_suffix(pg, ph)
    return (Gl[None], Hl[None])

# --- scband reference (transcript-rebuilt; emitter-appended) ---
"""Pipeline reference for scband-pgbm-38740605010080 (READ-ONLY COPY).

The authoritative reference and input builder live on the scoring server;
editing this copy changes nothing except your own understanding.
"""

import jax, jax.numpy as jnp
import numpy as np

MAX_BIN = 256
N_SAMPLES = 262144
N_FEATURES = 64


def setup_inputs(seed: int = 0) -> dict:
    key = jax.random.key(seed)
    k1, k2, k3 = jax.random.split(key, 3)
    X = jax.random.randint(k1, (N_SAMPLES, N_FEATURES), 0, MAX_BIN, dtype=jnp.int32)
    gradient = jax.random.normal(k2, (N_SAMPLES,), dtype=jnp.float32)
    hessian = jax.random.uniform(k3, (N_SAMPLES,), dtype=jnp.float32)
    return {"X": X, "gradient": gradient, "hessian": hessian}


def _split_decision(Xt, gradient, hessian, max_bin):
    # Xt: [F, N] pre-binned feature values (integer bin ids in [0, max_bin)).
    # Faithful to PGBM's parallelsum split_decision kernel:
    #   Gl[f, b] = sum_i gradient[i] * (Xt[f, i] > b)
    #   Hl[f, b] = sum_i hessian[i]  * (Xt[f, i] > b)
    # computed as a scatter-add histogram followed by an exclusive suffix sum.
    F_, N = Xt.shape
    seg_ids = (jnp.arange(F_, dtype=jnp.int32)[:, None] * max_bin + Xt).reshape(-1)
    g_flat = jnp.broadcast_to(gradient[None, :], (F_, N)).reshape(-1)
    h_flat = jnp.broadcast_to(hessian[None, :], (F_, N)).reshape(-1)
    hist_g = jax.ops.segment_sum(g_flat, seg_ids, num_segments=F_ * max_bin).reshape(F_, max_bin)
    hist_h = jax.ops.segment_sum(h_flat, seg_ids, num_segments=F_ * max_bin).reshape(F_, max_bin)
    Gl = hist_g.sum(axis=1, keepdims=True) - jnp.cumsum(hist_g, axis=1)
    Hl = hist_h.sum(axis=1, keepdims=True) - jnp.cumsum(hist_h, axis=1)
    return Gl, Hl


def reference(X, gradient, hessian):
    # _split_decision.forward: kernel is called with X.T ([features, samples]).
    Gl, Hl = _split_decision(X.T, gradient, hessian, MAX_BIN)
    return (Gl[None], Hl[None])

if __name__ == "__main__":
    import jax
    _d = setup_inputs()
    print(jax.jit(kernel)(*tuple(_d.values())))

</pallas_src>

<mosaic_0001>
#map = affine_map<(d0, d1) -> (0, 0)>
#map1 = affine_map<(d0, d1) -> (0)>
module attributes {stable_mosaic.version = 14 : i64} {
  func.func @hist_kernel(%arg0: i32, %arg1: i32, %arg2: memref<64x262144xi32, #tpu.memory_space<hbm>>, %arg3: memref<262144xf32, #tpu.memory_space<hbm>>, %arg4: memref<262144xf32, #tpu.memory_space<hbm>>, %arg5: memref<32x16384xf32, #tpu.memory_space<hbm>>, %arg6: memref<32x16384xf32, #tpu.memory_space<hbm>>, %arg7: memref<2x64x256xi32, #tpu.memory_space<vmem>>, %arg8: memref<8192xf32, #tpu.memory_space<vmem>>, %arg9: memref<8192xf32, #tpu.memory_space<vmem>>, %arg10: memref<16384xf32, #tpu.memory_space<vmem>>, %arg11: memref<16384xf32, #tpu.memory_space<vmem>>, %arg12: memref<!tpu.dma_semaphore, #tpu.memory_space<semaphore_mem>>, %arg13: memref<!tpu.dma_semaphore, #tpu.memory_space<semaphore_mem>>, %arg14: memref<!tpu.dma_semaphore, #tpu.memory_space<semaphore_mem>>) attributes {dimension_semantics = [#tpu.dimension_semantics<core_parallel>, #tpu.dimension_semantics<subcore_parallel>], iteration_bounds = array<i64: 2, 16>, scalar_prefetch = 0 : i64, scratch_operands = 8 : i64, tpu.core_type = #tpu.core_type<sc_vector_subcore>, window_params = [{transform_indices = #map}, {transform_indices = #map1}, {transform_indices = #map1}, {transform_indices = #map}, {transform_indices = #map}]} {
    %mul3A = arith.constant 2 : i32
    %mul3A_0 = arith.muli %arg1, %mul3A : i32
    %add3A = arith.addi %mul3A_0, %arg0 : i32
    %mul3A_1 = arith.constant 8192 : i32
    %mul3A_2 = arith.muli %add3A, %mul3A_1 : i32
    %dma_start3A = tpu.memref_slice %arg3[%mul3A_2] : memref<262144xf32, #tpu.memory_space<hbm>> -> memref<8192xf32, #tpu.memory_space<hbm>>
    %dma_start3A_3 = tpu.memref_slice %arg3[%mul3A_2] : memref<262144xf32, #tpu.memory_space<hbm>> -> memref<8192xf32, #tpu.memory_space<hbm>>
    tpu.enqueue_dma source(%dma_start3A_3 : memref<8192xf32, #tpu.memory_space<hbm>>) target(%arg8 : memref<8192xf32, #tpu.memory_space<vmem>>) target_semaphore(%arg14 : memref<!tpu.dma_semaphore, #tpu.memory_space<semaphore_mem>>)
    %dma_start3A_4 = tpu.memref_slice %arg4[%mul3A_2] : memref<262144xf32, #tpu.memory_space<hbm>> -> memref<8192xf32, #tpu.memory_space<hbm>>
    %dma_start3A_5 = tpu.memref_slice %arg4[%mul3A_2] : memref<262144xf32, #tpu.memory_space<hbm>> -> memref<8192xf32, #tpu.memory_space<hbm>>
    tpu.enqueue_dma source(%dma_start3A_5 : memref<8192xf32, #tpu.memory_space<hbm>>) target(%arg9 : memref<8192xf32, #tpu.memory_space<vmem>>) target_semaphore(%arg14 : memref<!tpu.dma_semaphore, #tpu.memory_space<semaphore_mem>>)
    %dma_start3A_6 = arith.constant 0 : i32
    %dma_start3A_7 = arith.constant 0 : i32
    %dma_start3A_8 = arith.constant 0 : i32
    %dma_start3A_9 = tpu.memref_slice %arg7[%dma_start3A_6, %dma_start3A_7, %dma_start3A_8] : memref<2x64x256xi32, #tpu.memory_space<vmem>> -> memref<1x64x256xi32, #tpu.memory_space<vmem>>
    %dma_start3A_10 = tpu.memref_squeeze %dma_start3A_9 : memref<1x64x256xi32, #tpu.memory_space<vmem>> -> memref<64x256xi32, #tpu.memory_space<vmem>>
    %dma_start3A_11 = arith.constant 0 : i32
    %dma_start3A_12 = tpu.memref_slice %arg2[%dma_start3A_11, %mul3A_2] : memref<64x262144xi32, #tpu.memory_space<hbm>> -> memref<64x256xi32, #tpu.memory_space<hbm>>
    %dma_start3A_13 = arith.constant 0 : i32
    %dma_start3A_14 = arith.constant 0 : i32
    %dma_start3A_15 = tpu.memref_slice %arg7[%dma_start3A_6, %dma_start3A_13, %dma_start3A_14] : memref<2x64x256xi32, #tpu.memory_space<vmem>> -> memref<1x64x256xi32, #tpu.memory_space<vmem>>
    %dma_start3A_16 = tpu.memref_squeeze %dma_start3A_15 : memref<1x64x256xi32, #tpu.memory_space<vmem>> -> memref<64x256xi32, #tpu.memory_space<vmem>>
    %dma_start3A_17 = arith.constant 0 : i32
    %dma_start3A_18 = tpu.memref_slice %arg2[%dma_start3A_17, %mul3A_2] : memref<64x262144xi32, #tpu.memory_space<hbm>> -> memref<64x256xi32, #tpu.memory_space<hbm>>
    tpu.enqueue_dma source(%dma_start3A_18 : memref<64x256xi32, #tpu.memory_space<hbm>>) target(%dma_start3A_16 : memref<64x256xi32, #tpu.memory_space<vmem>>) target_semaphore(%arg12 : memref<!tpu.dma_semaphore, #tpu.memory_space<semaphore_mem>>)
    %add3A_19 = arith.constant 256 : i32
    %add3A_20 = arith.addi %mul3A_2, %add3A_19 : i32
    %dma_start3A_21 = arith.constant 1 : i32
    %dma_start3A_22 = arith.constant 0 : i32
    %dma_start3A_23 = arith.constant 0 : i32
    %dma_start3A_24 = tpu.memref_slice %arg7[%dma_start3A_21, %dma_start3A_22, %dma_start3A_23] : memref<2x64x256xi32, #tpu.memory_space<vmem>> -> memref<1x64x256xi32, #tpu.memory_space<vmem>>
    %dma_start3A_25 = tpu.memref_squeeze %dma_start3A_24 : memref<1x64x256xi32, #tpu.memory_space<vmem>> -> memref<64x256xi32, #tpu.memory_space<vmem>>
    %dma_start3A_26 = arith.constant 0 : i32
    %dma_start3A_27 = tpu.memref_slice %arg2[%dma_start3A_26, %add3A_20] : memref<64x262144xi32, #tpu.memory_space<hbm>> -> memref<64x256xi32, #tpu.memory_space<hbm>>
    %dma_start3A_28 = arith.constant 0 : i32
    %dma_start3A_29 = arith.constant 0 : i32
    %dma_start3A_30 = tpu.memref_slice %arg7[%dma_start3A_21, %dma_start3A_28, %dma_start3A_29] : memref<2x64x256xi32, #tpu.memory_space<vmem>> -> memref<1x64x256xi32, #tpu.memory_space<vmem>>
    %dma_start3A_31 = tpu.memref_squeeze %dma_start3A_30 : memref<1x64x256xi32, #tpu.memory_space<vmem>> -> memref<64x256xi32, #tpu.memory_space<vmem>>
    %dma_start3A_32 = arith.constant 0 : i32
    %dma_start3A_33 = tpu.memref_slice %arg2[%dma_start3A_32, %add3A_20] : memref<64x262144xi32, #tpu.memory_space<hbm>> -> memref<64x256xi32, #tpu.memory_space<hbm>>
    tpu.enqueue_dma source(%dma_start3A_33 : memref<64x256xi32, #tpu.memory_space<hbm>>) target(%dma_start3A_31 : memref<64x256xi32, #tpu.memory_space<vmem>>) target_semaphore(%arg13 : memref<!tpu.dma_semaphore, #tpu.memory_space<semaphore_mem>>)
    %broadcast_in_dim3A = arith.constant 0.000000e+00 : f32
    %broadcast_in_dim3A_34 = vector.broadcast %broadcast_in_dim3A : f32 to vector<16xf32>
    %scan3A = arith.constant 0 : i32
    %scan3A_35 = arith.constant 1024 : i32
    %scan3A_36 = arith.addi %scan3A, %scan3A_35 : i32
    %scan3A_37 = arith.constant 1 : i32
    scf.for %scan3A_47 = %scan3A to %scan3A_36 step %scan3A_37  : i32 {
      %mul3A_48 = arith.constant 1 : i32
      %mul3A_49 = arith.muli %scan3A_47, %mul3A_48 : i32
      %add3A_50 = arith.constant 0 : i32
      %add3A_51 = arith.addi %add3A_50, %mul3A_49 : i32
      %mul3A_52 = arith.constant 16 : i32
      %mul3A_53 = arith.muli %add3A_51, %mul3A_52 : i32
      %swap3A = arith.index_cast %mul3A_53 : i32 to index
      %swap3A_54 = tpu.vector_load %arg10[%swap3A] {strides = array<i32>} : memref<16384xf32, #tpu.memory_space<vmem>>, vector<16xf32>,
      tpu.vector_store %arg10[%swap3A], %broadcast_in_dim3A_34 {strides = array<i32>} : memref<16384xf32, #tpu.memory_space<vmem>>, vector<16xf32>,
      %mul3A_55 = arith.constant 16 : i32
      %mul3A_56 = arith.muli %add3A_51, %mul3A_55 : i32
      %swap3A_57 = arith.index_cast %mul3A_56 : i32 to index
      %swap3A_58 = tpu.vector_load %arg11[%swap3A_57] {strides = array<i32>} : memref<16384xf32, #tpu.memory_space<vmem>>, vector<16xf32>,
      tpu.vector_store %arg11[%swap3A_57], %broadcast_in_dim3A_34 {strides = array<i32>} : memref<16384xf32, #tpu.memory_space<vmem>>, vector<16xf32>,
    }
    %scan3A_38 = arith.constant 1024 : i32
    %dma_wait3A = tpu.memref_slice %arg3[%mul3A_2] : memref<262144xf32, #tpu.memory_space<hbm>> -> memref<8192xf32, #tpu.memory_space<hbm>>
    %dma_wait3A_39 = tpu.memref_slice %arg3[%mul3A_2] : memref<262144xf32, #tpu.memory_space<hbm>> -> memref<8192xf32, #tpu.memory_space<hbm>>
    tpu.wait_dma2 semaphore(%arg14 : memref<!tpu.dma_semaphore, #tpu.memory_space<semaphore_mem>>) src(%dma_wait3A_39 : memref<8192xf32, #tpu.memory_space<hbm>>) dst(%arg8 : memref<8192xf32, #tpu.memory_space<vmem>>)
    %dma_wait3A_40 = tpu.memref_slice %arg4[%mul3A_2] : memref<262144xf32, #tpu.memory_space<hbm>> -> memref<8192xf32, #tpu.memory_space<hbm>>
    %dma_wait3A_41 = tpu.memref_slice %arg4[%mul3A_2] : memref<262144xf32, #tpu.memory_space<hbm>> -> memref<8192xf32, #tpu.memory_space<hbm>>
    tpu.wait_dma2 semaphore(%arg14 : memref<!tpu.dma_semaphore, #tpu.memory_space<semaphore_mem>>) src(%dma_wait3A_41 : memref<8192xf32, #tpu.memory_space<hbm>>) dst(%arg9 : memref<8192xf32, #tpu.memory_space<vmem>>)
    %scan3A_42 = arith.constant 0 : i32
    %scan3A_43 = arith.constant 16 : i32
    %scan3A_44 = arith.addi %scan3A_42, %scan3A_43 : i32
    %scan3A_45 = arith.constant 1 : i32
    scf.for %scan3A_47 = %scan3A_42 to %scan3A_44 step %scan3A_45  : i32 {
      %mul3A_48 = arith.constant 2 : i32
      %mul3A_49 = arith.muli %scan3A_47, %mul3A_48 : i32
      %add3A_50 = arith.constant 0 : i32
      %add3A_51 = arith.addi %add3A_50, %mul3A_49 : i32
      %add3A_52 = arith.constant 0 : i32
      %add3A_53 = arith.addi %add3A_51, %add3A_52 : i32
      %dma_wait3A_54 = arith.constant 0 : i32
      %dma_wait3A_55 = arith.constant 0 : i32
      %dma_wait3A_56 = arith.constant 0 : i32
      %dma_wait3A_57 = tpu.memref_slice %arg7[%dma_wait3A_54, %dma_wait3A_55, %dma_wait3A_56] : memref<2x64x256xi32, #tpu.memory_space<vmem>> -> memref<1x64x256xi32, #tpu.memory_space<vmem>>
      %dma_wait3A_58 = tpu.memref_squeeze %dma_wait3A_57 : memref<1x64x256xi32, #tpu.memory_space<vmem>> -> memref<64x256xi32, #tpu.memory_space<vmem>>
      %dma_wait3A_59 = arith.constant 0 : i32
      %dma_wait3A_60 = arith.constant 0 : i32
      %dma_wait3A_61 = tpu.memref_slice %arg2[%dma_wait3A_59, %dma_wait3A_60] : memref<64x262144xi32, #tpu.memory_space<hbm>> -> memref<64x256xi32, #tpu.memory_space<hbm>>
      %dma_wait3A_62 = arith.constant 0 : i32
      %dma_wait3A_63 = arith.constant 0 : i32
      %dma_wait3A_64 = tpu.memref_slice %arg7[%dma_wait3A_54, %dma_wait3A_62, %dma_wait3A_63] : memref<2x64x256xi32, #tpu.memory_space<vmem>> -> memref<1x64x256xi32, #tpu.memory_space<vmem>>
      %dma_wait3A_65 = tpu.memref_squeeze %dma_wait3A_64 : memref<1x64x256xi32, #tpu.memory_space<vmem>> -> memref<64x256xi32, #tpu.memory_space<vmem>>
      %dma_wait3A_66 = arith.constant 0 : i32
      %dma_wait3A_67 = arith.constant 0 : i32
      %dma_wait3A_68 = tpu.memref_slice %arg2[%dma_wait3A_66, %dma_wait3A_67] : memref<64x262144xi32, #tpu.memory_space<hbm>> -> memref<64x256xi32, #tpu.memory_space<hbm>>
      tpu.wait_dma2 semaphore(%arg12 : memref<!tpu.dma_semaphore, #tpu.memory_space<semaphore_mem>>) src(%dma_wait3A_68 : memref<64x256xi32, #tpu.memory_space<hbm>>) dst(%dma_wait3A_65 : memref<64x256xi32, #tpu.memory_space<vmem>>)
      %parallel_loop3A = arith.constant 0 : i32
      %parallel_loop3A_69 = arith.constant 16 : i32
      %parallel_loop3A_70 = arith.constant 1 : i32
      scf.for %parallel_loop3A_102 = %parallel_loop3A to %parallel_loop3A_69 step %parallel_loop3A_70  : i32 {
        %parallel_loop3A_103 = arith.constant 16 : i32
        %parallel_loop3A_104 = arith.muli %parallel_loop3A_102, %parallel_loop3A_103 : i32
        %parallel_loop3A_105 = arith.constant 256 : i32
        %parallel_loop3A_106 = arith.muli %add3A_53, %parallel_loop3A_105 : i32
        %parallel_loop3A_107 = arith.addi %parallel_loop3A_106, %parallel_loop3A_104 : i32
        %parallel_loop3A_108 = arith.index_cast %parallel_loop3A_107 : i32 to index
        %parallel_loop3A_109 = tpu.vector_load %arg8[%parallel_loop3A_108] {strides = array<i32>} : memref<8192xf32, #tpu.memory_space<vmem>>, vector<16xf32>,
        %parallel_loop3A_110 = arith.constant 256 : i32
        %parallel_loop3A_111 = arith.muli %add3A_53, %parallel_loop3A_110 : i32
        %parallel_loop3A_112 = arith.addi %parallel_loop3A_111, %parallel_loop3A_104 : i32
        %parallel_loop3A_113 = arith.index_cast %parallel_loop3A_112 : i32 to index
        %parallel_loop3A_114 = tpu.vector_load %arg9[%parallel_loop3A_113] {strides = array<i32>} : memref<8192xf32, #tpu.memory_space<vmem>>, vector<16xf32>,
        %parallel_loop3A_115 = arith.constant 0 : i32
        %parallel_loop3A_116 = arith.constant 0 : i32
        %parallel_loop3A_117 = arith.index_cast %parallel_loop3A_115 : i32 to index
        %parallel_loop3A_118 = arith.index_cast %parallel_loop3A_116 : i32 to index
        %parallel_loop3A_119 = arith.index_cast %parallel_loop3A_104 : i32 to index
        %parallel_loop3A_120 = tpu.vector_load %arg7[%parallel_loop3A_117, %parallel_loop3A_118, %parallel_loop3A_119] {strides = array<i32>} : memref<2x64x256xi32, #tpu.memory_space<vmem>>, vector<16xi32>,
        %parallel_loop3A_121 = arith.constant 0 : i32
        %parallel_loop3A_122 = tpu.memref_slice %arg10[%parallel_loop3A_121] : memref<16384xf32, #tpu.memory_space<vmem>> -> memref<256xf32, #tpu.memory_space<vmem>>
        tpu.vector_store_idx %parallel_loop3A_122[%parallel_loop3A_120], %parallel_loop3A_109 {add = true} : memref<256xf32, #tpu.memory_space<vmem>>[vector<16xi32>], vector<16xf32>,
        %parallel_loop3A_123 = arith.constant 0 : i32
        %parallel_loop3A_124 = tpu.memref_slice %arg11[%parallel_loop3A_123] : memref<16384xf32, #tpu.memory_space<vmem>> -> memref<256xf32, #tpu.memory_space<vmem>>
        tpu.vector_store_idx %parallel_loop3A_124[%parallel_loop3A_120], %parallel_loop3A_114 {add = true} : memref<256xf32, #tpu.memory_space<vmem>>[vector<16xi32>], vector<16xf32>,
        %parallel_loop3A_125 = arith.constant 0 : i32
        %parallel_loop3A_126 = arith.constant 1 : i32
        %parallel_loop3A_127 = arith.index_cast %parallel_loop3A_125 : i32 to index
        %parallel_loop3A_128 = arith.index_cast %parallel_loop3A_126 : i32 to index
        %parallel_loop3A_129 = arith.index_cast %parallel_loop3A_104 : i32 to index
        %parallel_loop3A_130 = tpu.vector_load %arg7[%parallel_loop3A_127, %parallel_loop3A_128, %parallel_loop3A_129] {strides = array<i32>} : memref<2x64x256xi32, #tpu.memory_space<vmem>>, vector<16xi32>,
        %parallel_loop3A_131 = arith.constant 256 : i32
        %parallel_loop3A_132 = tpu.memref_slice %arg10[%parallel_loop3A_131] : memref<16384xf32, #tpu.memory_space<vmem>> -> memref<256xf32, #tpu.memory_space<vmem>>
        tpu.vector_store_idx %parallel_loop3A_132[%parallel_loop3A_130], %parallel_loop3A_109 {add = true} : memref<256xf32, #tpu.memory_space<vmem>>[vector<16xi32>], vector<16xf32>,
        %parallel_loop3A_133 = arith.constant 256 : i32
        %parallel_loop3A_134 = tpu.memref_slice %arg11[%parallel_loop3A_133] : memref<16384xf32, #tpu.memory_space<vmem>> -> memref<256xf32, #tpu.memory_space<vmem>>
        tpu.vector_store_idx %parallel_loop3A_134[%parallel_loop3A_130], %parallel_loop3A_114 {add = true} : memref<256xf32, #tpu.memory_space<vmem>>[vector<16xi32>], vector<16xf32>,
        %parallel_loop3A_135 = arith.constant 0 : i32
        %parallel_loop3A_136 = arith.constant 2 : i32
        %parallel_loop3A_137 = arith.index_cast %parallel_loop3A_135 : i32 to index
        %parallel_loop3A_138 = arith.index_cast %parallel_loop3A_136 : i32 to index
        %parallel_loop3A_139 = arith.index_cast %parallel_loop3A_104 : i32 to index
        %parallel_loop3A_140 = tpu.vector_load %arg7[%parallel_loop3A_137, %parallel_loop3A_138, %parallel_loop3A_139] {strides = array<i32>} : memref<2x64x256xi32, #tpu.memory_space<vmem>>, vector<16xi32>,
        %parallel_loop3A_141 = arith.constant 512 : i32
        %parallel_loop3A_142 = tpu.memref_slice %arg10[%parallel_loop3A_141] : memref<16384xf32, #tpu.memory_space<vmem>> -> memref<256xf32, #tpu.memory_space<vmem>>
        tpu.vector_store_idx %parallel_loop3A_142[%parallel_loop3A_140], %parallel_loop3A_109 {add = true} : memref<256xf32, #tpu.memory_space<vmem>>[vector<16xi32>], vector<16xf32>,
        %parallel_loop3A_143 = arith.constant 512 : i32
        %parallel_loop3A_144 = tpu.memref_slice %arg11[%parallel_loop3A_143] : memref<16384xf32, #tpu.memory_space<vmem>> -> memref<256xf32, #tpu.memory_space<vmem>>
        tpu.vector_store_idx %parallel_loop3A_144[%parallel_loop3A_140], %parallel_loop3A_114 {add = true} : memref<256xf32, #tpu.memory_space<vmem>>[vector<16xi32>], vector<16xf32>,
        %parallel_loop3A_145 = arith.constant 0 : i32
        %parallel_loop3A_146 = arith.constant 3 : i32
        %parallel_loop3A_147 = arith.index_cast %parallel_loop3A_145 : i32 to index
        %parallel_loop3A_148 = arith.index_cast %parallel_loop3A_146 : i32 to index
        %parallel_loop3A_149 = arith.index_cast %parallel_loop3A_104 : i32 to index
        %parallel_loop3A_150 = tpu.vector_load %arg7[%parallel_loop3A_147, %parallel_loop3A_148, %parallel_loop3A_149] {strides = array<i32>} : memref<2x64x256xi32, #tpu.memory_space<vmem>>, vector<16xi32>,
        %parallel_loop3A_151 = arith.constant 768 : i32
        %parallel_loop3A_152 = tpu.memref_slice %arg10[%parallel_loop3A_151] : memref<16384xf32, #tpu.memory_space<vmem>> -> memref<256xf32, #tpu.memory_space<vmem>>
        tpu.vector_store_idx %parallel_loop3A_152[%parallel_loop3A_150], %parallel_loop3A_109 {add = true} : memref<256xf32, #tpu.memory_space<vmem>>[vector<16xi32>], vector<16xf32>,
        %parallel_loop3A_153 = arith.constant 768 : i32
        %parallel_loop3A_154 = tpu.memref_slice %arg11[%parallel_loop3A_153] : memref<16384xf32, #tpu.memory_space<vmem>> -> memref<256xf32, #tpu.memory_space<vmem>>
        tpu.vector_store_idx %parallel_loop3A_154[%parallel_loop3A_150], %parallel_loop3A_114 {add = true} : memref<256xf32, #tpu.memory_space<vmem>>[vector<16xi32>], vector<16xf32>,
        %parallel_loop3A_155 = arith.constant 0 : i32
        %parallel_loop3A_156 = arith.constant 4 : i32
        %parallel_loop3A_157 = arith.index_cast %parallel_loop3A_155 : i32 to index
        %parallel_loop3A_158 = arith.index_cast %parallel_loop3A_156 : i32 to index
        %parallel_loop3A_159 = arith.index_cast %parallel_loop3A_104 : i32 to index
        %parallel_loop3A_160 = tpu.vector_load %arg7[%parallel_loop3A_157, %parallel_loop3A_158, %parallel_loop3A_159] {strides = array<i32>} : memref<2x64x256xi32, #tpu.memory_space<vmem>>, vector<16xi32>,
        %parallel_loop3A_161 = arith.constant 1024 : i32
        %parallel_loop3A_162 = tpu.memref_slice %arg10[%parallel_loop3A_161] : memref<16384xf32, #tpu.memory_space<vmem>> -> memref<256xf32, #tpu.memory_space<vmem>>
        tpu.vector_store_idx %parallel_loop3A_162[%parallel_loop3A_160], %parallel_loop3A_109 {add = true} : memref<256xf32, #tpu.memory_space<vmem>>[vector<16xi32>], vector<16xf32>,
        %parallel_loop3A_163 = arith.constant 1024 : i32
        %parallel_loop3A_164 = tpu.memref_slice %arg11[%parallel_loop3A_163] : memref<16384xf32, #tpu.memory_space<vmem>> -> memref<256xf32, #tpu.memory_space<vmem>>
        tpu.vector_store_idx %parallel_loop3A_164[%parallel_loop3A_160], %parallel_loop3A_114 {add = true} : memref<256xf32, #tpu.memory_space<vmem>>[vector<16xi32>], vector<16xf32>,
        %parallel_loop3A_165 = arith.constant 0 : i32
        %parallel_loop3A_166 = arith.constant 5 : i32
        %parallel_loop3A_167 = arith.index_cast %parallel_loop3A_165 : i32 to index
        %parallel_loop3A_168 = arith.index_cast %parallel_loop3A_166 : i32 to index
        %parallel_loop3A_169 = arith.index_cast %parallel_loop3A_104 : i32 to index
        %parallel_loop3A_170 = tpu.vector_load %arg7[%parallel_loop3A_167, %parallel_loop3A_168, %parallel_loop3A_169] {strides = array<i32>} : memref<2x64x256xi32, #tpu.memory_space<vmem>>, vector<16xi32>,
        %parallel_loop3A_171 = arith.constant 1280 : i32
        %parallel_loop3A_172 = tpu.memref_slice %arg10[%parallel_loop3A_171] : memref<16384xf32, #tpu.memory_space<vmem>> -> memref<256xf32, #tpu.memory_space<vmem>>
        tpu.vector_store_idx %parallel_loop3A_172[%parallel_loop3A_170], %parallel_loop3A_109 {add = true} : memref<256xf32, #tpu.memory_space<vmem>>[vector<16xi32>], vector<16xf32>,
        %parallel_loop3A_173 = arith.constant 1280 : i32
        %parallel_loop3A_174 = tpu.memref_slice %arg11[%parallel_loop3A_173] : memref<16384xf32, #tpu.memory_space<vmem>> -> memref<256xf32, #tpu.memory_space<vmem>>
        tpu.vector_store_idx %parallel_loop3A_174[%parallel_loop3A_170], %parallel_loop3A_114 {add = true} : memref<256xf32, #tpu.memory_space<vmem>>[vector<16xi32>], vector<16xf32>,
        %parallel_loop3A_175 = arith.constant 0 : i32
        %parallel_loop3A_176 = arith.constant 6 : i32
        %parallel_loop3A_177 = arith.index_cast %parallel_loop3A_175 : i32 to index
        %parallel_loop3A_178 = arith.index_cast %parallel_loop3A_176 : i32 to index
        %parallel_loop3A_179 = arith.index_cast %parallel_loop3A_104 : i32 to index
        %parallel_loop3A_180 = tpu.vector_load %arg7[%parallel_loop3A_177, %parallel_loop3A_178, %parallel_loop3A_179] {strides = array<i32>} : memref<2x64x256xi32, #tpu.memory_space<vmem>>, vector<16xi32>,
        %parallel_loop3A_181 = arith.constant 1536 : i32
        %parallel_loop3A_182 = tpu.memref_slice %arg10[%parallel_loop3A_181] : memref<16384xf32, #tpu.memory_space<vmem>> -> memref<256xf32, #tpu.memory_space<vmem>>
        tpu.vector_store_idx %parallel_loop3A_182[%parallel_loop3A_180], %parallel_loop3A_109 {add = true} : memref<256xf32, #tpu.memory_space<vmem>>[vector<16xi32>], vector<16xf32>,
        %parallel_loop3A_183 = arith.constant 1536 : i32
        %parallel_loop3A_184 = tpu.memref_slice %arg11[%parallel_loop3A_183] : memref<16384xf32, #tpu.memory_space<vmem>> -> memref<256xf32, #tpu.memory_space<vmem>>
        tpu.vector_store_idx %parallel_loop3A_184[%parallel_loop3A_180], %parallel_loop3A_114 {add = true} : memref<256xf32, #tpu.memory_space<vmem>>[vector<16xi32>], vector<16xf32>,
        %parallel_loop3A_185 = arith.constant 0 : i32
        %parallel_loop3A_186 = arith.constant 7 : i32
        %parallel_loop3A_187 = arith.index_cast %parallel_loop3A_185 : i32 to index
        %parallel_loop3A_188 = arith.index_cast %parallel_loop3A_186 : i32 to index
        %parallel_loop3A_189 = arith.index_cast %parallel_loop3A_104 : i32 to index
        %parallel_loop3A_190 = tpu.vector_load %arg7[%parallel_loop3A_187, %parallel_loop3A_188, %parallel_loop3A_189] {strides = array<i32>} : memref<2x64x256xi32, #tpu.memory_space<vmem>>, vector<16xi32>,
        %parallel_loop3A_191 = arith.constant 1792 : i32
        %parallel_loop3A_192 = tpu.memref_slice %arg10[%parallel_loop3A_191] : memref<16384xf32, #tpu.memory_space<vmem>> -> memref<256xf32, #tpu.memory_space<vmem>>
        tpu.vector_store_idx %parallel_loop3A_192[%parallel_loop3A_190], %parallel_loop3A_109 {add = true} : memref<256xf32, #tpu.memory_space<vmem>>[vector<16xi32>], vector<16xf32>,
        %parallel_loop3A_193 = arith.constant 1792 : i32
        %parallel_loop3A_194 = tpu.memref_slice %arg11[%parallel_loop3A_193] : memref<16384xf32, #tpu.memory_space<vmem>> -> memref<256xf32, #tpu.memory_space<vmem>>
        tpu.vector_store_idx %parallel_loop3A_194[%parallel_loop3A_190], %parallel_loop3A_114 {add = true} : memref<256xf32, #tpu.memory_space<vmem>>[vector<16xi32>], vector<16xf32>,
        %parallel_loop3A_195 = arith.constant 0 : i32
        %parallel_loop3A_196 = arith.constant 8 : i32
        %parallel_loop3A_197 = arith.index_cast %parallel_loop3A_195 : i32 to index
        %parallel_loop3A_198 = arith.index_cast %parallel_loop3A_196 : i32 to index
        %parallel_loop3A_199 = arith.index_cast %parallel_loop3A_104 : i32 to index
        %parallel_loop3A_200 = tpu.vector_load %arg7[%parallel_loop3A_197, %parallel_loop3A_198, %parallel_loop3A_199] {strides = array<i32>} : memref<2x64x256xi32, #tpu.memory_space<vmem>>, vector<16xi32>,
        %parallel_loop3A_201 = arith.constant 2048 : i32
        %parallel_loop3A_202 = tpu.memref_slice %arg10[%parallel_loop3A_201] : memref<16384xf32, #tpu.memory_space<vmem>> -> memref<256xf32, #tpu.memory_space<vmem>>
        tpu.vector_store_idx %parallel_loop3A_202[%parallel_loop3A_200], %parallel_loop3A_109 {add = true} : memref<256xf32, #tpu.memory_space<vmem>>[vector<16xi32>], vector<16xf32>,
        %parallel_loop3A_203 = arith.constant 2048 : i32
        %parallel_loop3A_204 = tpu.memref_slice %arg11[%parallel_loop3A_203] : memref<16384xf32, #tpu.memory_space<vmem>> -> memref<256xf32, #tpu.memory_space<vmem>>
        tpu.vector_store_idx %parallel_loop3A_204[%parallel_loop3A_200], %parallel_loop3A_114 {add = true} : memref<256xf32, #tpu.memory_space<vmem>>[vector<16xi32>], vector<16xf32>,
        %parallel_loop3A_205 = arith.constant 0 : i32
        %parallel_loop3A_206 = arith.constant 9 : i32
        %parallel_loop3A_207 = arith.index_cast %parallel_loop3A_205 : i32 to index
        %parallel_loop3A_208 = arith.index_cast %parallel_loop3A_206 : i32 to index
        %parallel_loop3A_209 = arith.index_cast %parallel_loop3A_104 : i32 to index
        %parallel_loop3A_210 = tpu.vector_load %arg7[%parallel_loop3A_207, %parallel_loop3A_208, %parallel_loop3A_209] {strides = array<i32>} : memref<2x64x256xi32, #tpu.memory_space<vmem>>, vector<16xi32>,
        %parallel_loop3A_211 = arith.constant 2304 : i32
        %parallel_loop3A_212 = tpu.memref_slice %arg10[%parallel_loop3A_211] : memref<16384xf32, #tpu.memory_space<vmem>> -> memref<256xf32, #tpu.memory_space<vmem>>
        tpu.vector_store_idx %parallel_loop3A_212[%parallel_loop3A_210], %parallel_loop3A_109 {add = true} : memref<256xf32, #tpu.memory_space<vmem>>[vector<16xi32>], vector<16xf32>,
        %parallel_loop3A_213 = arith.constant 2304 : i32
        %parallel_loop3A_214 = tpu.memref_slice %arg11[%parallel_loop3A_213] : memref<16384xf32, #tpu.memory_space<vmem>> -> memref<256xf32, #tpu.memory_space<vmem>>
        tpu.vector_store_idx %parallel_loop3A_214[%parallel_loop3A_210], %parallel_loop3A_114 {add = true} : memref<256xf32, #tpu.memory_space<vmem>>[vector<16xi32>], vector<16xf32>,
        %parallel_loop3A_215 = arith.constant 0 : i32
        %parallel_loop3A_216 = arith.constant 10 : i32
        %parallel_loop3A_217 = arith.index_cast %parallel_loop3A_215 : i32 to index
        %parallel_loop3A_218 = arith.index_cast %parallel_loop3A_216 : i32 to index
        %parallel_loop3A_219 = arith.index_cast %parallel_loop3A_104 : i32 to index
        %parallel_loop3A_220 = tpu.vector_load %arg7[%parallel_loop3A_217, %parallel_loop3A_218, %parallel_loop3A_219] {strides = array<i32>} : memref<2x64x256xi32, #tpu.memory_space<vmem>>, vector<16xi32>,
        %parallel_loop3A_221 = arith.constant 2560 : i32
        %parallel_loop3A_222 = tpu.memref_slice %arg10[%parallel_loop3A_221] : memref<16384xf32, #tpu.memory_space<vmem>> -> memref<256xf32, #tpu.memory_space<vmem>>
        tpu.vector_store_idx %parallel_loop3A_222[%parallel_loop3A_220], %parallel_loop3A_109 {add = true} : memref<256xf32, #tpu.memory_space<vmem>>[vector<16xi32>], vector<16xf32>,
        %parallel_loop3A_223 = arith.constant 2560 : i32
        %parallel_loop3A_224 = tpu.memref_slice %arg11[%parallel_loop3A_223] : memref<16384xf32, #tpu.memory_space<vmem>> -> memref<256xf32, #tpu.memory_space<vmem>>
        tpu.vector_store_idx %parallel_loop3A_224[%parallel_loop3A_220], %parallel_loop3A_114 {add = true} : memref<256xf32, #tpu.memory_space<vmem>>[vector<16xi32>], vector<16xf32>,
        %parallel_loop3A_225 = arith.constant 0 : i32
        %parallel_loop3A_226 = arith.constant 11 : i32
        %parallel_loop3A_227 = arith.index_cast %parallel_loop3A_225 : i32 to index
        %parallel_loop3A_228 = arith.index_cast %parallel_loop3A_226 : i32 to index
        %parallel_loop3A_229 = arith.index_cast %parallel_loop3A_104 : i32 to index
        %parallel_loop3A_230 = tpu.vector_load %arg7[%parallel_loop3A_227, %parallel_loop3A_228, %parallel_loop3A_229] {strides = array<i32>} : memref<2x64x256xi32, #tpu.memory_space<vmem>>, vector<16xi32>,
        %parallel_loop3A_231 = arith.constant 2816 : i32
        %parallel_loop3A_232 = tpu.memref_slice %arg10[%parallel_loop3A_231] : memref<16384xf32, #tpu.memory_space<vmem>> -> memref<256xf32, #tpu.memory_space<vmem>>
        tpu.vector_store_idx %parallel_loop3A_232[%parallel_loop3A_230], %parallel_loop3A_109 {add = true} : memref<256xf32, #tpu.memory_space<vmem>>[vector<16xi32>], vector<16xf32>,
        %parallel_loop3A_233 = arith.constant 2816 : i32
        %parallel_loop3A_234 = tpu.memref_slice %arg11[%parallel_loop3A_233] : memref<16384xf32, #tpu.memory_space<vmem>> -> memref<256xf32, #tpu.memory_space<vmem>>
        tpu.vector_store_idx %parallel_loop3A_234[%parallel_loop3A_230], %parallel_loop3A_114 {add = true} : memref<256xf32, #tpu.memory_space<vmem>>[vector<16xi32>], vector<16xf32>,
        %parallel_loop3A_235 = arith.constant 0 : i32
        %parallel_loop3A_236 = arith.constant 12 : i32
        %parallel_loop3A_237 = arith.index_cast %parallel_loop3A_235 : i32 to index
        %parallel_loop3A_238 = arith.index_cast %parallel_loop3A_236 : i32 to index
        %parallel_loop3A_239 = arith.index_cast %parallel_loop3A_104 : i32 to index
        %parallel_loop3A_240 = tpu.vector_load %arg7[%parallel_loop3A_237, %parallel_loop3A_238, %parallel_loop3A_239] {strides = array<i32>} : memref<2x64x256xi32, #tpu.memory_space<vmem>>, vector<16xi32>,
        %parallel_loop3A_241 = arith.constant 3072 : i32
        %parallel_loop3A_242 = tpu.memref_slice %arg10[%parallel_loop3A_241] : memref<16384xf32, #tpu.memory_space<vmem>> -> memref<256xf32, #tpu.memory_space<vmem>>
        tpu.vector_store_idx %parallel_loop3A_242[%parallel_loop3A_240], %parallel_loop3A_109 {add = true} : memref<256xf32, #tpu.memory_space<vmem>>[vector<16xi32>], vector<16xf32>,
        %parallel_loop3A_243 = arith.constant 3072 : i32
        %parallel_loop3A_244 = tpu.memref_slice %arg11[%parallel_loop3A_243] : memref<16384xf32, #tpu.memory_space<vmem>> -> memref<256xf32, #tpu.memory_space<vmem>>
        tpu.vector_store_idx %parallel_loop3A_244[%parallel_loop3A_240], %parallel_loop3A_114 {add = true} : memref<256xf32, #tpu.memory_space<vmem>>[vector<16xi32>], vector<16xf32>,
        %parallel_loop3A_245 = arith.constant 0 : i32
        %parallel_loop3A_246 = arith.constant 13 : i32
        %parallel_loop3A_247 = arith.index_cast %parallel_loop3A_245 : i32 to index
        %parallel_loop3A_248 = arith.index_cast %parallel_loop3A_246 : i32 to index
        %parallel_loop3A_249 = arith.index_cast %parallel_loop3A_104 : i32 to index
        %parallel_loop3A_250 = tpu.vector_load %arg7[%parallel_loop3A_247, %parallel_loop3A_248, %parallel_loop3A_249] {strides = array<i32>} : memref<2x64x256xi32, #tpu.memory_space<vmem>>, vector<16xi32>,
        %parallel_loop3A_251 = arith.constant 3328 : i32
        %parallel_loop3A_252 = tpu.memref_slice %arg10[%parallel_loop3A_251] : memref<16384xf32, #tpu.memory_space<vmem>> -> memref<256xf32, #tpu.memory_space<vmem>>
        tpu.vector_store_idx %parallel_loop3A_252[%parallel_loop3A_250], %parallel_loop3A_109 {add = true} : memref<256xf32, #tpu.memory_space<vmem>>[vector<16xi32>], vector<16xf32>,
        %parallel_loop3A_253 = arith.constant 3328 : i32
        %parallel_loop3A_254 = tpu.memref_slice %arg11[%parallel_loop3A_253] : memref<16384xf32, #tpu.memory_space<vmem>> -> memref<256xf32, #tpu.memory_space<vmem>>
        tpu.vector_store_idx %parallel_loop3A_254[%parallel_loop3A_250], %parallel_loop3A_114 {add = true} : memref<256xf32, #tpu.memory_space<vmem>>[vector<16xi32>], vector<16xf32>,
        %parallel_loop3A_255 = arith.constant 0 : i32
        %parallel_loop3A_256 = arith.constant 14 : i32
        %parallel_loop3A_257 = arith.index_cast %parallel_loop3A_255 : i32 to index
        %parallel_loop3A_258 = arith.index_cast %parallel_loop3A_256 : i32 to index
        %parallel_loop3A_259 = arith.index_cast %parallel_loop3A_104 : i32 to index
        %parallel_loop3A_260 = tpu.vector_load %arg7[%parallel_loop3A_257, %parallel_loop3A_258, %parallel_loop3A_259] {strides = array<i32>} : memref<2x64x256xi32, #tpu.memory_space<vmem>>, vector<16xi32>,
        %parallel_loop3A_261 = arith.constant 3584 : i32
        %parallel_loop3A_262 = tpu.memref_slice %arg10[%parallel_loop3A_261] : memref<16384xf32, #tpu.memory_space<vmem>> -> memref<256xf32, #tpu.memory_space<vmem>>
        tpu.vector_store_idx %parallel_loop3A_262[%parallel_loop3A_260], %parallel_loop3A_109 {add = true} : memref<256xf32, #tpu.memory_space<vmem>>[vector<16xi32>], vector<16xf32>,
        %parallel_loop3A_263 = arith.constant 3584 : i32
        %parallel_loop3A_264 = tpu.memref_slice %arg11[%parallel_loop3A_263] : memref<16384xf32, #tpu.memory_space<vmem>> -> memref<256xf32, #tpu.memory_space<vmem>>
        tpu.vector_store_idx %parallel_loop3A_264[%parallel_loop3A_260], %parallel_loop3A_114 {add = true} : memref<256xf32, #tpu.memory_space<vmem>>[vector<16xi32>], vector<16xf32>,
        %parallel_loop3A_265 = arith.constant 0 : i32
        %parallel_loop3A_266 = arith.constant 15 : i32
        %parallel_loop3A_267 = arith.index_cast %parallel_loop3A_265 : i32 to index
        %parallel_loop3A_268 = arith.index_cast %parallel_loop3A_266 : i32 to index
        %parallel_loop3A_269 = arith.index_cast %parallel_loop3A_104 : i32 to index
        %parallel_loop3A_270 = tpu.vector_load %arg7[%parallel_loop3A_267, %parallel_loop3A_268, %parallel_loop3A_269] {strides = array<i32>} : memref<2x64x256xi32, #tpu.memory_space<vmem>>, vector<16xi32>,
        %parallel_loop3A_271 = arith.constant 3840 : i32
        %parallel_loop3A_272 = tpu.memref_slice %arg10[%parallel_loop3A_271] : memref<16384xf32, #tpu.memory_space<vmem>> -> memref<256xf32, #tpu.memory_space<vmem>>
        tpu.vector_store_idx %parallel_loop3A_272[%parallel_loop3A_270], %parallel_loop3A_109 {add = true} : memref<256xf32, #tpu.memory_space<vmem>>[vector<16xi32>], vector<16xf32>,
        %parallel_loop3A_273 = arith.constant 3840 : i32
        %parallel_loop3A_274 = tpu.memref_slice %arg11[%parallel_loop3A_273] : memref<16384xf32, #tpu.memory_space<vmem>> -> memref<256xf32, #tpu.memory_space<vmem>>
        tpu.vector_store_idx %parallel_loop3A_274[%parallel_loop3A_270], %parallel_loop3A_114 {add = true} : memref<256xf32, #tpu.memory_space<vmem>>[vector<16xi32>], vector<16xf32>,
        %parallel_loop3A_275 = arith.constant 0 : i32
        %parallel_loop3A_276 = arith.constant 16 : i32
        %parallel_loop3A_277 = arith.index_cast %parallel_loop3A_275 : i32 to index
        %parallel_loop3A_278 = arith.index_cast %parallel_loop3A_276 : i32 to index
        %parallel_loop3A_279 = arith.index_cast %parallel_loop3A_104 : i32 to index
        %parallel_loop3A_280 = tpu.vector_load %arg7[%parallel_loop3A_277, %parallel_loop3A_278, %parallel_loop3A_279] {strides = array<i32>} : memref<2x64x256xi32, #tpu.memory_space<vmem>>, vector<16xi32>,
        %parallel_loop3A_281 = arith.constant 4096 : i32
        %parallel_loop3A_282 = tpu.memref_slice %arg10[%parallel_loop3A_281] : memref<16384xf32, #tpu.memory_space<vmem>> -> memref<256xf32, #tpu.memory_space<vmem>>
        tpu.vector_store_idx %parallel_loop3A_282[%parallel_loop3A_280], %parallel_loop3A_109 {add = true} : memref<256xf32, #tpu.memory_space<vmem>>[vector<16xi32>], vector<16xf32>,
        %parallel_loop3A_283 = arith.constant 4096 : i32
        %parallel_loop3A_284 = tpu.memref_slice %arg11[%parallel_loop3A_283] : memref<16384xf32, #tpu.memory_space<vmem>> -> memref<256xf32, #tpu.memory_space<vmem>>
        tpu.vector_store_idx %parallel_loop3A_284[%parallel_loop3A_280], %parallel_loop3A_114 {add = true} : memref<256xf32, #tpu.memory_space<vmem>>[vector<16xi32>], vector<16xf32>,
        %parallel_loop3A_285 = arith.constant 0 : i32
        %parallel_loop3A_286 = arith.constant 17 : i32
        %parallel_loop3A_287 = arith.index_cast %parallel_loop3A_285 : i32 to index
        %parallel_loop3A_288 = arith.index_cast %parallel_loop3A_286 : i32 to index
        %parallel_loop3A_289 = arith.index_cast %parallel_loop3A_104 : i32 to index
        %parallel_loop3A_290 = tpu.vector_load %arg7[%parallel_loop3A_287, %parallel_loop3A_288, %parallel_loop3A_289] {strides = array<i32>} : memref<2x64x256xi32, #tpu.memory_space<vmem>>, vector<16xi32>,
        %parallel_loop3A_291 = arith.constant 4352 : i32
        %parallel_loop3A_292 = tpu.memref_slice %arg10[%parallel_loop3A_291] : memref<16384xf32, #tpu.memory_space<vmem>> -> memref<256xf32, #tpu.memory_space<vmem>>
        tpu.vector_store_idx %parallel_loop3A_292[%parallel_loop3A_290], %parallel_loop3A_109 {add = true} : memref<256xf32, #tpu.memory_space<vmem>>[vector<16xi32>], vector<16xf32>,
        %parallel_loop3A_293 = arith.constant 4352 : i32
        %parallel_loop3A_294 = tpu.memref_slice %arg11[%parallel_loop3A_293] : memref<16384xf32, #tpu.memory_space<vmem>> -> memref<256xf32, #tpu.memory_space<vmem>>
        tpu.vector_store_idx %parallel_loop3A_294[%parallel_loop3A_290], %parallel_loop3A_114 {add = true} : memref<256xf32, #tpu.memory_space<vmem>>[vector<16xi32>], vector<16xf32>,
        %parallel_loop3A_295 = arith.constant 0 : i32
        %parallel_loop3A_296 = arith.constant 18 : i32
        %parallel_loop3A_297 = arith.index_cast %parallel_loop3A_295 : i32 to index
        %parallel_loop3A_298 = arith.index_cast %parallel_loop3A_296 : i32 to index
        %parallel_loop3A_299 = arith.index_cast %parallel_loop3A_104 : i32 to index
        %parallel_loop3A_300 = tpu.vector_load %arg7[%parallel_loop3A_297, %parallel_loop3A_298, %parallel_loop3A_299] {strides = array<i32>} : memref<2x64x256xi32, #tpu.memory_space<vmem>>, vector<16xi32>,
        %parallel_loop3A_301 = arith.constant 4608 : i32
        %parallel_loop3A_302 = tpu.memref_slice %arg10[%parallel_loop3A_301] : memref<16384xf32, #tpu.memory_space<vmem>> -> memref<256xf32, #tpu.memory_space<vmem>>
        tpu.vector_store_idx %parallel_loop3A_302[%parallel_loop3A_300], %parallel_loop3A_109 {add = true} : memref<256xf32, #tpu.memory_space<vmem>>[vector<16xi32>], vector<16xf32>,
        %parallel_loop3A_303 = arith.constant 4608 : i32
        %parallel_loop3A_304 = tpu.memref_slice %arg11[%parallel_loop3A_303] : memref<16384xf32, #tpu.memory_space<vmem>> -> memref<256xf32, #tpu.memory_space<vmem>>
        tpu.vector_store_idx %parallel_loop3A_304[%parallel_loop3A_300], %parallel_loop3A_114 {add = true} : memref<256xf32, #tpu.memory_space<vmem>>[vector<16xi32>], vector<16xf32>,
        %parallel_loop3A_305 = arith.constant 0 : i32
        %parallel_loop3A_306 = arith.constant 19 : i32
        %parallel_loop3A_307 = arith.index_cast %parallel_loop3A_305 : i32 to index
        %parallel_loop3A_308 = arith.index_cast %parallel_loop3A_306 : i32 to index
        %parallel_loop3A_309 = arith.index_cast %parallel_loop3A_104 : i32 to index
        %parallel_loop3A_310 = tpu.vector_load %arg7[%parallel_loop3A_307, %parallel_loop3A_308, %parallel_loop3A_309] {strides = array<i32>} : memref<2x64x256xi32, #tpu.memory_space<vmem>>, vector<16xi32>,
        %parallel_loop3A_311 = arith.constant 4864 : i32
        %parallel_loop3A_312 = tpu.memref_slice %arg10[%parallel_loop3A_311] : memref<16384xf32, #tpu.memory_space<vmem>> -> memref<256xf32, #tpu.memory_space<vmem>>
        tpu.vector_store_idx %parallel_loop3A_312[%parallel_loop3A_310], %parallel_loop3A_109 {add = true} : memref<256xf32, #tpu.memory_space<vmem>>[vector<16xi32>], vector<16xf32>,
        %parallel_loop3A_313 = arith.constant 4864 : i32
        %parallel_loop3A_314 = tpu.memref_slice %arg11[%parallel_loop3A_313] : memref<16384xf32, #tpu.memory_space<vmem>> -> memref<256xf32, #tpu.memory_space<vmem>>
        tpu.vector_store_idx %parallel_loop3A_314[%parallel_loop3A_310], %parallel_loop3A_114 {add = true} : memref<256xf32, #tpu.memory_space<vmem>>[vector<16xi32>], vector<16xf32>,
        %parallel_loop3A_315 = arith.constant 0 : i32
        %parallel_loop3A_316 = arith.constant 20 : i32
        %parallel_loop3A_317 = arith.index_cast %parallel_loop3A_315 : i32 to index
        %parallel_loop3A_318 = arith.index_cast %parallel_loop3A_316 : i32 to index
        %parallel_loop3A_319 = arith.index_cast %parallel_loop3A_104 : i32 to index
        %parallel_loop3A_320 = tpu.vector_load %arg7[%parallel_loop3A_317, %parallel_loop3A_318, %parallel_loop3A_319] {strides = array<i32>} : memref<2x64x256xi32, #tpu.memory_space<vmem>>, vector<16xi32>,
        %parallel_loop3A_321 = arith.constant 5120 : i32
        %parallel_loop3A_322 = tpu.memref_slice %arg10[%parallel_loop3A_321] : memref<16384xf32, #tpu.memory_space<vmem>> -> memref<256xf32, #tpu.memory_space<vmem>>
        tpu.vector_store_idx %parallel_loop3A_322[%parallel_loop3A_320], %parallel_loop3A_109 {add = true} : memref<256xf32, #tpu.memory_space<vmem>>[vector<16xi32>], vector<16xf32>,
        %parallel_loop3A_323 = arith.constant 5120 : i32
        %parallel_loop3A_324 = tpu.memref_slice %arg11[%parallel_loop3A_323] : memref<16384xf32, #tpu.memory_space<vmem>> -> memref<256xf32, #tpu.memory_space<vmem>>
        tpu.vector_store_idx %parallel_loop3A_324[%parallel_loop3A_320], %parallel_loop3A_114 {add = true} : memref<256xf32, #tpu.memory_space<vmem>>[vector<16xi32>], vector<16xf32>,
        %parallel_loop3A_325 = arith.constant 0 : i32
        %parallel_loop3A_326 = arith.constant 21 : i32
        %parallel_loop3A_327 = arith.index_cast %parallel_loop3A_325 : i32 to index
        %parallel_loop3A_328 = arith.index_cast %parallel_loop3A_326 : i32 to index
        %parallel_loop3A_329 = arith.index_cast %parallel_loop3A_104 : i32 to index
        %parallel_loop3A_330 = tpu.vector_load %arg7[%parallel_loop3A_327, %parallel_loop3A_328, %parallel_loop3A_329] {strides = array<i32>} : memref<2x64x256xi32, #tpu.memory_space<vmem>>, vector<16xi32>,
        %parallel_loop3A_331 = arith.constant 5376 : i32
        %parallel_loop3A_332 = tpu.memref_slice %arg10[%parallel_loop3A_331] : memref<16384xf32, #tpu.memory_space<vmem>> -> memref<256xf32, #tpu.memory_space<vmem>>
        tpu.vector_store_idx %parallel_loop3A_332[%parallel_loop3A_330], %parallel_loop3A_109 {add = true} : memref<256xf32, #tpu.memory_space<vmem>>[vector<16xi32>], vector<16xf32>,
        %parallel_loop3A_333 = arith.constant 5376 : i32
        %parallel_loop3A_334 = tpu.memref_slice %arg11[%parallel_loop3A_333] : memref<16384xf32, #tpu.memory_space<vmem>> -> memref<256xf32, #tpu.memory_space<vmem>>
        tpu.vector_store_idx %parallel_loop3A_334[%parallel_loop3A_330], %parallel_loop3A_114 {add = true} : memref<256xf32, #tpu.memory_space<vmem>>[vector<16xi32>], vector<16xf32>,
        %parallel_loop3A_335 = arith.constant 0 : i32
        %parallel_loop3A_336 = arith.constant 22 : i32
        %parallel_loop3A_337 = arith.index_cast %parallel_loop3A_335 : i32 to index
        %parallel_loop3A_338 = arith.index_cast %parallel_loop3A_336 : i32 to index
        %parallel_loop3A_339 = arith.index_cast %parallel_loop3A_104 : i32 to index
        %parallel_loop3A_340 = tpu.vector_load %arg7[%parallel_loop3A_337, %parallel_loop3A_338, %parallel_loop3A_339] {strides = array<i32>} : memref<2x64x256xi32, #tpu.memory_space<vmem>>, vector<16xi32>,
        %parallel_loop3A_341 = arith.constant 5632 : i32
        %parallel_loop3A_342 = tpu.memref_slice %arg10[%parallel_loop3A_341] : memref<16384xf32, #tpu.memory_space<vmem>> -> memref<256xf32, #tpu.memory_space<vmem>>
        tpu.vector_store_idx %parallel_loop3A_342[%parallel_loop3A_340], %parallel_loop3A_109 {add = true} : memref<256xf32, #tpu.memory_space<vmem>>[vector<16xi32>], vector<16xf32>,
        %parallel_loop3A_343 = arith.constant 5632 : i32
        %parallel_loop3A_344 = tpu.memref_slice %arg11[%parallel_loop3A_343] : memref<16384xf32, #tpu.memory_space<vmem>> -> memref<256xf32, #tpu.memory_space<vmem>>
        tpu.vector_store_idx %parallel_loop3A_344[%parallel_loop3A_340], %parallel_loop3A_114 {add = true} : memref<256xf32, #tpu.memory_space<vmem>>[vector<16xi32>], vector<16xf32>,
        %parallel_loop3A_345 = arith.constant 0 : i32
        %parallel_loop3A_346 = arith.constant 23 : i32
        %parallel_loop3A_347 = arith.index_cast %parallel_loop3A_345 : i32 to index
        %parallel_loop3A_348 = arith.index_cast %parallel_loop3A_346 : i32 to index
        %parallel_loop3A_349 = arith.index_cast %parallel_loop3A_104 : i32 to index
        %parallel_loop3A_350 = tpu.vector_load %arg7[%parallel_loop3A_347, %parallel_loop3A_348, %parallel_loop3A_349] {strides = array<i32>} : memref<2x64x256xi32, #tpu.memory_space<vmem>>, vector<16xi32>,
        %parallel_loop3A_351 = arith.constant 5888 : i32
        %parallel_loop3A_352 = tpu.memref_slice %arg10[%parallel_loop3A_351] : memref<16384xf32, #tpu.memory_space<vmem>> -> memref<256xf32, #tpu.memory_space<vmem>>
        tpu.vector_store_idx %parallel_loop3A_352[%parallel_loop3A_350], %parallel_loop3A_109 {add = true} : memref<256xf32, #tpu.memory_space<vmem>>[vector<16xi32>], vector<16xf32>,
        %parallel_loop3A_353 = arith.constant 5888 : i32
        %parallel_loop3A_354 = tpu.memref_slice %arg11[%parallel_loop3A_353] : memref<16384xf32, #tpu.memory_space<vmem>> -> memref<256xf32, #tpu.memory_space<vmem>>
        tpu.vector_store_idx %parallel_loop3A_354[%parallel_loop3A_350], %parallel_loop3A_114 {add = true} : memref<256xf32, #tpu.memory_space<vmem>>[vector<16xi32>], vector<16xf32>,
        %parallel_loop3A_355 = arith.constant 0 : i32
        %parallel_loop3A_356 = arith.constant 24 : i32
        %parallel_loop3A_357 = arith.index_cast %parallel_loop3A_355 : i32 to index
        %parallel_loop3A_358 = arith.index_cast %parallel_loop3A_356 : i32 to index
        %parallel_loop3A_359 = arith.index_cast %parallel_loop3A_104 : i32 to index
        %parallel_loop3A_360 = tpu.vector_load %arg7[%parallel_loop3A_357, %parallel_loop3A_358, %parallel_loop3A_359] {strides = array<i32>} : memref<2x64x256xi32, #tpu.memory_space<vmem>>, vector<16xi32>,
        %parallel_loop3A_361 = arith.constant 6144 : i32
        %parallel_loop3A_362 = tpu.memref_slice %arg10[%parallel_loop3A_361] : memref<16384xf32, #tpu.memory_space<vmem>> -> memref<256xf32, #tpu.memory_space<vmem>>
        tpu.vector_store_idx %parallel_loop3A_362[%parallel_loop3A_360], %parallel_loop3A_109 {add = true} : memref<256xf32, #tpu.memory_space<vmem>>[vector<16xi32>], vector<16xf32>,
        %parallel_loop3A_363 = arith.constant 6144 : i32
        %parallel_loop3A_364 = tpu.memref_slice %arg11[%parallel_loop3A_363] : memref<16384xf32, #tpu.memory_space<vmem>> -> memref<256xf32, #tpu.memory_space<vmem>>
        tpu.vector_store_idx %parallel_loop3A_364[%parallel_loop3A_360], %parallel_loop3A_114 {add = true} : memref<256xf32, #tpu.memory_space<vmem>>[vector<16xi32>], vector<16xf32>,
        %parallel_loop3A_365 = arith.constant 0 : i32
        %parallel_loop3A_366 = arith.constant 25 : i32
        %parallel_loop3A_367 = arith.index_cast %parallel_loop3A_365 : i32 to index
        %parallel_loop3A_368 = arith.index_cast %parallel_loop3A_366 : i32 to index
        %parallel_loop3A_369 = arith.index_cast %parallel_loop3A_104 : i32 to index
        %parallel_loop3A_370 = tpu.vector_load %arg7[%parallel_loop3A_367, %parallel_loop3A_368, %parallel_loop3A_369] {strides = array<i32>} : memref<2x64x256xi32, #tpu.memory_space<vmem>>, vector<16xi32>,
        %parallel_loop3A_371 = arith.constant 6400 : i32
        %parallel_loop3A_372 = tpu.memref_slice %arg10[%parallel_loop3A_371] : memref<16384xf32, #tpu.memory_space<vmem>> -> memref<256xf32, #tpu.memory_space<vmem>>
        tpu.vector_store_idx %parallel_loop3A_372[%parallel_loop3A_370], %parallel_loop3A_109 {add = true} : memref<256xf32, #tpu.memory_space<vmem>>[vector<16xi32>], vector<16xf32>,
        %parallel_loop3A_373 = arith.constant 6400 : i32
        %parallel_loop3A_374 = tpu.memref_slice %arg11[%parallel_loop3A_373] : memref<16384xf32, #tpu.memory_space<vmem>> -> memref<256xf32, #tpu.memory_space<vmem>>
        tpu.vector_store_idx %parallel_loop3A_374[%parallel_loop3A_370], %parallel_loop3A_114 {add = true} : memref<256xf32, #tpu.memory_space<vmem>>[vector<16xi32>], vector<16xf32>,
        %parallel_loop3A_375 = arith.constant 0 : i32
        %parallel_loop3A_376 = arith.constant 26 : i32
        %parallel_loop3A_377 = arith.index_cast %parallel_loop3A_375 : i32 to index
        %parallel_loop3A_378 = arith.index_cast %parallel_loop3A_376 : i32 to index
        %parallel_loop3A_379 = arith.index_cast %parallel_loop3A_104 : i32 to index
        %parallel_loop3A_380 = tpu.vector_load %arg7[%parallel_loop3A_377, %parallel_loop3A_378, %parallel_loop3A_379] {strides = array<i32>} : memref<2x64x256xi32, #tpu.memory_space<vmem>>, vector<16xi32>,
        %parallel_loop3A_381 = arith.constant 6656 : i32
        %parallel_loop3A_382 = tpu.memref_slice %arg10[%parallel_loop3A_381] : memref<16384xf32, #tpu.memory_space<vmem>> -> memref<256xf32, #tpu.memory_space<vmem>>
        tpu.vector_store_idx %parallel_loop3A_382[%parallel_loop3A_380], %parallel_loop3A_109 {add = true} : memref<256xf32, #tpu.memory_space<vmem>>[vector<16xi32>], vector<16xf32>,
        %parallel_loop3A_383 = arith.constant 6656 : i32
        %parallel_loop3A_384 = tpu.memref_slice %arg11[%parallel_loop3A_383] : memref<16384xf32, #tpu.memory_space<vmem>> -> memref<256xf32, #tpu.memory_space<vmem>>
        tpu.vector_store_idx %parallel_loop3A_384[%parallel_loop3A_380], %parallel_loop3A_114 {add = true} : memref<256xf32, #tpu.memory_space<vmem>>[vector<16xi32>], vector<16xf32>,
        %parallel_loop3A_385 = arith.constant 0 : i32
        %parallel_loop3A_386 = arith.constant 27 : i32
        %parallel_loop3A_387 = arith.index_cast %parallel_loop3A_385 : i32 to index
        %parallel_loop3A_388 = arith.index_cast %parallel_loop3A_386 : i32 to index
        %parallel_loop3A_389 = arith.index_cast %parallel_loop3A_104 : i32 to index
        %parallel_loop3A_390 = tpu.vector_load %arg7[%parallel_loop3A_387, %parallel_loop3A_388, %parallel_loop3A_389] {strides = array<i32>} : memref<2x64x256xi32, #tpu.memory_space<vmem>>, vector<16xi32>,
        %parallel_loop3A_391 = arith.constant 6912 : i32
        %parallel_loop3A_392 = tpu.memref_slice %arg10[%parallel_loop3A_391] : memref<16384xf32, #tpu.memory_space<vmem>> -> memref<256xf32, #tpu.memory_space<vmem>>
        tpu.vector_store_idx %parallel_loop3A_392[%parallel_loop3A_390], %parallel_loop3A_109 {add = true} : memref<256xf32, #tpu.memory_space<vmem>>[vector<16xi32>], vector<16xf32>,
        %parallel_loop3A_393 = arith.constant 6912 : i32
        %parallel_loop3A_394 = tpu.memref_slice %arg11[%parallel_loop3A_393] : memref<16384xf32, #tpu.memory_space<vmem>> -> memref<256xf32, #tpu.memory_space<vmem>>
        tpu.vector_store_idx %parallel_loop3A_394[%parallel_loop3A_390], %parallel_loop3A_114 {add = true} : memref<256xf32, #tpu.memory_space<vmem>>[vector<16xi32>], vector<16xf32>,
        %parallel_loop3A_395 = arith.constant 0 : i32
        %parallel_loop3A_396 = arith.constant 28 : i32
        %parallel_loop3A_397 = arith.index_cast %parallel_loop3A_395 : i32 to index
        %parallel_loop3A_398 = arith.index_cast %parallel_loop3A_396 : i32 to index
        %parallel_loop3A_399 = arith.index_cast %parallel_loop3A_104 : i32 to index
        %parallel_loop3A_400 = tpu.vector_load %arg7[%parallel_loop3A_397, %parallel_loop3A_398, %parallel_loop3A_399] {strides = array<i32>} : memref<2x64x256xi32, #tpu.memory_space<vmem>>, vector<16xi32>,
        %parallel_loop3A_401 = arith.constant 7168 : i32
        %parallel_loop3A_402 = tpu.memref_slice %arg10[%parallel_loop3A_401] : memref<16384xf32, #tpu.memory_space<vmem>> -> memref<256xf32, #tpu.memory_space<vmem>>
        tpu.vector_store_idx %parallel_loop3A_402[%parallel_loop3A_400], %parallel_loop3A_109 {add = true} : memref<256xf32, #tpu.memory_space<vmem>>[vector<16xi32>], vector<16xf32>,
        %parallel_loop3A_403 = arith.constant 7168 : i32
        %parallel_loop3A_404 = tpu.memref_slice %arg11[%parallel_loop3A_403] : memref<16384xf32, #tpu.memory_space<vmem>> -> memref<256xf32, #tpu.memory_space<vmem>>
        tpu.vector_store_idx %parallel_loop3A_404[%parallel_loop3A_400], %parallel_loop3A_114 {add = true} : memref<256xf32, #tpu.memory_space<vmem>>[vector<16xi32>], vector<16xf32>,
        %parallel_loop3A_405 = arith.constant 0 : i32
        %parallel_loop3A_406 = arith.constant 29 : i32
        %parallel_loop3A_407 = arith.index_cast %parallel_loop3A_405 : i32 to index
        %parallel_loop3A_408 = arith.index_cast %parallel_loop3A_406 : i32 to index
        %parallel_loop3A_409 = arith.index_cast %parallel_loop3A_104 : i32 to index
        %parallel_loop3A_410 = tpu.vector_load %arg7[%parallel_loop3A_407, %parallel_loop3A_408, %parallel_loop3A_409] {strides = array<i32>} : memref<2x64x256xi32, #tpu.memory_space<vmem>>, vector<16xi32>,
        %parallel_loop3A_411 = arith.constant 7424 : i32
        %parallel_loop3A_412 = tpu.memref_slice %arg10[%parallel_loop3A_411] : memref<16384xf32, #tpu.memory_space<vmem>> -> memref<256xf32, #tpu.memory_space<vmem>>
        tpu.vector_store_idx %parallel_loop3A_412[%parallel_loop3A_410], %parallel_loop3A_109 {add = true} : memref<256xf32, #tpu.memory_space<vmem>>[vector<16xi32>], vector<16xf32>,
        %parallel_loop3A_413 = arith.constant 7424 : i32
        %parallel_loop3A_414 = tpu.memref_slice %arg11[%parallel_loop3A_413] : memref<16384xf32, #tpu.memory_space<vmem>> -> memref<256xf32, #tpu.memory_space<vmem>>
        tpu.vector_store_idx %parallel_loop3A_414[%parallel_loop3A_410], %parallel_loop3A_114 {add = true} : memref<256xf32, #tpu.memory_space<vmem>>[vector<16xi32>], vector<16xf32>,
        %parallel_loop3A_415 = arith.constant 0 : i32
        %parallel_loop3A_416 = arith.constant 30 : i32
        %parallel_loop3A_417 = arith.index_cast %parallel_loop3A_415 : i32 to index
        %parallel_loop3A_418 = arith.index_cast %parallel_loop3A_416 : i32 to index
        %parallel_loop3A_419 = arith.index_cast %parallel_loop3A_104 : i32 to index
        %parallel_loop3A_420 = tpu.vector_load %arg7[%parallel_loop3A_417, %parallel_loop3A_418, %parallel_loop3A_419] {strides = array<i32>} : memref<2x64x256xi32, #tpu.memory_space<vmem>>, vector<16xi32>,
        %parallel_loop3A_421 = arith.constant 7680 : i32
        %parallel_loop3A_422 = tpu.memref_slice %arg10[%parallel_loop3A_421] : memref<16384xf32, #tpu.memory_space<vmem>> -> memref<256xf32, #tpu.memory_space<vmem>>
        tpu.vector_store_idx %parallel_loop3A_422[%parallel_loop3A_420], %parallel_loop3A_109 {add = true} : memref<256xf32, #tpu.memory_space<vmem>>[vector<16xi32>], vector<16xf32>,
        %parallel_loop3A_423 = arith.constant 7680 : i32
        %parallel_loop3A_424 = tpu.memref_slice %arg11[%parallel_loop3A_423] : memref<16384xf32, #tpu.memory_space<vmem>> -> memref<256xf32, #tpu.memory_space<vmem>>
        tpu.vector_store_idx %parallel_loop3A_424[%parallel_loop3A_420], %parallel_loop3A_114 {add = true} : memref<256xf32, #tpu.memory_space<vmem>>[vector<16xi32>], vector<16xf32>,
        %parallel_loop3A_425 = arith.constant 0 : i32
        %parallel_loop3A_426 = arith.constant 31 : i32
        %parallel_loop3A_427 = arith.index_cast %parallel_loop3A_425 : i32 to index
        %parallel_loop3A_428 = arith.index_cast %parallel_loop3A_426 : i32 to index
        %parallel_loop3A_429 = arith.index_cast %parallel_loop3A_104 : i32 to index
        %parallel_loop3A_430 = tpu.vector_load %arg7[%parallel_loop3A_427, %parallel_loop3A_428, %parallel_loop3A_429] {strides = array<i32>} : memref<2x64x256xi32, #tpu.memory_space<vmem>>, vector<16xi32>,
        %parallel_loop3A_431 = arith.constant 7936 : i32
        %parallel_loop3A_432 = tpu.memref_slice %arg10[%parallel_loop3A_431] : memref<16384xf32, #tpu.memory_space<vmem>> -> memref<256xf32, #tpu.memory_space<vmem>>
        tpu.vector_store_idx %parallel_loop3A_432[%parallel_loop3A_430], %parallel_loop3A_109 {add = true} : memref<256xf32, #tpu.memory_space<vmem>>[vector<16xi32>], vector<16xf32>,
        %parallel_loop3A_433 = arith.constant 7936 : i32
        %parallel_loop3A_434 = tpu.memref_slice %arg11[%parallel_loop3A_433] : memref<16384xf32, #tpu.memory_space<vmem>> -> memref<256xf32, #tpu.memory_space<vmem>>
        tpu.vector_store_idx %parallel_loop3A_434[%parallel_loop3A_430], %parallel_loop3A_114 {add = true} : memref<256xf32, #tpu.memory_space<vmem>>[vector<16xi32>], vector<16xf32>,
        %parallel_loop3A_435 = arith.constant 0 : i32
        %parallel_loop3A_436 = arith.constant 32 : i32
        %parallel_loop3A_437 = arith.index_cast %parallel_loop3A_435 : i32 to index
        %parallel_loop3A_438 = arith.index_cast %parallel_loop3A_436 : i32 to index
        %parallel_loop3A_439 = arith.index_cast %parallel_loop3A_104 : i32 to index
        %parallel_loop3A_440 = tpu.vector_load %arg7[%parallel_loop3A_437, %parallel_loop3A_438, %parallel_loop3A_439] {strides = array<i32>} : memref<2x64x256xi32, #tpu.memory_space<vmem>>, vector<16xi32>,
        %parallel_loop3A_441 = arith.constant 8192 : i32
        %parallel_loop3A_442 = tpu.memref_slice %arg10[%parallel_loop3A_441] : memref<16384xf32, #tpu.memory_space<vmem>> -> memref<256xf32, #tpu.memory_space<vmem>>
        tpu.vector_store_idx %parallel_loop3A_442[%parallel_loop3A_440], %parallel_loop3A_109 {add = true} : memref<256xf32, #tpu.memory_space<vmem>>[vector<16xi32>], vector<16xf32>,
        %parallel_loop3A_443 = arith.constant 8192 : i32
        %parallel_loop3A_444 = tpu.memref_slice %arg11[%parallel_loop3A_443] : memref<16384xf32, #tpu.memory_space<vmem>> -> memref<256xf32, #tpu.memory_space<vmem>>
        tpu.vector_store_idx %parallel_loop3A_444[%parallel_loop3A_440], %parallel_loop3A_114 {add = true} : memref<256xf32, #tpu.memory_space<vmem>>[vector<16xi32>], vector<16xf32>,
        %parallel_loop3A_445 = arith.constant 0 : i32
        %parallel_loop3A_446 = arith.constant 33 : i32
        %parallel_loop3A_447 = arith.index_cast %parallel_loop3A_445 : i32 to index
        %parallel_loop3A_448 = arith.index_cast %parallel_loop3A_446 : i32 to index
        %parallel_loop3A_449 = arith.index_cast %parallel_loop3A_104 : i32 to index
        %parallel_loop3A_450 = tpu.vector_load %arg7[%parallel_loop3A_447, %parallel_loop3A_448, %parallel_loop3A_449] {strides = array<i32>} : memref<2x64x256xi32, #tpu.memory_space<vmem>>, vector<16xi32>,
        %parallel_loop3A_451 = arith.constant 8448 : i32
        %parallel_loop3A_452 = tpu.memref_slice %arg10[%parallel_loop3A_451] : memref<16384xf32, #tpu.memory_space<vmem>> -> memref<256xf32, #tpu.memory_space<vmem>>
        tpu.vector_store_idx %parallel_loop3A_452[%parallel_loop3A_450], %parallel_loop3A_109 {add = true} : memref<256xf32, #tpu.memory_space<vmem>>[vector<16xi32>], vector<16xf32>,
        %parallel_loop3A_453 = arith.constant 8448 : i32
        %parallel_loop3A_454 = tpu.memref_slice %arg11[%parallel_loop3A_453] : memref<16384xf32, #tpu.memory_space<vmem>> -> memref<256xf32, #tpu.memory_space<vmem>>
        tpu.vector_store_idx %parallel_loop3A_454[%parallel_loop3A_450], %parallel_loop3A_114 {add = true} : memref<256xf32, #tpu.memory_space<vmem>>[vector<16xi32>], vector<16xf32>,
        %parallel_loop3A_455 = arith.constant 0 : i32
        %parallel_loop3A_456 = arith.constant 34 : i32
        %parallel_loop3A_457 = arith.index_cast %parallel_loop3A_455 : i32 to index
        %parallel_loop3A_458 = arith.index_cast %parallel_loop3A_456 : i32 to index
        %parallel_loop3A_459 = arith.index_cast %parallel_loop3A_104 : i32 to index
        %parallel_loop3A_460 = tpu.vector_load %arg7[%parallel_loop3A_457, %parallel_loop3A_458, %parallel_loop3A_459] {strides = array<i32>} : memref<2x64x256xi32, #tpu.memory_space<vmem>>, vector<16xi32>,
        %parallel_loop3A_461 = arith.constant 8704 : i32
        %parallel_loop3A_462 = tpu.memref_slice %arg10[%parallel_loop3A_461] : memref<16384xf32, #tpu.memory_space<vmem>> -> memref<256xf32, #tpu.memory_space<vmem>>
        tpu.vector_store_idx %parallel_loop3A_462[%parallel_loop3A_460], %parallel_loop3A_109 {add = true} : memref<256xf32, #tpu.memory_space<vmem>>[vector<16xi32>], vector<16xf32>,
        %parallel_loop3A_463 = arith.constant 8704 : i32
        %parallel_loop3A_464 = tpu.memref_slice %arg11[%parallel_loop3A_463] : memref<16384xf32, #tpu.memory_space<vmem>> -> memref<256xf32, #tpu.memory_space<vmem>>
        tpu.vector_store_idx %parallel_loop3A_464[%parallel_loop3A_460], %parallel_loop3A_114 {add = true} : memref<256xf32, #tpu.memory_space<vmem>>[vector<16xi32>], vector<16xf32>,
        %parallel_loop3A_465 = arith.constant 0 : i32
        %parallel_loop3A_466 = arith.constant 35 : i32
        %parallel_loop3A_467 = arith.index_cast %parallel_loop3A_465 : i32 to index
        %parallel_loop3A_468 = arith.index_cast %parallel_loop3A_466 : i32 to index
        %parallel_loop3A_469 = arith.index_cast %parallel_loop3A_104 : i32 to index
        %parallel_loop3A_470 = tpu.vector_load %arg7[%parallel_loop3A_467, %parallel_loop3A_468, %parallel_loop3A_469] {strides = array<i32>} : memref<2x64x256xi32, #tpu.memory_space<vmem>>, vector<16xi32>,
        %parallel_loop3A_471 = arith.constant 8960 : i32
        %parallel_loop3A_472 = tpu.memref_slice %arg10[%parallel_loop3A_471] : memref<16384xf32, #tpu.memory_space<vmem>> -> memref<256xf32, #tpu.memory_space<vmem>>
        tpu.vector_store_idx %parallel_loop3A_472[%parallel_loop3A_470], %parallel_loop3A_109 {add = true} : memref<256xf32, #tpu.memory_space<vmem>>[vector<16xi32>], vector<16xf32>,
        %parallel_loop3A_473 = arith.constant 8960 : i32
        %parallel_loop3A_474 = tpu.memref_slice %arg11[%parallel_loop3A_473] : memref<16384xf32, #tpu.memory_space<vmem>> -> memref<256xf32, #tpu.memory_space<vmem>>
        tpu.vector_store_idx %parallel_loop3A_474[%parallel_loop3A_470], %parallel_loop3A_114 {add = true} : memref<256xf32, #tpu.memory_space<vmem>>[vector<16xi32>], vector<16xf32>,
        %parallel_loop3A_475 = arith.constant 0 : i32
        %parallel_loop3A_476 = arith.constant 36 : i32
        %parallel_loop3A_477 = arith.index_cast %parallel_loop3A_475 : i32 to index
        %parallel_loop3A_478 = arith.index_cast %parallel_loop3A_476 : i32 to index
        %parallel_loop3A_479 = arith.index_cast %parallel_loop3A_104 : i32 to index
        %parallel_loop3A_480 = tpu.vector_load %arg7[%parallel_loop3A_477, %parallel_loop3A_478, %parallel_loop3A_479] {strides = array<i32>} : memref<2x64x256xi32, #tpu.memory_space<vmem>>, vector<16xi32>,
        %parallel_loop3A_481 = arith.constant 9216 : i32
        %parallel_loop3A_482 = tpu.memref_slice %arg10[%parallel_loop3A_481] : memref<16384xf32, #tpu.memory_space<vmem>> -> memref<256xf32, #tpu.memory_space<vmem>>
        tpu.vector_store_idx %parallel_loop3A_482[%parallel_loop3A_480], %parallel_loop3A_109 {add = true} : memref<256xf32, #tpu.memory_space<vmem>>[vector<16xi32>], vector<16xf32>,
        %parallel_loop3A_483 = arith.constant 9216 : i32
        %parallel_loop3A_484 = tpu.memref_slice %arg11[%parallel_loop3A_483] : memref<16384xf32, #tpu.memory_space<vmem>> -> memref<256xf32, #tpu.memory_space<vmem>>
        tpu.vector_store_idx %parallel_loop3A_484[%parallel_loop3A_480], %parallel_loop3A_114 {add = true} : memref<256xf32, #tpu.memory_space<vmem>>[vector<16xi32>], vector<16xf32>,
        %parallel_loop3A_485 = arith.constant 0 : i32
        %parallel_loop3A_486 = arith.constant 37 : i32
        %parallel_loop3A_487 = arith.index_cast %parallel_loop3A_485 : i32 to index
        %parallel_loop3A_488 = arith.index_cast %parallel_loop3A_486 : i32 to index
        %parallel_loop3A_489 = arith.index_cast %parallel_loop3A_104 : i32 to index
        %parallel_loop3A_490 = tpu.vector_load %arg7[%parallel_loop3A_487, %parallel_loop3A_488, %parallel_loop3A_489] {strides = array<i32>} : memref<2x64x256xi32, #tpu.memory_space<vmem>>, vector<16xi32>,
        %parallel_loop3A_491 = arith.constant 9472 : i32
        %parallel_loop3A_492 = tpu.memref_slice %arg10[%parallel_loop3A_491] : memref<16384xf32, #tpu.memory_space<vmem>> -> memref<256xf32, #tpu.memory_space<vmem>>
        tpu.vector_store_idx %parallel_loop3A_492[%parallel_loop3A_490], %parallel_loop3A_109 {add = true} : memref<256xf32, #tpu.memory_space<vmem>>[vector<16xi32>], vector<16xf32>,
        %parallel_loop3A_493 = arith.constant 9472 : i32
        %parallel_loop3A_494 = tpu.memref_slice %arg11[%parallel_loop3A_493] : memref<16384xf32, #tpu.memory_space<vmem>> -> memref<256xf32, #tpu.memory_space<vmem>>
        tpu.vector_store_idx %parallel_loop3A_494[%parallel_loop3A_490], %parallel_loop3A_114 {add = true} : memref<256xf32, #tpu.memory_space<vmem>>[vector<16xi32>], vector<16xf32>,
        %parallel_loop3A_495 = arith.constant 0 : i32
        %parallel_loop3A_496 = arith.constant 38 : i32
        %parallel_loop3A_497 = arith.index_cast %parallel_loop3A_495 : i32 to index
        %parallel_loop3A_498 = arith.index_cast %parallel_loop3A_496 : i32 to index
        %parallel_loop3A_499 = arith.index_cast %parallel_loop3A_104 : i32 to index
        %parallel_loop3A_500 = tpu.vector_load %arg7[%parallel_loop3A_497, %parallel_loop3A_498, %parallel_loop3A_499] {strides = array<i32>} : memref<2x64x256xi32, #tpu.memory_space<vmem>>, vector<16xi32>,
        %parallel_loop3A_501 = arith.constant 9728 : i32
        %parallel_loop3A_502 = tpu.memref_slice %arg10[%parallel_loop3A_501] : memref<16384xf32, #tpu.memory_space<vmem>> -> memref<256xf32, #tpu.memory_space<vmem>>
        tpu.vector_store_idx %parallel_loop3A_502[%parallel_loop3A_500], %parallel_loop3A_109 {add = true} : memref<256xf32, #tpu.memory_space<vmem>>[vector<16xi32>], vector<16xf32>,
        %parallel_loop3A_503 = arith.constant 9728 : i32
        %parallel_loop3A_504 = tpu.memref_slice %arg11[%parallel_loop3A_503] : memref<16384xf32, #tpu.memory_space<vmem>> -> memref<256xf32, #tpu.memory_space<vmem>>
        tpu.vector_store_idx %parallel_loop3A_504[%parallel_loop3A_500], %parallel_loop3A_114 {add = true} : memref<256xf32, #tpu.memory_space<vmem>>[vector<16xi32>], vector<16xf32>,
        %parallel_loop3A_505 = arith.constant 0 : i32
        %parallel_loop3A_506 = arith.constant 39 : i32
        %parallel_loop3A_507 = arith.index_cast %parallel_loop3A_505 : i32 to index
        %parallel_loop3A_508 = arith.index_cast %parallel_loop3A_506 : i32 to index
        %parallel_loop3A_509 = arith.index_cast %parallel_loop3A_104 : i32 to index
        %parallel_loop3A_510 = tpu.vector_load %arg7[%parallel_loop3A_507, %parallel_loop3A_508, %parallel_loop3A_509] {strides = array<i32>} : memref<2x64x256xi32, #tpu.memory_space<vmem>>, vector<16xi32>,
        %parallel_loop3A_511 = arith.constant 9984 : i32
        %parallel_loop3A_512 = tpu.memref_slice %arg10[%parallel_loop3A_511] : memref<16384xf32, #tpu.memory_space<vmem>> -> memref<256xf32, #tpu.memory_space<vmem>>
        tpu.vector_store_idx %parallel_loop3A_512[%parallel_loop3A_510], %parallel_loop3A_109 {add = true} : memref<256xf32, #tpu.memory_space<vmem>>[vector<16xi32>], vector<16xf32>,
        %parallel_loop3A_513 = arith.constant 9984 : i32
        %parallel_loop3A_514 = tpu.memref_slice %arg11[%parallel_loop3A_513] : memref<16384xf32, #tpu.memory_space<vmem>> -> memref<256xf32, #tpu.memory_space<vmem>>
        tpu.vector_store_idx %parallel_loop3A_514[%parallel_loop3A_510], %parallel_loop3A_114 {add = true} : memref<256xf32, #tpu.memory_space<vmem>>[vector<16xi32>], vector<16xf32>,
        %parallel_loop3A_515 = arith.constant 0 : i32
        %parallel_loop3A_516 = arith.constant 40 : i32
        %parallel_loop3A_517 = arith.index_cast %parallel_loop3A_515 : i32 to index
        %parallel_loop3A_518 = arith.index_cast %parallel_loop3A_516 : i32 to index
        %parallel_loop3A_519 = arith.index_cast %parallel_loop3A_104 : i32 to index
        %parallel_loop3A_520 = tpu.vector_load %arg7[%parallel_loop3A_517, %parallel_loop3A_518, %parallel_loop3A_519] {strides = array<i32>} : memref<2x64x256xi32, #tpu.memory_space<vmem>>, vector<16xi32>,
        %parallel_loop3A_521 = arith.constant 10240 : i32
        %parallel_loop3A_522 = tpu.memref_slice %arg10[%parallel_loop3A_521] : memref<16384xf32, #tpu.memory_space<vmem>> -> memref<256xf32, #tpu.memory_space<vmem>>
        tpu.vector_store_idx %parallel_loop3A_522[%parallel_loop3A_520], %parallel_loop3A_109 {add = true} : memref<256xf32, #tpu.memory_space<vmem>>[vector<16xi32>], vector<16xf32>,
        %parallel_loop3A_523 = arith.constant 10240 : i32
        %parallel_loop3A_524 = tpu.memref_slice %arg11[%parallel_loop3A_523] : memref<16384xf32, #tpu.memory_space<vmem>> -> memref<256xf32, #tpu.memory_space<vmem>>
        tpu.vector_store_idx %parallel_loop3A_524[%parallel_loop3A_520], %parallel_loop3A_114 {add = true} : memref<256xf32, #tpu.memory_space<vmem>>[vector<16xi32>], vector<16xf32>,
        %parallel_loop3A_525 = arith.constant 0 : i32
        %parallel_loop3A_526 = arith.constant 41 : i32
        %parallel_loop3A_527 = arith.index_cast %parallel_loop3A_525 : i32 to index
        %parallel_loop3A_528 = arith.index_cast %parallel_loop3A_526 : i32 to index
        %parallel_loop3A_529 = arith.index_cast %parallel_loop3A_104 : i32 to index
        %parallel_loop3A_530 = tpu.vector_load %arg7[%parallel_loop3A_527, %parallel_loop3A_528, %parallel_loop3A_529] {strides = array<i32>} : memref<2x64x256xi32, #tpu.memory_space<vmem>>, vector<16xi32>,
        %parallel_loop3A_531 = arith.constant 10496 : i32
        %parallel_loop3A_532 = tpu.memref_slice %arg10[%parallel_loop3A_531] : memref<16384xf32, #tpu.memory_space<vmem>> -> memref<256xf32, #tpu.memory_space<vmem>>
        tpu.vector_store_idx %parallel_loop3A_532[%parallel_loop3A_530], %parallel_loop3A_109 {add = true} : memref<256xf32, #tpu.memory_space<vmem>>[vector<16xi32>], vector<16xf32>,
        %parallel_loop3A_533 = arith.constant 10496 : i32
        %parallel_loop3A_534 = tpu.memref_slice %arg11[%parallel_loop3A_533] : memref<16384xf32, #tpu.memory_space<vmem>> -> memref<256xf32, #tpu.memory_space<vmem>>
        tpu.vector_store_idx %parallel_loop3A_534[%parallel_loop3A_530], %parallel_loop3A_114 {add = true} : memref<256xf32, #tpu.memory_space<vmem>>[vector<16xi32>], vector<16xf32>,
        %parallel_loop3A_535 = arith.constant 0 : i32
        %parallel_loop3A_536 = arith.constant 42 : i32
        %parallel_loop3A_537 = arith.index_cast %parallel_loop3A_535 : i32 to index
        %parallel_loop3A_538 = arith.index_cast %parallel_loop3A_536 : i32 to index
        %parallel_loop3A_539 = arith.index_cast %parallel_loop3A_104 : i32 to index
        %parallel_loop3A_540 = tpu.vector_load %arg7[%parallel_loop3A_537, %parallel_loop3A_538, %parallel_loop3A_539] {strides = array<i32>} : memref<2x64x256xi32, #tpu.memory_space<vmem>>, vector<16xi32>,
        %parallel_loop3A_541 = arith.constant 10752 : i32
        %parallel_loop3A_542 = tpu.memref_slice %arg10[%parallel_loop3A_541] : memref<16384xf32, #tpu.memory_space<vmem>> -> memref<256xf32, #tpu.memory_space<vmem>>
        tpu.vector_store_idx %parallel_loop3A_542[%parallel_loop3A_540], %parallel_loop3A_109 {add = true} : memref<256xf32, #tpu.memory_space<vmem>>[vector<16xi32>], vector<16xf32>,
        %parallel_loop3A_543 = arith.constant 10752 : i32
        %parallel_loop3A_544 = tpu.memref_slice %arg11[%parallel_loop3A_543] : memref<16384xf32, #tpu.memory_space<vmem>> -> memref<256xf32, #tpu.memory_space<vmem>>
        tpu.vector_store_idx %parallel_loop3A_544[%parallel_loop3A_540], %parallel_loop3A_114 {add = true} : memref<256xf32, #tpu.memory_space<vmem>>[vector<16xi32>], vector<16xf32>,
        %parallel_loop3A_545 = arith.constant 0 : i32
        %parallel_loop3A_546 = arith.constant 43 : i32
        %parallel_loop3A_547 = arith.index_cast %parallel_loop3A_545 : i32 to index
        %parallel_loop3A_548 = arith.index_cast %parallel_loop3A_546 : i32 to index
        %parallel_loop3A_549 = arith.index_cast %parallel_loop3A_104 : i32 to index
        %parallel_loop3A_550 = tpu.vector_load %arg7[%parallel_loop3A_547, %parallel_loop3A_548, %parallel_loop3A_549] {strides = array<i32>} : memref<2x64x256xi32, #tpu.memory_space<vmem>>, vector<16xi32>,
        %parallel_loop3A_551 = arith.constant 11008 : i32
        %parallel_loop3A_552 = tpu.memref_slice %arg10[%parallel_loop3A_551] : memref<16384xf32, #tpu.memory_space<vmem>> -> memref<256xf32, #tpu.memory_space<vmem>>
        tpu.vector_store_idx %parallel_loop3A_552[%parallel_loop3A_550], %parallel_loop3A_109 {add = true} : memref<256xf32, #tpu.memory_space<vmem>>[vector<16xi32>], vector<16xf32>,
        %parallel_loop3A_553 = arith.constant 11008 : i32
        %parallel_loop3A_554 = tpu.memref_slice %arg11[%parallel_loop3A_553] : memref<16384xf32, #tpu.memory_space<vmem>> -> memref<256xf32, #tpu.memory_space<vmem>>
        tpu.vector_store_idx %parallel_loop3A_554[%parallel_loop3A_550], %parallel_loop3A_114 {add = true} : memref<256xf32, #tpu.memory_space<vmem>>[vector<16xi32>], vector<16xf32>,
        %parallel_loop3A_555 = arith.constant 0 : i32
        %parallel_loop3A_556 = arith.constant 44 : i32
        %parallel_loop3A_557 = arith.index_cast %parallel_loop3A_555 : i32 to index
        %parallel_loop3A_558 = arith.index_cast %parallel_loop3A_556 : i32 to index
        %parallel_loop3A_559 = arith.index_cast %parallel_loop3A_104 : i32 to index
        %parallel_loop3A_560 = tpu.vector_load %arg7[%parallel_loop3A_557, %parallel_loop3A_558, %parallel_loop3A_559] {strides = array<i32>} : memref<2x64x256xi32, #tpu.memory_space<vmem>>, vector<16xi32>,
        %parallel_loop3A_561 = arith.constant 11264 : i32
        %parallel_loop3A_562 = tpu.memref_slice %arg10[%parallel_loop3A_561] : memref<16384xf32, #tpu.memory_space<vmem>> -> memref<256xf32, #tpu.memory_space<vmem>>
        tpu.vector_store_idx %parallel_loop3A_562[%parallel_loop3A_560], %parallel_loop3A_109 {add = true} : memref<256xf32, #tpu.memory_space<vmem>>[vector<16xi32>], vector<16xf32>,
        %parallel_loop3A_563 = arith.constant 11264 : i32
        %parallel_loop3A_564 = tpu.memref_slice %arg11[%parallel_loop3A_563] : memref<16384xf32, #tpu.memory_space<vmem>> -> memref<256xf32, #tpu.memory_space<vmem>>
        tpu.vector_store_idx %parallel_loop3A_564[%parallel_loop3A_560], %parallel_loop3A_114 {add = true} : memref<256xf32, #tpu.memory_space<vmem>>[vector<16xi32>], vector<16xf32>,
        %parallel_loop3A_565 = arith.constant 0 : i32
        %parallel_loop3A_566 = arith.constant 45 : i32
        %parallel_loop3A_567 = arith.index_cast %parallel_loop3A_565 : i32 to index
        %parallel_loop3A_568 = arith.index_cast %parallel_loop3A_566 : i32 to index
        %parallel_loop3A_569 = arith.index_cast %parallel_loop3A_104 : i32 to index
        %parallel_loop3A_570 = tpu.vector_load %arg7[%parallel_loop3A_567, %parallel_loop3A_568, %parallel_loop3A_569] {strides = array<i32>} : memref<2x64x256xi32, #tpu.memory_space<vmem>>, vector<16xi32>,
        %parallel_loop3A_571 = arith.constant 11520 : i32
        %parallel_loop3A_572 = tpu.memref_slice %arg10[%parallel_loop3A_571] : memref<16384xf32, #tpu.memory_space<vmem>> -> memref<256xf32, #tpu.memory_space<vmem>>
        tpu.vector_store_idx %parallel_loop3A_572[%parallel_loop3A_570], %parallel_loop3A_109 {add = true} : memref<256xf32, #tpu.memory_space<vmem>>[vector<16xi32>], vector<16xf32>,
        %parallel_loop3A_573 = arith.constant 11520 : i32
        %parallel_loop3A_574 = tpu.memref_slice %arg11[%parallel_loop3A_573] : memref<16384xf32, #tpu.memory_space<vmem>> -> memref<256xf32, #tpu.memory_space<vmem>>
        tpu.vector_store_idx %parallel_loop3A_574[%parallel_loop3A_570], %parallel_loop3A_114 {add = true} : memref<256xf32, #tpu.memory_space<vmem>>[vector<16xi32>], vector<16xf32>,
        %parallel_loop3A_575 = arith.constant 0 : i32
        %parallel_loop3A_576 = arith.constant 46 : i32
        %parallel_loop3A_577 = arith.index_cast %parallel_loop3A_575 : i32 to index
        %parallel_loop3A_578 = arith.index_cast %parallel_loop3A_576 : i32 to index
        %parallel_loop3A_579 = arith.index_cast %parallel_loop3A_104 : i32 to index
        %parallel_loop3A_580 = tpu.vector_load %arg7[%parallel_loop3A_577, %parallel_loop3A_578, %parallel_loop3A_579] {strides = array<i32>} : memref<2x64x256xi32, #tpu.memory_space<vmem>>, vector<16xi32>,
        %parallel_loop3A_581 = arith.constant 11776 : i32
        %parallel_loop3A_582 = tpu.memref_slice %arg10[%parallel_loop3A_581] : memref<16384xf32, #tpu.memory_space<vmem>> -> memref<256xf32, #tpu.memory_space<vmem>>
        tpu.vector_store_idx %parallel_loop3A_582[%parallel_loop3A_580], %parallel_loop3A_109 {add = true} : memref<256xf32, #tpu.memory_space<vmem>>[vector<16xi32>], vector<16xf32>,
        %parallel_loop3A_583 = arith.constant 11776 : i32
        %parallel_loop3A_584 = tpu.memref_slice %arg11[%parallel_loop3A_583] : memref<16384xf32, #tpu.memory_space<vmem>> -> memref<256xf32, #tpu.memory_space<vmem>>
        tpu.vector_store_idx %parallel_loop3A_584[%parallel_loop3A_580], %parallel_loop3A_114 {add = true} : memref<256xf32, #tpu.memory_space<vmem>>[vector<16xi32>], vector<16xf32>,
        %parallel_loop3A_585 = arith.constant 0 : i32
        %parallel_loop3A_586 = arith.constant 47 : i32
        %parallel_loop3A_587 = arith.index_cast %parallel_loop3A_585 : i32 to index
        %parallel_loop3A_588 = arith.index_cast %parallel_loop3A_586 : i32 to index
        %parallel_loop3A_589 = arith.index_cast %parallel_loop3A_104 : i32 to index
        %parallel_loop3A_590 = tpu.vector_load %arg7[%parallel_loop3A_587, %parallel_loop3A_588, %parallel_loop3A_589] {strides = array<i32>} : memref<2x64x256xi32, #tpu.memory_space<vmem>>, vector<16xi32>,
        %parallel_loop3A_591 = arith.constant 12032 : i32
        %parallel_loop3A_592 = tpu.memref_slice %arg10[%parallel_loop3A_591] : memref<16384xf32, #tpu.memory_space<vmem>> -> memref<256xf32, #tpu.memory_space<vmem>>
        tpu.vector_store_idx %parallel_loop3A_592[%parallel_loop3A_590], %parallel_loop3A_109 {add = true} : memref<256xf32, #tpu.memory_space<vmem>>[vector<16xi32>], vector<16xf32>,
        %parallel_loop3A_593 = arith.constant 12032 : i32
        %parallel_loop3A_594 = tpu.memref_slice %arg11[%parallel_loop3A_593] : memref<16384xf32, #tpu.memory_space<vmem>> -> memref<256xf32, #tpu.memory_space<vmem>>
        tpu.vector_store_idx %parallel_loop3A_594[%parallel_loop3A_590], %parallel_loop3A_114 {add = true} : memref<256xf32, #tpu.memory_space<vmem>>[vector<16xi32>], vector<16xf32>,
        %parallel_loop3A_595 = arith.constant 0 : i32
        %parallel_loop3A_596 = arith.constant 48 : i32
        %parallel_loop3A_597 = arith.index_cast %parallel_loop3A_595 : i32 to index
        %parallel_loop3A_598 = arith.index_cast %parallel_loop3A_596 : i32 to index
        %parallel_loop3A_599 = arith.index_cast %parallel_loop3A_104 : i32 to index
        %parallel_loop3A_600 = tpu.vector_load %arg7[%parallel_loop3A_597, %parallel_loop3A_598, %parallel_loop3A_599] {strides = array<i32>} : memref<2x64x256xi32, #tpu.memory_space<vmem>>, vector<16xi32>,
        %parallel_loop3A_601 = arith.constant 12288 : i32
        %parallel_loop3A_602 = tpu.memref_slice %arg10[%parallel_loop3A_601] : memref<16384xf32, #tpu.memory_space<vmem>> -> memref<256xf32, #tpu.memory_space<vmem>>
        tpu.vector_store_idx %parallel_loop3A_602[%parallel_loop3A_600], %parallel_loop3A_109 {add = true} : memref<256xf32, #tpu.memory_space<vmem>>[vector<16xi32>], vector<16xf32>,
        %parallel_loop3A_603 = arith.constant 12288 : i32
        %parallel_loop3A_604 = tpu.memref_slice %arg11[%parallel_loop3A_603] : memref<16384xf32, #tpu.memory_space<vmem>> -> memref<256xf32, #tpu.memory_space<vmem>>
        tpu.vector_store_idx %parallel_loop3A_604[%parallel_loop3A_600], %parallel_loop3A_114 {add = true} : memref<256xf32, #tpu.memory_space<vmem>>[vector<16xi32>], vector<16xf32>,
        %parallel_loop3A_605 = arith.constant 0 : i32
        %parallel_loop3A_606 = arith.constant 49 : i32
        %parallel_loop3A_607 = arith.index_cast %parallel_loop3A_605 : i32 to index
        %parallel_loop3A_608 = arith.index_cast %parallel_loop3A_606 : i32 to index
        %parallel_loop3A_609 = arith.index_cast %parallel_loop3A_104 : i32 to index
        %parallel_loop3A_610 = tpu.vector_load %arg7[%parallel_loop3A_607, %parallel_loop3A_608, %parallel_loop3A_609] {strides = array<i32>} : memref<2x64x256xi32, #tpu.memory_space<vmem>>, vector<16xi32>,
        %parallel_loop3A_611 = arith.constant 12544 : i32
        %parallel_loop3A_612 = tpu.memref_slice %arg10[%parallel_loop3A_611] : memref<16384xf32, #tpu.memory_space<vmem>> -> memref<256xf32, #tpu.memory_space<vmem>>
        tpu.vector_store_idx %parallel_loop3A_612[%parallel_loop3A_610], %parallel_loop3A_109 {add = true} : memref<256xf32, #tpu.memory_space<vmem>>[vector<16xi32>], vector<16xf32>,
        %parallel_loop3A_613 = arith.constant 12544 : i32
        %parallel_loop3A_614 = tpu.memref_slice %arg11[%parallel_loop3A_613] : memref<16384xf32, #tpu.memory_space<vmem>> -> memref<256xf32, #tpu.memory_space<vmem>>
        tpu.vector_store_idx %parallel_loop3A_614[%parallel_loop3A_610], %parallel_loop3A_114 {add = true} : memref<256xf32, #tpu.memory_space<vmem>>[vector<16xi32>], vector<16xf32>,
        %parallel_loop3A_615 = arith.constant 0 : i32
        %parallel_loop3A_616 = arith.constant 50 : i32
        %parallel_loop3A_617 = arith.index_cast %parallel_loop3A_615 : i32 to index
        %parallel_loop3A_618 = arith.index_cast %parallel_loop3A_616 : i32 to index
        %parallel_loop3A_619 = arith.index_cast %parallel_loop3A_104 : i32 to index
        %parallel_loop3A_620 = tpu.vector_load %arg7[%parallel_loop3A_617, %parallel_loop3A_618, %parallel_loop3A_619] {strides = array<i32>} : memref<2x64x256xi32, #tpu.memory_space<vmem>>, vector<16xi32>,
        %parallel_loop3A_621 = arith.constant 12800 : i32
        %parallel_loop3A_622 = tpu.memref_slice %arg10[%parallel_loop3A_621] : memref<16384xf32, #tpu.memory_space<vmem>> -> memref<256xf32, #tpu.memory_space<vmem>>
        tpu.vector_store_idx %parallel_loop3A_622[%parallel_loop3A_620], %parallel_loop3A_109 {add = true} : memref<256xf32, #tpu.memory_space<vmem>>[vector<16xi32>], vector<16xf32>,
        %parallel_loop3A_623 = arith.constant 12800 : i32
        %parallel_loop3A_624 = tpu.memref_slice %arg11[%parallel_loop3A_623] : memref<16384xf32, #tpu.memory_space<vmem>> -> memref<256xf32, #tpu.memory_space<vmem>>
        tpu.vector_store_idx %parallel_loop3A_624[%parallel_loop3A_620], %parallel_loop3A_114 {add = true} : memref<256xf32, #tpu.memory_space<vmem>>[vector<16xi32>], vector<16xf32>,
        %parallel_loop3A_625 = arith.constant 0 : i32
        %parallel_loop3A_626 = arith.constant 51 : i32
        %parallel_loop3A_627 = arith.index_cast %parallel_loop3A_625 : i32 to index
        %parallel_loop3A_628 = arith.index_cast %parallel_loop3A_626 : i32 to index
        %parallel_loop3A_629 = arith.index_cast %parallel_loop3A_104 : i32 to index
        %parallel_loop3A_630 = tpu.vector_load %arg7[%parallel_loop3A_627, %parallel_loop3A_628, %parallel_loop3A_629] {strides = array<i32>} : memref<2x64x256xi32, #tpu.memory_space<vmem>>, vector<16xi32>,
        %parallel_loop3A_631 = arith.constant 13056 : i32
        %parallel_loop3A_632 = tpu.memref_slice %arg10[%parallel_loop3A_631] : memref<16384xf32, #tpu.memory_space<vmem>> -> memref<256xf32, #tpu.memory_space<vmem>>
        tpu.vector_store_idx %parallel_loop3A_632[%parallel_loop3A_630], %parallel_loop3A_109 {add = true} : memref<256xf32, #tpu.memory_space<vmem>>[vector<16xi32>], vector<16xf32>,
        %parallel_loop3A_633 = arith.constant 13056 : i32
        %parallel_loop3A_634 = tpu.memref_slice %arg11[%parallel_loop3A_633] : memref<16384xf32, #tpu.memory_space<vmem>> -> memref<256xf32, #tpu.memory_space<vmem>>
        tpu.vector_store_idx %parallel_loop3A_634[%parallel_loop3A_630], %parallel_loop3A_114 {add = true} : memref<256xf32, #tpu.memory_space<vmem>>[vector<16xi32>], vector<16xf32>,
        %parallel_loop3A_635 = arith.constant 0 : i32
        %parallel_loop3A_636 = arith.constant 52 : i32
        %parallel_loop3A_637 = arith.index_cast %parallel_loop3A_635 : i32 to index
        %parallel_loop3A_638 = arith.index_cast %parallel_loop3A_636 : i32 to index
        %parallel_loop3A_639 = arith.index_cast %parallel_loop3A_104 : i32 to index
        %parallel_loop3A_640 = tpu.vector_load %arg7[%parallel_loop3A_637, %parallel_loop3A_638, %parallel_loop3A_639] {strides = array<i32>} : memref<2x64x256xi32, #tpu.memory_space<vmem>>, vector<16xi32>,
        %parallel_loop3A_641 = arith.constant 13312 : i32
        %parallel_loop3A_642 = tpu.memref_slice %arg10[%parallel_loop3A_641] : memref<16384xf32, #tpu.memory_space<vmem>> -> memref<256xf32, #tpu.memory_space<vmem>>
        tpu.vector_store_idx %parallel_loop3A_642[%parallel_loop3A_640], %parallel_loop3A_109 {add = true} : memref<256xf32, #tpu.memory_space<vmem>>[vector<16xi32>], vector<16xf32>,
        %parallel_loop3A_643 = arith.constant 13312 : i32
        %parallel_loop3A_644 = tpu.memref_slice %arg11[%parallel_loop3A_643] : memref<16384xf32, #tpu.memory_space<vmem>> -> memref<256xf32, #tpu.memory_space<vmem>>
        tpu.vector_store_idx %parallel_loop3A_644[%parallel_loop3A_640], %parallel_loop3A_114 {add = true} : memref<256xf32, #tpu.memory_space<vmem>>[vector<16xi32>], vector<16xf32>,
        %parallel_loop3A_645 = arith.constant 0 : i32
        %parallel_loop3A_646 = arith.constant 53 : i32
        %parallel_loop3A_647 = arith.index_cast %parallel_loop3A_645 : i32 to index
        %parallel_loop3A_648 = arith.index_cast %parallel_loop3A_646 : i32 to index
        %parallel_loop3A_649 = arith.index_cast %parallel_loop3A_104 : i32 to index
        %parallel_loop3A_650 = tpu.vector_load %arg7[%parallel_loop3A_647, %parallel_loop3A_648, %parallel_loop3A_649] {strides = array<i32>} : memref<2x64x256xi32, #tpu.memory_space<vmem>>, vector<16xi32>,
        %parallel_loop3A_651 = arith.constant 13568 : i32
        %parallel_loop3A_652 = tpu.memref_slice %arg10[%parallel_loop3A_651] : memref<16384xf32, #tpu.memory_space<vmem>> -> memref<256xf32, #tpu.memory_space<vmem>>
        tpu.vector_store_idx %parallel_loop3A_652[%parallel_loop3A_650], %parallel_loop3A_109 {add = true} : memref<256xf32, #tpu.memory_space<vmem>>[vector<16xi32>], vector<16xf32>,
        %parallel_loop3A_653 = arith.constant 13568 : i32
        %parallel_loop3A_654 = tpu.memref_slice %arg11[%parallel_loop3A_653] : memref<16384xf32, #tpu.memory_space<vmem>> -> memref<256xf32, #tpu.memory_space<vmem>>
        tpu.vector_store_idx %parallel_loop3A_654[%parallel_loop3A_650], %parallel_loop3A_114 {add = true} : memref<256xf32, #tpu.memory_space<vmem>>[vector<16xi32>], vector<16xf32>,
        %parallel_loop3A_655 = arith.constant 0 : i32
        %parallel_loop3A_656 = arith.constant 54 : i32
        %parallel_loop3A_657 = arith.index_cast %parallel_loop3A_655 : i32 to index
        %parallel_loop3A_658 = arith.index_cast %parallel_loop3A_656 : i32 to index
        %parallel_loop3A_659 = arith.index_cast %parallel_loop3A_104 : i32 to index
        %parallel_loop3A_660 = tpu.vector_load %arg7[%parallel_loop3A_657, %parallel_loop3A_658, %parallel_loop3A_659] {strides = array<i32>} : memref<2x64x256xi32, #tpu.memory_space<vmem>>, vector<16xi32>,
        %parallel_loop3A_661 = arith.constant 13824 : i32
        %parallel_loop3A_662 = tpu.memref_slice %arg10[%parallel_loop3A_661] : memref<16384xf32, #tpu.memory_space<vmem>> -> memref<256xf32, #tpu.memory_space<vmem>>
        tpu.vector_store_idx %parallel_loop3A_662[%parallel_loop3A_660], %parallel_loop3A_109 {add = true} : memref<256xf32, #tpu.memory_space<vmem>>[vector<16xi32>], vector<16xf32>,
        %parallel_loop3A_663 = arith.constant 13824 : i32
        %parallel_loop3A_664 = tpu.memref_slice %arg11[%parallel_loop3A_663] : memref<16384xf32, #tpu.memory_space<vmem>> -> memref<256xf32, #tpu.memory_space<vmem>>
        tpu.vector_store_idx %parallel_loop3A_664[%parallel_loop3A_660], %parallel_loop3A_114 {add = true} : memref<256xf32, #tpu.memory_space<vmem>>[vector<16xi32>], vector<16xf32>,
        %parallel_loop3A_665 = arith.constant 0 : i32
        %parallel_loop3A_666 = arith.constant 55 : i32
        %parallel_loop3A_667 = arith.index_cast %parallel_loop3A_665 : i32 to index
        %parallel_loop3A_668 = arith.index_cast %parallel_loop3A_666 : i32 to index
        %parallel_loop3A_669 = arith.index_cast %parallel_loop3A_104 : i32 to index
        %parallel_loop3A_670 = tpu.vector_load %arg7[%parallel_loop3A_667, %parallel_loop3A_668, %parallel_loop3A_669] {strides = array<i32>} : memref<2x64x256xi32, #tpu.memory_space<vmem>>, vector<16xi32>,
        %parallel_loop3A_671 = arith.constant 14080 : i32
        %parallel_loop3A_672 = tpu.memref_slice %arg10[%parallel_loop3A_671] : memref<16384xf32, #tpu.memory_space<vmem>> -> memref<256xf32, #tpu.memory_space<vmem>>
        tpu.vector_store_idx %parallel_loop3A_672[%parallel_loop3A_670], %parallel_loop3A_109 {add = true} : memref<256xf32, #tpu.memory_space<vmem>>[vector<16xi32>], vector<16xf32>,
        %parallel_loop3A_673 = arith.constant 14080 : i32
        %parallel_loop3A_674 = tpu.memref_slice %arg11[%parallel_loop3A_673] : memref<16384xf32, #tpu.memory_space<vmem>> -> memref<256xf32, #tpu.memory_space<vmem>>
        tpu.vector_store_idx %parallel_loop3A_674[%parallel_loop3A_670], %parallel_loop3A_114 {add = true} : memref<256xf32, #tpu.memory_space<vmem>>[vector<16xi32>], vector<16xf32>,
        %parallel_loop3A_675 = arith.constant 0 : i32
        %parallel_loop3A_676 = arith.constant 56 : i32
        %parallel_loop3A_677 = arith.index_cast %parallel_loop3A_675 : i32 to index
        %parallel_loop3A_678 = arith.index_cast %parallel_loop3A_676 : i32 to index
        %parallel_loop3A_679 = arith.index_cast %parallel_loop3A_104 : i32 to index
        %parallel_loop3A_680 = tpu.vector_load %arg7[%parallel_loop3A_677, %parallel_loop3A_678, %parallel_loop3A_679] {strides = array<i32>} : memref<2x64x256xi32, #tpu.memory_space<vmem>>, vector<16xi32>,
        %parallel_loop3A_681 = arith.constant 14336 : i32
        %parallel_loop3A_682 = tpu.memref_slice %arg10[%parallel_loop3A_681] : memref<16384xf32, #tpu.memory_space<vmem>> -> memref<256xf32, #tpu.memory_space<vmem>>
        tpu.vector_store_idx %parallel_loop3A_682[%parallel_loop3A_680], %parallel_loop3A_109 {add = true} : memref<256xf32, #tpu.memory_space<vmem>>[vector<16xi32>], vector<16xf32>,
        %parallel_loop3A_683 = arith.constant 14336 : i32
        %parallel_loop3A_684 = tpu.memref_slice %arg11[%parallel_loop3A_683] : memref<16384xf32, #tpu.memory_space<vmem>> -> memref<256xf32, #tpu.memory_space<vmem>>
        tpu.vector_store_idx %parallel_loop3A_684[%parallel_loop3A_680], %parallel_loop3A_114 {add = true} : memref<256xf32, #tpu.memory_space<vmem>>[vector<16xi32>], vector<16xf32>,
        %parallel_loop3A_685 = arith.constant 0 : i32
        %parallel_loop3A_686 = arith.constant 57 : i32
        %parallel_loop3A_687 = arith.index_cast %parallel_loop3A_685 : i32 to index
        %parallel_loop3A_688 = arith.index_cast %parallel_loop3A_686 : i32 to index
        %parallel_loop3A_689 = arith.index_cast %parallel_loop3A_104 : i32 to index
        %parallel_loop3A_690 = tpu.vector_load %arg7[%parallel_loop3A_687, %parallel_loop3A_688, %parallel_loop3A_689] {strides = array<i32>} : memref<2x64x256xi32, #tpu.memory_space<vmem>>, vector<16xi32>,
        %parallel_loop3A_691 = arith.constant 14592 : i32
        %parallel_loop3A_692 = tpu.memref_slice %arg10[%parallel_loop3A_691] : memref<16384xf32, #tpu.memory_space<vmem>> -> memref<256xf32, #tpu.memory_space<vmem>>
        tpu.vector_store_idx %parallel_loop3A_692[%parallel_loop3A_690], %parallel_loop3A_109 {add = true} : memref<256xf32, #tpu.memory_space<vmem>>[vector<16xi32>], vector<16xf32>,
        %parallel_loop3A_693 = arith.constant 14592 : i32
        %parallel_loop3A_694 = tpu.memref_slice %arg11[%parallel_loop3A_693] : memref<16384xf32, #tpu.memory_space<vmem>> -> memref<256xf32, #tpu.memory_space<vmem>>
        tpu.vector_store_idx %parallel_loop3A_694[%parallel_loop3A_690], %parallel_loop3A_114 {add = true} : memref<256xf32, #tpu.memory_space<vmem>>[vector<16xi32>], vector<16xf32>,
        %parallel_loop3A_695 = arith.constant 0 : i32
        %parallel_loop3A_696 = arith.constant 58 : i32
        %parallel_loop3A_697 = arith.index_cast %parallel_loop3A_695 : i32 to index
        %parallel_loop3A_698 = arith.index_cast %parallel_loop3A_696 : i32 to index
        %parallel_loop3A_699 = arith.index_cast %parallel_loop3A_104 : i32 to index
        %parallel_loop3A_700 = tpu.vector_load %arg7[%parallel_loop3A_697, %parallel_loop3A_698, %parallel_loop3A_699] {strides = array<i32>} : memref<2x64x256xi32, #tpu.memory_space<vmem>>, vector<16xi32>,
        %parallel_loop3A_701 = arith.constant 14848 : i32
        %parallel_loop3A_702 = tpu.memref_slice %arg10[%parallel_loop3A_701] : memref<16384xf32, #tpu.memory_space<vmem>> -> memref<256xf32, #tpu.memory_space<vmem>>
        tpu.vector_store_idx %parallel_loop3A_702[%parallel_loop3A_700], %parallel_loop3A_109 {add = true} : memref<256xf32, #tpu.memory_space<vmem>>[vector<16xi32>], vector<16xf32>,
        %parallel_loop3A_703 = arith.constant 14848 : i32
        %parallel_loop3A_704 = tpu.memref_slice %arg11[%parallel_loop3A_703] : memref<16384xf32, #tpu.memory_space<vmem>> -> memref<256xf32, #tpu.memory_space<vmem>>
        tpu.vector_store_idx %parallel_loop3A_704[%parallel_loop3A_700], %parallel_loop3A_114 {add = true} : memref<256xf32, #tpu.memory_space<vmem>>[vector<16xi32>], vector<16xf32>,
        %parallel_loop3A_705 = arith.constant 0 : i32
        %parallel_loop3A_706 = arith.constant 59 : i32
        %parallel_loop3A_707 = arith.index_cast %parallel_loop3A_705 : i32 to index
        %parallel_loop3A_708 = arith.index_cast %parallel_loop3A_706 : i32 to index
        %parallel_loop3A_709 = arith.index_cast %parallel_loop3A_104 : i32 to index
        %parallel_loop3A_710 = tpu.vector_load %arg7[%parallel_loop3A_707, %parallel_loop3A_708, %parallel_loop3A_709] {strides = array<i32>} : memref<2x64x256xi32, #tpu.memory_space<vmem>>, vector<16xi32>,
        %parallel_loop3A_711 = arith.constant 15104 : i32
        %parallel_loop3A_712 = tpu.memref_slice %arg10[%parallel_loop3A_711] : memref<16384xf32, #tpu.memory_space<vmem>> -> memref<256xf32, #tpu.memory_space<vmem>>
        tpu.vector_store_idx %parallel_loop3A_712[%parallel_loop3A_710], %parallel_loop3A_109 {add = true} : memref<256xf32, #tpu.memory_space<vmem>>[vector<16xi32>], vector<16xf32>,
        %parallel_loop3A_713 = arith.constant 15104 : i32
        %parallel_loop3A_714 = tpu.memref_slice %arg11[%parallel_loop3A_713] : memref<16384xf32, #tpu.memory_space<vmem>> -> memref<256xf32, #tpu.memory_space<vmem>>
        tpu.vector_store_idx %parallel_loop3A_714[%parallel_loop3A_710], %parallel_loop3A_114 {add = true} : memref<256xf32, #tpu.memory_space<vmem>>[vector<16xi32>], vector<16xf32>,
        %parallel_loop3A_715 = arith.constant 0 : i32
        %parallel_loop3A_716 = arith.constant 60 : i32
        %parallel_loop3A_717 = arith.index_cast %parallel_loop3A_715 : i32 to index
        %parallel_loop3A_718 = arith.index_cast %parallel_loop3A_716 : i32 to index
        %parallel_loop3A_719 = arith.index_cast %parallel_loop3A_104 : i32 to index
        %parallel_loop3A_720 = tpu.vector_load %arg7[%parallel_loop3A_717, %parallel_loop3A_718, %parallel_loop3A_719] {strides = array<i32>} : memref<2x64x256xi32, #tpu.memory_space<vmem>>, vector<16xi32>,
        %parallel_loop3A_721 = arith.constant 15360 : i32
        %parallel_loop3A_722 = tpu.memref_slice %arg10[%parallel_loop3A_721] : memref<16384xf32, #tpu.memory_space<vmem>> -> memref<256xf32, #tpu.memory_space<vmem>>
        tpu.vector_store_idx %parallel_loop3A_722[%parallel_loop3A_720], %parallel_loop3A_109 {add = true} : memref<256xf32, #tpu.memory_space<vmem>>[vector<16xi32>], vector<16xf32>,
        %parallel_loop3A_723 = arith.constant 15360 : i32
        %parallel_loop3A_724 = tpu.memref_slice %arg11[%parallel_loop3A_723] : memref<16384xf32, #tpu.memory_space<vmem>> -> memref<256xf32, #tpu.memory_space<vmem>>
        tpu.vector_store_idx %parallel_loop3A_724[%parallel_loop3A_720], %parallel_loop3A_114 {add = true} : memref<256xf32, #tpu.memory_space<vmem>>[vector<16xi32>], vector<16xf32>,
        %parallel_loop3A_725 = arith.constant 0 : i32
        %parallel_loop3A_726 = arith.constant 61 : i32
        %parallel_loop3A_727 = arith.index_cast %parallel_loop3A_725 : i32 to index
        %parallel_loop3A_728 = arith.index_cast %parallel_loop3A_726 : i32 to index
        %parallel_loop3A_729 = arith.index_cast %parallel_loop3A_104 : i32 to index
        %parallel_loop3A_730 = tpu.vector_load %arg7[%parallel_loop3A_727, %parallel_loop3A_728, %parallel_loop3A_729] {strides = array<i32>} : memref<2x64x256xi32, #tpu.memory_space<vmem>>, vector<16xi32>,
        %parallel_loop3A_731 = arith.constant 15616 : i32
        %parallel_loop3A_732 = tpu.memref_slice %arg10[%parallel_loop3A_731] : memref<16384xf32, #tpu.memory_space<vmem>> -> memref<256xf32, #tpu.memory_space<vmem>>
        tpu.vector_store_idx %parallel_loop3A_732[%parallel_loop3A_730], %parallel_loop3A_109 {add = true} : memref<256xf32, #tpu.memory_space<vmem>>[vector<16xi32>], vector<16xf32>,
        %parallel_loop3A_733 = arith.constant 15616 : i32
        %parallel_loop3A_734 = tpu.memref_slice %arg11[%parallel_loop3A_733] : memref<16384xf32, #tpu.memory_space<vmem>> -> memref<256xf32, #tpu.memory_space<vmem>>
        tpu.vector_store_idx %parallel_loop3A_734[%parallel_loop3A_730], %parallel_loop3A_114 {add = true} : memref<256xf32, #tpu.memory_space<vmem>>[vector<16xi32>], vector<16xf32>,
        %parallel_loop3A_735 = arith.constant 0 : i32
        %parallel_loop3A_736 = arith.constant 62 : i32
        %parallel_loop3A_737 = arith.index_cast %parallel_loop3A_735 : i32 to index
        %parallel_loop3A_738 = arith.index_cast %parallel_loop3A_736 : i32 to index
        %parallel_loop3A_739 = arith.index_cast %parallel_loop3A_104 : i32 to index
        %parallel_loop3A_740 = tpu.vector_load %arg7[%parallel_loop3A_737, %parallel_loop3A_738, %parallel_loop3A_739] {strides = array<i32>} : memref<2x64x256xi32, #tpu.memory_space<vmem>>, vector<16xi32>,
        %parallel_loop3A_741 = arith.constant 15872 : i32
        %parallel_loop3A_742 = tpu.memref_slice %arg10[%parallel_loop3A_741] : memref<16384xf32, #tpu.memory_space<vmem>> -> memref<256xf32, #tpu.memory_space<vmem>>
        tpu.vector_store_idx %parallel_loop3A_742[%parallel_loop3A_740], %parallel_loop3A_109 {add = true} : memref<256xf32, #tpu.memory_space<vmem>>[vector<16xi32>], vector<16xf32>,
        %parallel_loop3A_743 = arith.constant 15872 : i32
        %parallel_loop3A_744 = tpu.memref_slice %arg11[%parallel_loop3A_743] : memref<16384xf32, #tpu.memory_space<vmem>> -> memref<256xf32, #tpu.memory_space<vmem>>
        tpu.vector_store_idx %parallel_loop3A_744[%parallel_loop3A_740], %parallel_loop3A_114 {add = true} : memref<256xf32, #tpu.memory_space<vmem>>[vector<16xi32>], vector<16xf32>,
        %parallel_loop3A_745 = arith.constant 0 : i32
        %parallel_loop3A_746 = arith.constant 63 : i32
        %parallel_loop3A_747 = arith.index_cast %parallel_loop3A_745 : i32 to index
        %parallel_loop3A_748 = arith.index_cast %parallel_loop3A_746 : i32 to index
        %parallel_loop3A_749 = arith.index_cast %parallel_loop3A_104 : i32 to index
        %parallel_loop3A_750 = tpu.vector_load %arg7[%parallel_loop3A_747, %parallel_loop3A_748, %parallel_loop3A_749] {strides = array<i32>} : memref<2x64x256xi32, #tpu.memory_space<vmem>>, vector<16xi32>,
        %parallel_loop3A_751 = arith.constant 16128 : i32
        %parallel_loop3A_752 = tpu.memref_slice %arg10[%parallel_loop3A_751] : memref<16384xf32, #tpu.memory_space<vmem>> -> memref<256xf32, #tpu.memory_space<vmem>>
        tpu.vector_store_idx %parallel_loop3A_752[%parallel_loop3A_750], %parallel_loop3A_109 {add = true} : memref<256xf32, #tpu.memory_space<vmem>>[vector<16xi32>], vector<16xf32>,
        %parallel_loop3A_753 = arith.constant 16128 : i32
        %parallel_loop3A_754 = tpu.memref_slice %arg11[%parallel_loop3A_753] : memref<16384xf32, #tpu.memory_space<vmem>> -> memref<256xf32, #tpu.memory_space<vmem>>
        tpu.vector_store_idx %parallel_loop3A_754[%parallel_loop3A_750], %parallel_loop3A_114 {add = true} : memref<256xf32, #tpu.memory_space<vmem>>[vector<16xi32>], vector<16xf32>,
      } {sc.loop_unroll_factor = 8 : i64, sc.parallel_access}
      %add3A_71 = arith.constant 2 : i32
      %add3A_72 = arith.addi %add3A_53, %add3A_71 : i32
      %lt3A = arith.constant 32 : i32
      %lt3A_73 = arith.cmpi slt, %add3A_72, %lt3A : i32
      %convert_element_type3A = arith.extui %lt3A_73 : i1 to i32
      %cond3A = arith.constant 0 : i32
      %cond3A_74 = arith.cmpi ne, %convert_element_type3A, %cond3A : i32
      scf.if %cond3A_74 {
        %add3A_102 = arith.constant 2 : i32
        %add3A_103 = arith.addi %add3A_53, %add3A_102 : i32
        %mul3A_104 = arith.constant 256 : i32
        %mul3A_105 = arith.muli %add3A_103, %mul3A_104 : i32
        %add3A_106 = arith.addi %mul3A_2, %mul3A_105 : i32
        %dma_start3A_107 = arith.constant 0 : i32
        %dma_start3A_108 = arith.constant 0 : i32
        %dma_start3A_109 = arith.constant 0 : i32
        %dma_start3A_110 = tpu.memref_slice %arg7[%dma_start3A_107, %dma_start3A_108, %dma_start3A_109] : memref<2x64x256xi32, #tpu.memory_space<vmem>> -> memref<1x64x256xi32, #tpu.memory_space<vmem>>
        %dma_start3A_111 = tpu.memref_squeeze %dma_start3A_110 : memref<1x64x256xi32, #tpu.memory_space<vmem>> -> memref<64x256xi32, #tpu.memory_space<vmem>>
        %dma_start3A_112 = arith.constant 0 : i32
        %dma_start3A_113 = tpu.memref_slice %arg2[%dma_start3A_112, %add3A_106] : memref<64x262144xi32, #tpu.memory_space<hbm>> -> memref<64x256xi32, #tpu.memory_space<hbm>>
        %dma_start3A_114 = arith.constant 0 : i32
        %dma_start3A_115 = arith.constant 0 : i32
        %dma_start3A_116 = tpu.memref_slice %arg7[%dma_start3A_107, %dma_start3A_114, %dma_start3A_115] : memref<2x64x256xi32, #tpu.memory_space<vmem>> -> memref<1x64x256xi32, #tpu.memory_space<vmem>>
        %dma_start3A_117 = tpu.memref_squeeze %dma_start3A_116 : memref<1x64x256xi32, #tpu.memory_space<vmem>> -> memref<64x256xi32, #tpu.memory_space<vmem>>
        %dma_start3A_118 = arith.constant 0 : i32
        %dma_start3A_119 = tpu.memref_slice %arg2[%dma_start3A_118, %add3A_106] : memref<64x262144xi32, #tpu.memory_space<hbm>> -> memref<64x256xi32, #tpu.memory_space<hbm>>
        tpu.enqueue_dma source(%dma_start3A_119 : memref<64x256xi32, #tpu.memory_space<hbm>>) target(%dma_start3A_117 : memref<64x256xi32, #tpu.memory_space<vmem>>) target_semaphore(%arg12 : memref<!tpu.dma_semaphore, #tpu.memory_space<semaphore_mem>>)
      } else {
      }
      %add3A_75 = arith.constant 1 : i32
      %add3A_76 = arith.addi %add3A_51, %add3A_75 : i32
      %dma_wait3A_77 = arith.constant 1 : i32
      %dma_wait3A_78 = arith.constant 0 : i32
      %dma_wait3A_79 = arith.constant 0 : i32
      %dma_wait3A_80 = tpu.memref_slice %arg7[%dma_wait3A_77, %dma_wait3A_78, %dma_wait3A_79] : memref<2x64x256xi32, #tpu.memory_space<vmem>> -> memref<1x64x256xi32, #tpu.memory_space<vmem>>
      %dma_wait3A_81 = tpu.memref_squeeze %dma_wait3A_80 : memref<1x64x256xi32, #tpu.memory_space<vmem>> -> memref<64x256xi32, #tpu.memory_space<vmem>>
      %dma_wait3A_82 = arith.constant 0 : i32
      %dma_wait3A_83 = arith.constant 0 : i32
      %dma_wait3A_84 = tpu.memref_slice %arg2[%dma_wait3A_82, %dma_wait3A_83] : memref<64x262144xi32, #tpu.memory_space<hbm>> -> memref<64x256xi32, #tpu.memory_space<hbm>>
      %dma_wait3A_85 = arith.constant 0 : i32
      %dma_wait3A_86 = arith.constant 0 : i32
      %dma_wait3A_87 = tpu.memref_slice %arg7[%dma_wait3A_77, %dma_wait3A_85, %dma_wait3A_86] : memref<2x64x256xi32, #tpu.memory_space<vmem>> -> memref<1x64x256xi32, #tpu.memory_space<vmem>>
      %dma_wait3A_88 = tpu.memref_squeeze %dma_wait3A_87 : memref<1x64x256xi32, #tpu.memory_space<vmem>> -> memref<64x256xi32, #tpu.memory_space<vmem>>
      %dma_wait3A_89 = arith.constant 0 : i32
      %dma_wait3A_90 = arith.constant 0 : i32
      %dma_wait3A_91 = tpu.memref_slice %arg2[%dma_wait3A_89, %dma_wait3A_90] : memref<64x262144xi32, #tpu.memory_space<hbm>> -> memref<64x256xi32, #tpu.memory_space<hbm>>
      tpu.wait_dma2 semaphore(%arg13 : memref<!tpu.dma_semaphore, #tpu.memory_space<semaphore_mem>>) src(%dma_wait3A_91 : memref<64x256xi32, #tpu.memory_space<hbm>>) dst(%dma_wait3A_88 : memref<64x256xi32, #tpu.memory_space<vmem>>)
      %parallel_loop3A_92 = arith.constant 0 : i32
      %parallel_loop3A_93 = arith.constant 16 : i32
      %parallel_loop3A_94 = arith.constant 1 : i32
      scf.for %parallel_loop3A_102 = %parallel_loop3A_92 to %parallel_loop3A_93 step %parallel_loop3A_94  : i32 {
        %parallel_loop3A_103 = arith.constant 16 : i32
        %parallel_loop3A_104 = arith.muli %parallel_loop3A_102, %parallel_loop3A_103 : i32
        %parallel_loop3A_105 = arith.constant 256 : i32
        %parallel_loop3A_106 = arith.muli %add3A_76, %parallel_loop3A_105 : i32
        %parallel_loop3A_107 = arith.addi %parallel_loop3A_106, %parallel_loop3A_104 : i32
        %parallel_loop3A_108 = arith.index_cast %parallel_loop3A_107 : i32 to index
        %parallel_loop3A_109 = tpu.vector_load %arg8[%parallel_loop3A_108] {strides = array<i32>} : memref<8192xf32, #tpu.memory_space<vmem>>, vector<16xf32>,
        %parallel_loop3A_110 = arith.constant 256 : i32
        %parallel_loop3A_111 = arith.muli %add3A_76, %parallel_loop3A_110 : i32
        %parallel_loop3A_112 = arith.addi %parallel_loop3A_111, %parallel_loop3A_104 : i32
        %parallel_loop3A_113 = arith.index_cast %parallel_loop3A_112 : i32 to index
        %parallel_loop3A_114 = tpu.vector_load %arg9[%parallel_loop3A_113] {strides = array<i32>} : memref<8192xf32, #tpu.memory_space<vmem>>, vector<16xf32>,
        %parallel_loop3A_115 = arith.constant 1 : i32
        %parallel_loop3A_116 = arith.constant 0 : i32
        %parallel_loop3A_117 = arith.index_cast %parallel_loop3A_115 : i32 to index
        %parallel_loop3A_118 = arith.index_cast %parallel_loop3A_116 : i32 to index
        %parallel_loop3A_119 = arith.index_cast %parallel_loop3A_104 : i32 to index
        %parallel_loop3A_120 = tpu.vector_load %arg7[%parallel_loop3A_117, %parallel_loop3A_118, %parallel_loop3A_119] {strides = array<i32>} : memref<2x64x256xi32, #tpu.memory_space<vmem>>, vector<16xi32>,
        %parallel_loop3A_121 = arith.constant 0 : i32
        %parallel_loop3A_122 = tpu.memref_slice %arg10[%parallel_loop3A_121] : memref<16384xf32, #tpu.memory_space<vmem>> -> memref<256xf32, #tpu.memory_space<vmem>>
        tpu.vector_store_idx %parallel_loop3A_122[%parallel_loop3A_120], %parallel_loop3A_109 {add = true} : memref<256xf32, #tpu.memory_space<vmem>>[vector<16xi32>], vector<16xf32>,
        %parallel_loop3A_123 = arith.constant 0 : i32
        %parallel_loop3A_124 = tpu.memref_slice %arg11[%parallel_loop3A_123] : memref<16384xf32, #tpu.memory_space<vmem>> -> memref<256xf32, #tpu.memory_space<vmem>>
        tpu.vector_store_idx %parallel_loop3A_124[%parallel_loop3A_120], %parallel_loop3A_114 {add = true} : memref<256xf32, #tpu.memory_space<vmem>>[vector<16xi32>], vector<16xf32>,
        %parallel_loop3A_125 = arith.constant 1 : i32
        %parallel_loop3A_126 = arith.constant 1 : i32
        %parallel_loop3A_127 = arith.index_cast %parallel_loop3A_125 : i32 to index
        %parallel_loop3A_128 = arith.index_cast %parallel_loop3A_126 : i32 to index
        %parallel_loop3A_129 = arith.index_cast %parallel_loop3A_104 : i32 to index
        %parallel_loop3A_130 = tpu.vector_load %arg7[%parallel_loop3A_127, %parallel_loop3A_128, %parallel_loop3A_129] {strides = array<i32>} : memref<2x64x256xi32, #tpu.memory_space<vmem>>, vector<16xi32>,
        %parallel_loop3A_131 = arith.constant 256 : i32
        %parallel_loop3A_132 = tpu.memref_slice %arg10[%parallel_loop3A_131] : memref<16384xf32, #tpu.memory_space<vmem>> -> memref<256xf32, #tpu.memory_space<vmem>>
        tpu.vector_store_idx %parallel_loop3A_132[%parallel_loop3A_130], %parallel_loop3A_109 {add = true} : memref<256xf32, #tpu.memory_space<vmem>>[vector<16xi32>], vector<16xf32>,
        %parallel_loop3A_133 = arith.constant 256 : i32
        %parallel_loop3A_134 = tpu.memref_slice %arg11[%parallel_loop3A_133] : memref<16384xf32, #tpu.memory_space<vmem>> -> memref<256xf32, #tpu.memory_space<vmem>>
        tpu.vector_store_idx %parallel_loop3A_134[%parallel_loop3A_130], %parallel_loop3A_114 {add = true} : memref<256xf32, #tpu.memory_space<vmem>>[vector<16xi32>], vector<16xf32>,
        %parallel_loop3A_135 = arith.constant 1 : i32
        %parallel_loop3A_136 = arith.constant 2 : i32
        %parallel_loop3A_137 = arith.index_cast %parallel_loop3A_135 : i32 to index
        %parallel_loop3A_138 = arith.index_cast %parallel_loop3A_136 : i32 to index
        %parallel_loop3A_139 = arith.index_cast %parallel_loop3A_104 : i32 to index
        %parallel_loop3A_140 = tpu.vector_load %arg7[%parallel_loop3A_137, %parallel_loop3A_138, %parallel_loop3A_139] {strides = array<i32>} : memref<2x64x256xi32, #tpu.memory_space<vmem>>, vector<16xi32>,
        %parallel_loop3A_141 = arith.constant 512 : i32
        %parallel_loop3A_142 = tpu.memref_slice %arg10[%parallel_loop3A_141] : memref<16384xf32, #tpu.memory_space<vmem>> -> memref<256xf32, #tpu.memory_space<vmem>>
        tpu.vector_store_idx %parallel_loop3A_142[%parallel_loop3A_140], %parallel_loop3A_109 {add = true} : memref<256xf32, #tpu.memory_space<vmem>>[vector<16xi32>], vector<16xf32>,
        %parallel_loop3A_143 = arith.constant 512 : i32
        %parallel_loop3A_144 = tpu.memref_slice %arg11[%parallel_loop3A_143] : memref<16384xf32, #tpu.memory_space<vmem>> -> memref<256xf32, #tpu.memory_space<vmem>>
        tpu.vector_store_idx %parallel_loop3A_144[%parallel_loop3A_140], %parallel_loop3A_114 {add = true} : memref<256xf32, #tpu.memory_space<vmem>>[vector<16xi32>], vector<16xf32>,
        %parallel_loop3A_145 = arith.constant 1 : i32
        %parallel_loop3A_146 = arith.constant 3 : i32
        %parallel_loop3A_147 = arith.index_cast %parallel_loop3A_145 : i32 to index
        %parallel_loop3A_148 = arith.index_cast %parallel_loop3A_146 : i32 to index
        %parallel_loop3A_149 = arith.index_cast %parallel_loop3A_104 : i32 to index
        %parallel_loop3A_150 = tpu.vector_load %arg7[%parallel_loop3A_147, %parallel_loop3A_148, %parallel_loop3A_149] {strides = array<i32>} : memref<2x64x256xi32, #tpu.memory_space<vmem>>, vector<16xi32>,
        %parallel_loop3A_151 = arith.constant 768 : i32
        %parallel_loop3A_152 = tpu.memref_slice %arg10[%parallel_loop3A_151] : memref<16384xf32, #tpu.memory_space<vmem>> -> memref<256xf32, #tpu.memory_space<vmem>>
        tpu.vector_store_idx %parallel_loop3A_152[%parallel_loop3A_150], %parallel_loop3A_109 {add = true} : memref<256xf32, #tpu.memory_space<vmem>>[vector<16xi32>], vector<16xf32>,
        %parallel_loop3A_153 = arith.constant 768 : i32
        %parallel_loop3A_154 = tpu.memref_slice %arg11[%parallel_loop3A_153] : memref<16384xf32, #tpu.memory_space<vmem>> -> memref<256xf32, #tpu.memory_space<vmem>>
        tpu.vector_store_idx %parallel_loop3A_154[%parallel_loop3A_150], %parallel_loop3A_114 {add = true} : memref<256xf32, #tpu.memory_space<vmem>>[vector<16xi32>], vector<16xf32>,
        %parallel_loop3A_155 = arith.constant 1 : i32
        %parallel_loop3A_156 = arith.constant 4 : i32
        %parallel_loop3A_157 = arith.index_cast %parallel_loop3A_155 : i32 to index
        %parallel_loop3A_158 = arith.index_cast %parallel_loop3A_156 : i32 to index
        %parallel_loop3A_159 = arith.index_cast %parallel_loop3A_104 : i32 to index
        %parallel_loop3A_160 = tpu.vector_load %arg7[%parallel_loop3A_157, %parallel_loop3A_158, %parallel_loop3A_159] {strides = array<i32>} : memref<2x64x256xi32, #tpu.memory_space<vmem>>, vector<16xi32>,
        %parallel_loop3A_161 = arith.constant 1024 : i32
        %parallel_loop3A_162 = tpu.memref_slice %arg10[%parallel_loop3A_161] : memref<16384xf32, #tpu.memory_space<vmem>> -> memref<256xf32, #tpu.memory_space<vmem>>
        tpu.vector_store_idx %parallel_loop3A_162[%parallel_loop3A_160], %parallel_loop3A_109 {add = true} : memref<256xf32, #tpu.memory_space<vmem>>[vector<16xi32>], vector<16xf32>,
        %parallel_loop3A_163 = arith.constant 1024 : i32
        %parallel_loop3A_164 = tpu.memref_slice %arg11[%parallel_loop3A_163] : memref<16384xf32, #tpu.memory_space<vmem>> -> memref<256xf32, #tpu.memory_space<vmem>>
        tpu.vector_store_idx %parallel_loop3A_164[%parallel_loop3A_160], %parallel_loop3A_114 {add = true} : memref<256xf32, #tpu.memory_space<vmem>>[vector<16xi32>], vector<16xf32>,
        %parallel_loop3A_165 = arith.constant 1 : i32
        %parallel_loop3A_166 = arith.constant 5 : i32
        %parallel_loop3A_167 = arith.index_cast %parallel_loop3A_165 : i32 to index
        %parallel_loop3A_168 = arith.index_cast %parallel_loop3A_166 : i32 to index
        %parallel_loop3A_169 = arith.index_cast %parallel_loop3A_104 : i32 to index
        %parallel_loop3A_170 = tpu.vector_load %arg7[%parallel_loop3A_167, %parallel_loop3A_168, %parallel_loop3A_169] {strides = array<i32>} : memref<2x64x256xi32, #tpu.memory_space<vmem>>, vector<16xi32>,
        %parallel_loop3A_171 = arith.constant 1280 : i32
        %parallel_loop3A_172 = tpu.memref_slice %arg10[%parallel_loop3A_171] : memref<16384xf32, #tpu.memory_space<vmem>> -> memref<256xf32, #tpu.memory_space<vmem>>
        tpu.vector_store_idx %parallel_loop3A_172[%parallel_loop3A_170], %parallel_loop3A_109 {add = true} : memref<256xf32, #tpu.memory_space<vmem>>[vector<16xi32>], vector<16xf32>,
        %parallel_loop3A_173 = arith.constant 1280 : i32
        %parallel_loop3A_174 = tpu.memref_slice %arg11[%parallel_loop3A_173] : memref<16384xf32, #tpu.memory_space<vmem>> -> memref<256xf32, #tpu.memory_space<vmem>>
        tpu.vector_store_idx %parallel_loop3A_174[%parallel_loop3A_170], %parallel_loop3A_114 {add = true} : memref<256xf32, #tpu.memory_space<vmem>>[vector<16xi32>], vector<16xf32>,
        %parallel_loop3A_175 = arith.constant 1 : i32
        %parallel_loop3A_176 = arith.constant 6 : i32
        %parallel_loop3A_177 = arith.index_cast %parallel_loop3A_175 : i32 to index
        %parallel_loop3A_178 = arith.index_cast %parallel_loop3A_176 : i32 to index
        %parallel_loop3A_179 = arith.index_cast %parallel_loop3A_104 : i32 to index
        %parallel_loop3A_180 = tpu.vector_load %arg7[%parallel_loop3A_177, %parallel_loop3A_178, %parallel_loop3A_179] {strides = array<i32>} : memref<2x64x256xi32, #tpu.memory_space<vmem>>, vector<16xi32>,
        %parallel_loop3A_181 = arith.constant 1536 : i32
        %parallel_loop3A_182 = tpu.memref_slice %arg10[%parallel_loop3A_181] : memref<16384xf32, #tpu.memory_space<vmem>> -> memref<256xf32, #tpu.memory_space<vmem>>
        tpu.vector_store_idx %parallel_loop3A_182[%parallel_loop3A_180], %parallel_loop3A_109 {add = true} : memref<256xf32, #tpu.memory_space<vmem>>[vector<16xi32>], vector<16xf32>,
        %parallel_loop3A_183 = arith.constant 1536 : i32
        %parallel_loop3A_184 = tpu.memref_slice %arg11[%parallel_loop3A_183] : memref<16384xf32, #tpu.memory_space<vmem>> -> memref<256xf32, #tpu.memory_space<vmem>>
        tpu.vector_store_idx %parallel_loop3A_184[%parallel_loop3A_180], %parallel_loop3A_114 {add = true} : memref<256xf32, #tpu.memory_space<vmem>>[vector<16xi32>], vector<16xf32>,
        %parallel_loop3A_185 = arith.constant 1 : i32
        %parallel_loop3A_186 = arith.constant 7 : i32
        %parallel_loop3A_187 = arith.index_cast %parallel_loop3A_185 : i32 to index
        %parallel_loop3A_188 = arith.index_cast %parallel_loop3A_186 : i32 to index
        %parallel_loop3A_189 = arith.index_cast %parallel_loop3A_104 : i32 to index
        %parallel_loop3A_190 = tpu.vector_load %arg7[%parallel_loop3A_187, %parallel_loop3A_188, %parallel_loop3A_189] {strides = array<i32>} : memref<2x64x256xi32, #tpu.memory_space<vmem>>, vector<16xi32>,
        %parallel_loop3A_191 = arith.constant 1792 : i32
        %parallel_loop3A_192 = tpu.memref_slice %arg10[%parallel_loop3A_191] : memref<16384xf32, #tpu.memory_space<vmem>> -> memref<256xf32, #tpu.memory_space<vmem>>
        tpu.vector_store_idx %parallel_loop3A_192[%parallel_loop3A_190], %parallel_loop3A_109 {add = true} : memref<256xf32, #tpu.memory_space<vmem>>[vector<16xi32>], vector<16xf32>,
        %parallel_loop3A_193 = arith.constant 1792 : i32
        %parallel_loop3A_194 = tpu.memref_slice %arg11[%parallel_loop3A_193] : memref<16384xf32, #tpu.memory_space<vmem>> -> memref<256xf32, #tpu.memory_space<vmem>>
        tpu.vector_store_idx %parallel_loop3A_194[%parallel_loop3A_190], %parallel_loop3A_114 {add = true} : memref<256xf32, #tpu.memory_space<vmem>>[vector<16xi32>], vector<16xf32>,
        %parallel_loop3A_195 = arith.constant 1 : i32
        %parallel_loop3A_196 = arith.constant 8 : i32
        %parallel_loop3A_197 = arith.index_cast %parallel_loop3A_195 : i32 to index
        %parallel_loop3A_198 = arith.index_cast %parallel_loop3A_196 : i32 to index
        %parallel_loop3A_199 = arith.index_cast %parallel_loop3A_104 : i32 to index
        %parallel_loop3A_200 = tpu.vector_load %arg7[%parallel_loop3A_197, %parallel_loop3A_198, %parallel_loop3A_199] {strides = array<i32>} : memref<2x64x256xi32, #tpu.memory_space<vmem>>, vector<16xi32>,
        %parallel_loop3A_201 = arith.constant 2048 : i32
        %parallel_loop3A_202 = tpu.memref_slice %arg10[%parallel_loop3A_201] : memref<16384xf32, #tpu.memory_space<vmem>> -> memref<256xf32, #tpu.memory_space<vmem>>
        tpu.vector_store_idx %parallel_loop3A_202[%parallel_loop3A_200], %parallel_loop3A_109 {add = true} : memref<256xf32, #tpu.memory_space<vmem>>[vector<16xi32>], vector<16xf32>,
        %parallel_loop3A_203 = arith.constant 2048 : i32
        %parallel_loop3A_204 = tpu.memref_slice %arg11[%parallel_loop3A_203] : memref<16384xf32, #tpu.memory_space<vmem>> -> memref<256xf32, #tpu.memory_space<vmem>>
        tpu.vector_store_idx %parallel_loop3A_204[%parallel_loop3A_200], %parallel_loop3A_114 {add = true} : memref<256xf32, #tpu.memory_space<vmem>>[vector<16xi32>], vector<16xf32>,
        %parallel_loop3A_205 = arith.constant 1 : i32
        %parallel_loop3A_206 = arith.constant 9 : i32
        %parallel_loop3A_207 = arith.index_cast %parallel_loop3A_205 : i32 to index
        %parallel_loop3A_208 = arith.index_cast %parallel_loop3A_206 : i32 to index
        %parallel_loop3A_209 = arith.index_cast %parallel_loop3A_104 : i32 to index
        %parallel_loop3A_210 = tpu.vector_load %arg7[%parallel_loop3A_207, %parallel_loop3A_208, %parallel_loop3A_209] {strides = array<i32>} : memref<2x64x256xi32, #tpu.memory_space<vmem>>, vector<16xi32>,
        %parallel_loop3A_211 = arith.constant 2304 : i32
        %parallel_loop3A_212 = tpu.memref_slice %arg10[%parallel_loop3A_211] : memref<16384xf32, #tpu.memory_space<vmem>> -> memref<256xf32, #tpu.memory_space<vmem>>
        tpu.vector_store_idx %parallel_loop3A_212[%parallel_loop3A_210], %parallel_loop3A_109 {add = true} : memref<256xf32, #tpu.memory_space<vmem>>[vector<16xi32>], vector<16xf32>,
        %parallel_loop3A_213 = arith.constant 2304 : i32
        %parallel_loop3A_214 = tpu.memref_slice %arg11[%parallel_loop3A_213] : memref<16384xf32, #tpu.memory_space<vmem>> -> memref<256xf32, #tpu.memory_space<vmem>>
        tpu.vector_store_idx %parallel_loop3A_214[%parallel_loop3A_210], %parallel_loop3A_114 {add = true} : memref<256xf32, #tpu.memory_space<vmem>>[vector<16xi32>], vector<16xf32>,
        %parallel_loop3A_215 = arith.constant 1 : i32
        %parallel_loop3A_216 = arith.constant 10 : i32
        %parallel_loop3A_217 = arith.index_cast %parallel_loop3A_215 : i32 to index
        %parallel_loop3A_218 = arith.index_cast %parallel_loop3A_216 : i32 to index
        %parallel_loop3A_219 = arith.index_cast %parallel_loop3A_104 : i32 to index
        %parallel_loop3A_220 = tpu.vector_load %arg7[%parallel_loop3A_217, %parallel_loop3A_218, %parallel_loop3A_219] {strides = array<i32>} : memref<2x64x256xi32, #tpu.memory_space<vmem>>, vector<16xi32>,
        %parallel_loop3A_221 = arith.constant 2560 : i32
        %parallel_loop3A_222 = tpu.memref_slice %arg10[%parallel_loop3A_221] : memref<16384xf32, #tpu.memory_space<vmem>> -> memref<256xf32, #tpu.memory_space<vmem>>
        tpu.vector_store_idx %parallel_loop3A_222[%parallel_loop3A_220], %parallel_loop3A_109 {add = true} : memref<256xf32, #tpu.memory_space<vmem>>[vector<16xi32>], vector<16xf32>,
        %parallel_loop3A_223 = arith.constant 2560 : i32
        %parallel_loop3A_224 = tpu.memref_slice %arg11[%parallel_loop3A_223] : memref<16384xf32, #tpu.memory_space<vmem>> -> memref<256xf32, #tpu.memory_space<vmem>>
        tpu.vector_store_idx %parallel_loop3A_224[%parallel_loop3A_220], %parallel_loop3A_114 {add = true} : memref<256xf32, #tpu.memory_space<vmem>>[vector<16xi32>], vector<16xf32>,
        %parallel_loop3A_225 = arith.constant 1 : i32
        %parallel_loop3A_226 = arith.constant 11 : i32
        %parallel_loop3A_227 = arith.index_cast %parallel_loop3A_225 : i32 to index
        %parallel_loop3A_228 = arith.index_cast %parallel_loop3A_226 : i32 to index
        %parallel_loop3A_229 = arith.index_cast %parallel_loop3A_104 : i32 to index
        %parallel_loop3A_230 = tpu.vector_load %arg7[%parallel_loop3A_227, %parallel_loop3A_228, %parallel_loop3A_229] {strides = array<i32>} : memref<2x64x256xi32, #tpu.memory_space<vmem>>, vector<16xi32>,
        %parallel_loop3A_231 = arith.constant 2816 : i32
        %parallel_loop3A_232 = tpu.memref_slice %arg10[%parallel_loop3A_231] : memref<16384xf32, #tpu.memory_space<vmem>> -> memref<256xf32, #tpu.memory_space<vmem>>
        tpu.vector_store_idx %parallel_loop3A_232[%parallel_loop3A_230], %parallel_loop3A_109 {add = true} : memref<256xf32, #tpu.memory_space<vmem>>[vector<16xi32>], vector<16xf32>,
        %parallel_loop3A_233 = arith.constant 2816 : i32
        %parallel_loop3A_234 = tpu.memref_slice %arg11[%parallel_loop3A_233] : memref<16384xf32, #tpu.memory_space<vmem>> -> memref<256xf32, #tpu.memory_space<vmem>>
        tpu.vector_store_idx %parallel_loop3A_234[%parallel_loop3A_230], %parallel_loop3A_114 {add = true} : memref<256xf32, #tpu.memory_space<vmem>>[vector<16xi32>], vector<16xf32>,
        %parallel_loop3A_235 = arith.constant 1 : i32
        %parallel_loop3A_236 = arith.constant 12 : i32
        %parallel_loop3A_237 = arith.index_cast %parallel_loop3A_235 : i32 to index
        %parallel_loop3A_238 = arith.index_cast %parallel_loop3A_236 : i32 to index
        %parallel_loop3A_239 = arith.index_cast %parallel_loop3A_104 : i32 to index
        %parallel_loop3A_240 = tpu.vector_load %arg7[%parallel_loop3A_237, %parallel_loop3A_238, %parallel_loop3A_239] {strides = array<i32>} : memref<2x64x256xi32, #tpu.memory_space<vmem>>, vector<16xi32>,
        %parallel_loop3A_241 = arith.constant 3072 : i32
        %parallel_loop3A_242 = tpu.memref_slice %arg10[%parallel_loop3A_241] : memref<16384xf32, #tpu.memory_space<vmem>> -> memref<256xf32, #tpu.memory_space<vmem>>
        tpu.vector_store_idx %parallel_loop3A_242[%parallel_loop3A_240], %parallel_loop3A_109 {add = true} : memref<256xf32, #tpu.memory_space<vmem>>[vector<16xi32>], vector<16xf32>,
        %parallel_loop3A_243 = arith.constant 3072 : i32
        %parallel_loop3A_244 = tpu.memref_slice %arg11[%parallel_loop3A_243] : memref<16384xf32, #tpu.memory_space<vmem>> -> memref<256xf32, #tpu.memory_space<vmem>>
        tpu.vector_store_idx %parallel_loop3A_244[%parallel_loop3A_240], %parallel_loop3A_114 {add = true} : memref<256xf32, #tpu.memory_space<vmem>>[vector<16xi32>], vector<16xf32>,
        %parallel_loop3A_245 = arith.constant 1 : i32
        %parallel_loop3A_246 = arith.constant 13 : i32
        %parallel_loop3A_247 = arith.index_cast %parallel_loop3A_245 : i32 to index
        %parallel_loop3A_248 = arith.index_cast %parallel_loop3A_246 : i32 to index
        %parallel_loop3A_249 = arith.index_cast %parallel_loop3A_104 : i32 to index
        %parallel_loop3A_250 = tpu.vector_load %arg7[%parallel_loop3A_247, %parallel_loop3A_248, %parallel_loop3A_249] {strides = array<i32>} : memref<2x64x256xi32, #tpu.memory_space<vmem>>, vector<16xi32>,
        %parallel_loop3A_251 = arith.constant 3328 : i32
        %parallel_loop3A_252 = tpu.memref_slice %arg10[%parallel_loop3A_251] : memref<16384xf32, #tpu.memory_space<vmem>> -> memref<256xf32, #tpu.memory_space<vmem>>
        tpu.vector_store_idx %parallel_loop3A_252[%parallel_loop3A_250], %parallel_loop3A_109 {add = true} : memref<256xf32, #tpu.memory_space<vmem>>[vector<16xi32>], vector<16xf32>,
        %parallel_loop3A_253 = arith.constant 3328 : i32
        %parallel_loop3A_254 = tpu.memref_slice %arg11[%parallel_loop3A_253] : memref<16384xf32, #tpu.memory_space<vmem>> -> memref<256xf32, #tpu.memory_space<vmem>>
        tpu.vector_store_idx %parallel_loop3A_254[%parallel_loop3A_250], %parallel_loop3A_114 {add = true} : memref<256xf32, #tpu.memory_space<vmem>>[vector<16xi32>], vector<16xf32>,
        %parallel_loop3A_255 = arith.constant 1 : i32
        %parallel_loop3A_256 = arith.constant 14 : i32
        %parallel_loop3A_257 = arith.index_cast %parallel_loop3A_255 : i32 to index
        %parallel_loop3A_258 = arith.index_cast %parallel_loop3A_256 : i32 to index
        %parallel_loop3A_259 = arith.index_cast %parallel_loop3A_104 : i32 to index
        %parallel_loop3A_260 = tpu.vector_load %arg7[%parallel_loop3A_257, %parallel_loop3A_258, %parallel_loop3A_259] {strides = array<i32>} : memref<2x64x256xi32, #tpu.memory_space<vmem>>, vector<16xi32>,
        %parallel_loop3A_261 = arith.constant 3584 : i32
        %parallel_loop3A_262 = tpu.memref_slice %arg10[%parallel_loop3A_261] : memref<16384xf32, #tpu.memory_space<vmem>> -> memref<256xf32, #tpu.memory_space<vmem>>
        tpu.vector_store_idx %parallel_loop3A_262[%parallel_loop3A_260], %parallel_loop3A_109 {add = true} : memref<256xf32, #tpu.memory_space<vmem>>[vector<16xi32>], vector<16xf32>,
        %parallel_loop3A_263 = arith.constant 3584 : i32
        %parallel_loop3A_264 = tpu.memref_slice %arg11[%parallel_loop3A_263] : memref<16384xf32, #tpu.memory_space<vmem>> -> memref<256xf32, #tpu.memory_space<vmem>>
        tpu.vector_store_idx %parallel_loop3A_264[%parallel_loop3A_260], %parallel_loop3A_114 {add = true} : memref<256xf32, #tpu.memory_space<vmem>>[vector<16xi32>], vector<16xf32>,
        %parallel_loop3A_265 = arith.constant 1 : i32
        %parallel_loop3A_266 = arith.constant 15 : i32
        %parallel_loop3A_267 = arith.index_cast %parallel_loop3A_265 : i32 to index
        %parallel_loop3A_268 = arith.index_cast %parallel_loop3A_266 : i32 to index
        %parallel_loop3A_269 = arith.index_cast %parallel_loop3A_104 : i32 to index
        %parallel_loop3A_270 = tpu.vector_load %arg7[%parallel_loop3A_267, %parallel_loop3A_268, %parallel_loop3A_269] {strides = array<i32>} : memref<2x64x256xi32, #tpu.memory_space<vmem>>, vector<16xi32>,
        %parallel_loop3A_271 = arith.constant 3840 : i32
        %parallel_loop3A_272 = tpu.memref_slice %arg10[%parallel_loop3A_271] : memref<16384xf32, #tpu.memory_space<vmem>> -> memref<256xf32, #tpu.memory_space<vmem>>
        tpu.vector_store_idx %parallel_loop3A_272[%parallel_loop3A_270], %parallel_loop3A_109 {add = true} : memref<256xf32, #tpu.memory_space<vmem>>[vector<16xi32>], vector<16xf32>,
        %parallel_loop3A_273 = arith.constant 3840 : i32
        %parallel_loop3A_274 = tpu.memref_slice %arg11[%parallel_loop3A_273] : memref<16384xf32, #tpu.memory_space<vmem>> -> memref<256xf32, #tpu.memory_space<vmem>>
        tpu.vector_store_idx %parallel_loop3A_274[%parallel_loop3A_270], %parallel_loop3A_114 {add = true} : memref<256xf32, #tpu.memory_space<vmem>>[vector<16xi32>], vector<16xf32>,
        %parallel_loop3A_275 = arith.constant 1 : i32
        %parallel_loop3A_276 = arith.constant 16 : i32
        %parallel_loop3A_277 = arith.index_cast %parallel_loop3A_275 : i32 to index
        %parallel_loop3A_278 = arith.index_cast %parallel_loop3A_276 : i32 to index
        %parallel_loop3A_279 = arith.index_cast %parallel_loop3A_104 : i32 to index
        %parallel_loop3A_280 = tpu.vector_load %arg7[%parallel_loop3A_277, %parallel_loop3A_278, %parallel_loop3A_279] {strides = array<i32>} : memref<2x64x256xi32, #tpu.memory_space<vmem>>, vector<16xi32>,
        %parallel_loop3A_281 = arith.constant 4096 : i32
        %parallel_loop3A_282 = tpu.memref_slice %arg10[%parallel_loop3A_281] : memref<16384xf32, #tpu.memory_space<vmem>> -> memref<256xf32, #tpu.memory_space<vmem>>
        tpu.vector_store_idx %parallel_loop3A_282[%parallel_loop3A_280], %parallel_loop3A_109 {add = true} : memref<256xf32, #tpu.memory_space<vmem>>[vector<16xi32>], vector<16xf32>,
        %parallel_loop3A_283 = arith.constant 4096 : i32
        %parallel_loop3A_284 = tpu.memref_slice %arg11[%parallel_loop3A_283] : memref<16384xf32, #tpu.memory_space<vmem>> -> memref<256xf32, #tpu.memory_space<vmem>>
        tpu.vector_store_idx %parallel_loop3A_284[%parallel_loop3A_280], %parallel_loop3A_114 {add = true} : memref<256xf32, #tpu.memory_space<vmem>>[vector<16xi32>], vector<16xf32>,
        %parallel_loop3A_285 = arith.constant 1 : i32
        %parallel_loop3A_286 = arith.constant 17 : i32
        %parallel_loop3A_287 = arith.index_cast %parallel_loop3A_285 : i32 to index
        %parallel_loop3A_288 = arith.index_cast %parallel_loop3A_286 : i32 to index
        %parallel_loop3A_289 = arith.index_cast %parallel_loop3A_104 : i32 to index
        %parallel_loop3A_290 = tpu.vector_load %arg7[%parallel_loop3A_287, %parallel_loop3A_288, %parallel_loop3A_289] {strides = array<i32>} : memref<2x64x256xi32, #tpu.memory_space<vmem>>, vector<16xi32>,
        %parallel_loop3A_291 = arith.constant 4352 : i32
        %parallel_loop3A_292 = tpu.memref_slice %arg10[%parallel_loop3A_291] : memref<16384xf32, #tpu.memory_space<vmem>> -> memref<256xf32, #tpu.memory_space<vmem>>
        tpu.vector_store_idx %parallel_loop3A_292[%parallel_loop3A_290], %parallel_loop3A_109 {add = true} : memref<256xf32, #tpu.memory_space<vmem>>[vector<16xi32>], vector<16xf32>,
        %parallel_loop3A_293 = arith.constant 4352 : i32
        %parallel_loop3A_294 = tpu.memref_slice %arg11[%parallel_loop3A_293] : memref<16384xf32, #tpu.memory_space<vmem>> -> memref<256xf32, #tpu.memory_space<vmem>>
        tpu.vector_store_idx %parallel_loop3A_294[%parallel_loop3A_290], %parallel_loop3A_114 {add = true} : memref<256xf32, #tpu.memory_space<vmem>>[vector<16xi32>], vector<16xf32>,
        %parallel_loop3A_295 = arith.constant 1 : i32
        %parallel_loop3A_296 = arith.constant 18 : i32
        %parallel_loop3A_297 = arith.index_cast %parallel_loop3A_295 : i32 to index
        %parallel_loop3A_298 = arith.index_cast %parallel_loop3A_296 : i32 to index
        %parallel_loop3A_299 = arith.index_cast %parallel_loop3A_104 : i32 to index
        %parallel_loop3A_300 = tpu.vector_load %arg7[%parallel_loop3A_297, %parallel_loop3A_298, %parallel_loop3A_299] {strides = array<i32>} : memref<2x64x256xi32, #tpu.memory_space<vmem>>, vector<16xi32>,
        %parallel_loop3A_301 = arith.constant 4608 : i32
        %parallel_loop3A_302 = tpu.memref_slice %arg10[%parallel_loop3A_301] : memref<16384xf32, #tpu.memory_space<vmem>> -> memref<256xf32, #tpu.memory_space<vmem>>
        tpu.vector_store_idx %parallel_loop3A_302[%parallel_loop3A_300], %parallel_loop3A_109 {add = true} : memref<256xf32, #tpu.memory_space<vmem>>[vector<16xi32>], vector<16xf32>,
        %parallel_loop3A_303 = arith.constant 4608 : i32
        %parallel_loop3A_304 = tpu.memref_slice %arg11[%parallel_loop3A_303] : memref<16384xf32, #tpu.memory_space<vmem>> -> memref<256xf32, #tpu.memory_space<vmem>>
        tpu.vector_store_idx %parallel_loop3A_304[%parallel_loop3A_300], %parallel_loop3A_114 {add = true} : memref<256xf32, #tpu.memory_space<vmem>>[vector<16xi32>], vector<16xf32>,
        %parallel_loop3A_305 = arith.constant 1 : i32
        %parallel_loop3A_306 = arith.constant 19 : i32
        %parallel_loop3A_307 = arith.index_cast %parallel_loop3A_305 : i32 to index
        %parallel_loop3A_308 = arith.index_cast %parallel_loop3A_306 : i32 to index
        %parallel_loop3A_309 = arith.index_cast %parallel_loop3A_104 : i32 to index
        %parallel_loop3A_310 = tpu.vector_load %arg7[%parallel_loop3A_307, %parallel_loop3A_308, %parallel_loop3A_309] {strides = array<i32>} : memref<2x64x256xi32, #tpu.memory_space<vmem>>, vector<16xi32>,
        %parallel_loop3A_311 = arith.constant 4864 : i32
        %parallel_loop3A_312 = tpu.memref_slice %arg10[%parallel_loop3A_311] : memref<16384xf32, #tpu.memory_space<vmem>> -> memref<256xf32, #tpu.memory_space<vmem>>
        tpu.vector_store_idx %parallel_loop3A_312[%parallel_loop3A_310], %parallel_loop3A_109 {add = true} : memref<256xf32, #tpu.memory_space<vmem>>[vector<16xi32>], vector<16xf32>,
        %parallel_loop3A_313 = arith.constant 4864 : i32
        %parallel_loop3A_314 = tpu.memref_slice %arg11[%parallel_loop3A_313] : memref<16384xf32, #tpu.memory_space<vmem>> -> memref<256xf32, #tpu.memory_space<vmem>>
        tpu.vector_store_idx %parallel_loop3A_314[%parallel_loop3A_310], %parallel_loop3A_114 {add = true} : memref<256xf32, #tpu.memory_space<vmem>>[vector<16xi32>], vector<16xf32>,
        %parallel_loop3A_315 = arith.constant 1 : i32
        %parallel_loop3A_316 = arith.constant 20 : i32
        %parallel_loop3A_317 = arith.index_cast %parallel_loop3A_315 : i32 to index
        %parallel_loop3A_318 = arith.index_cast %parallel_loop3A_316 : i32 to index
        %parallel_loop3A_319 = arith.index_cast %parallel_loop3A_104 : i32 to index
        %parallel_loop3A_320 = tpu.vector_load %arg7[%parallel_loop3A_317, %parallel_loop3A_318, %parallel_loop3A_319] {strides = array<i32>} : memref<2x64x256xi32, #tpu.memory_space<vmem>>, vector<16xi32>,
        %parallel_loop3A_321 = arith.constant 5120 : i32
        %parallel_loop3A_322 = tpu.memref_slice %arg10[%parallel_loop3A_321] : memref<16384xf32, #tpu.memory_space<vmem>> -> memref<256xf32, #tpu.memory_space<vmem>>
        tpu.vector_store_idx %parallel_loop3A_322[%parallel_loop3A_320], %parallel_loop3A_109 {add = true} : memref<256xf32, #tpu.memory_space<vmem>>[vector<16xi32>], vector<16xf32>,
        %parallel_loop3A_323 = arith.constant 5120 : i32
        %parallel_loop3A_324 = tpu.memref_slice %arg11[%parallel_loop3A_323] : memref<16384xf32, #tpu.memory_space<vmem>> -> memref<256xf32, #tpu.memory_space<vmem>>
        tpu.vector_store_idx %parallel_loop3A_324[%parallel_loop3A_320], %parallel_loop3A_114 {add = true} : memref<256xf32, #tpu.memory_space<vmem>>[vector<16xi32>], vector<16xf32>,
        %parallel_loop3A_325 = arith.constant 1 : i32
        %parallel_loop3A_326 = arith.constant 21 : i32
        %parallel_loop3A_327 = arith.index_cast %parallel_loop3A_325 : i32 to index
        %parallel_loop3A_328 = arith.index_cast %parallel_loop3A_326 : i32 to index
        %parallel_loop3A_329 = arith.index_cast %parallel_loop3A_104 : i32 to index
        %parallel_loop3A_330 = tpu.vector_load %arg7[%parallel_loop3A_327, %parallel_loop3A_328, %parallel_loop3A_329] {strides = array<i32>} : memref<2x64x256xi32, #tpu.memory_space<vmem>>, vector<16xi32>,
        %parallel_loop3A_331 = arith.constant 5376 : i32
        %parallel_loop3A_332 = tpu.memref_slice %arg10[%parallel_loop3A_331] : memref<16384xf32, #tpu.memory_space<vmem>> -> memref<256xf32, #tpu.memory_space<vmem>>
        tpu.vector_store_idx %parallel_loop3A_332[%parallel_loop3A_330], %parallel_loop3A_109 {add = true} : memref<256xf32, #tpu.memory_space<vmem>>[vector<16xi32>], vector<16xf32>,
        %parallel_loop3A_333 = arith.constant 5376 : i32
        %parallel_loop3A_334 = tpu.memref_slice %arg11[%parallel_loop3A_333] : memref<16384xf32, #tpu.memory_space<vmem>> -> memref<256xf32, #tpu.memory_space<vmem>>
        tpu.vector_store_idx %parallel_loop3A_334[%parallel_loop3A_330], %parallel_loop3A_114 {add = true} : memref<256xf32, #tpu.memory_space<vmem>>[vector<16xi32>], vector<16xf32>,
        %parallel_loop3A_335 = arith.constant 1 : i32
        %parallel_loop3A_336 = arith.constant 22 : i32
        %parallel_loop3A_337 = arith.index_cast %parallel_loop3A_335 : i32 to index
        %parallel_loop3A_338 = arith.index_cast %parallel_loop3A_336 : i32 to index
        %parallel_loop3A_339 = arith.index_cast %parallel_loop3A_104 : i32 to index
        %parallel_loop3A_340 = tpu.vector_load %arg7[%parallel_loop3A_337, %parallel_loop3A_338, %parallel_loop3A_339] {strides = array<i32>} : memref<2x64x256xi32, #tpu.memory_space<vmem>>, vector<16xi32>,
        %parallel_loop3A_341 = arith.constant 5632 : i32
        %parallel_loop3A_342 = tpu.memref_slice %arg10[%parallel_loop3A_341] : memref<16384xf32, #tpu.memory_space<vmem>> -> memref<256xf32, #tpu.memory_space<vmem>>
        tpu.vector_store_idx %parallel_loop3A_342[%parallel_loop3A_340], %parallel_loop3A_109 {add = true} : memref<256xf32, #tpu.memory_space<vmem>>[vector<16xi32>], vector<16xf32>,
        %parallel_loop3A_343 = arith.constant 5632 : i32
        %parallel_loop3A_344 = tpu.memref_slice %arg11[%parallel_loop3A_343] : memref<16384xf32, #tpu.memory_space<vmem>> -> memref<256xf32, #tpu.memory_space<vmem>>
        tpu.vector_store_idx %parallel_loop3A_344[%parallel_loop3A_340], %parallel_loop3A_114 {add = true} : memref<256xf32, #tpu.memory_space<vmem>>[vector<16xi32>], vector<16xf32>,
        %parallel_loop3A_345 = arith.constant 1 : i32
        %parallel_loop3A_346 = arith.constant 23 : i32
        %parallel_loop3A_347 = arith.index_cast %parallel_loop3A_345 : i32 to index
        %parallel_loop3A_348 = arith.index_cast %parallel_loop3A_346 : i32 to index
        %parallel_loop3A_349 = arith.index_cast %parallel_loop3A_104 : i32 to index
        %parallel_loop3A_350 = tpu.vector_load %arg7[%parallel_loop3A_347, %parallel_loop3A_348, %parallel_loop3A_349] {strides = array<i32>} : memref<2x64x256xi32, #tpu.memory_space<vmem>>, vector<16xi32>,
        %parallel_loop3A_351 = arith.constant 5888 : i32
        %parallel_loop3A_352 = tpu.memref_slice %arg10[%parallel_loop3A_351] : memref<16384xf32, #tpu.memory_space<vmem>> -> memref<256xf32, #tpu.memory_space<vmem>>
        tpu.vector_store_idx %parallel_loop3A_352[%parallel_loop3A_350], %parallel_loop3A_109 {add = true} : memref<256xf32, #tpu.memory_space<vmem>>[vector<16xi32>], vector<16xf32>,
        %parallel_loop3A_353 = arith.constant 5888 : i32
        %parallel_loop3A_354 = tpu.memref_slice %arg11[%parallel_loop3A_353] : memref<16384xf32, #tpu.memory_space<vmem>> -> memref<256xf32, #tpu.memory_space<vmem>>
        tpu.vector_store_idx %parallel_loop3A_354[%parallel_loop3A_350], %parallel_loop3A_114 {add = true} : memref<256xf32, #tpu.memory_space<vmem>>[vector<16xi32>], vector<16xf32>,
        %parallel_loop3A_355 = arith.constant 1 : i32
        %parallel_loop3A_356 = arith.constant 24 : i32
        %parallel_loop3A_357 = arith.index_cast %parallel_loop3A_355 : i32 to index
        %parallel_loop3A_358 = arith.index_cast %parallel_loop3A_356 : i32 to index
        %parallel_loop3A_359 = arith.index_cast %parallel_loop3A_104 : i32 to index
        %parallel_loop3A_360 = tpu.vector_load %arg7[%parallel_loop3A_357, %parallel_loop3A_358, %parallel_loop3A_359] {strides = array<i32>} : memref<2x64x256xi32, #tpu.memory_space<vmem>>, vector<16xi32>,
        %parallel_loop3A_361 = arith.constant 6144 : i32
        %parallel_loop3A_362 = tpu.memref_slice %arg10[%parallel_loop3A_361] : memref<16384xf32, #tpu.memory_space<vmem>> -> memref<256xf32, #tpu.memory_space<vmem>>
        tpu.vector_store_idx %parallel_loop3A_362[%parallel_loop3A_360], %parallel_loop3A_109 {add = true} : memref<256xf32, #tpu.memory_space<vmem>>[vector<16xi32>], vector<16xf32>,
        %parallel_loop3A_363 = arith.constant 6144 : i32
        %parallel_loop3A_364 = tpu.memref_slice %arg11[%parallel_loop3A_363] : memref<16384xf32, #tpu.memory_space<vmem>> -> memref<256xf32, #tpu.memory_space<vmem>>
        tpu.vector_store_idx %parallel_loop3A_364[%parallel_loop3A_360], %parallel_loop3A_114 {add = true} : memref<256xf32, #tpu.memory_space<vmem>>[vector<16xi32>], vector<16xf32>,
        %parallel_loop3A_365 = arith.constant 1 : i32
        %parallel_loop3A_366 = arith.constant 25 : i32
        %parallel_loop3A_367 = arith.index_cast %parallel_loop3A_365 : i32 to index
        %parallel_loop3A_368 = arith.index_cast %parallel_loop3A_366 : i32 to index
        %parallel_loop3A_369 = arith.index_cast %parallel_loop3A_104 : i32 to index
        %parallel_loop3A_370 = tpu.vector_load %arg7[%parallel_loop3A_367, %parallel_loop3A_368, %parallel_loop3A_369] {strides = array<i32>} : memref<2x64x256xi32, #tpu.memory_space<vmem>>, vector<16xi32>,
        %parallel_loop3A_371 = arith.constant 6400 : i32
        %parallel_loop3A_372 = tpu.memref_slice %arg10[%parallel_loop3A_371] : memref<16384xf32, #tpu.memory_space<vmem>> -> memref<256xf32, #tpu.memory_space<vmem>>
        tpu.vector_store_idx %parallel_loop3A_372[%parallel_loop3A_370], %parallel_loop3A_109 {add = true} : memref<256xf32, #tpu.memory_space<vmem>>[vector<16xi32>], vector<16xf32>,
        %parallel_loop3A_373 = arith.constant 6400 : i32
        %parallel_loop3A_374 = tpu.memref_slice %arg11[%parallel_loop3A_373] : memref<16384xf32, #tpu.memory_space<vmem>> -> memref<256xf32, #tpu.memory_space<vmem>>
        tpu.vector_store_idx %parallel_loop3A_374[%parallel_loop3A_370], %parallel_loop3A_114 {add = true} : memref<256xf32, #tpu.memory_space<vmem>>[vector<16xi32>], vector<16xf32>,
        %parallel_loop3A_375 = arith.constant 1 : i32
        %parallel_loop3A_376 = arith.constant 26 : i32
        %parallel_loop3A_377 = arith.index_cast %parallel_loop3A_375 : i32 to index
        %parallel_loop3A_378 = arith.index_cast %parallel_loop3A_376 : i32 to index
        %parallel_loop3A_379 = arith.index_cast %parallel_loop3A_104 : i32 to index
        %parallel_loop3A_380 = tpu.vector_load %arg7[%parallel_loop3A_377, %parallel_loop3A_378, %parallel_loop3A_379] {strides = array<i32>} : memref<2x64x256xi32, #tpu.memory_space<vmem>>, vector<16xi32>,
        %parallel_loop3A_381 = arith.constant 6656 : i32
        %parallel_loop3A_382 = tpu.memref_slice %arg10[%parallel_loop3A_381] : memref<16384xf32, #tpu.memory_space<vmem>> -> memref<256xf32, #tpu.memory_space<vmem>>
        tpu.vector_store_idx %parallel_loop3A_382[%parallel_loop3A_380], %parallel_loop3A_109 {add = true} : memref<256xf32, #tpu.memory_space<vmem>>[vector<16xi32>], vector<16xf32>,
        %parallel_loop3A_383 = arith.constant 6656 : i32
        %parallel_loop3A_384 = tpu.memref_slice %arg11[%parallel_loop3A_383] : memref<16384xf32, #tpu.memory_space<vmem>> -> memref<256xf32, #tpu.memory_space<vmem>>
        tpu.vector_store_idx %parallel_loop3A_384[%parallel_loop3A_380], %parallel_loop3A_114 {add = true} : memref<256xf32, #tpu.memory_space<vmem>>[vector<16xi32>], vector<16xf32>,
        %parallel_loop3A_385 = arith.constant 1 : i32
        %parallel_loop3A_386 = arith.constant 27 : i32
        %parallel_loop3A_387 = arith.index_cast %parallel_loop3A_385 : i32 to index
        %parallel_loop3A_388 = arith.index_cast %parallel_loop3A_386 : i32 to index
        %parallel_loop3A_389 = arith.index_cast %parallel_loop3A_104 : i32 to index
        %parallel_loop3A_390 = tpu.vector_load %arg7[%parallel_loop3A_387, %parallel_loop3A_388, %parallel_loop3A_389] {strides = array<i32>} : memref<2x64x256xi32, #tpu.memory_space<vmem>>, vector<16xi32>,
        %parallel_loop3A_391 = arith.constant 6912 : i32
        %parallel_loop3A_392 = tpu.memref_slice %arg10[%parallel_loop3A_391] : memref<16384xf32, #tpu.memory_space<vmem>> -> memref<256xf32, #tpu.memory_space<vmem>>
        tpu.vector_store_idx %parallel_loop3A_392[%parallel_loop3A_390], %parallel_loop3A_109 {add = true} : memref<256xf32, #tpu.memory_space<vmem>>[vector<16xi32>], vector<16xf32>,
        %parallel_loop3A_393 = arith.constant 6912 : i32
        %parallel_loop3A_394 = tpu.memref_slice %arg11[%parallel_loop3A_393] : memref<16384xf32, #tpu.memory_space<vmem>> -> memref<256xf32, #tpu.memory_space<vmem>>
        tpu.vector_store_idx %parallel_loop3A_394[%parallel_loop3A_390], %parallel_loop3A_114 {add = true} : memref<256xf32, #tpu.memory_space<vmem>>[vector<16xi32>], vector<16xf32>,
        %parallel_loop3A_395 = arith.constant 1 : i32
        %parallel_loop3A_396 = arith.constant 28 : i32
        %parallel_loop3A_397 = arith.index_cast %parallel_loop3A_395 : i32 to index
        %parallel_loop3A_398 = arith.index_cast %parallel_loop3A_396 : i32 to index
        %parallel_loop3A_399 = arith.index_cast %parallel_loop3A_104 : i32 to index
        %parallel_loop3A_400 = tpu.vector_load %arg7[%parallel_loop3A_397, %parallel_loop3A_398, %parallel_loop3A_399] {strides = array<i32>} : memref<2x64x256xi32, #tpu.memory_space<vmem>>, vector<16xi32>,
        %parallel_loop3A_401 = arith.constant 7168 : i32
        %parallel_loop3A_402 = tpu.memref_slice %arg10[%parallel_loop3A_401] : memref<16384xf32, #tpu.memory_space<vmem>> -> memref<256xf32, #tpu.memory_space<vmem>>
        tpu.vector_store_idx %parallel_loop3A_402[%parallel_loop3A_400], %parallel_loop3A_109 {add = true} : memref<256xf32, #tpu.memory_space<vmem>>[vector<16xi32>], vector<16xf32>,
        %parallel_loop3A_403 = arith.constant 7168 : i32
        %parallel_loop3A_404 = tpu.memref_slice %arg11[%parallel_loop3A_403] : memref<16384xf32, #tpu.memory_space<vmem>> -> memref<256xf32, #tpu.memory_space<vmem>>
        tpu.vector_store_idx %parallel_loop3A_404[%parallel_loop3A_400], %parallel_loop3A_114 {add = true} : memref<256xf32, #tpu.memory_space<vmem>>[vector<16xi32>], vector<16xf32>,
        %parallel_loop3A_405 = arith.constant 1 : i32
        %parallel_loop3A_406 = arith.constant 29 : i32
        %parallel_loop3A_407 = arith.index_cast %parallel_loop3A_405 : i32 to index
        %parallel_loop3A_408 = arith.index_cast %parallel_loop3A_406 : i32 to index
        %parallel_loop3A_409 = arith.index_cast %parallel_loop3A_104 : i32 to index
        %parallel_loop3A_410 = tpu.vector_load %arg7[%parallel_loop3A_407, %parallel_loop3A_408, %parallel_loop3A_409] {strides = array<i32>} : memref<2x64x256xi32, #tpu.memory_space<vmem>>, vector<16xi32>,
        %parallel_loop3A_411 = arith.constant 7424 : i32
        %parallel_loop3A_412 = tpu.memref_slice %arg10[%parallel_loop3A_411] : memref<16384xf32, #tpu.memory_space<vmem>> -> memref<256xf32, #tpu.memory_space<vmem>>
        tpu.vector_store_idx %parallel_loop3A_412[%parallel_loop3A_410], %parallel_loop3A_109 {add = true} : memref<256xf32, #tpu.memory_space<vmem>>[vector<16xi32>], vector<16xf32>,
        %parallel_loop3A_413 = arith.constant 7424 : i32
        %parallel_loop3A_414 = tpu.memref_slice %arg11[%parallel_loop3A_413] : memref<16384xf32, #tpu.memory_space<vmem>> -> memref<256xf32, #tpu.memory_space<vmem>>
        tpu.vector_store_idx %parallel_loop3A_414[%parallel_loop3A_410], %parallel_loop3A_114 {add = true} : memref<256xf32, #tpu.memory_space<vmem>>[vector<16xi32>], vector<16xf32>,
        %parallel_loop3A_415 = arith.constant 1 : i32
        %parallel_loop3A_416 = arith.constant 30 : i32
        %parallel_loop3A_417 = arith.index_cast %parallel_loop3A_415 : i32 to index
        %parallel_loop3A_418 = arith.index_cast %parallel_loop3A_416 : i32 to index
        %parallel_loop3A_419 = arith.index_cast %parallel_loop3A_104 : i32 to index
        %parallel_loop3A_420 = tpu.vector_load %arg7[%parallel_loop3A_417, %parallel_loop3A_418, %parallel_loop3A_419] {strides = array<i32>} : memref<2x64x256xi32, #tpu.memory_space<vmem>>, vector<16xi32>,
        %parallel_loop3A_421 = arith.constant 7680 : i32
        %parallel_loop3A_422 = tpu.memref_slice %arg10[%parallel_loop3A_421] : memref<16384xf32, #tpu.memory_space<vmem>> -> memref<256xf32, #tpu.memory_space<vmem>>
        tpu.vector_store_idx %parallel_loop3A_422[%parallel_loop3A_420], %parallel_loop3A_109 {add = true} : memref<256xf32, #tpu.memory_space<vmem>>[vector<16xi32>], vector<16xf32>,
        %parallel_loop3A_423 = arith.constant 7680 : i32
        %parallel_loop3A_424 = tpu.memref_slice %arg11[%parallel_loop3A_423] : memref<16384xf32, #tpu.memory_space<vmem>> -> memref<256xf32, #tpu.memory_space<vmem>>
        tpu.vector_store_idx %parallel_loop3A_424[%parallel_loop3A_420], %parallel_loop3A_114 {add = true} : memref<256xf32, #tpu.memory_space<vmem>>[vector<16xi32>], vector<16xf32>,
        %parallel_loop3A_425 = arith.constant 1 : i32
        %parallel_loop3A_426 = arith.constant 31 : i32
        %parallel_loop3A_427 = arith.index_cast %parallel_loop3A_425 : i32 to index
        %parallel_loop3A_428 = arith.index_cast %parallel_loop3A_426 : i32 to index
        %parallel_loop3A_429 = arith.index_cast %parallel_loop3A_104 : i32 to index
        %parallel_loop3A_430 = tpu.vector_load %arg7[%parallel_loop3A_427, %parallel_loop3A_428, %parallel_loop3A_429] {strides = array<i32>} : memref<2x64x256xi32, #tpu.memory_space<vmem>>, vector<16xi32>,
        %parallel_loop3A_431 = arith.constant 7936 : i32
        %parallel_loop3A_432 = tpu.memref_slice %arg10[%parallel_loop3A_431] : memref<16384xf32, #tpu.memory_space<vmem>> -> memref<256xf32, #tpu.memory_space<vmem>>
        tpu.vector_store_idx %parallel_loop3A_432[%parallel_loop3A_430], %parallel_loop3A_109 {add = true} : memref<256xf32, #tpu.memory_space<vmem>>[vector<16xi32>], vector<16xf32>,
        %parallel_loop3A_433 = arith.constant 7936 : i32
        %parallel_loop3A_434 = tpu.memref_slice %arg11[%parallel_loop3A_433] : memref<16384xf32, #tpu.memory_space<vmem>> -> memref<256xf32, #tpu.memory_space<vmem>>
        tpu.vector_store_idx %parallel_loop3A_434[%parallel_loop3A_430], %parallel_loop3A_114 {add = true} : memref<256xf32, #tpu.memory_space<vmem>>[vector<16xi32>], vector<16xf32>,
        %parallel_loop3A_435 = arith.constant 1 : i32
        %parallel_loop3A_436 = arith.constant 32 : i32
        %parallel_loop3A_437 = arith.index_cast %parallel_loop3A_435 : i32 to index
        %parallel_loop3A_438 = arith.index_cast %parallel_loop3A_436 : i32 to index
        %parallel_loop3A_439 = arith.index_cast %parallel_loop3A_104 : i32 to index
        %parallel_loop3A_440 = tpu.vector_load %arg7[%parallel_loop3A_437, %parallel_loop3A_438, %parallel_loop3A_439] {strides = array<i32>} : memref<2x64x256xi32, #tpu.memory_space<vmem>>, vector<16xi32>,
        %parallel_loop3A_441 = arith.constant 8192 : i32
        %parallel_loop3A_442 = tpu.memref_slice %arg10[%parallel_loop3A_441] : memref<16384xf32, #tpu.memory_space<vmem>> -> memref<256xf32, #tpu.memory_space<vmem>>
        tpu.vector_store_idx %parallel_loop3A_442[%parallel_loop3A_440], %parallel_loop3A_109 {add = true} : memref<256xf32, #tpu.memory_space<vmem>>[vector<16xi32>], vector<16xf32>,
        %parallel_loop3A_443 = arith.constant 8192 : i32
        %parallel_loop3A_444 = tpu.memref_slice %arg11[%parallel_loop3A_443] : memref<16384xf32, #tpu.memory_space<vmem>> -> memref<256xf32, #tpu.memory_space<vmem>>
        tpu.vector_store_idx %parallel_loop3A_444[%parallel_loop3A_440], %parallel_loop3A_114 {add = true} : memref<256xf32, #tpu.memory_space<vmem>>[vector<16xi32>], vector<16xf32>,
        %parallel_loop3A_445 = arith.constant 1 : i32
        %parallel_loop3A_446 = arith.constant 33 : i32
        %parallel_loop3A_447 = arith.index_cast %parallel_loop3A_445 : i32 to index
        %parallel_loop3A_448 = arith.index_cast %parallel_loop3A_446 : i32 to index
        %parallel_loop3A_449 = arith.index_cast %parallel_loop3A_104 : i32 to index
        %parallel_loop3A_450 = tpu.vector_load %arg7[%parallel_loop3A_447, %parallel_loop3A_448, %parallel_loop3A_449] {strides = array<i32>} : memref<2x64x256xi32, #tpu.memory_space<vmem>>, vector<16xi32>,
        %parallel_loop3A_451 = arith.constant 8448 : i32
        %parallel_loop3A_452 = tpu.memref_slice %arg10[%parallel_loop3A_451] : memref<16384xf32, #tpu.memory_space<vmem>> -> memref<256xf32, #tpu.memory_space<vmem>>
        tpu.vector_store_idx %parallel_loop3A_452[%parallel_loop3A_450], %parallel_loop3A_109 {add = true} : memref<256xf32, #tpu.memory_space<vmem>>[vector<16xi32>], vector<16xf32>,
        %parallel_loop3A_453 = arith.constant 8448 : i32
        %parallel_loop3A_454 = tpu.memref_slice %arg11[%parallel_loop3A_453] : memref<16384xf32, #tpu.memory_space<vmem>> -> memref<256xf32, #tpu.memory_space<vmem>>
        tpu.vector_store_idx %parallel_loop3A_454[%parallel_loop3A_450], %parallel_loop3A_114 {add = true} : memref<256xf32, #tpu.memory_space<vmem>>[vector<16xi32>], vector<16xf32>,
        %parallel_loop3A_455 = arith.constant 1 : i32
        %parallel_loop3A_456 = arith.constant 34 : i32
        %parallel_loop3A_457 = arith.index_cast %parallel_loop3A_455 : i32 to index
        %parallel_loop3A_458 = arith.index_cast %parallel_loop3A_456 : i32 to index
        %parallel_loop3A_459 = arith.index_cast %parallel_loop3A_104 : i32 to index
        %parallel_loop3A_460 = tpu.vector_load %arg7[%parallel_loop3A_457, %parallel_loop3A_458, %parallel_loop3A_459] {strides = array<i32>} : memref<2x64x256xi32, #tpu.memory_space<vmem>>, vector<16xi32>,
        %parallel_loop3A_461 = arith.constant 8704 : i32
        %parallel_loop3A_462 = tpu.memref_slice %arg10[%parallel_loop3A_461] : memref<16384xf32, #tpu.memory_space<vmem>> -> memref<256xf32, #tpu.memory_space<vmem>>
        tpu.vector_store_idx %parallel_loop3A_462[%parallel_loop3A_460], %parallel_loop3A_109 {add = true} : memref<256xf32, #tpu.memory_space<vmem>>[vector<16xi32>], vector<16xf32>,
        %parallel_loop3A_463 = arith.constant 8704 : i32
        %parallel_loop3A_464 = tpu.memref_slice %arg11[%parallel_loop3A_463] : memref<16384xf32, #tpu.memory_space<vmem>> -> memref<256xf32, #tpu.memory_space<vmem>>
        tpu.vector_store_idx %parallel_loop3A_464[%parallel_loop3A_460], %parallel_loop3A_114 {add = true} : memref<256xf32, #tpu.memory_space<vmem>>[vector<16xi32>], vector<16xf32>,
        %parallel_loop3A_465 = arith.constant 1 : i32
        %parallel_loop3A_466 = arith.constant 35 : i32
        %parallel_loop3A_467 = arith.index_cast %parallel_loop3A_465 : i32 to index
        %parallel_loop3A_468 = arith.index_cast %parallel_loop3A_466 : i32 to index
        %parallel_loop3A_469 = arith.index_cast %parallel_loop3A_104 : i32 to index
        %parallel_loop3A_470 = tpu.vector_load %arg7[%parallel_loop3A_467, %parallel_loop3A_468, %parallel_loop3A_469] {strides = array<i32>} : memref<2x64x256xi32, #tpu.memory_space<vmem>>, vector<16xi32>,
        %parallel_loop3A_471 = arith.constant 8960 : i32
        %parallel_loop3A_472 = tpu.memref_slice %arg10[%parallel_loop3A_471] : memref<16384xf32, #tpu.memory_space<vmem>> -> memref<256xf32, #tpu.memory_space<vmem>>
        tpu.vector_store_idx %parallel_loop3A_472[%parallel_loop3A_470], %parallel_loop3A_109 {add = true} : memref<256xf32, #tpu.memory_space<vmem>>[vector<16xi32>], vector<16xf32>,
        %parallel_loop3A_473 = arith.constant 8960 : i32
        %parallel_loop3A_474 = tpu.memref_slice %arg11[%parallel_loop3A_473] : memref<16384xf32, #tpu.memory_space<vmem>> -> memref<256xf32, #tpu.memory_space<vmem>>
        tpu.vector_store_idx %parallel_loop3A_474[%parallel_loop3A_470], %parallel_loop3A_114 {add = true} : memref<256xf32, #tpu.memory_space<vmem>>[vector<16xi32>], vector<16xf32>,
        %parallel_loop3A_475 = arith.constant 1 : i32
        %parallel_loop3A_476 = arith.constant 36 : i32
        %parallel_loop3A_477 = arith.index_cast %parallel_loop3A_475 : i32 to index
        %parallel_loop3A_478 = arith.index_cast %parallel_loop3A_476 : i32 to index
        %parallel_loop3A_479 = arith.index_cast %parallel_loop3A_104 : i32 to index
        %parallel_loop3A_480 = tpu.vector_load %arg7[%parallel_loop3A_477, %parallel_loop3A_478, %parallel_loop3A_479] {strides = array<i32>} : memref<2x64x256xi32, #tpu.memory_space<vmem>>, vector<16xi32>,
        %parallel_loop3A_481 = arith.constant 9216 : i32
        %parallel_loop3A_482 = tpu.memref_slice %arg10[%parallel_loop3A_481] : memref<16384xf32, #tpu.memory_space<vmem>> -> memref<256xf32, #tpu.memory_space<vmem>>
        tpu.vector_store_idx %parallel_loop3A_482[%parallel_loop3A_480], %parallel_loop3A_109 {add = true} : memref<256xf32, #tpu.memory_space<vmem>>[vector<16xi32>], vector<16xf32>,
        %parallel_loop3A_483 = arith.constant 9216 : i32
        %parallel_loop3A_484 = tpu.memref_slice %arg11[%parallel_loop3A_483] : memref<16384xf32, #tpu.memory_space<vmem>> -> memref<256xf32, #tpu.memory_space<vmem>>
        tpu.vector_store_idx %parallel_loop3A_484[%parallel_loop3A_480], %parallel_loop3A_114 {add = true} : memref<256xf32, #tpu.memory_space<vmem>>[vector<16xi32>], vector<16xf32>,
        %parallel_loop3A_485 = arith.constant 1 : i32
        %parallel_loop3A_486 = arith.constant 37 : i32
        %parallel_loop3A_487 = arith.index_cast %parallel_loop3A_485 : i32 to index
        %parallel_loop3A_488 = arith.index_cast %parallel_loop3A_486 : i32 to index
        %parallel_loop3A_489 = arith.index_cast %parallel_loop3A_104 : i32 to index
        %parallel_loop3A_490 = tpu.vector_load %arg7[%parallel_loop3A_487, %parallel_loop3A_488, %parallel_loop3A_489] {strides = array<i32>} : memref<2x64x256xi32, #tpu.memory_space<vmem>>, vector<16xi32>,
        %parallel_loop3A_491 = arith.constant 9472 : i32
        %parallel_loop3A_492 = tpu.memref_slice %arg10[%parallel_loop3A_491] : memref<16384xf32, #tpu.memory_space<vmem>> -> memref<256xf32, #tpu.memory_space<vmem>>
        tpu.vector_store_idx %parallel_loop3A_492[%parallel_loop3A_490], %parallel_loop3A_109 {add = true} : memref<256xf32, #tpu.memory_space<vmem>>[vector<16xi32>], vector<16xf32>,
        %parallel_loop3A_493 = arith.constant 9472 : i32
        %parallel_loop3A_494 = tpu.memref_slice %arg11[%parallel_loop3A_493] : memref<16384xf32, #tpu.memory_space<vmem>> -> memref<256xf32, #tpu.memory_space<vmem>>
        tpu.vector_store_idx %parallel_loop3A_494[%parallel_loop3A_490], %parallel_loop3A_114 {add = true} : memref<256xf32, #tpu.memory_space<vmem>>[vector<16xi32>], vector<16xf32>,
        %parallel_loop3A_495 = arith.constant 1 : i32
        %parallel_loop3A_496 = arith.constant 38 : i32
        %parallel_loop3A_497 = arith.index_cast %parallel_loop3A_495 : i32 to index
        %parallel_loop3A_498 = arith.index_cast %parallel_loop3A_496 : i32 to index
        %parallel_loop3A_499 = arith.index_cast %parallel_loop3A_104 : i32 to index
        %parallel_loop3A_500 = tpu.vector_load %arg7[%parallel_loop3A_497, %parallel_loop3A_498, %parallel_loop3A_499] {strides = array<i32>} : memref<2x64x256xi32, #tpu.memory_space<vmem>>, vector<16xi32>,
        %parallel_loop3A_501 = arith.constant 9728 : i32
        %parallel_loop3A_502 = tpu.memref_slice %arg10[%parallel_loop3A_501] : memref<16384xf32, #tpu.memory_space<vmem>> -> memref<256xf32, #tpu.memory_space<vmem>>
        tpu.vector_store_idx %parallel_loop3A_502[%parallel_loop3A_500], %parallel_loop3A_109 {add = true} : memref<256xf32, #tpu.memory_space<vmem>>[vector<16xi32>], vector<16xf32>,
        %parallel_loop3A_503 = arith.constant 9728 : i32
        %parallel_loop3A_504 = tpu.memref_slice %arg11[%parallel_loop3A_503] : memref<16384xf32, #tpu.memory_space<vmem>> -> memref<256xf32, #tpu.memory_space<vmem>>
        tpu.vector_store_idx %parallel_loop3A_504[%parallel_loop3A_500], %parallel_loop3A_114 {add = true} : memref<256xf32, #tpu.memory_space<vmem>>[vector<16xi32>], vector<16xf32>,
        %parallel_loop3A_505 = arith.constant 1 : i32
        %parallel_loop3A_506 = arith.constant 39 : i32
        %parallel_loop3A_507 = arith.index_cast %parallel_loop3A_505 : i32 to index
        %parallel_loop3A_508 = arith.index_cast %parallel_loop3A_506 : i32 to index
        %parallel_loop3A_509 = arith.index_cast %parallel_loop3A_104 : i32 to index
        %parallel_loop3A_510 = tpu.vector_load %arg7[%parallel_loop3A_507, %parallel_loop3A_508, %parallel_loop3A_509] {strides = array<i32>} : memref<2x64x256xi32, #tpu.memory_space<vmem>>, vector<16xi32>,
        %parallel_loop3A_511 = arith.constant 9984 : i32
        %parallel_loop3A_512 = tpu.memref_slice %arg10[%parallel_loop3A_511] : memref<16384xf32, #tpu.memory_space<vmem>> -> memref<256xf32, #tpu.memory_space<vmem>>
        tpu.vector_store_idx %parallel_loop3A_512[%parallel_loop3A_510], %parallel_loop3A_109 {add = true} : memref<256xf32, #tpu.memory_space<vmem>>[vector<16xi32>], vector<16xf32>,
        %parallel_loop3A_513 = arith.constant 9984 : i32
        %parallel_loop3A_514 = tpu.memref_slice %arg11[%parallel_loop3A_513] : memref<16384xf32, #tpu.memory_space<vmem>> -> memref<256xf32, #tpu.memory_space<vmem>>
        tpu.vector_store_idx %parallel_loop3A_514[%parallel_loop3A_510], %parallel_loop3A_114 {add = true} : memref<256xf32, #tpu.memory_space<vmem>>[vector<16xi32>], vector<16xf32>,
        %parallel_loop3A_515 = arith.constant 1 : i32
        %parallel_loop3A_516 = arith.constant 40 : i32
        %parallel_loop3A_517 = arith.index_cast %parallel_loop3A_515 : i32 to index
        %parallel_loop3A_518 = arith.index_cast %parallel_loop3A_516 : i32 to index
        %parallel_loop3A_519 = arith.index_cast %parallel_loop3A_104 : i32 to index
        %parallel_loop3A_520 = tpu.vector_load %arg7[%parallel_loop3A_517, %parallel_loop3A_518, %parallel_loop3A_519] {strides = array<i32>} : memref<2x64x256xi32, #tpu.memory_space<vmem>>, vector<16xi32>,
        %parallel_loop3A_521 = arith.constant 10240 : i32
        %parallel_loop3A_522 = tpu.memref_slice %arg10[%parallel_loop3A_521] : memref<16384xf32, #tpu.memory_space<vmem>> -> memref<256xf32, #tpu.memory_space<vmem>>
        tpu.vector_store_idx %parallel_loop3A_522[%parallel_loop3A_520], %parallel_loop3A_109 {add = true} : memref<256xf32, #tpu.memory_space<vmem>>[vector<16xi32>], vector<16xf32>,
        %parallel_loop3A_523 = arith.constant 10240 : i32
        %parallel_loop3A_524 = tpu.memref_slice %arg11[%parallel_loop3A_523] : memref<16384xf32, #tpu.memory_space<vmem>> -> memref<256xf32, #tpu.memory_space<vmem>>
        tpu.vector_store_idx %parallel_loop3A_524[%parallel_loop3A_520], %parallel_loop3A_114 {add = true} : memref<256xf32, #tpu.memory_space<vmem>>[vector<16xi32>], vector<16xf32>,
        %parallel_loop3A_525 = arith.constant 1 : i32
        %parallel_loop3A_526 = arith.constant 41 : i32
        %parallel_loop3A_527 = arith.index_cast %parallel_loop3A_525 : i32 to index
        %parallel_loop3A_528 = arith.index_cast %parallel_loop3A_526 : i32 to index
        %parallel_loop3A_529 = arith.index_cast %parallel_loop3A_104 : i32 to index
        %parallel_loop3A_530 = tpu.vector_load %arg7[%parallel_loop3A_527, %parallel_loop3A_528, %parallel_loop3A_529] {strides = array<i32>} : memref<2x64x256xi32, #tpu.memory_space<vmem>>, vector<16xi32>,
        %parallel_loop3A_531 = arith.constant 10496 : i32
        %parallel_loop3A_532 = tpu.memref_slice %arg10[%parallel_loop3A_531] : memref<16384xf32, #tpu.memory_space<vmem>> -> memref<256xf32, #tpu.memory_space<vmem>>
        tpu.vector_store_idx %parallel_loop3A_532[%parallel_loop3A_530], %parallel_loop3A_109 {add = true} : memref<256xf32, #tpu.memory_space<vmem>>[vector<16xi32>], vector<16xf32>,
        %parallel_loop3A_533 = arith.constant 10496 : i32
        %parallel_loop3A_534 = tpu.memref_slice %arg11[%parallel_loop3A_533] : memref<16384xf32, #tpu.memory_space<vmem>> -> memref<256xf32, #tpu.memory_space<vmem>>
        tpu.vector_store_idx %parallel_loop3A_534[%parallel_loop3A_530], %parallel_loop3A_114 {add = true} : memref<256xf32, #tpu.memory_space<vmem>>[vector<16xi32>], vector<16xf32>,
        %parallel_loop3A_535 = arith.constant 1 : i32
        %parallel_loop3A_536 = arith.constant 42 : i32
        %parallel_loop3A_537 = arith.index_cast %parallel_loop3A_535 : i32 to index
        %parallel_loop3A_538 = arith.index_cast %parallel_loop3A_536 : i32 to index
        %parallel_loop3A_539 = arith.index_cast %parallel_loop3A_104 : i32 to index
        %parallel_loop3A_540 = tpu.vector_load %arg7[%parallel_loop3A_537, %parallel_loop3A_538, %parallel_loop3A_539] {strides = array<i32>} : memref<2x64x256xi32, #tpu.memory_space<vmem>>, vector<16xi32>,
        %parallel_loop3A_541 = arith.constant 10752 : i32
        %parallel_loop3A_542 = tpu.memref_slice %arg10[%parallel_loop3A_541] : memref<16384xf32, #tpu.memory_space<vmem>> -> memref<256xf32, #tpu.memory_space<vmem>>
        tpu.vector_store_idx %parallel_loop3A_542[%parallel_loop3A_540], %parallel_loop3A_109 {add = true} : memref<256xf32, #tpu.memory_space<vmem>>[vector<16xi32>], vector<16xf32>,
        %parallel_loop3A_543 = arith.constant 10752 : i32
        %parallel_loop3A_544 = tpu.memref_slice %arg11[%parallel_loop3A_543] : memref<16384xf32, #tpu.memory_space<vmem>> -> memref<256xf32, #tpu.memory_space<vmem>>
        tpu.vector_store_idx %parallel_loop3A_544[%parallel_loop3A_540], %parallel_loop3A_114 {add = true} : memref<256xf32, #tpu.memory_space<vmem>>[vector<16xi32>], vector<16xf32>,
        %parallel_loop3A_545 = arith.constant 1 : i32
        %parallel_loop3A_546 = arith.constant 43 : i32
        %parallel_loop3A_547 = arith.index_cast %parallel_loop3A_545 : i32 to index
        %parallel_loop3A_548 = arith.index_cast %parallel_loop3A_546 : i32 to index
        %parallel_loop3A_549 = arith.index_cast %parallel_loop3A_104 : i32 to index
        %parallel_loop3A_550 = tpu.vector_load %arg7[%parallel_loop3A_547, %parallel_loop3A_548, %parallel_loop3A_549] {strides = array<i32>} : memref<2x64x256xi32, #tpu.memory_space<vmem>>, vector<16xi32>,
        %parallel_loop3A_551 = arith.constant 11008 : i32
        %parallel_loop3A_552 = tpu.memref_slice %arg10[%parallel_loop3A_551] : memref<16384xf32, #tpu.memory_space<vmem>> -> memref<256xf32, #tpu.memory_space<vmem>>
        tpu.vector_store_idx %parallel_loop3A_552[%parallel_loop3A_550], %parallel_loop3A_109 {add = true} : memref<256xf32, #tpu.memory_space<vmem>>[vector<16xi32>], vector<16xf32>,
        %parallel_loop3A_553 = arith.constant 11008 : i32
        %parallel_loop3A_554 = tpu.memref_slice %arg11[%parallel_loop3A_553] : memref<16384xf32, #tpu.memory_space<vmem>> -> memref<256xf32, #tpu.memory_space<vmem>>
        tpu.vector_store_idx %parallel_loop3A_554[%parallel_loop3A_550], %parallel_loop3A_114 {add = true} : memref<256xf32, #tpu.memory_space<vmem>>[vector<16xi32>], vector<16xf32>,
        %parallel_loop3A_555 = arith.constant 1 : i32
        %parallel_loop3A_556 = arith.constant 44 : i32
        %parallel_loop3A_557 = arith.index_cast %parallel_loop3A_555 : i32 to index
        %parallel_loop3A_558 = arith.index_cast %parallel_loop3A_556 : i32 to index
        %parallel_loop3A_559 = arith.index_cast %parallel_loop3A_104 : i32 to index
        %parallel_loop3A_560 = tpu.vector_load %arg7[%parallel_loop3A_557, %parallel_loop3A_558, %parallel_loop3A_559] {strides = array<i32>} : memref<2x64x256xi32, #tpu.memory_space<vmem>>, vector<16xi32>,
        %parallel_loop3A_561 = arith.constant 11264 : i32
        %parallel_loop3A_562 = tpu.memref_slice %arg10[%parallel_loop3A_561] : memref<16384xf32, #tpu.memory_space<vmem>> -> memref<256xf32, #tpu.memory_space<vmem>>
        tpu.vector_store_idx %parallel_loop3A_562[%parallel_loop3A_560], %parallel_loop3A_109 {add = true} : memref<256xf32, #tpu.memory_space<vmem>>[vector<16xi32>], vector<16xf32>,
        %parallel_loop3A_563 = arith.constant 11264 : i32
        %parallel_loop3A_564 = tpu.memref_slice %arg11[%parallel_loop3A_563] : memref<16384xf32, #tpu.memory_space<vmem>> -> memref<256xf32, #tpu.memory_space<vmem>>
        tpu.vector_store_idx %parallel_loop3A_564[%parallel_loop3A_560], %parallel_loop3A_114 {add = true} : memref<256xf32, #tpu.memory_space<vmem>>[vector<16xi32>], vector<16xf32>,
        %parallel_loop3A_565 = arith.constant 1 : i32
        %parallel_loop3A_566 = arith.constant 45 : i32
        %parallel_loop3A_567 = arith.index_cast %parallel_loop3A_565 : i32 to index
        %parallel_loop3A_568 = arith.index_cast %parallel_loop3A_566 : i32 to index
        %parallel_loop3A_569 = arith.index_cast %parallel_loop3A_104 : i32 to index
        %parallel_loop3A_570 = tpu.vector_load %arg7[%parallel_loop3A_567, %parallel_loop3A_568, %parallel_loop3A_569] {strides = array<i32>} : memref<2x64x256xi32, #tpu.memory_space<vmem>>, vector<16xi32>,
        %parallel_loop3A_571 = arith.constant 11520 : i32
        %parallel_loop3A_572 = tpu.memref_slice %arg10[%parallel_loop3A_571] : memref<16384xf32, #tpu.memory_space<vmem>> -> memref<256xf32, #tpu.memory_space<vmem>>
        tpu.vector_store_idx %parallel_loop3A_572[%parallel_loop3A_570], %parallel_loop3A_109 {add = true} : memref<256xf32, #tpu.memory_space<vmem>>[vector<16xi32>], vector<16xf32>,
        %parallel_loop3A_573 = arith.constant 11520 : i32
        %parallel_loop3A_574 = tpu.memref_slice %arg11[%parallel_loop3A_573] : memref<16384xf32, #tpu.memory_space<vmem>> -> memref<256xf32, #tpu.memory_space<vmem>>
        tpu.vector_store_idx %parallel_loop3A_574[%parallel_loop3A_570], %parallel_loop3A_114 {add = true} : memref<256xf32, #tpu.memory_space<vmem>>[vector<16xi32>], vector<16xf32>,
        %parallel_loop3A_575 = arith.constant 1 : i32
        %parallel_loop3A_576 = arith.constant 46 : i32
        %parallel_loop3A_577 = arith.index_cast %parallel_loop3A_575 : i32 to index
        %parallel_loop3A_578 = arith.index_cast %parallel_loop3A_576 : i32 to index
        %parallel_loop3A_579 = arith.index_cast %parallel_loop3A_104 : i32 to index
        %parallel_loop3A_580 = tpu.vector_load %arg7[%parallel_loop3A_577, %parallel_loop3A_578, %parallel_loop3A_579] {strides = array<i32>} : memref<2x64x256xi32, #tpu.memory_space<vmem>>, vector<16xi32>,
        %parallel_loop3A_581 = arith.constant 11776 : i32
        %parallel_loop3A_582 = tpu.memref_slice %arg10[%parallel_loop3A_581] : memref<16384xf32, #tpu.memory_space<vmem>> -> memref<256xf32, #tpu.memory_space<vmem>>
        tpu.vector_store_idx %parallel_loop3A_582[%parallel_loop3A_580], %parallel_loop3A_109 {add = true} : memref<256xf32, #tpu.memory_space<vmem>>[vector<16xi32>], vector<16xf32>,
        %parallel_loop3A_583 = arith.constant 11776 : i32
        %parallel_loop3A_584 = tpu.memref_slice %arg11[%parallel_loop3A_583] : memref<16384xf32, #tpu.memory_space<vmem>> -> memref<256xf32, #tpu.memory_space<vmem>>
        tpu.vector_store_idx %parallel_loop3A_584[%parallel_loop3A_580], %parallel_loop3A_114 {add = true} : memref<256xf32, #tpu.memory_space<vmem>>[vector<16xi32>], vector<16xf32>,
        %parallel_loop3A_585 = arith.constant 1 : i32
        %parallel_loop3A_586 = arith.constant 47 : i32
        %parallel_loop3A_587 = arith.index_cast %parallel_loop3A_585 : i32 to index
        %parallel_loop3A_588 = arith.index_cast %parallel_loop3A_586 : i32 to index
        %parallel_loop3A_589 = arith.index_cast %parallel_loop3A_104 : i32 to index
        %parallel_loop3A_590 = tpu.vector_load %arg7[%parallel_loop3A_587, %parallel_loop3A_588, %parallel_loop3A_589] {strides = array<i32>} : memref<2x64x256xi32, #tpu.memory_space<vmem>>, vector<16xi32>,
        %parallel_loop3A_591 = arith.constant 12032 : i32
        %parallel_loop3A_592 = tpu.memref_slice %arg10[%parallel_loop3A_591] : memref<16384xf32, #tpu.memory_space<vmem>> -> memref<256xf32, #tpu.memory_space<vmem>>
        tpu.vector_store_idx %parallel_loop3A_592[%parallel_loop3A_590], %parallel_loop3A_109 {add = true} : memref<256xf32, #tpu.memory_space<vmem>>[vector<16xi32>], vector<16xf32>,
        %parallel_loop3A_593 = arith.constant 12032 : i32
        %parallel_loop3A_594 = tpu.memref_slice %arg11[%parallel_loop3A_593] : memref<16384xf32, #tpu.memory_space<vmem>> -> memref<256xf32, #tpu.memory_space<vmem>>
        tpu.vector_store_idx %parallel_loop3A_594[%parallel_loop3A_590], %parallel_loop3A_114 {add = true} : memref<256xf32, #tpu.memory_space<vmem>>[vector<16xi32>], vector<16xf32>,
        %parallel_loop3A_595 = arith.constant 1 : i32
        %parallel_loop3A_596 = arith.constant 48 : i32
        %parallel_loop3A_597 = arith.index_cast %parallel_loop3A_595 : i32 to index
        %parallel_loop3A_598 = arith.index_cast %parallel_loop3A_596 : i32 to index
        %parallel_loop3A_599 = arith.index_cast %parallel_loop3A_104 : i32 to index
        %parallel_loop3A_600 = tpu.vector_load %arg7[%parallel_loop3A_597, %parallel_loop3A_598, %parallel_loop3A_599] {strides = array<i32>} : memref<2x64x256xi32, #tpu.memory_space<vmem>>, vector<16xi32>,
        %parallel_loop3A_601 = arith.constant 12288 : i32
        %parallel_loop3A_602 = tpu.memref_slice %arg10[%parallel_loop3A_601] : memref<16384xf32, #tpu.memory_space<vmem>> -> memref<256xf32, #tpu.memory_space<vmem>>
        tpu.vector_store_idx %parallel_loop3A_602[%parallel_loop3A_600], %parallel_loop3A_109 {add = true} : memref<256xf32, #tpu.memory_space<vmem>>[vector<16xi32>], vector<16xf32>,
        %parallel_loop3A_603 = arith.constant 12288 : i32
        %parallel_loop3A_604 = tpu.memref_slice %arg11[%parallel_loop3A_603] : memref<16384xf32, #tpu.memory_space<vmem>> -> memref<256xf32, #tpu.memory_space<vmem>>
        tpu.vector_store_idx %parallel_loop3A_604[%parallel_loop3A_600], %parallel_loop3A_114 {add = true} : memref<256xf32, #tpu.memory_space<vmem>>[vector<16xi32>], vector<16xf32>,
        %parallel_loop3A_605 = arith.constant 1 : i32
        %parallel_loop3A_606 = arith.constant 49 : i32
        %parallel_loop3A_607 = arith.index_cast %parallel_loop3A_605 : i32 to index
        %parallel_loop3A_608 = arith.index_cast %parallel_loop3A_606 : i32 to index
        %parallel_loop3A_609 = arith.index_cast %parallel_loop3A_104 : i32 to index
        %parallel_loop3A_610 = tpu.vector_load %arg7[%parallel_loop3A_607, %parallel_loop3A_608, %parallel_loop3A_609] {strides = array<i32>} : memref<2x64x256xi32, #tpu.memory_space<vmem>>, vector<16xi32>,
        %parallel_loop3A_611 = arith.constant 12544 : i32
        %parallel_loop3A_612 = tpu.memref_slice %arg10[%parallel_loop3A_611] : memref<16384xf32, #tpu.memory_space<vmem>> -> memref<256xf32, #tpu.memory_space<vmem>>
        tpu.vector_store_idx %parallel_loop3A_612[%parallel_loop3A_610], %parallel_loop3A_109 {add = true} : memref<256xf32, #tpu.memory_space<vmem>>[vector<16xi32>], vector<16xf32>,
        %parallel_loop3A_613 = arith.constant 12544 : i32
        %parallel_loop3A_614 = tpu.memref_slice %arg11[%parallel_loop3A_613] : memref<16384xf32, #tpu.memory_space<vmem>> -> memref<256xf32, #tpu.memory_space<vmem>>
        tpu.vector_store_idx %parallel_loop3A_614[%parallel_loop3A_610], %parallel_loop3A_114 {add = true} : memref<256xf32, #tpu.memory_space<vmem>>[vector<16xi32>], vector<16xf32>,
        %parallel_loop3A_615 = arith.constant 1 : i32
        %parallel_loop3A_616 = arith.constant 50 : i32
        %parallel_loop3A_617 = arith.index_cast %parallel_loop3A_615 : i32 to index
        %parallel_loop3A_618 = arith.index_cast %parallel_loop3A_616 : i32 to index
        %parallel_loop3A_619 = arith.index_cast %parallel_loop3A_104 : i32 to index
        %parallel_loop3A_620 = tpu.vector_load %arg7[%parallel_loop3A_617, %parallel_loop3A_618, %parallel_loop3A_619] {strides = array<i32>} : memref<2x64x256xi32, #tpu.memory_space<vmem>>, vector<16xi32>,
        %parallel_loop3A_621 = arith.constant 12800 : i32
        %parallel_loop3A_622 = tpu.memref_slice %arg10[%parallel_loop3A_621] : memref<16384xf32, #tpu.memory_space<vmem>> -> memref<256xf32, #tpu.memory_space<vmem>>
        tpu.vector_store_idx %parallel_loop3A_622[%parallel_loop3A_620], %parallel_loop3A_109 {add = true} : memref<256xf32, #tpu.memory_space<vmem>>[vector<16xi32>], vector<16xf32>,
        %parallel_loop3A_623 = arith.constant 12800 : i32
        %parallel_loop3A_624 = tpu.memref_slice %arg11[%parallel_loop3A_623] : memref<16384xf32, #tpu.memory_space<vmem>> -> memref<256xf32, #tpu.memory_space<vmem>>
        tpu.vector_store_idx %parallel_loop3A_624[%parallel_loop3A_620], %parallel_loop3A_114 {add = true} : memref<256xf32, #tpu.memory_space<vmem>>[vector<16xi32>], vector<16xf32>,
        %parallel_loop3A_625 = arith.constant 1 : i32
        %parallel_loop3A_626 = arith.constant 51 : i32
        %parallel_loop3A_627 = arith.index_cast %parallel_loop3A_625 : i32 to index
        %parallel_loop3A_628 = arith.index_cast %parallel_loop3A_626 : i32 to index
        %parallel_loop3A_629 = arith.index_cast %parallel_loop3A_104 : i32 to index
        %parallel_loop3A_630 = tpu.vector_load %arg7[%parallel_loop3A_627, %parallel_loop3A_628, %parallel_loop3A_629] {strides = array<i32>} : memref<2x64x256xi32, #tpu.memory_space<vmem>>, vector<16xi32>,
        %parallel_loop3A_631 = arith.constant 13056 : i32
        %parallel_loop3A_632 = tpu.memref_slice %arg10[%parallel_loop3A_631] : memref<16384xf32, #tpu.memory_space<vmem>> -> memref<256xf32, #tpu.memory_space<vmem>>
        tpu.vector_store_idx %parallel_loop3A_632[%parallel_loop3A_630], %parallel_loop3A_109 {add = true} : memref<256xf32, #tpu.memory_space<vmem>>[vector<16xi32>], vector<16xf32>,
        %parallel_loop3A_633 = arith.constant 13056 : i32
        %parallel_loop3A_634 = tpu.memref_slice %arg11[%parallel_loop3A_633] : memref<16384xf32, #tpu.memory_space<vmem>> -> memref<256xf32, #tpu.memory_space<vmem>>
        tpu.vector_store_idx %parallel_loop3A_634[%parallel_loop3A_630], %parallel_loop3A_114 {add = true} : memref<256xf32, #tpu.memory_space<vmem>>[vector<16xi32>], vector<16xf32>,
        %parallel_loop3A_635 = arith.constant 1 : i32
        %parallel_loop3A_636 = arith.constant 52 : i32
        %parallel_loop3A_637 = arith.index_cast %parallel_loop3A_635 : i32 to index
        %parallel_loop3A_638 = arith.index_cast %parallel_loop3A_636 : i32 to index
        %parallel_loop3A_639 = arith.index_cast %parallel_loop3A_104 : i32 to index
        %parallel_loop3A_640 = tpu.vector_load %arg7[%parallel_loop3A_637, %parallel_loop3A_638, %parallel_loop3A_639] {strides = array<i32>} : memref<2x64x256xi32, #tpu.memory_space<vmem>>, vector<16xi32>,
        %parallel_loop3A_641 = arith.constant 13312 : i32
        %parallel_loop3A_642 = tpu.memref_slice %arg10[%parallel_loop3A_641] : memref<16384xf32, #tpu.memory_space<vmem>> -> memref<256xf32, #tpu.memory_space<vmem>>
        tpu.vector_store_idx %parallel_loop3A_642[%parallel_loop3A_640], %parallel_loop3A_109 {add = true} : memref<256xf32, #tpu.memory_space<vmem>>[vector<16xi32>], vector<16xf32>,
        %parallel_loop3A_643 = arith.constant 13312 : i32
        %parallel_loop3A_644 = tpu.memref_slice %arg11[%parallel_loop3A_643] : memref<16384xf32, #tpu.memory_space<vmem>> -> memref<256xf32, #tpu.memory_space<vmem>>
        tpu.vector_store_idx %parallel_loop3A_644[%parallel_loop3A_640], %parallel_loop3A_114 {add = true} : memref<256xf32, #tpu.memory_space<vmem>>[vector<16xi32>], vector<16xf32>,
        %parallel_loop3A_645 = arith.constant 1 : i32
        %parallel_loop3A_646 = arith.constant 53 : i32
        %parallel_loop3A_647 = arith.index_cast %parallel_loop3A_645 : i32 to index
        %parallel_loop3A_648 = arith.index_cast %parallel_loop3A_646 : i32 to index
        %parallel_loop3A_649 = arith.index_cast %parallel_loop3A_104 : i32 to index
        %parallel_loop3A_650 = tpu.vector_load %arg7[%parallel_loop3A_647, %parallel_loop3A_648, %parallel_loop3A_649] {strides = array<i32>} : memref<2x64x256xi32, #tpu.memory_space<vmem>>, vector<16xi32>,
        %parallel_loop3A_651 = arith.constant 13568 : i32
        %parallel_loop3A_652 = tpu.memref_slice %arg10[%parallel_loop3A_651] : memref<16384xf32, #tpu.memory_space<vmem>> -> memref<256xf32, #tpu.memory_space<vmem>>
        tpu.vector_store_idx %parallel_loop3A_652[%parallel_loop3A_650], %parallel_loop3A_109 {add = true} : memref<256xf32, #tpu.memory_space<vmem>>[vector<16xi32>], vector<16xf32>,
        %parallel_loop3A_653 = arith.constant 13568 : i32
        %parallel_loop3A_654 = tpu.memref_slice %arg11[%parallel_loop3A_653] : memref<16384xf32, #tpu.memory_space<vmem>> -> memref<256xf32, #tpu.memory_space<vmem>>
        tpu.vector_store_idx %parallel_loop3A_654[%parallel_loop3A_650], %parallel_loop3A_114 {add = true} : memref<256xf32, #tpu.memory_space<vmem>>[vector<16xi32>], vector<16xf32>,
        %parallel_loop3A_655 = arith.constant 1 : i32
        %parallel_loop3A_656 = arith.constant 54 : i32
        %parallel_loop3A_657 = arith.index_cast %parallel_loop3A_655 : i32 to index
        %parallel_loop3A_658 = arith.index_cast %parallel_loop3A_656 : i32 to index
        %parallel_loop3A_659 = arith.index_cast %parallel_loop3A_104 : i32 to index
        %parallel_loop3A_660 = tpu.vector_load %arg7[%parallel_loop3A_657, %parallel_loop3A_658, %parallel_loop3A_659] {strides = array<i32>} : memref<2x64x256xi32, #tpu.memory_space<vmem>>, vector<16xi32>,
        %parallel_loop3A_661 = arith.constant 13824 : i32
        %parallel_loop3A_662 = tpu.memref_slice %arg10[%parallel_loop3A_661] : memref<16384xf32, #tpu.memory_space<vmem>> -> memref<256xf32, #tpu.memory_space<vmem>>
        tpu.vector_store_idx %parallel_loop3A_662[%parallel_loop3A_660], %parallel_loop3A_109 {add = true} : memref<256xf32, #tpu.memory_space<vmem>>[vector<16xi32>], vector<16xf32>,
        %parallel_loop3A_663 = arith.constant 13824 : i32
        %parallel_loop3A_664 = tpu.memref_slice %arg11[%parallel_loop3A_663] : memref<16384xf32, #tpu.memory_space<vmem>> -> memref<256xf32, #tpu.memory_space<vmem>>
        tpu.vector_store_idx %parallel_loop3A_664[%parallel_loop3A_660], %parallel_loop3A_114 {add = true} : memref<256xf32, #tpu.memory_space<vmem>>[vector<16xi32>], vector<16xf32>,
        %parallel_loop3A_665 = arith.constant 1 : i32
        %parallel_loop3A_666 = arith.constant 55 : i32
        %parallel_loop3A_667 = arith.index_cast %parallel_loop3A_665 : i32 to index
        %parallel_loop3A_668 = arith.index_cast %parallel_loop3A_666 : i32 to index
        %parallel_loop3A_669 = arith.index_cast %parallel_loop3A_104 : i32 to index
        %parallel_loop3A_670 = tpu.vector_load %arg7[%parallel_loop3A_667, %parallel_loop3A_668, %parallel_loop3A_669] {strides = array<i32>} : memref<2x64x256xi32, #tpu.memory_space<vmem>>, vector<16xi32>,
        %parallel_loop3A_671 = arith.constant 14080 : i32
        %parallel_loop3A_672 = tpu.memref_slice %arg10[%parallel_loop3A_671] : memref<16384xf32, #tpu.memory_space<vmem>> -> memref<256xf32, #tpu.memory_space<vmem>>
        tpu.vector_store_idx %parallel_loop3A_672[%parallel_loop3A_670], %parallel_loop3A_109 {add = true} : memref<256xf32, #tpu.memory_space<vmem>>[vector<16xi32>], vector<16xf32>,
        %parallel_loop3A_673 = arith.constant 14080 : i32
        %parallel_loop3A_674 = tpu.memref_slice %arg11[%parallel_loop3A_673] : memref<16384xf32, #tpu.memory_space<vmem>> -> memref<256xf32, #tpu.memory_space<vmem>>
        tpu.vector_store_idx %parallel_loop3A_674[%parallel_loop3A_670], %parallel_loop3A_114 {add = true} : memref<256xf32, #tpu.memory_space<vmem>>[vector<16xi32>], vector<16xf32>,
        %parallel_loop3A_675 = arith.constant 1 : i32
        %parallel_loop3A_676 = arith.constant 56 : i32
        %parallel_loop3A_677 = arith.index_cast %parallel_loop3A_675 : i32 to index
        %parallel_loop3A_678 = arith.index_cast %parallel_loop3A_676 : i32 to index
        %parallel_loop3A_679 = arith.index_cast %parallel_loop3A_104 : i32 to index
        %parallel_loop3A_680 = tpu.vector_load %arg7[%parallel_loop3A_677, %parallel_loop3A_678, %parallel_loop3A_679] {strides = array<i32>} : memref<2x64x256xi32, #tpu.memory_space<vmem>>, vector<16xi32>,
        %parallel_loop3A_681 = arith.constant 14336 : i32
        %parallel_loop3A_682 = tpu.memref_slice %arg10[%parallel_loop3A_681] : memref<16384xf32, #tpu.memory_space<vmem>> -> memref<256xf32, #tpu.memory_space<vmem>>
        tpu.vector_store_idx %parallel_loop3A_682[%parallel_loop3A_680], %parallel_loop3A_109 {add = true} : memref<256xf32, #tpu.memory_space<vmem>>[vector<16xi32>], vector<16xf32>,
        %parallel_loop3A_683 = arith.constant 14336 : i32
        %parallel_loop3A_684 = tpu.memref_slice %arg11[%parallel_loop3A_683] : memref<16384xf32, #tpu.memory_space<vmem>> -> memref<256xf32, #tpu.memory_space<vmem>>
        tpu.vector_store_idx %parallel_loop3A_684[%parallel_loop3A_680], %parallel_loop3A_114 {add = true} : memref<256xf32, #tpu.memory_space<vmem>>[vector<16xi32>], vector<16xf32>,
        %parallel_loop3A_685 = arith.constant 1 : i32
        %parallel_loop3A_686 = arith.constant 57 : i32
        %parallel_loop3A_687 = arith.index_cast %parallel_loop3A_685 : i32 to index
        %parallel_loop3A_688 = arith.index_cast %parallel_loop3A_686 : i32 to index
        %parallel_loop3A_689 = arith.index_cast %parallel_loop3A_104 : i32 to index
        %parallel_loop3A_690 = tpu.vector_load %arg7[%parallel_loop3A_687, %parallel_loop3A_688, %parallel_loop3A_689] {strides = array<i32>} : memref<2x64x256xi32, #tpu.memory_space<vmem>>, vector<16xi32>,
        %parallel_loop3A_691 = arith.constant 14592 : i32
        %parallel_loop3A_692 = tpu.memref_slice %arg10[%parallel_loop3A_691] : memref<16384xf32, #tpu.memory_space<vmem>> -> memref<256xf32, #tpu.memory_space<vmem>>
        tpu.vector_store_idx %parallel_loop3A_692[%parallel_loop3A_690], %parallel_loop3A_109 {add = true} : memref<256xf32, #tpu.memory_space<vmem>>[vector<16xi32>], vector<16xf32>,
        %parallel_loop3A_693 = arith.constant 14592 : i32
        %parallel_loop3A_694 = tpu.memref_slice %arg11[%parallel_loop3A_693] : memref<16384xf32, #tpu.memory_space<vmem>> -> memref<256xf32, #tpu.memory_space<vmem>>
        tpu.vector_store_idx %parallel_loop3A_694[%parallel_loop3A_690], %parallel_loop3A_114 {add = true} : memref<256xf32, #tpu.memory_space<vmem>>[vector<16xi32>], vector<16xf32>,
        %parallel_loop3A_695 = arith.constant 1 : i32
        %parallel_loop3A_696 = arith.constant 58 : i32
        %parallel_loop3A_697 = arith.index_cast %parallel_loop3A_695 : i32 to index
        %parallel_loop3A_698 = arith.index_cast %parallel_loop3A_696 : i32 to index
        %parallel_loop3A_699 = arith.index_cast %parallel_loop3A_104 : i32 to index
        %parallel_loop3A_700 = tpu.vector_load %arg7[%parallel_loop3A_697, %parallel_loop3A_698, %parallel_loop3A_699] {strides = array<i32>} : memref<2x64x256xi32, #tpu.memory_space<vmem>>, vector<16xi32>,
        %parallel_loop3A_701 = arith.constant 14848 : i32
        %parallel_loop3A_702 = tpu.memref_slice %arg10[%parallel_loop3A_701] : memref<16384xf32, #tpu.memory_space<vmem>> -> memref<256xf32, #tpu.memory_space<vmem>>
        tpu.vector_store_idx %parallel_loop3A_702[%parallel_loop3A_700], %parallel_loop3A_109 {add = true} : memref<256xf32, #tpu.memory_space<vmem>>[vector<16xi32>], vector<16xf32>,
        %parallel_loop3A_703 = arith.constant 14848 : i32
        %parallel_loop3A_704 = tpu.memref_slice %arg11[%parallel_loop3A_703] : memref<16384xf32, #tpu.memory_space<vmem>> -> memref<256xf32, #tpu.memory_space<vmem>>
        tpu.vector_store_idx %parallel_loop3A_704[%parallel_loop3A_700], %parallel_loop3A_114 {add = true} : memref<256xf32, #tpu.memory_space<vmem>>[vector<16xi32>], vector<16xf32>,
        %parallel_loop3A_705 = arith.constant 1 : i32
        %parallel_loop3A_706 = arith.constant 59 : i32
        %parallel_loop3A_707 = arith.index_cast %parallel_loop3A_705 : i32 to index
        %parallel_loop3A_708 = arith.index_cast %parallel_loop3A_706 : i32 to index
        %parallel_loop3A_709 = arith.index_cast %parallel_loop3A_104 : i32 to index
        %parallel_loop3A_710 = tpu.vector_load %arg7[%parallel_loop3A_707, %parallel_loop3A_708, %parallel_loop3A_709] {strides = array<i32>} : memref<2x64x256xi32, #tpu.memory_space<vmem>>, vector<16xi32>,
        %parallel_loop3A_711 = arith.constant 15104 : i32
        %parallel_loop3A_712 = tpu.memref_slice %arg10[%parallel_loop3A_711] : memref<16384xf32, #tpu.memory_space<vmem>> -> memref<256xf32, #tpu.memory_space<vmem>>
        tpu.vector_store_idx %parallel_loop3A_712[%parallel_loop3A_710], %parallel_loop3A_109 {add = true} : memref<256xf32, #tpu.memory_space<vmem>>[vector<16xi32>], vector<16xf32>,
        %parallel_loop3A_713 = arith.constant 15104 : i32
        %parallel_loop3A_714 = tpu.memref_slice %arg11[%parallel_loop3A_713] : memref<16384xf32, #tpu.memory_space<vmem>> -> memref<256xf32, #tpu.memory_space<vmem>>
        tpu.vector_store_idx %parallel_loop3A_714[%parallel_loop3A_710], %parallel_loop3A_114 {add = true} : memref<256xf32, #tpu.memory_space<vmem>>[vector<16xi32>], vector<16xf32>,
        %parallel_loop3A_715 = arith.constant 1 : i32
        %parallel_loop3A_716 = arith.constant 60 : i32
        %parallel_loop3A_717 = arith.index_cast %parallel_loop3A_715 : i32 to index
        %parallel_loop3A_718 = arith.index_cast %parallel_loop3A_716 : i32 to index
        %parallel_loop3A_719 = arith.index_cast %parallel_loop3A_104 : i32 to index
        %parallel_loop3A_720 = tpu.vector_load %arg7[%parallel_loop3A_717, %parallel_loop3A_718, %parallel_loop3A_719] {strides = array<i32>} : memref<2x64x256xi32, #tpu.memory_space<vmem>>, vector<16xi32>,
        %parallel_loop3A_721 = arith.constant 15360 : i32
        %parallel_loop3A_722 = tpu.memref_slice %arg10[%parallel_loop3A_721] : memref<16384xf32, #tpu.memory_space<vmem>> -> memref<256xf32, #tpu.memory_space<vmem>>
        tpu.vector_store_idx %parallel_loop3A_722[%parallel_loop3A_720], %parallel_loop3A_109 {add = true} : memref<256xf32, #tpu.memory_space<vmem>>[vector<16xi32>], vector<16xf32>,
        %parallel_loop3A_723 = arith.constant 15360 : i32
        %parallel_loop3A_724 = tpu.memref_slice %arg11[%parallel_loop3A_723] : memref<16384xf32, #tpu.memory_space<vmem>> -> memref<256xf32, #tpu.memory_space<vmem>>
        tpu.vector_store_idx %parallel_loop3A_724[%parallel_loop3A_720], %parallel_loop3A_114 {add = true} : memref<256xf32, #tpu.memory_space<vmem>>[vector<16xi32>], vector<16xf32>,
        %parallel_loop3A_725 = arith.constant 1 : i32
        %parallel_loop3A_726 = arith.constant 61 : i32
        %parallel_loop3A_727 = arith.index_cast %parallel_loop3A_725 : i32 to index
        %parallel_loop3A_728 = arith.index_cast %parallel_loop3A_726 : i32 to index
        %parallel_loop3A_729 = arith.index_cast %parallel_loop3A_104 : i32 to index
        %parallel_loop3A_730 = tpu.vector_load %arg7[%parallel_loop3A_727, %parallel_loop3A_728, %parallel_loop3A_729] {strides = array<i32>} : memref<2x64x256xi32, #tpu.memory_space<vmem>>, vector<16xi32>,
        %parallel_loop3A_731 = arith.constant 15616 : i32
        %parallel_loop3A_732 = tpu.memref_slice %arg10[%parallel_loop3A_731] : memref<16384xf32, #tpu.memory_space<vmem>> -> memref<256xf32, #tpu.memory_space<vmem>>
        tpu.vector_store_idx %parallel_loop3A_732[%parallel_loop3A_730], %parallel_loop3A_109 {add = true} : memref<256xf32, #tpu.memory_space<vmem>>[vector<16xi32>], vector<16xf32>,
        %parallel_loop3A_733 = arith.constant 15616 : i32
        %parallel_loop3A_734 = tpu.memref_slice %arg11[%parallel_loop3A_733] : memref<16384xf32, #tpu.memory_space<vmem>> -> memref<256xf32, #tpu.memory_space<vmem>>
        tpu.vector_store_idx %parallel_loop3A_734[%parallel_loop3A_730], %parallel_loop3A_114 {add = true} : memref<256xf32, #tpu.memory_space<vmem>>[vector<16xi32>], vector<16xf32>,
        %parallel_loop3A_735 = arith.constant 1 : i32
        %parallel_loop3A_736 = arith.constant 62 : i32
        %parallel_loop3A_737 = arith.index_cast %parallel_loop3A_735 : i32 to index
        %parallel_loop3A_738 = arith.index_cast %parallel_loop3A_736 : i32 to index
        %parallel_loop3A_739 = arith.index_cast %parallel_loop3A_104 : i32 to index
        %parallel_loop3A_740 = tpu.vector_load %arg7[%parallel_loop3A_737, %parallel_loop3A_738, %parallel_loop3A_739] {strides = array<i32>} : memref<2x64x256xi32, #tpu.memory_space<vmem>>, vector<16xi32>,
        %parallel_loop3A_741 = arith.constant 15872 : i32
        %parallel_loop3A_742 = tpu.memref_slice %arg10[%parallel_loop3A_741] : memref<16384xf32, #tpu.memory_space<vmem>> -> memref<256xf32, #tpu.memory_space<vmem>>
        tpu.vector_store_idx %parallel_loop3A_742[%parallel_loop3A_740], %parallel_loop3A_109 {add = true} : memref<256xf32, #tpu.memory_space<vmem>>[vector<16xi32>], vector<16xf32>,
        %parallel_loop3A_743 = arith.constant 15872 : i32
        %parallel_loop3A_744 = tpu.memref_slice %arg11[%parallel_loop3A_743] : memref<16384xf32, #tpu.memory_space<vmem>> -> memref<256xf32, #tpu.memory_space<vmem>>
        tpu.vector_store_idx %parallel_loop3A_744[%parallel_loop3A_740], %parallel_loop3A_114 {add = true} : memref<256xf32, #tpu.memory_space<vmem>>[vector<16xi32>], vector<16xf32>,
        %parallel_loop3A_745 = arith.constant 1 : i32
        %parallel_loop3A_746 = arith.constant 63 : i32
        %parallel_loop3A_747 = arith.index_cast %parallel_loop3A_745 : i32 to index
        %parallel_loop3A_748 = arith.index_cast %parallel_loop3A_746 : i32 to index
        %parallel_loop3A_749 = arith.index_cast %parallel_loop3A_104 : i32 to index
        %parallel_loop3A_750 = tpu.vector_load %arg7[%parallel_loop3A_747, %parallel_loop3A_748, %parallel_loop3A_749] {strides = array<i32>} : memref<2x64x256xi32, #tpu.memory_space<vmem>>, vector<16xi32>,
        %parallel_loop3A_751 = arith.constant 16128 : i32
        %parallel_loop3A_752 = tpu.memref_slice %arg10[%parallel_loop3A_751] : memref<16384xf32, #tpu.memory_space<vmem>> -> memref<256xf32, #tpu.memory_space<vmem>>
        tpu.vector_store_idx %parallel_loop3A_752[%parallel_loop3A_750], %parallel_loop3A_109 {add = true} : memref<256xf32, #tpu.memory_space<vmem>>[vector<16xi32>], vector<16xf32>,
        %parallel_loop3A_753 = arith.constant 16128 : i32
        %parallel_loop3A_754 = tpu.memref_slice %arg11[%parallel_loop3A_753] : memref<16384xf32, #tpu.memory_space<vmem>> -> memref<256xf32, #tpu.memory_space<vmem>>
        tpu.vector_store_idx %parallel_loop3A_754[%parallel_loop3A_750], %parallel_loop3A_114 {add = true} : memref<256xf32, #tpu.memory_space<vmem>>[vector<16xi32>], vector<16xf32>,
      } {sc.loop_unroll_factor = 8 : i64, sc.parallel_access}
      %add3A_95 = arith.constant 2 : i32
      %add3A_96 = arith.addi %add3A_76, %add3A_95 : i32
      %lt3A_97 = arith.constant 32 : i32
      %lt3A_98 = arith.cmpi slt, %add3A_96, %lt3A_97 : i32
      %convert_element_type3A_99 = arith.extui %lt3A_98 : i1 to i32
      %cond3A_100 = arith.constant 0 : i32
      %cond3A_101 = arith.cmpi ne, %convert_element_type3A_99, %cond3A_100 : i32
      scf.if %cond3A_101 {
        %add3A_102 = arith.constant 2 : i32
        %add3A_103 = arith.addi %add3A_76, %add3A_102 : i32
        %mul3A_104 = arith.constant 256 : i32
        %mul3A_105 = arith.muli %add3A_103, %mul3A_104 : i32
        %add3A_106 = arith.addi %mul3A_2, %mul3A_105 : i32
        %dma_start3A_107 = arith.constant 1 : i32
        %dma_start3A_108 = arith.constant 0 : i32
        %dma_start3A_109 = arith.constant 0 : i32
        %dma_start3A_110 = tpu.memref_slice %arg7[%dma_start3A_107, %dma_start3A_108, %dma_start3A_109] : memref<2x64x256xi32, #tpu.memory_space<vmem>> -> memref<1x64x256xi32, #tpu.memory_space<vmem>>
        %dma_start3A_111 = tpu.memref_squeeze %dma_start3A_110 : memref<1x64x256xi32, #tpu.memory_space<vmem>> -> memref<64x256xi32, #tpu.memory_space<vmem>>
        %dma_start3A_112 = arith.constant 0 : i32
        %dma_start3A_113 = tpu.memref_slice %arg2[%dma_start3A_112, %add3A_106] : memref<64x262144xi32, #tpu.memory_space<hbm>> -> memref<64x256xi32, #tpu.memory_space<hbm>>
        %dma_start3A_114 = arith.constant 0 : i32
        %dma_start3A_115 = arith.constant 0 : i32
        %dma_start3A_116 = tpu.memref_slice %arg7[%dma_start3A_107, %dma_start3A_114, %dma_start3A_115] : memref<2x64x256xi32, #tpu.memory_space<vmem>> -> memref<1x64x256xi32, #tpu.memory_space<vmem>>
        %dma_start3A_117 = tpu.memref_squeeze %dma_start3A_116 : memref<1x64x256xi32, #tpu.memory_space<vmem>> -> memref<64x256xi32, #tpu.memory_space<vmem>>
        %dma_start3A_118 = arith.constant 0 : i32
        %dma_start3A_119 = tpu.memref_slice %arg2[%dma_start3A_118, %add3A_106] : memref<64x262144xi32, #tpu.memory_space<hbm>> -> memref<64x256xi32, #tpu.memory_space<hbm>>
        tpu.enqueue_dma source(%dma_start3A_119 : memref<64x256xi32, #tpu.memory_space<hbm>>) target(%dma_start3A_117 : memref<64x256xi32, #tpu.memory_space<vmem>>) target_semaphore(%arg13 : memref<!tpu.dma_semaphore, #tpu.memory_space<semaphore_mem>>)
      } else {
      }
    }
    %scan3A_46 = arith.constant 16 : i32
    "tpu.region"() ({
      %run_scoped3A = tpu.sem_alloc : memref<!tpu.dma_semaphore, #tpu.memory_space<semaphore_mem>>
      %dma_start3A_47 = arith.constant 0 : i32
      %dma_start3A_48 = tpu.memref_slice %arg5[%add3A, %dma_start3A_47] : memref<32x16384xf32, #tpu.memory_space<hbm>> -> memref<1x16384xf32, #tpu.memory_space<hbm>>
      %dma_start3A_49 = tpu.memref_squeeze %dma_start3A_48 : memref<1x16384xf32, #tpu.memory_space<hbm>> -> memref<16384xf32, #tpu.memory_space<hbm>>
      %dma_start3A_50 = arith.constant 0 : i32
      %dma_start3A_51 = tpu.memref_slice %arg5[%add3A, %dma_start3A_50] : memref<32x16384xf32, #tpu.memory_space<hbm>> -> memref<1x16384xf32, #tpu.memory_space<hbm>>
      %dma_start3A_52 = tpu.memref_squeeze %dma_start3A_51 : memref<1x16384xf32, #tpu.memory_space<hbm>> -> memref<16384xf32, #tpu.memory_space<hbm>>
      tpu.enqueue_dma source(%arg10 : memref<16384xf32, #tpu.memory_space<vmem>>) target(%dma_start3A_52 : memref<16384xf32, #tpu.memory_space<hbm>>) target_semaphore(%run_scoped3A : memref<!tpu.dma_semaphore, #tpu.memory_space<semaphore_mem>>)
      %dma_wait3A_53 = arith.constant 0 : i32
      %dma_wait3A_54 = tpu.memref_slice %arg5[%add3A, %dma_wait3A_53] : memref<32x16384xf32, #tpu.memory_space<hbm>> -> memref<1x16384xf32, #tpu.memory_space<hbm>>
      %dma_wait3A_55 = tpu.memref_squeeze %dma_wait3A_54 : memref<1x16384xf32, #tpu.memory_space<hbm>> -> memref<16384xf32, #tpu.memory_space<hbm>>
      %dma_wait3A_56 = arith.constant 0 : i32
      %dma_wait3A_57 = tpu.memref_slice %arg5[%add3A, %dma_wait3A_56] : memref<32x16384xf32, #tpu.memory_space<hbm>> -> memref<1x16384xf32, #tpu.memory_space<hbm>>
      %dma_wait3A_58 = tpu.memref_squeeze %dma_wait3A_57 : memref<1x16384xf32, #tpu.memory_space<hbm>> -> memref<16384xf32, #tpu.memory_space<hbm>>
      tpu.wait_dma2 semaphore(%run_scoped3A : memref<!tpu.dma_semaphore, #tpu.memory_space<semaphore_mem>>) src(%arg10 : memref<16384xf32, #tpu.memory_space<vmem>>) dst(%dma_wait3A_58 : memref<16384xf32, #tpu.memory_space<hbm>>)
      tpu.yield
    }) : () -> ()
    "tpu.region"() ({
      %run_scoped3A = tpu.sem_alloc : memref<!tpu.dma_semaphore, #tpu.memory_space<semaphore_mem>>
      %dma_start3A_47 = arith.constant 0 : i32
      %dma_start3A_48 = tpu.memref_slice %arg6[%add3A, %dma_start3A_47] : memref<32x16384xf32, #tpu.memory_space<hbm>> -> memref<1x16384xf32, #tpu.memory_space<hbm>>
      %dma_start3A_49 = tpu.memref_squeeze %dma_start3A_48 : memref<1x16384xf32, #tpu.memory_space<hbm>> -> memref<16384xf32, #tpu.memory_space<hbm>>
      %dma_start3A_50 = arith.constant 0 : i32
      %dma_start3A_51 = tpu.memref_slice %arg6[%add3A, %dma_start3A_50] : memref<32x16384xf32, #tpu.memory_space<hbm>> -> memref<1x16384xf32, #tpu.memory_space<hbm>>
      %dma_start3A_52 = tpu.memref_squeeze %dma_start3A_51 : memref<1x16384xf32, #tpu.memory_space<hbm>> -> memref<16384xf32, #tpu.memory_space<hbm>>
      tpu.enqueue_dma source(%arg11 : memref<16384xf32, #tpu.memory_space<vmem>>) target(%dma_start3A_52 : memref<16384xf32, #tpu.memory_space<hbm>>) target_semaphore(%run_scoped3A : memref<!tpu.dma_semaphore, #tpu.memory_space<semaphore_mem>>)
      %dma_wait3A_53 = arith.constant 0 : i32
      %dma_wait3A_54 = tpu.memref_slice %arg6[%add3A, %dma_wait3A_53] : memref<32x16384xf32, #tpu.memory_space<hbm>> -> memref<1x16384xf32, #tpu.memory_space<hbm>>
      %dma_wait3A_55 = tpu.memref_squeeze %dma_wait3A_54 : memref<1x16384xf32, #tpu.memory_space<hbm>> -> memref<16384xf32, #tpu.memory_space<hbm>>
      %dma_wait3A_56 = arith.constant 0 : i32
      %dma_wait3A_57 = tpu.memref_slice %arg6[%add3A, %dma_wait3A_56] : memref<32x16384xf32, #tpu.memory_space<hbm>> -> memref<1x16384xf32, #tpu.memory_space<hbm>>
      %dma_wait3A_58 = tpu.memref_squeeze %dma_wait3A_57 : memref<1x16384xf32, #tpu.memory_space<hbm>> -> memref<16384xf32, #tpu.memory_space<hbm>>
      tpu.wait_dma2 semaphore(%run_scoped3A : memref<!tpu.dma_semaphore, #tpu.memory_space<semaphore_mem>>) src(%arg11 : memref<16384xf32, #tpu.memory_space<vmem>>) dst(%dma_wait3A_58 : memref<16384xf32, #tpu.memory_space<hbm>>)
      tpu.yield
    }) : () -> ()
    return
  }
}

module attributes {stable_mosaic.version = 14 : i64} {
  func.func @body(%arg0: memref<32x64x256xf32, #tpu.memory_space<vmem>>, %arg1: memref<32x64x256xf32, #tpu.memory_space<vmem>>, %arg2: memref<64x256xf32, #tpu.memory_space<vmem>>, %arg3: memref<64x256xf32, #tpu.memory_space<vmem>>) attributes {dimension_semantics = [], scalar_prefetch = 0 : i64, scratch_operands = 0 : i64, tpu.core_type = #tpu.core_type<tc>} {
    %get3A = arith.constant 0 : index
    %get3A_0 = arith.constant 0 : index
    %get3A_1 = arith.constant 0 : index
    %get3A_2 = vector.load %arg0[%get3A, %get3A_0, %get3A_1] : memref<32x64x256xf32, #tpu.memory_space<vmem>>, vector<32x64x256xf32>
    %reduce_sum3A = arith.constant dense<0.000000e+00> : vector<64x256xf32>
    %reduce_sum3A_3 = vector.multi_reduction <add>, %get3A_2, %reduce_sum3A [0] : vector<32x64x256xf32> to vector<64x256xf32>
    %get3A_4 = arith.constant 0 : index
    %get3A_5 = arith.constant 0 : index
    %get3A_6 = arith.constant 0 : index
    %get3A_7 = vector.load %arg1[%get3A_4, %get3A_5, %get3A_6] : memref<32x64x256xf32, #tpu.memory_space<vmem>>, vector<32x64x256xf32>
    %reduce_sum3A_8 = arith.constant dense<0.000000e+00> : vector<64x256xf32>
    %reduce_sum3A_9 = vector.multi_reduction <add>, %get3A_7, %reduce_sum3A_8 [0] : vector<32x64x256xf32> to vector<64x256xf32>
    %iota3A = tpu.iota {dimensions = array<i32: 0>} : vector<256x256xi32>
    %iota3A_10 = tpu.iota {dimensions = array<i32: 1>} : vector<256x256xi32>
    %gt3A = arith.cmpi sgt, %iota3A, %iota3A_10 : vector<256x256xi32>
    %convert_element_type3A = arith.extui %gt3A : vector<256x256xi1> to vector<256x256xi32>
    %convert_element_type3A_11 = arith.sitofp %convert_element_type3A : vector<256x256xi32> to vector<256x256xf32>
    %dot_general3A = arith.constant dense<0.000000e+00> : vector<64x256xf32>
    %dot_general3A_12 = tpu.matmul %reduce_sum3A_3, %convert_element_type3A_11, %dot_general3A {dimension_numbers = #tpu.dot_dimension_numbers<[1], [0], [0], [1], [0, 0, 1, 1], [], []>, transpose_lhs_hint = false} : vector<64x256xf32>, vector<256x256xf32>, vector<64x256xf32> -> vector<64x256xf32>
    %swap3A = arith.constant 0 : index
    %swap3A_13 = arith.constant 0 : index
    %swap3A_14 = vector.load %arg2[%swap3A, %swap3A_13] : memref<64x256xf32, #tpu.memory_space<vmem>>, vector<64x256xf32>
    tpu.vector_store %arg2[%swap3A, %swap3A_13], %dot_general3A_12 {strides = array<i32>} : memref<64x256xf32, #tpu.memory_space<vmem>>, vector<64x256xf32>,
    %dot_general3A_15 = arith.constant dense<0.000000e+00> : vector<64x256xf32>
    %dot_general3A_16 = tpu.matmul %reduce_sum3A_9, %convert_element_type3A_11, %dot_general3A_15 {dimension_numbers = #tpu.dot_dimension_numbers<[1], [0], [0], [1], [0, 0, 1, 1], [], []>, transpose_lhs_hint = false} : vector<64x256xf32>, vector<256x256xf32>, vector<64x256xf32> -> vector<64x256xf32>
    %swap3A_17 = arith.constant 0 : index
    %swap3A_18 = arith.constant 0 : index
    %swap3A_19 = vector.load %arg3[%swap3A_17, %swap3A_18] : memref<64x256xf32, #tpu.memory_space<vmem>>, vector<64x256xf32>
    tpu.vector_store %arg3[%swap3A_17, %swap3A_18], %dot_general3A_16 {strides = array<i32>} : memref<64x256xf32, #tpu.memory_space<vmem>>, vector<64x256xf32>,
    return
  }
}

</mosaic_0001>

<sc_bundles>
// kernel: kernel.4.cloned.1.call-start
scs
__scs_entry_jumppad:
0x0: {  	(pc) =	sbr.rel $0x88, $3  }
0x1: {  	(tag) =	ssettag $0x0;
	lr =	simm.s32 $0x1  }
0x2: {  	[smem:$0x3F9E] =	sst lr;
	_ =	strace $0xD0000000  }
0x3: {  	_ = 	snop  }
0x4: {  	_ = 	snop  }
0x5: {  	_ = 	snop  }
0x6: {  	_ = 	snop  }
0x7: {  	_ = 	snop  }
__scs_overlays_trampoline_lowered:
0x8: {  	[smem:$0x3FAD] =	sst s0  }
0x9: {  	[smem:$0x3FAE] =	sst s1  }
0xa: {  	[smem:$0x3FAF] =	sst s2  }
0xb: {  	[smem:$0x3FB0] =	sst s3  }
0xc: {  	[smem:$0x3FB1] =	sst s4  }
0xd: {  	[smem:$0x3FB2] =	sst s5  }
0xe: {  	[smem:$0x3FB3] =	sst s6  }
0xf: {  	[smem:$0x3FB4] =	sst s7  }
0x10: {  	[smem:$0x3FB5] =	sst s8  }
0x11: {  	[smem:$0x3FB6] =	sst s9;
	s0 =	simm.s32 @!p0 $0x0  }
0x12: {  	s1 =	sld [smem:$0x3F9C];
	s0 =	simm.s32 @p0 $0x1  }
0x13: {  	[smem:$0x3FB7] =	sst s0;
	s0 =	simm.s32 @!p1 $0x0  }
0x14: {  	s2 =	sld [smem:$0x3F9B];
	s0 =	simm.s32 @p1 $0x1  }
0x15: {  	[smem:$0x3FB8] =	sst s0;
	s0 =	simm.s32 @!p2 $0x0  }
0x16: {  	s3 =	sld [smem:$0x3FDB];
	s0 =	simm.s32 @p2 $0x1  }
0x17: {  	s4 =	simm.s32 $0x1BF5;
	[smem:$0x3FBA] =	sst s0  }
0x18: {  	s0 =	sld [smem:$0x3F9D];
	_ =	swait.ge [sflag:s4], $0x0  }
0x19: {  	s7 =	sld [smem:$0x3F9E]  }
0x1a: {  	s8 =	sadd.s32 $0xFFFFE003, lr  }
0x1b: {  	s9 =	sadd.s32 $0xFFFFFEF7, lr;
	s5 =	simm.s32 $0xFFFFFFFF;
	p2 =	slt.u32 s8, $0xFFFFF086  }
0x1c: {  	p1 =	slt.u32 s9, $0xF7A;
	s5 =	simm.s32 @!p2 $0x0  }
0x1d: {  	s5 =	simm.s32 @p1 $0x1;
	p0 =	seq.s32 s7, s2  }
0x1e: {  	s7 =	smul.u32 @!p0 $0xF7A, s2;
	p2 =	seq.s32 @!p0 s5, $0x0  }
0x1f: {  	s9 =	smul.u32 $0xF7A, s1;
	s8 =	simm.s32 @!p0 $0x1BF5;
	p2 =	por !p2, p0  }
0x20: {  	[sflag:s8] =	ssyncset.s32 @!p0 $0xFFFFF086;
	s6 =	sadd.s32 @!p0 s3, s7;
	s7 =	simm.s32 @!p0 $0x108  }
0x21: {  	s3 =	sadd.s32 s3, s9;
	s6 =	sadd.s32 @!p0 $0x88, s6;
	s7 =	simm.s32 @p2 $0x1082  }
0x22: {  	[simem:s7], [sflag:s8] =	dma.local @!p0 [hbm:s6], $0xF7A  }
0x23: {  	s9 =	sor.u32 $0xD0000000, s2;
	s6 =	simm.s32 $0x108;
	_ =	swait.ge @!p0 [sflag:s8], $0x0  }
0x24: {  	s3 =	sadd.s32 $0x88, s3;
	s6 =	simm.s32 @!p1 $0x1082;
	[sflag:s4] =	ssyncset.s32 $0xFFFFF086  }
0x25: {  	[simem:s6], [sflag:s4] =	dma.local [hbm:s3], $0xF7A  }
0x26: {  	[smem:$0x3F9E] =	sst s1;
	(tag) =	ssettag s2;
	_ =	strace s9  }
0x27: {  	s1 =	sld [smem:$0x3FAE]  }
0x28: {  	s2 =	sld [smem:$0x3FAF]  }
0x29: {  	s4 =	sld [smem:$0x3FB1]  }
0x2a: {  	p0 =	seq.s32 s5, $0x0;
	s5 =	sld [smem:$0x3FB2]  }
0x2b: {  	s6 =	sld [smem:$0x3FB3]  }
0x2c: {  	s7 =	sld [smem:$0x3FB4]  }
0x2d: {  	s3 =	simm.s32 $0x108;
	s8 =	sld [smem:$0x3FB5]  }
0x2e: {  	s3 =	simm.s32 @!p0 $0x1082;
	s9 =	sld [smem:$0x3FB6]  }
0x2f: {  	lr =	sadd.s32 s0, s3;
	s0 =	sld [smem:$0x3FAD]  }
0x30: {  	s3 =	sld [smem:$0x3FB0]  }
0x31: {  	[smem:$0x3FB9] =	sst s10  }
0x32: {  	s10 =	sld [smem:$0x3FB7];
	_ =	sdelay $0x3  }
0x33: {  	p0 =	seq.s32 s10, $0x1;
	s10 =	sld [smem:$0x3FB9];
	_ =	sdelay $0x3  }
0x34: {  	[smem:$0x3FB9] =	sst s10  }
0x35: {  	s10 =	sld [smem:$0x3FB8];
	_ =	sdelay $0x3  }
0x36: {  	p1 =	seq.s32 s10, $0x1;
	s10 =	sld [smem:$0x3FB9];
	_ =	sdelay $0x3  }
0x37: {  	[smem:$0x3FB9] =	sst s10  }
0x38: {  	s10 =	sld [smem:$0x3FBA]  }
0x39: {  	_ = 	snop;
	(pc) =	sbr.ind lr, $3  }
0x3a: {  	_ = 	snop  }
0x3b: {  	_ = 	snop  }
0x3c: {  	p2 =	seq.s32 s10, $0x1;
	s10 =	sld [smem:$0x3FB9]  }
0x3d: {  	_ =	shalt  }
0x3e: {  	_ =	shalt  }
0x3f: {  	_ =	shalt  }
0x40: {  	_ =	shalt  }
0x41: {  	_ =	shalt  }
0x42: {  	_ =	shalt  }
0x43: {  	_ =	shalt  }
0x44: {  	_ =	shalt  }
0x45: {  	_ =	shalt  }
0x46: {  	_ =	shalt  }
0x47: {  	_ =	shalt  }
0x48: {  	_ =	shalt  }
0x49: {  	_ =	shalt  }
0x4a: {  	_ =	shalt  }
0x4b: {  	_ =	shalt  }
0x4c: {  	_ =	shalt  }
0x4d: {  	_ =	shalt  }
0x4e: {  	_ =	shalt  }
0x4f: {  	_ =	shalt  }
0x50: {  	_ =	shalt  }
0x51: {  	_ =	shalt  }
0x52: {  	_ =	shalt  }
0x53: {  	_ =	shalt  }
0x54: {  	_ =	shalt  }
0x55: {  	_ =	shalt  }
0x56: {  	_ =	shalt  }
0x57: {  	_ =	shalt  }
0x58: {  	_ =	shalt  }
0x59: {  	_ =	shalt  }
0x5a: {  	_ =	shalt  }
0x5b: {  	_ =	shalt  }
0x5c: {  	_ =	shalt  }
0x5d: {  	_ =	shalt  }
0x5e: {  	_ =	shalt  }
0x5f: {  	_ =	shalt  }
0x60: {  	_ =	shalt  }
0x61: {  	_ =	shalt  }
0x62: {  	_ =	shalt  }
0x63: {  	_ =	shalt  }
0x64: {  	_ =	shalt  }
0x65: {  	_ =	shalt  }
0x66: {  	_ =	shalt  }
0x67: {  	_ =	shalt  }
0x68: {  	_ =	shalt  }
0x69: {  	_ =	shalt  }
0x6a: {  	_ =	shalt  }
0x6b: {  	_ =	shalt  }
0x6c: {  	_ =	shalt  }
0x6d: {  	_ =	shalt  }
0x6e: {  	_ =	shalt  }
0x6f: {  	_ =	shalt  }
0x70: {  	_ =	shalt  }
0x71: {  	_ =	shalt  }
0x72: {  	_ =	shalt  }
0x73: {  	_ =	shalt  }
0x74: {  	_ =	shalt  }
0x75: {  	_ =	shalt  }
0x76: {  	_ =	shalt  }
0x77: {  	_ =	shalt  }
0x78: {  	_ =	shalt  }
0x79: {  	_ =	shalt  }
0x7a: {  	_ =	shalt  }
0x7b: {  	_ =	shalt  }
0x7c: {  	_ =	shalt  }
0x7d: {  	_ =	shalt  }
0x7e: {  	_ =	shalt  }
0x7f: {  	_ =	shalt  }
0x80: {  	_ =	shalt  }
0x81: {  	_ =	shalt  }
0x82: {  	_ =	shalt  }
0x83: {  	_ =	shalt  }
0x84: {  	_ =	shalt  }
0x85: {  	_ =	shalt  }
0x86: {  	_ =	shalt  }
0x87: {  	_ =	shalt  }
.Lfunc_end0:
.L_simem_size_0:
called_computation_lowered:
.L_overlay_start_0:
0x88: {  	s2 =	sld [smem:$0x3FD9]  }
0x89: {  	s3 =	sld [smem:$0x3FFE];
	_ =	sdelay $0x1  }
0x8a: {  	s1 =	srdreg.scid  }
0x8b: {  	s0 =	sand.u32 $0x1, s1  }
0x8c: {  	s17 =	sshll.u32 s0, $0xA;
	s2 =	sadd.s32 s3, s2  }
0x8d: {  	s2 =	sadd.s32 s2, s17  }
0x8e: {  	[smem:$0x3FC5] =	sst s2  }
0x8f: {  	_ = 	snop  }
0x90: {  	s2 =	sld [smem:$0x3FC9]  }
0x91: {  	s18 =	sld [smem:$0x3FC8]  }
0x92: {  	s4 =	sld [smem:$0x3FC7];
	(tm) =	ssettm $0x1  }
0x93: {  	s5 =	sld [smem:$0x3FFB];
	_ =	sdelay $0x3  }
0x94: {  	_ =	strace s5  }
0x95: {  	s5 =	sld [smem:$0x3FFC];
	_ =	sdelay $0x3  }
0x96: {  	_ =	strace s5  }
0x97: {  	s5 =	sld [smem:$0x3FFD];
	_ =	sdelay $0x3  }
0x98: {  	_ =	strace s5  }
0x99: {  	_ =	strace $0x8FFFFFFF  }
0x9a: {  	s19 =	sld [smem:$0x3FDB];
	_ =	sdelay $0x1  }
0x9b: {  	s6 =	simm.s32 $_scs_section_size  }
0x9c: {  	s7 =	simm.s32 $_size__tile_overlayer_lowered;
	s8 =	simm.s32 $_tile_overlayer_lowered  }
0x9d: {  	s22 =	simm.s32 $0x1BFF;
	s21 =	sshll.u32 s8, $0x1;
	s5 =	sadd.s32 s6, s19  }
0x9e: {  	s9 =	simm.s32 $0x0;
	s20 =	sshll.u32 s7, $0x1;
	s7 =	sadd.s32 s21, s5  }
0x9f: {  	[timem:s9], [sflag:s22] =	dma.local [hbm:s7], s20  }
0xa0: {  	_ =	swait.ge [sflag:s22], s20  }
0xa1: {  	s6 =	ssub.s32 $0x0, s20;
	[sflag:s22] =	ssyncset.done $0x0  }
0xa2: {  	[sflag:s22] =	ssyncadd.s32 s6;
	_ =	sdelay $0x1  }
0xa3: {  	s23 =	simm.s32 $0x1B8B  }
0xa4: {  	_ =	swait.ge [sflag:s23], $0x1  }
0xa5: {  	[sflag:s23] =	ssyncset.done $0x0  }
0xa6: {  	s25 =	simm.s32 $0x1B8E;
	s24 =	sld [smem:$0x3FFE];
	[sflag:s23] =	ssyncadd.s32 $0xFFFFFFFF  }
0xa7: {  	s26 =	simm.s32 $execute0_lowered;
	[smem:$0x3FD2] =	sst s25  }
0xa8: {  	s7 =	sshll.u32 s26, $0x1;
	_ =	strace $0x80000046;
	[dreg:$0x1] =	wrdreg $0xFFFFFFFF  }
0xa9: {  	s28 =	simm.s32 $_size_execute0_lowered;
	s5 =	sadd.s32 s5, s7;
	[dreg:$0x0] =	wrdreg $0x0  }
0xaa: {  	s7 =	sshll.u32 s28, $0x1;
	[dreg:$0x2] =	wrdreg s5  }
0xab: {  	[dreg:$0x3] =	wrdreg s7  }
0xac: {  	[dreg:$0x4] =	wrdreg $0xC0  }
0xad: {  	_ =	task [dreg:s9], $0x5FFFF  }
0xae: {  	[dreg:$0x1] =	wrdreg $0xFFFFFFFF  }
0xaf: {  	[dreg:$0x0] =	wrdreg $0x60  }
0xb0: {  	[dreg:$0x2] =	wrdreg s2  }
0xb1: {  	[dreg:$0x3] =	wrdreg s18  }
0xb2: {  	[dreg:$0x4] =	wrdreg s4  }
0xb3: {  	[dreg:$0x5] =	wrdreg s24  }
0xb4: {  	[dreg:$0x6] =	wrdreg $0x9  }
0xb5: {  	_ =	task.clear_ibuf [dreg:s9], $0x7FFFF;
	_ =	strace $0x90000046  }
0xb6: {  	s29 =	simm.s32 $0x9;
	_ =	strace $0x80000048  }
0xb7: {  	_ =	swait.ge [sflag:s29], $0x1  }
0xb8: {  	[sflag:s29] =	ssyncadd.s32 $0xFFFFFFFF  }
0xb9: {  	_ =	strace $0x90000048  }
0xba: {  	_ =	sfence  }
0xbb: {  	s30 =	sld [smem:$0x0];
	_ =	sdelay $0x2  }
0xbc: {  	s31 =	sshll.u32 s1, $0xD;
	s1 =	sshrl.u32 s1, $0x2  }
0xbd: {  	s3 =	sand.u32 $0x4000, s31;
	s1 =	sadd.s32 s1, s30  }
0xbe: {  	s0 =	sor.u32 s3, s0;
	s1 =	sshll.u32 s1, $0x11  }
0xbf: {  	s0 =	sor.u32 s1, s0  }
0xc0: {  	s0 =	sadd.s32 $0x8F2B, s0  }
0xc1: {  	[sflag:s0] =	ssyncadd.remote.s32 $0x1  }
0xc2: {  	_ =	sfence.sel $0xFFFF  }
0xc3: {  	[dreg:$0x0] =	wrdreg $0xFFFFFFFF;
	(pc) =	sbr.abs _section_cstart, $3  }
0xc4: {  	[dreg:$0x1] =	wrdreg $0xFFFFFFFF  }
0xc5: {  	_ =	task.clear_ibuf [dreg:s9], $0x2FFFF;
	_ =	strace $0x9FFFFFFF  }
0xc6: {  	(tm) =	ssettm $0x7FFFFFFF  }
0xc7: {  	_ =	shalt  }
tec
execute0_lowered:
.L_overlay_start_1:
0x0: {  	(tag) =	ssettag $0x1  }
0x1: {  	s0 =	rddreg [dreg:$0x0]  }
0x2: {  	s2 =	rddreg [dreg:$0x1]  }
0x3: {  	s1 =	srdreg.scid;
	s4 =	rddreg [dreg:$0x2]  }
0x4: {  	s6 =	stileid.u32;
	s5 =	rddreg [dreg:$0x3]  }
0x5: {  	s8 =	simm.s32 $0x0;
	s29 =	simm.s32 $0x10100;
	s30 =	simm.s32 $0xC200  }
0x6: {  	s28 =	simm.s32 $0x10200;
	s12 =	simm.s32 $0xC400;
	s13 =	simm.s32 $0x10400  }
0x7: {  	s9 =	simm.s32 $0x10600;
	s1 =	sand.u32 $0x1, s1;
	s3 =	sshll.u32 s6, $0x1  }
0x8: {  	s6 =	sshll.u32 s6, $0xC;
	[smem:$0x7FF] =	sst s8;
	s3 =	sor.u32 s1, s3  }
0x9: {  	_ =	strace $0x80000047;
	s1 =	ssub.s32 $0x2, s1;
	s7 =	sshll.u32 s3, $0x4  }
0xa: {  	s20 =	sshrl.u32 s1, $0x1;
	s21 =	sshll.u32 s3, $0xA;
	s3 =	sshll.u32 s3, $0xD  }
0xb: {  	s6 =	sor.u32 s6, s7;
	s1 =	ssub.s32 s1, s20;
	s2 =	sadd.s32 s2, s21  }
0xc: {  	s0 =	sadd.s32 s0, s3;
	s22 =	sadd.s32 s4, s21;
	[dreg:$0x5] =	wrdreg s2  }
0xd: {  	s4 =	simm.s32 $0xC500;
	s7 =	simm.s32 $0xC600;
	[dreg:$0x7] =	wrdreg s22  }
0xe: {  	s6 =	sand.u32 $0xC070, s6;
	s23 =	sadd.s32 $0x100, s0;
	[dreg:$0x6] =	wrdreg s0  }
0xf: {  	s24 =	sadd.s32 $0x200, s0;
	s0 =	sadd.s32 $0x300, s0;
	[dreg:$0x8] =	wrdreg s23  }
.Ltmp0:
0x10: {  	s31 =	smax.u32 s1, $0x1;
	[dreg:$0x9] =	wrdreg s24;
	(pc) =	sbr.rel .LBB2_1-.Ltmp0, $4  }
0x11: {  	s1 =	simm.s32 $0xC300;
	s5 =	sadd.s32 s6, s5;
	[dreg:$0xa] =	wrdreg s0  }
0x12: {  	[dreg:$0xd] =	wrdreg s31;
	s0 =	simm.s32 $0xC700;
	s25 =	sadd.s32 $0xC00, s5  }
0x13: {  	s24 =	simm.s32 $0x0;
	s26 =	sadd.s32 $0x10C00, s5;
	[dreg:$0xb] =	wrdreg s25  }
0x14: {  	v0 =	vimm.f32 $0.0e+00;
	s5 =	simm.s32 $0x10500;
	[dreg:$0xc] =	wrdreg s26;
	s26 =	simm.s32 $0x10300  }
.LBB2_10:
0x15: {  	s23 =	rddreg [dreg:$0xb]  }
0x16: {  	s0 =	simm.s32 $0x80;
	s1 =	simm.s32 $0x400;
	s2 =	simm.s32 $0x4  }
0x17: {  	[hbm4b:s23+s0] =	stream.strided.scatter [tilespmem:s25], [sflag:$0x4], $0x4000, s1, s0, $0x38;
	[tilespmem:$0x14000] =	vst v63  }
0x18: {  	_ =	swait.ge [sflag:s2], $0x4000  }
0x19: {  	[sflag:s2] =	ssyncset.done $0x0  }
0x1a: {  	s24 =	simm.s32 $0x10000;
	s25 =	rddreg [dreg:$0xc];
	[sflag:s2] =	ssyncadd.s32 $0xFFFFC000  }
0x1b: {  	[hbm4b:s25+s0] =	stream.strided.scatter [tilespmem:s24], [sflag:$0x4], $0x4000, s1, s0, $0x38;
	[tilespmem:$0x14000] =	vst v63  }
0x1c: {  	_ =	swait.ge [sflag:s2], $0x4000  }
0x1d: {  	s26 =	rddreg [dreg:$0xe]  }
0x1e: {  	s31 =	rddreg [dreg:$0xd];
	s24 =	sadd.s32 $0x1, s26  }
0x1f: {  	p0 =	sne.s32 s24, s31  }
.Ltmp1:
0x20: {  	s29 =	simm.s32 $0x10100;
	s30 =	simm.s32 $0xC200;
	(pc) =	sbr.rel @!p0 .LBB2_11-.Ltmp1, $4  }
0x21: {  	s28 =	simm.s32 $0x10200;
	s12 =	simm.s32 $0xC400;
	s13 =	simm.s32 $0x10400  }
0x22: {  	s4 =	simm.s32 $0xC500;
	s5 =	simm.s32 $0x10500;
	s7 =	simm.s32 $0xC600  }
0x23: {  	s9 =	simm.s32 $0x10600;
	s1 =	simm.s32 $0xC300;
	[sflag:s2] =	ssyncset.done $0x0  }
0x24: {  	s0 =	simm.s32 $0xC700;
	[sflag:s2] =	ssyncadd.s32 $0xFFFFC000;
	s26 =	simm.s32 $0x10300  }
.LBB2_1:
0x25: {  	[dreg:$0xe] =	wrdreg s24  }
0x26: {  	s23 =	simm.s32 $0x0;
	s18 =	rddreg [dreg:$0x5];
	s25 =	simm.s32 $0x8000  }
0x27: {  	[tilespmem:s25], [sflag:$0x3] =	stream.linear.gather [hbm4b:s18+s23], $0x2000, $0x38;
	[tilespmem:$0x14000] =	vst v63  }
0x28: {  	s19 =	rddreg [dreg:$0x7];
	s20 =	simm.s32 $0xA000  }
0x29: {  	[tilespmem:s20], [sflag:$0x3] =	stream.linear.gather [hbm4b:s19+s23], $0x2000, $0x38;
	[tilespmem:$0x14000] =	vst v63  }
0x2a: {  	s21 =	rddreg [dreg:$0x6];
	s22 =	simm.s32 $0x800;
	s2 =	simm.s32 $0x200000  }
0x2b: {  	[tilespmem:s23], [sflag:$0x1] =	stream.strided.gather [hbm4b:s21+s22], $0x4000, s2, s22, $0x38;
	[tilespmem:$0x14000] =	vst v63  }
0x2c: {  	s24 =	rddreg [dreg:$0x8];
	s31 =	simm.s32 $0x4000  }
0x2d: {  	[tilespmem:s31], [sflag:$0x2] =	stream.strided.gather [hbm4b:s24+s22], $0x4000, s2, s22, $0x38;
	[tilespmem:$0x14000] =	vst v63  }
0x2e: {  	s23 =	simm.s32 $0x40;
	s24 =	simm.s32 $0x0  }
.LBB2_2:
0x2f: {  	p0 =	sne.s32 s23, $0xFFC0;
	[tilespmem:s24+$0xC000] =	vst v0;
	s25 =	smov.u32 s23;
	s23 =	sadd.s32 $0x40, s23  }
.Ltmp2:
0x30: {  	[tilespmem:s24+$0x10000] =	vst v0;
	(pc) =	sbr.rel @p0 .LBB2_2-.Ltmp2, $2  }
0x31: {  	_ =	sdelay $0x2  }
0x32: {  	s24 =	sshra.s32 s25, $0x2  }
0x33: {  	[tilespmem:s24+$0xC000] =	vst v0  }
0x34: {  	[tilespmem:s24+$0x10000] =	vst v0;
	s23 =	simm.s32 $0x3  }
0x35: {  	_ =	swait.ge [sflag:s23], $0x2000  }
0x36: {  	[sflag:s23] =	ssyncset.done $0x0  }
0x37: {  	[sflag:s23] =	ssyncadd.s32 $0xFFFFE000  }
0x38: {  	_ =	swait.ge [sflag:s23], $0x2000  }
0x39: {  	[sflag:s23] =	ssyncset.done $0x0  }
0x3a: {  	s24 =	simm.s32 $0x0;
	[sflag:s23] =	ssyncadd.s32 $0xFFFFE000  }
.LBB2_4:
0x3b: {  	s23 =	simm.s32 $0x1  }
0x3c: {  	s31 =	sshll.u32 s24, $0x9;
	_ =	swait.ge [sflag:s23], $0x4000  }
0x3d: {  	p0 =	por $0x1, $0x1;
	[dreg:$0xf] =	wrdreg s24;
	[sflag:s23] =	ssyncset.done $0x0  }
0x3e: {  	[dreg:$0x10] =	wrdreg s31;
	s24 =	simm.s32 $0x0;
	[sflag:s23] =	ssyncadd.s32 $0xFFFFC000  }
.LBB2_5:
0x3f: {  	s23 =	sshll.u32 s24, $0x7  }
0x40: {  	s23 =	sand.u32 $0x3FFFFF80, s23  }
0x41: {  	v1 =	vld [tilespmem:s23+$0x0]  }
0x42: {  	s20 =	sshll.u32 s24, $0x4;
	s25 =	rddreg [dreg:$0x10]  }
0x43: {  	s24 =	sor.u32 s25, s20  }
0x44: {  	v3 =	vld [tilespmem:s24+$0x8000]  }
0x45: {  	v4 =	vld [tilespmem:s24+$0xA000];
	_ =	sdelay $0x2  }
0x46: {  	s14 =	simm.s32 $0xC000  }
0x47: {  	s11 =	simm.s32 $0x10000;
	[tilespmem:v1+s14+$0x0] =	vst.idx.add.f32.msk $0xffff, v3  }
0x48: {  	[tilespmem:v1+s11+$0x0] =	vst.idx.add.f32.msk $0xffff, v4  }
0x49: {  	v1 =	vld [tilespmem:s23+$0x80];
	_ =	sdelay $0x6  }
0x4a: {  	s2 =	simm.s32 $0xC100  }
0x4b: {  	[tilespmem:v1+s2+$0x0] =	vst.idx.add.f32.msk $0xffff, v3  }
0x4c: {  	[tilespmem:v1+s29+$0x0] =	vst.idx.add.f32.msk $0xffff, v4  }
0x4d: {  	v1 =	vld [tilespmem:s23+$0x100];
	_ =	sdelay $0x7  }
0x4e: {  	[tilespmem:v1+s30+$0x0] =	vst.idx.add.f32.msk $0xffff, v3  }
0x4f: {  	[tilespmem:v1+s28+$0x0] =	vst.idx.add.f32.msk $0xffff, v4  }
0x50: {  	v1 =	vld [tilespmem:s23+$0x180];
	_ =	sdelay $0x7  }
0x51: {  	[tilespmem:v1+s1+$0x0] =	vst.idx.add.f32.msk $0xffff, v3  }
0x52: {  	[tilespmem:v1+s26+$0x0] =	vst.idx.add.f32.msk $0xffff, v4  }
0x53: {  	v1 =	vld [tilespmem:s23+$0x200];
	_ =	sdelay $0x7  }
0x54: {  	[tilespmem:v1+s12+$0x0] =	vst.idx.add.f32.msk $0xffff, v3  }
0x55: {  	[tilespmem:v1+s13+$0x0] =	vst.idx.add.f32.msk $0xffff, v4  }
0x56: {  	v1 =	vld [tilespmem:s23+$0x280];
	_ =	sdelay $0x7  }
0x57: {  	[tilespmem:v1+s4+$0x0] =	vst.idx.add.f32.msk $0xffff, v3  }
0x58: {  	[tilespmem:v1+s5+$0x0] =	vst.idx.add.f32.msk $0xffff, v4  }
0x59: {  	v1 =	vld [tilespmem:s23+$0x300];
	_ =	sdelay $0x7  }
0x5a: {  	[tilespmem:v1+s7+$0x0] =	vst.idx.add.f32.msk $0xffff, v3  }
0x5b: {  	[tilespmem:v1+s9+$0x0] =	vst.idx.add.f32.msk $0xffff, v4  }
0x5c: {  	v1 =	vld [tilespmem:s23+$0x380];
	_ =	sdelay $0x7  }
0x5d: {  	s4 =	simm.s32 $0x10700;
	[tilespmem:v1+s0+$0x0] =	vst.idx.add.f32.msk $0xffff, v3  }
0x5e: {  	[tilespmem:v1+s4+$0x0] =	vst.idx.add.f32.msk $0xffff, v4  }
0x5f: {  	v1 =	vld [tilespmem:s23+$0x800];
	_ =	sdelay $0x6  }
0x60: {  	s16 =	simm.s32 $0xC800  }
0x61: {  	s17 =	simm.s32 $0x10800;
	[tilespmem:v1+s16+$0x0] =	vst.idx.add.f32.msk $0xffff, v3  }
0x62: {  	[tilespmem:v1+s17+$0x0] =	vst.idx.add.f32.msk $0xffff, v4  }
0x63: {  	v1 =	vld [tilespmem:s23+$0x880];
	_ =	sdelay $0x6  }
0x64: {  	s0 =	simm.s32 $0xC900  }
0x65: {  	s2 =	simm.s32 $0x10900;
	[tilespmem:v1+s0+$0x0] =	vst.idx.add.f32.msk $0xffff, v3  }
0x66: {  	[tilespmem:v1+s2+$0x0] =	vst.idx.add.f32.msk $0xffff, v4  }
0x67: {  	v1 =	vld [tilespmem:s23+$0x900];
	_ =	sdelay $0x6  }
0x68: {  	s15 =	simm.s32 $0xCA00  }
0x69: {  	s8 =	simm.s32 $0x10A00;
	[tilespmem:v1+s15+$0x0] =	vst.idx.add.f32.msk $0xffff, v3  }
0x6a: {  	[tilespmem:v1+s8+$0x0] =	vst.idx.add.f32.msk $0xffff, v4  }
0x6b: {  	v1 =	vld [tilespmem:s23+$0x980];
	_ =	sdelay $0x6  }
0x6c: {  	s19 =	simm.s32 $0xCB00  }
0x6d: {  	s20 =	simm.s32 $0x10B00;
	[tilespmem:v1+s19+$0x0] =	vst.idx.add.f32.msk $0xffff, v3  }
0x6e: {  	[tilespmem:v1+s20+$0x0] =	vst.idx.add.f32.msk $0xffff, v4  }
0x6f: {  	v1 =	vld [tilespmem:s23+$0xA00];
	_ =	sdelay $0x6  }
0x70: {  	s28 =	simm.s32 $0xCC00  }
0x71: {  	s29 =	simm.s32 $0x10C00;
	[tilespmem:v1+s28+$0x0] =	vst.idx.add.f32.msk $0xffff, v3  }
0x72: {  	[tilespmem:v1+s29+$0x0] =	vst.idx.add.f32.msk $0xffff, v4  }
0x73: {  	v1 =	vld [tilespmem:s23+$0xA80];
	_ =	sdelay $0x6  }
0x74: {  	s21 =	simm.s32 $0xCD00  }
0x75: {  	s22 =	simm.s32 $0x10D00;
	[tilespmem:v1+s21+$0x0] =	vst.idx.add.f32.msk $0xffff, v3  }
0x76: {  	[tilespmem:v1+s22+$0x0] =	vst.idx.add.f32.msk $0xffff, v4  }
0x77: {  	v1 =	vld [tilespmem:s23+$0xB00];
	_ =	sdelay $0x6  }
0x78: {  	s25 =	simm.s32 $0xCE00  }
0x79: {  	s26 =	simm.s32 $0x10E00;
	[tilespmem:v1+s25+$0x0] =	vst.idx.add.f32.msk $0xffff, v3  }
0x7a: {  	[tilespmem:v1+s26+$0x0] =	vst.idx.add.f32.msk $0xffff, v4  }
0x7b: {  	v1 =	vld [tilespmem:s23+$0xB80];
	_ =	sdelay $0x6  }
0x7c: {  	s31 =	simm.s32 $0xCF00  }
0x7d: {  	s5 =	simm.s32 $0x10F00;
	[tilespmem:v1+s31+$0x0] =	vst.idx.add.f32.msk $0xffff, v3  }
0x7e: {  	[tilespmem:v1+s5+$0x0] =	vst.idx.add.f32.msk $0xffff, v4  }
0x7f: {  	v1 =	vld [tilespmem:s23+$0x1000];
	_ =	sdelay $0x6  }
0x80: {  	s12 =	simm.s32 $0xD000  }
0x81: {  	s13 =	simm.s32 $0x11000;
	[tilespmem:v1+s12+$0x0] =	vst.idx.add.f32.msk $0xffff, v3  }
0x82: {  	[tilespmem:v1+s13+$0x0] =	vst.idx.add.f32.msk $0xffff, v4  }
0x83: {  	v1 =	vld [tilespmem:s23+$0x10];
	_ =	sdelay $0x2  }
0x84: {  	v5 =	vld [tilespmem:s24+$0x8010]  }
0x85: {  	v6 =	vld [tilespmem:s24+$0xA010];
	_ =	sdelay $0x3  }
0x86: {  	[tilespmem:v1+s14+$0x0] =	vst.idx.add.f32.msk $0xffff, v5  }
0x87: {  	[tilespmem:v1+s11+$0x0] =	vst.idx.add.f32.msk $0xffff, v6  }
0x88: {  	v1 =	vld [tilespmem:s23+$0x90];
	_ =	sdelay $0x6  }
0x89: {  	s3 =	simm.s32 $0xC100  }
0x8a: {  	s26 =	simm.s32 $0x10100;
	[tilespmem:v1+s3+$0x0] =	vst.idx.add.f32.msk $0xffff, v5  }
0x8b: {  	[tilespmem:v1+s26+$0x0] =	vst.idx.add.f32.msk $0xffff, v6  }
0x8c: {  	v1 =	vld [tilespmem:s23+$0x110];
	_ =	sdelay $0x6  }
0x8d: {  	s31 =	simm.s32 $0xC200  }
0x8e: {  	s1 =	simm.s32 $0x10200;
	[tilespmem:v1+s31+$0x0] =	vst.idx.add.f32.msk $0xffff, v5  }
0x8f: {  	[tilespmem:v1+s1+$0x0] =	vst.idx.add.f32.msk $0xffff, v6  }
0x90: {  	v1 =	vld [tilespmem:s23+$0x190];
	_ =	sdelay $0x6  }
0x91: {  	s26 =	simm.s32 $0xC300  }
0x92: {  	s5 =	simm.s32 $0x10300;
	[tilespmem:v1+s26+$0x0] =	vst.idx.add.f32.msk $0xffff, v5  }
0x93: {  	[tilespmem:v1+s5+$0x0] =	vst.idx.add.f32.msk $0xffff, v6  }
0x94: {  	v1 =	vld [tilespmem:s23+$0x210];
	_ =	sdelay $0x6  }
0x95: {  	s1 =	simm.s32 $0xC400  }
0x96: {  	[tilespmem:v1+s1+$0x0] =	vst.idx.add.f32.msk $0xffff, v5;
	s1 =	simm.s32 $0x10400  }
0x97: {  	[tilespmem:v1+s1+$0x0] =	vst.idx.add.f32.msk $0xffff, v6  }
0x98: {  	v1 =	vld [tilespmem:s23+$0x290];
	_ =	sdelay $0x6  }
0x99: {  	s13 =	simm.s32 $0xC500  }
0x9a: {  	s12 =	simm.s32 $0x10500;
	[tilespmem:v1+s13+$0x0] =	vst.idx.add.f32.msk $0xffff, v5  }
0x9b: {  	[tilespmem:v1+s12+$0x0] =	vst.idx.add.f32.msk $0xffff, v6  }
0x9c: {  	v1 =	vld [tilespmem:s23+$0x310];
	_ =	sdelay $0x6  }
0x9d: {  	s9 =	simm.s32 $0xC600  }
0x9e: {  	s10 =	simm.s32 $0x10600;
	[tilespmem:v1+s9+$0x0] =	vst.idx.add.f32.msk $0xffff, v5  }
0x9f: {  	[tilespmem:v1+s10+$0x0] =	vst.idx.add.f32.msk $0xffff, v6  }
0xa0: {  	v1 =	vld [tilespmem:s23+$0x390];
	_ =	sdelay $0x6  }
0xa1: {  	s10 =	simm.s32 $0xC700  }
0xa2: {  	[tilespmem:v1+s10+$0x0] =	vst.idx.add.f32.msk $0xffff, v5  }
0xa3: {  	[tilespmem:v1+s4+$0x0] =	vst.idx.add.f32.msk $0xffff, v6  }
0xa4: {  	v1 =	vld [tilespmem:s23+$0x810];
	_ =	sdelay $0x7  }
0xa5: {  	[tilespmem:v1+s16+$0x0] =	vst.idx.add.f32.msk $0xffff, v5  }
0xa6: {  	[tilespmem:v1+s17+$0x0] =	vst.idx.add.f32.msk $0xffff, v6  }
0xa7: {  	v1 =	vld [tilespmem:s23+$0x890];
	_ =	sdelay $0x6  }
0xa8: {  	v8 =	vld [tilespmem:s23+$0x20]  }
0xa9: {  	[tilespmem:v1+s0+$0x0] =	vst.idx.add.f32.msk $0xffff, v5  }
0xaa: {  	[tilespmem:v1+s2+$0x0] =	vst.idx.add.f32.msk $0xffff, v6  }
0xab: {  	v1 =	vld [tilespmem:s24+$0x8020]  }
0xac: {  	v7 =	vld [tilespmem:s23+$0x910]  }
0xad: {  	v2 =	vld [tilespmem:s24+$0xA020];
	_ =	sdelay $0x3  }
0xae: {  	[tilespmem:v8+s14+$0x0] =	vst.idx.add.f32.msk $0xffff, v1  }
0xaf: {  	[tilespmem:v8+s11+$0x0] =	vst.idx.add.f32.msk $0xffff, v2  }
0xb0: {  	v8 =	vld [tilespmem:s23+$0xA0]  }
0xb1: {  	[tilespmem:v7+s15+$0x0] =	vst.idx.add.f32.msk $0xffff, v5  }
0xb2: {  	[tilespmem:v7+s8+$0x0] =	vst.idx.add.f32.msk $0xffff, v6  }
0xb3: {  	v7 =	vld [tilespmem:s23+$0x990];
	_ =	sdelay $0x4  }
0xb4: {  	s4 =	simm.s32 $0x10100;
	[tilespmem:v8+s3+$0x0] =	vst.idx.add.f32.msk $0xffff, v1  }
0xb5: {  	[tilespmem:v8+s4+$0x0] =	vst.idx.add.f32.msk $0xffff, v2  }
0xb6: {  	v8 =	vld [tilespmem:s23+$0x120]  }
0xb7: {  	[tilespmem:v7+s19+$0x0] =	vst.idx.add.f32.msk $0xffff, v5  }
0xb8: {  	[tilespmem:v7+s20+$0x0] =	vst.idx.add.f32.msk $0xffff, v6  }
0xb9: {  	v7 =	vld [tilespmem:s23+$0xA10];
	_ =	sdelay $0x4  }
0xba: {  	s5 =	simm.s32 $0x10200;
	[tilespmem:v8+s31+$0x0] =	vst.idx.add.f32.msk $0xffff, v1  }
0xbb: {  	[tilespmem:v8+s5+$0x0] =	vst.idx.add.f32.msk $0xffff, v2  }
0xbc: {  	v8 =	vld [tilespmem:s23+$0x1A0]  }
0xbd: {  	[tilespmem:v7+s28+$0x0] =	vst.idx.add.f32.msk $0xffff, v5  }
0xbe: {  	[tilespmem:v7+s29+$0x0] =	vst.idx.add.f32.msk $0xffff, v6  }
0xbf: {  	v7 =	vld [tilespmem:s23+$0xA90];
	_ =	sdelay $0x6  }
0xc0: {  	s7 =	simm.s32 $0xCD00;
	[tilespmem:v8+s26+$0x0] =	vst.idx.add.f32.msk $0xffff, v1  }
0xc1: {  	s6 =	simm.s32 $0x10D00;
	[tilespmem:v7+s7+$0x0] =	vst.idx.add.f32.msk $0xffff, v5  }
0xc2: {  	[tilespmem:v7+s6+$0x0] =	vst.idx.add.f32.msk $0xffff, v6  }
0xc3: {  	s6 =	simm.s32 $0x10300;
	v7 =	vld [tilespmem:s23+$0xB10]  }
0xc4: {  	[tilespmem:v8+s6+$0x0] =	vst.idx.add.f32.msk $0xffff, v2  }
0xc5: {  	v8 =	vld [tilespmem:s23+$0x220];
	_ =	sdelay $0x4  }
0xc6: {  	s21 =	simm.s32 $0xCE00  }
0xc7: {  	s18 =	simm.s32 $0x10E00;
	[tilespmem:v7+s21+$0x0] =	vst.idx.add.f32.msk $0xffff, v5  }
0xc8: {  	s7 =	simm.s32 $0xC400;
	[tilespmem:v7+s18+$0x0] =	vst.idx.add.f32.msk $0xffff, v6  }
0xc9: {  	[tilespmem:v8+s7+$0x0] =	vst.idx.add.f32.msk $0xffff, v1  }
0xca: {  	v7 =	vld [tilespmem:s23+$0xB90]  }
0xcb: {  	[tilespmem:v8+s1+$0x0] =	vst.idx.add.f32.msk $0xffff, v2  }
0xcc: {  	v8 =	vld [tilespmem:s23+$0x2A0];
	_ =	sdelay $0x4  }
0xcd: {  	s25 =	simm.s32 $0xCF00  }
0xce: {  	s22 =	simm.s32 $0x10F00;
	[tilespmem:v7+s25+$0x0] =	vst.idx.add.f32.msk $0xffff, v5  }
0xcf: {  	s11 =	simm.s32 $0xC500;
	[tilespmem:v7+s22+$0x0] =	vst.idx.add.f32.msk $0xffff, v6  }
0xd0: {  	[tilespmem:v8+s11+$0x0] =	vst.idx.add.f32.msk $0xffff, v1  }
0xd1: {  	s12 =	simm.s32 $0x10500;
	v7 =	vld [tilespmem:s23+$0x1010]  }
0xd2: {  	[tilespmem:v8+s12+$0x0] =	vst.idx.add.f32.msk $0xffff, v2  }
0xd3: {  	v8 =	vld [tilespmem:s23+$0x320];
	_ =	sdelay $0x4  }
0xd4: {  	v9 =	vld [tilespmem:s23+$0x1080];
	s13 =	simm.s32 $0xD000  }
0xd5: {  	s30 =	simm.s32 $0x11000;
	[tilespmem:v7+s13+$0x0] =	vst.idx.add.f32.msk $0xffff, v5  }
0xd6: {  	[tilespmem:v7+s30+$0x0] =	vst.idx.add.f32.msk $0xffff, v6  }
0xd7: {  	[tilespmem:v8+s9+$0x0] =	vst.idx.add.f32.msk $0xffff, v1  }
0xd8: {  	s16 =	simm.s32 $0x10600;
	v7 =	vld [tilespmem:s23+$0x1090]  }
0xd9: {  	[tilespmem:v8+s16+$0x0] =	vst.idx.add.f32.msk $0xffff, v2  }
0xda: {  	v8 =	vld [tilespmem:s23+$0x3A0];
	_ =	sdelay $0x1  }
0xdb: {  	s18 =	simm.s32 $0xD100  }
0xdc: {  	s21 =	simm.s32 $0x11100;
	[tilespmem:v9+s18+$0x0] =	vst.idx.add.f32.msk $0xffff, v3  }
0xdd: {  	[tilespmem:v9+s21+$0x0] =	vst.idx.add.f32.msk $0xffff, v4  }
0xde: {  	v9 =	vld [tilespmem:s23+$0x1100]  }
0xdf: {  	[tilespmem:v7+s18+$0x0] =	vst.idx.add.f32.msk $0xffff, v5  }
0xe0: {  	[tilespmem:v7+s21+$0x0] =	vst.idx.add.f32.msk $0xffff, v6  }
0xe1: {  	[tilespmem:v8+s10+$0x0] =	vst.idx.add.f32.msk $0xffff, v1  }
0xe2: {  	s22 =	simm.s32 $0x10700;
	v7 =	vld [tilespmem:s23+$0x1110]  }
0xe3: {  	[tilespmem:v8+s22+$0x0] =	vst.idx.add.f32.msk $0xffff, v2  }
0xe4: {  	v8 =	vld [tilespmem:s23+$0x820];
	_ =	sdelay $0x1  }
0xe5: {  	s26 =	simm.s32 $0xD200  }
0xe6: {  	s0 =	simm.s32 $0x11200;
	[tilespmem:v9+s26+$0x0] =	vst.idx.add.f32.msk $0xffff, v3  }
0xe7: {  	[tilespmem:v9+s0+$0x0] =	vst.idx.add.f32.msk $0xffff, v4  }
0xe8: {  	v9 =	vld [tilespmem:s23+$0x1180]  }
0xe9: {  	[tilespmem:v7+s26+$0x0] =	vst.idx.add.f32.msk $0xffff, v5  }
0xea: {  	s5 =	simm.s32 $0xC800;
	[tilespmem:v7+s0+$0x0] =	vst.idx.add.f32.msk $0xffff, v6  }
0xeb: {  	[tilespmem:v8+s5+$0x0] =	vst.idx.add.f32.msk $0xffff, v1  }
0xec: {  	s6 =	simm.s32 $0x10800;
	v7 =	vld [tilespmem:s23+$0x1190]  }
0xed: {  	[tilespmem:v8+s6+$0x0] =	vst.idx.add.f32.msk $0xffff, v2  }
0xee: {  	v8 =	vld [tilespmem:s23+$0x8A0];
	_ =	sdelay $0x1  }
0xef: {  	s7 =	simm.s32 $0xD300  }
0xf0: {  	s9 =	simm.s32 $0x11300;
	[tilespmem:v9+s7+$0x0] =	vst.idx.add.f32.msk $0xffff, v3  }
0xf1: {  	[tilespmem:v9+s9+$0x0] =	vst.idx.add.f32.msk $0xffff, v4  }
0xf2: {  	v9 =	vld [tilespmem:s23+$0x1200]  }
0xf3: {  	[tilespmem:v7+s7+$0x0] =	vst.idx.add.f32.msk $0xffff, v5  }
0xf4: {  	s12 =	simm.s32 $0xC900;
	[tilespmem:v7+s9+$0x0] =	vst.idx.add.f32.msk $0xffff, v6  }
0xf5: {  	[tilespmem:v8+s12+$0x0] =	vst.idx.add.f32.msk $0xffff, v1  }
0xf6: {  	s10 =	simm.s32 $0x10900;
	v7 =	vld [tilespmem:s23+$0x1210]  }
0xf7: {  	[tilespmem:v8+s10+$0x0] =	vst.idx.add.f32.msk $0xffff, v2  }
0xf8: {  	v8 =	vld [tilespmem:s23+$0x920];
	_ =	sdelay $0x1  }
0xf9: {  	s11 =	simm.s32 $0xD400  }
0xfa: {  	s13 =	simm.s32 $0x11400;
	[tilespmem:v9+s11+$0x0] =	vst.idx.add.f32.msk $0xffff, v3  }
0xfb: {  	[tilespmem:v9+s13+$0x0] =	vst.idx.add.f32.msk $0xffff, v4  }
0xfc: {  	v9 =	vld [tilespmem:s23+$0x1280]  }
0xfd: {  	[tilespmem:v7+s11+$0x0] =	vst.idx.add.f32.msk $0xffff, v5  }
0xfe: {  	[tilespmem:v7+s13+$0x0] =	vst.idx.add.f32.msk $0xffff, v6  }
0xff: {  	[tilespmem:v8+s15+$0x0] =	vst.idx.add.f32.msk $0xffff, v1  }
0x100: {  	v7 =	vld [tilespmem:s23+$0x1290]  }
0x101: {  	[tilespmem:v8+s8+$0x0] =	vst.idx.add.f32.msk $0xffff, v2  }
0x102: {  	v8 =	vld [tilespmem:s23+$0x9A0];
	_ =	sdelay $0x1  }
0x103: {  	s16 =	simm.s32 $0xD500  }
0x104: {  	s18 =	simm.s32 $0x11500;
	[tilespmem:v9+s16+$0x0] =	vst.idx.add.f32.msk $0xffff, v3  }
0x105: {  	[tilespmem:v9+s18+$0x0] =	vst.idx.add.f32.msk $0xffff, v4  }
0x106: {  	v9 =	vld [tilespmem:s23+$0x1300]  }
0x107: {  	[tilespmem:v7+s16+$0x0] =	vst.idx.add.f32.msk $0xffff, v5  }
0x108: {  	[tilespmem:v7+s18+$0x0] =	vst.idx.add.f32.msk $0xffff, v6  }
0x109: {  	[tilespmem:v8+s19+$0x0] =	vst.idx.add.f32.msk $0xffff, v1  }
0x10a: {  	v7 =	vld [tilespmem:s23+$0x1310]  }
0x10b: {  	[tilespmem:v8+s20+$0x0] =	vst.idx.add.f32.msk $0xffff, v2  }
0x10c: {  	v8 =	vld [tilespmem:s23+$0xA20];
	_ =	sdelay $0x1  }
0x10d: {  	s20 =	simm.s32 $0xD600  }
0x10e: {  	s21 =	simm.s32 $0x11600;
	[tilespmem:v9+s20+$0x0] =	vst.idx.add.f32.msk $0xffff, v3  }
0x10f: {  	[tilespmem:v9+s21+$0x0] =	vst.idx.add.f32.msk $0xffff, v4  }
0x110: {  	v9 =	vld [tilespmem:s23+$0x1380]  }
0x111: {  	[tilespmem:v7+s20+$0x0] =	vst.idx.add.f32.msk $0xffff, v5  }
0x112: {  	[tilespmem:v7+s21+$0x0] =	vst.idx.add.f32.msk $0xffff, v6  }
0x113: {  	[tilespmem:v8+s28+$0x0] =	vst.idx.add.f32.msk $0xffff, v1  }
0x114: {  	v7 =	vld [tilespmem:s23+$0x1390]  }
0x115: {  	[tilespmem:v8+s29+$0x0] =	vst.idx.add.f32.msk $0xffff, v2  }
0x116: {  	v8 =	vld [tilespmem:s23+$0xAA0];
	_ =	sdelay $0x1  }
0x117: {  	s22 =	simm.s32 $0xD700  }
0x118: {  	s0 =	simm.s32 $0x11700;
	[tilespmem:v9+s22+$0x0] =	vst.idx.add.f32.msk $0xffff, v3  }
0x119: {  	[tilespmem:v9+s0+$0x0] =	vst.idx.add.f32.msk $0xffff, v4  }
0x11a: {  	v9 =	vld [tilespmem:s23+$0x1800]  }
0x11b: {  	[tilespmem:v7+s22+$0x0] =	vst.idx.add.f32.msk $0xffff, v5  }
0x11c: {  	s31 =	simm.s32 $0xCD00;
	[tilespmem:v7+s0+$0x0] =	vst.idx.add.f32.msk $0xffff, v6  }
0x11d: {  	[tilespmem:v8+s31+$0x0] =	vst.idx.add.f32.msk $0xffff, v1  }
0x11e: {  	s17 =	simm.s32 $0x10D00;
	v7 =	vld [tilespmem:s23+$0x1810]  }
0x11f: {  	[tilespmem:v8+s17+$0x0] =	vst.idx.add.f32.msk $0xffff, v2  }
0x120: {  	v8 =	vld [tilespmem:s23+$0xB20];
	_ =	sdelay $0x1  }
0x121: {  	s4 =	simm.s32 $0xD800  }
0x122: {  	s6 =	simm.s32 $0x11800;
	[tilespmem:v9+s4+$0x0] =	vst.idx.add.f32.msk $0xffff, v3  }
0x123: {  	[tilespmem:v9+s6+$0x0] =	vst.idx.add.f32.msk $0xffff, v4  }
0x124: {  	v9 =	vld [tilespmem:s23+$0x1880]  }
0x125: {  	[tilespmem:v7+s4+$0x0] =	vst.idx.add.f32.msk $0xffff, v5  }
0x126: {  	s14 =	simm.s32 $0xCE00;
	[tilespmem:v7+s6+$0x0] =	vst.idx.add.f32.msk $0xffff, v6  }
0x127: {  	[tilespmem:v8+s14+$0x0] =	vst.idx.add.f32.msk $0xffff, v1  }
0x128: {  	s2 =	simm.s32 $0x10E00;
	v7 =	vld [tilespmem:s23+$0x1890]  }
0x129: {  	[tilespmem:v8+s2+$0x0] =	vst.idx.add.f32.msk $0xffff, v2  }
0x12a: {  	v8 =	vld [tilespmem:s23+$0xBA0];
	_ =	sdelay $0x1  }
0x12b: {  	s16 =	simm.s32 $0xD900  }
0x12c: {  	s17 =	simm.s32 $0x11900;
	[tilespmem:v9+s16+$0x0] =	vst.idx.add.f32.msk $0xffff, v3  }
0x12d: {  	[tilespmem:v9+s17+$0x0] =	vst.idx.add.f32.msk $0xffff, v4  }
0x12e: {  	v9 =	vld [tilespmem:s23+$0x1900]  }
0x12f: {  	[tilespmem:v7+s16+$0x0] =	vst.idx.add.f32.msk $0xffff, v5  }
0x130: {  	s1 =	simm.s32 $0xCF00;
	[tilespmem:v7+s17+$0x0] =	vst.idx.add.f32.msk $0xffff, v6  }
0x131: {  	[tilespmem:v8+s1+$0x0] =	vst.idx.add.f32.msk $0xffff, v1  }
0x132: {  	s3 =	simm.s32 $0x10F00;
	v7 =	vld [tilespmem:s23+$0x1910]  }
0x133: {  	[tilespmem:v8+s3+$0x0] =	vst.idx.add.f32.msk $0xffff, v2  }
0x134: {  	v8 =	vld [tilespmem:s23+$0x1020];
	_ =	sdelay $0x1  }
0x135: {  	s31 =	simm.s32 $0xDA00  }
0x136: {  	s1 =	simm.s32 $0x11A00;
	[tilespmem:v9+s31+$0x0] =	vst.idx.add.f32.msk $0xffff, v3  }
0x137: {  	[tilespmem:v9+s1+$0x0] =	vst.idx.add.f32.msk $0xffff, v4  }
0x138: {  	v9 =	vld [tilespmem:s23+$0x1980]  }
0x139: {  	[tilespmem:v7+s31+$0x0] =	vst.idx.add.f32.msk $0xffff, v5  }
0x13a: {  	s2 =	simm.s32 $0xD000;
	[tilespmem:v7+s1+$0x0] =	vst.idx.add.f32.msk $0xffff, v6  }
0x13b: {  	[tilespmem:v8+s2+$0x0] =	vst.idx.add.f32.msk $0xffff, v1  }
0x13c: {  	s3 =	simm.s32 $0x11000;
	v7 =	vld [tilespmem:s23+$0x1990]  }
0x13d: {  	[tilespmem:v8+s3+$0x0] =	vst.idx.add.f32.msk $0xffff, v2  }
0x13e: {  	v8 =	vld [tilespmem:s23+$0x10A0];
	_ =	sdelay $0x1  }
0x13f: {  	s4 =	simm.s32 $0xDB00  }
0x140: {  	s14 =	simm.s32 $0x11B00;
	[tilespmem:v9+s4+$0x0] =	vst.idx.add.f32.msk $0xffff, v3  }
0x141: {  	[tilespmem:v9+s14+$0x0] =	vst.idx.add.f32.msk $0xffff, v4  }
0x142: {  	v9 =	vld [tilespmem:s23+$0x1A00]  }
0x143: {  	[tilespmem:v7+s4+$0x0] =	vst.idx.add.f32.msk $0xffff, v5  }
0x144: {  	s16 =	simm.s32 $0xD100;
	[tilespmem:v7+s14+$0x0] =	vst.idx.add.f32.msk $0xffff, v6  }
0x145: {  	[tilespmem:v8+s16+$0x0] =	vst.idx.add.f32.msk $0xffff, v1  }
0x146: {  	s25 =	simm.s32 $0x11100;
	v7 =	vld [tilespmem:s23+$0x1A10]  }
0x147: {  	[tilespmem:v8+s25+$0x0] =	vst.idx.add.f32.msk $0xffff, v2  }
0x148: {  	v8 =	vld [tilespmem:s23+$0x1120];
	_ =	sdelay $0x1  }
0x149: {  	s17 =	simm.s32 $0xDC00  }
0x14a: {  	s25 =	simm.s32 $0x11C00;
	[tilespmem:v9+s17+$0x0] =	vst.idx.add.f32.msk $0xffff, v3  }
0x14b: {  	[tilespmem:v9+s25+$0x0] =	vst.idx.add.f32.msk $0xffff, v4  }
0x14c: {  	v9 =	vld [tilespmem:s23+$0x1A80]  }
0x14d: {  	[tilespmem:v7+s17+$0x0] =	vst.idx.add.f32.msk $0xffff, v5  }
0x14e: {  	s26 =	simm.s32 $0xD200;
	[tilespmem:v7+s25+$0x0] =	vst.idx.add.f32.msk $0xffff, v6  }
0x14f: {  	[tilespmem:v8+s26+$0x0] =	vst.idx.add.f32.msk $0xffff, v1  }
0x150: {  	s30 =	simm.s32 $0x11200;
	v7 =	vld [tilespmem:s23+$0x1A90]  }
0x151: {  	[tilespmem:v8+s30+$0x0] =	vst.idx.add.f32.msk $0xffff, v2  }
0x152: {  	v8 =	vld [tilespmem:s23+$0x11A0];
	_ =	sdelay $0x1  }
0x153: {  	s31 =	simm.s32 $0xDD00  }
0x154: {  	s1 =	simm.s32 $0x11D00;
	[tilespmem:v9+s31+$0x0] =	vst.idx.add.f32.msk $0xffff, v3  }
0x155: {  	[tilespmem:v9+s1+$0x0] =	vst.idx.add.f32.msk $0xffff, v4  }
0x156: {  	v9 =	vld [tilespmem:s23+$0x1B00]  }
0x157: {  	[tilespmem:v7+s31+$0x0] =	vst.idx.add.f32.msk $0xffff, v5  }
0x158: {  	s5 =	simm.s32 $0xD300;
	[tilespmem:v7+s1+$0x0] =	vst.idx.add.f32.msk $0xffff, v6  }
0x159: {  	[tilespmem:v8+s5+$0x0] =	vst.idx.add.f32.msk $0xffff, v1  }
0x15a: {  	s9 =	simm.s32 $0x11300;
	v7 =	vld [tilespmem:s23+$0x1B10]  }
0x15b: {  	[tilespmem:v8+s9+$0x0] =	vst.idx.add.f32.msk $0xffff, v2  }
0x15c: {  	v8 =	vld [tilespmem:s23+$0x1220];
	_ =	sdelay $0x1  }
0x15d: {  	s5 =	simm.s32 $0xDE00  }
0x15e: {  	s9 =	simm.s32 $0x11E00;
	[tilespmem:v9+s5+$0x0] =	vst.idx.add.f32.msk $0xffff, v3  }
0x15f: {  	[tilespmem:v9+s9+$0x0] =	vst.idx.add.f32.msk $0xffff, v4  }
0x160: {  	v9 =	vld [tilespmem:s23+$0x1B80]  }
0x161: {  	[tilespmem:v7+s5+$0x0] =	vst.idx.add.f32.msk $0xffff, v5  }
0x162: {  	[tilespmem:v7+s9+$0x0] =	vst.idx.add.f32.msk $0xffff, v6  }
0x163: {  	[tilespmem:v8+s11+$0x0] =	vst.idx.add.f32.msk $0xffff, v1  }
0x164: {  	s10 =	simm.s32 $0x11400;
	v7 =	vld [tilespmem:s23+$0x1B90]  }
0x165: {  	[tilespmem:v8+s10+$0x0] =	vst.idx.add.f32.msk $0xffff, v2  }
0x166: {  	v8 =	vld [tilespmem:s23+$0x12A0];
	_ =	sdelay $0x1  }
0x167: {  	s10 =	simm.s32 $0xDF00  }
0x168: {  	s11 =	simm.s32 $0x11F00;
	[tilespmem:v9+s10+$0x0] =	vst.idx.add.f32.msk $0xffff, v3  }
0x169: {  	[tilespmem:v9+s11+$0x0] =	vst.idx.add.f32.msk $0xffff, v4  }
0x16a: {  	v9 =	vld [tilespmem:s23+$0x2000]  }
0x16b: {  	[tilespmem:v7+s10+$0x0] =	vst.idx.add.f32.msk $0xffff, v5  }
0x16c: {  	s15 =	simm.s32 $0xD500;
	[tilespmem:v7+s11+$0x0] =	vst.idx.add.f32.msk $0xffff, v6  }
0x16d: {  	[tilespmem:v8+s15+$0x0] =	vst.idx.add.f32.msk $0xffff, v1  }
0x16e: {  	s12 =	simm.s32 $0x11500;
	v7 =	vld [tilespmem:s23+$0x2010]  }
0x16f: {  	[tilespmem:v8+s12+$0x0] =	vst.idx.add.f32.msk $0xffff, v2  }
0x170: {  	v8 =	vld [tilespmem:s23+$0x1320];
	_ =	sdelay $0x1  }
0x171: {  	s12 =	simm.s32 $0xE000  }
0x172: {  	s14 =	simm.s32 $0x12000;
	[tilespmem:v9+s12+$0x0] =	vst.idx.add.f32.msk $0xffff, v3  }
0x173: {  	[tilespmem:v9+s14+$0x0] =	vst.idx.add.f32.msk $0xffff, v4  }
0x174: {  	v9 =	vld [tilespmem:s23+$0x2080]  }
0x175: {  	[tilespmem:v7+s12+$0x0] =	vst.idx.add.f32.msk $0xffff, v5  }
0x176: {  	s18 =	simm.s32 $0xD600;
	[tilespmem:v7+s14+$0x0] =	vst.idx.add.f32.msk $0xffff, v6  }
0x177: {  	[tilespmem:v8+s18+$0x0] =	vst.idx.add.f32.msk $0xffff, v1  }
0x178: {  	s13 =	simm.s32 $0x11600;
	v7 =	vld [tilespmem:s23+$0x2090]  }
0x179: {  	[tilespmem:v8+s13+$0x0] =	vst.idx.add.f32.msk $0xffff, v2  }
0x17a: {  	v8 =	vld [tilespmem:s23+$0x13A0];
	_ =	sdelay $0x1  }
0x17b: {  	s15 =	simm.s32 $0xE100  }
0x17c: {  	s18 =	simm.s32 $0x12100;
	[tilespmem:v9+s15+$0x0] =	vst.idx.add.f32.msk $0xffff, v3  }
0x17d: {  	[tilespmem:v9+s18+$0x0] =	vst.idx.add.f32.msk $0xffff, v4  }
0x17e: {  	v9 =	vld [tilespmem:s23+$0x2100]  }
0x17f: {  	[tilespmem:v7+s15+$0x0] =	vst.idx.add.f32.msk $0xffff, v5  }
0x180: {  	s19 =	simm.s32 $0xD700;
	[tilespmem:v7+s18+$0x0] =	vst.idx.add.f32.msk $0xffff, v6  }
0x181: {  	[tilespmem:v8+s19+$0x0] =	vst.idx.add.f32.msk $0xffff, v1  }
0x182: {  	s20 =	simm.s32 $0x11700;
	v7 =	vld [tilespmem:s23+$0x2110]  }
0x183: {  	[tilespmem:v8+s20+$0x0] =	vst.idx.add.f32.msk $0xffff, v2  }
0x184: {  	v8 =	vld [tilespmem:s23+$0x1820];
	_ =	sdelay $0x1  }
0x185: {  	s19 =	simm.s32 $0xE200  }
0x186: {  	s20 =	simm.s32 $0x12200;
	[tilespmem:v9+s19+$0x0] =	vst.idx.add.f32.msk $0xffff, v3  }
0x187: {  	[tilespmem:v9+s20+$0x0] =	vst.idx.add.f32.msk $0xffff, v4  }
0x188: {  	v9 =	vld [tilespmem:s23+$0x2180]  }
0x189: {  	[tilespmem:v7+s19+$0x0] =	vst.idx.add.f32.msk $0xffff, v5  }
0x18a: {  	s21 =	simm.s32 $0xD800;
	[tilespmem:v7+s20+$0x0] =	vst.idx.add.f32.msk $0xffff, v6  }
0x18b: {  	[tilespmem:v8+s21+$0x0] =	vst.idx.add.f32.msk $0xffff, v1  }
0x18c: {  	s22 =	simm.s32 $0x11800;
	v7 =	vld [tilespmem:s23+$0x2190]  }
0x18d: {  	[tilespmem:v8+s22+$0x0] =	vst.idx.add.f32.msk $0xffff, v2  }
0x18e: {  	v8 =	vld [tilespmem:s23+$0x18A0];
	_ =	sdelay $0x1  }
0x18f: {  	s21 =	simm.s32 $0xE300  }
0x190: {  	s22 =	simm.s32 $0x12300;
	[tilespmem:v9+s21+$0x0] =	vst.idx.add.f32.msk $0xffff, v3  }
0x191: {  	[tilespmem:v9+s22+$0x0] =	vst.idx.add.f32.msk $0xffff, v4  }
0x192: {  	v9 =	vld [tilespmem:s23+$0x2200]  }
0x193: {  	[tilespmem:v7+s21+$0x0] =	vst.idx.add.f32.msk $0xffff, v5  }
0x194: {  	s6 =	simm.s32 $0xD900;
	[tilespmem:v7+s22+$0x0] =	vst.idx.add.f32.msk $0xffff, v6  }
0x195: {  	[tilespmem:v8+s6+$0x0] =	vst.idx.add.f32.msk $0xffff, v1  }
0x196: {  	s8 =	simm.s32 $0x11900;
	v7 =	vld [tilespmem:s23+$0x2210]  }
0x197: {  	[tilespmem:v8+s8+$0x0] =	vst.idx.add.f32.msk $0xffff, v2  }
0x198: {  	v8 =	vld [tilespmem:s23+$0x1920];
	_ =	sdelay $0x1  }
0x199: {  	s6 =	simm.s32 $0xE400  }
0x19a: {  	s8 =	simm.s32 $0x12400;
	[tilespmem:v9+s6+$0x0] =	vst.idx.add.f32.msk $0xffff, v3  }
0x19b: {  	[tilespmem:v9+s8+$0x0] =	vst.idx.add.f32.msk $0xffff, v4  }
0x19c: {  	v9 =	vld [tilespmem:s23+$0x2280]  }
0x19d: {  	[tilespmem:v7+s6+$0x0] =	vst.idx.add.f32.msk $0xffff, v5  }
0x19e: {  	s28 =	simm.s32 $0xDA00;
	[tilespmem:v7+s8+$0x0] =	vst.idx.add.f32.msk $0xffff, v6  }
0x19f: {  	[tilespmem:v8+s28+$0x0] =	vst.idx.add.f32.msk $0xffff, v1  }
0x1a0: {  	s7 =	simm.s32 $0x11A00;
	v7 =	vld [tilespmem:s23+$0x2290]  }
0x1a1: {  	[tilespmem:v8+s7+$0x0] =	vst.idx.add.f32.msk $0xffff, v2  }
0x1a2: {  	v8 =	vld [tilespmem:s23+$0x19A0];
	_ =	sdelay $0x1  }
0x1a3: {  	s12 =	simm.s32 $0xE500  }
0x1a4: {  	s13 =	simm.s32 $0x12500;
	[tilespmem:v9+s12+$0x0] =	vst.idx.add.f32.msk $0xffff, v3  }
0x1a5: {  	[tilespmem:v9+s13+$0x0] =	vst.idx.add.f32.msk $0xffff, v4  }
0x1a6: {  	v9 =	vld [tilespmem:s23+$0x2300]  }
0x1a7: {  	[tilespmem:v7+s12+$0x0] =	vst.idx.add.f32.msk $0xffff, v5  }
0x1a8: {  	s4 =	simm.s32 $0xDB00;
	[tilespmem:v7+s13+$0x0] =	vst.idx.add.f32.msk $0xffff, v6  }
0x1a9: {  	[tilespmem:v8+s4+$0x0] =	vst.idx.add.f32.msk $0xffff, v1  }
0x1aa: {  	s3 =	simm.s32 $0x11B00;
	v7 =	vld [tilespmem:s23+$0x2310]  }
0x1ab: {  	[tilespmem:v8+s3+$0x0] =	vst.idx.add.f32.msk $0xffff, v2  }
0x1ac: {  	v8 =	vld [tilespmem:s23+$0x1A20];
	_ =	sdelay $0x1  }
0x1ad: {  	s14 =	simm.s32 $0xE600  }
0x1ae: {  	s15 =	simm.s32 $0x12600;
	[tilespmem:v9+s14+$0x0] =	vst.idx.add.f32.msk $0xffff, v3  }
0x1af: {  	[tilespmem:v9+s15+$0x0] =	vst.idx.add.f32.msk $0xffff, v4  }
0x1b0: {  	v9 =	vld [tilespmem:s23+$0x2380]  }
0x1b1: {  	[tilespmem:v7+s14+$0x0] =	vst.idx.add.f32.msk $0xffff, v5  }
0x1b2: {  	s16 =	simm.s32 $0xDC00;
	[tilespmem:v7+s15+$0x0] =	vst.idx.add.f32.msk $0xffff, v6  }
0x1b3: {  	[tilespmem:v8+s16+$0x0] =	vst.idx.add.f32.msk $0xffff, v1  }
0x1b4: {  	s17 =	simm.s32 $0x11C00;
	v7 =	vld [tilespmem:s23+$0x2390]  }
0x1b5: {  	[tilespmem:v8+s17+$0x0] =	vst.idx.add.f32.msk $0xffff, v2  }
0x1b6: {  	v8 =	vld [tilespmem:s23+$0x1AA0];
	_ =	sdelay $0x1  }
0x1b7: {  	s17 =	simm.s32 $0xE700  }
0x1b8: {  	s20 =	simm.s32 $0x12700;
	[tilespmem:v9+s17+$0x0] =	vst.idx.add.f32.msk $0xffff, v3  }
0x1b9: {  	[tilespmem:v9+s20+$0x0] =	vst.idx.add.f32.msk $0xffff, v4  }
0x1ba: {  	v9 =	vld [tilespmem:s23+$0x2800]  }
0x1bb: {  	[tilespmem:v7+s17+$0x0] =	vst.idx.add.f32.msk $0xffff, v5  }
0x1bc: {  	s25 =	simm.s32 $0xDD00;
	[tilespmem:v7+s20+$0x0] =	vst.idx.add.f32.msk $0xffff, v6  }
0x1bd: {  	[tilespmem:v8+s25+$0x0] =	vst.idx.add.f32.msk $0xffff, v1  }
0x1be: {  	s26 =	simm.s32 $0x11D00;
	v7 =	vld [tilespmem:s23+$0x2810]  }
0x1bf: {  	[tilespmem:v8+s26+$0x0] =	vst.idx.add.f32.msk $0xffff, v2  }
0x1c0: {  	v8 =	vld [tilespmem:s23+$0x1B20];
	_ =	sdelay $0x1  }
0x1c1: {  	s25 =	simm.s32 $0xE800  }
0x1c2: {  	s26 =	simm.s32 $0x12800;
	[tilespmem:v9+s25+$0x0] =	vst.idx.add.f32.msk $0xffff, v3  }
0x1c3: {  	[tilespmem:v9+s26+$0x0] =	vst.idx.add.f32.msk $0xffff, v4  }
0x1c4: {  	v9 =	vld [tilespmem:s23+$0x2880]  }
0x1c5: {  	[tilespmem:v7+s25+$0x0] =	vst.idx.add.f32.msk $0xffff, v5  }
0x1c6: {  	s5 =	simm.s32 $0xDE00;
	[tilespmem:v7+s26+$0x0] =	vst.idx.add.f32.msk $0xffff, v6  }
0x1c7: {  	[tilespmem:v8+s5+$0x0] =	vst.idx.add.f32.msk $0xffff, v1  }
0x1c8: {  	s2 =	simm.s32 $0x11E00;
	v7 =	vld [tilespmem:s23+$0x2890]  }
0x1c9: {  	[tilespmem:v8+s2+$0x0] =	vst.idx.add.f32.msk $0xffff, v2  }
0x1ca: {  	v8 =	vld [tilespmem:s23+$0x1BA0];
	_ =	sdelay $0x1  }
0x1cb: {  	s1 =	simm.s32 $0xE900  }
0x1cc: {  	s2 =	simm.s32 $0x12900;
	[tilespmem:v9+s1+$0x0] =	vst.idx.add.f32.msk $0xffff, v3  }
0x1cd: {  	[tilespmem:v9+s2+$0x0] =	vst.idx.add.f32.msk $0xffff, v4  }
0x1ce: {  	v9 =	vld [tilespmem:s23+$0x2900]  }
0x1cf: {  	[tilespmem:v7+s1+$0x0] =	vst.idx.add.f32.msk $0xffff, v5  }
0x1d0: {  	s9 =	simm.s32 $0xDF00;
	[tilespmem:v7+s2+$0x0] =	vst.idx.add.f32.msk $0xffff, v6  }
0x1d1: {  	[tilespmem:v8+s9+$0x0] =	vst.idx.add.f32.msk $0xffff, v1  }
0x1d2: {  	s29 =	simm.s32 $0x11F00;
	v7 =	vld [tilespmem:s23+$0x2910]  }
0x1d3: {  	[tilespmem:v8+s29+$0x0] =	vst.idx.add.f32.msk $0xffff, v2  }
0x1d4: {  	v8 =	vld [tilespmem:s23+$0x2020];
	_ =	sdelay $0x1  }
0x1d5: {  	s3 =	simm.s32 $0xEA00  }
0x1d6: {  	s7 =	simm.s32 $0x12A00;
	[tilespmem:v9+s3+$0x0] =	vst.idx.add.f32.msk $0xffff, v3  }
0x1d7: {  	[tilespmem:v9+s7+$0x0] =	vst.idx.add.f32.msk $0xffff, v4  }
0x1d8: {  	v9 =	vld [tilespmem:s23+$0x2980]  }
0x1d9: {  	[tilespmem:v7+s3+$0x0] =	vst.idx.add.f32.msk $0xffff, v5  }
0x1da: {  	s30 =	simm.s32 $0xE000;
	[tilespmem:v7+s7+$0x0] =	vst.idx.add.f32.msk $0xffff, v6  }
0x1db: {  	[tilespmem:v8+s30+$0x0] =	vst.idx.add.f32.msk $0xffff, v1  }
0x1dc: {  	s31 =	simm.s32 $0x12000;
	v7 =	vld [tilespmem:s23+$0x2990]  }
0x1dd: {  	[tilespmem:v8+s31+$0x0] =	vst.idx.add.f32.msk $0xffff, v2  }
0x1de: {  	v8 =	vld [tilespmem:s23+$0x20A0];
	_ =	sdelay $0x1  }
0x1df: {  	s8 =	simm.s32 $0xEB00  }
0x1e0: {  	s9 =	simm.s32 $0x12B00;
	[tilespmem:v9+s8+$0x0] =	vst.idx.add.f32.msk $0xffff, v3  }
0x1e1: {  	[tilespmem:v9+s9+$0x0] =	vst.idx.add.f32.msk $0xffff, v4  }
0x1e2: {  	v9 =	vld [tilespmem:s23+$0x2A00]  }
0x1e3: {  	[tilespmem:v7+s8+$0x0] =	vst.idx.add.f32.msk $0xffff, v5  }
0x1e4: {  	s10 =	simm.s32 $0xE100;
	[tilespmem:v7+s9+$0x0] =	vst.idx.add.f32.msk $0xffff, v6  }
0x1e5: {  	[tilespmem:v8+s10+$0x0] =	vst.idx.add.f32.msk $0xffff, v1  }
0x1e6: {  	s11 =	simm.s32 $0x12100;
	v7 =	vld [tilespmem:s23+$0x2A10]  }
0x1e7: {  	[tilespmem:v8+s11+$0x0] =	vst.idx.add.f32.msk $0xffff, v2  }
0x1e8: {  	v8 =	vld [tilespmem:s23+$0x2120];
	_ =	sdelay $0x1  }
0x1e9: {  	s12 =	simm.s32 $0xEC00  }
0x1ea: {  	s13 =	simm.s32 $0x12C00;
	[tilespmem:v9+s12+$0x0] =	vst.idx.add.f32.msk $0xffff, v3  }
0x1eb: {  	[tilespmem:v9+s13+$0x0] =	vst.idx.add.f32.msk $0xffff, v4  }
0x1ec: {  	v9 =	vld [tilespmem:s23+$0x2A80]  }
0x1ed: {  	[tilespmem:v7+s12+$0x0] =	vst.idx.add.f32.msk $0xffff, v5  }
0x1ee: {  	s18 =	simm.s32 $0xE200;
	[tilespmem:v7+s13+$0x0] =	vst.idx.add.f32.msk $0xffff, v6  }
0x1ef: {  	[tilespmem:v8+s18+$0x0] =	vst.idx.add.f32.msk $0xffff, v1  }
0x1f0: {  	s19 =	simm.s32 $0x12200;
	v7 =	vld [tilespmem:s23+$0x2A90]  }
0x1f1: {  	[tilespmem:v8+s19+$0x0] =	vst.idx.add.f32.msk $0xffff, v2  }
0x1f2: {  	v8 =	vld [tilespmem:s23+$0x21A0];
	_ =	sdelay $0x1  }
0x1f3: {  	s18 =	simm.s32 $0xED00  }
0x1f4: {  	s19 =	simm.s32 $0x12D00;
	[tilespmem:v9+s18+$0x0] =	vst.idx.add.f32.msk $0xffff, v3  }
0x1f5: {  	[tilespmem:v9+s19+$0x0] =	vst.idx.add.f32.msk $0xffff, v4  }
0x1f6: {  	v9 =	vld [tilespmem:s23+$0x2B00]  }
0x1f7: {  	[tilespmem:v7+s18+$0x0] =	vst.idx.add.f32.msk $0xffff, v5  }
0x1f8: {  	s21 =	simm.s32 $0xE300;
	[tilespmem:v7+s19+$0x0] =	vst.idx.add.f32.msk $0xffff, v6  }
0x1f9: {  	[tilespmem:v8+s21+$0x0] =	vst.idx.add.f32.msk $0xffff, v1  }
0x1fa: {  	s22 =	simm.s32 $0x12300;
	v7 =	vld [tilespmem:s23+$0x2B10]  }
0x1fb: {  	[tilespmem:v8+s22+$0x0] =	vst.idx.add.f32.msk $0xffff, v2  }
0x1fc: {  	v8 =	vld [tilespmem:s23+$0x2220];
	_ =	sdelay $0x1  }
0x1fd: {  	s25 =	simm.s32 $0xEE00  }
0x1fe: {  	s26 =	simm.s32 $0x12E00;
	[tilespmem:v9+s25+$0x0] =	vst.idx.add.f32.msk $0xffff, v3  }
0x1ff: {  	[tilespmem:v9+s26+$0x0] =	vst.idx.add.f32.msk $0xffff, v4  }
0x200: {  	v9 =	vld [tilespmem:s23+$0x2B80]  }
0x201: {  	[tilespmem:v7+s25+$0x0] =	vst.idx.add.f32.msk $0xffff, v5  }
0x202: {  	s31 =	simm.s32 $0xE400;
	[tilespmem:v7+s26+$0x0] =	vst.idx.add.f32.msk $0xffff, v6  }
0x203: {  	[tilespmem:v8+s31+$0x0] =	vst.idx.add.f32.msk $0xffff, v1  }
0x204: {  	s1 =	simm.s32 $0x12400;
	v7 =	vld [tilespmem:s23+$0x2B90]  }
0x205: {  	[tilespmem:v8+s1+$0x0] =	vst.idx.add.f32.msk $0xffff, v2  }
0x206: {  	v8 =	vld [tilespmem:s23+$0x22A0];
	_ =	sdelay $0x1  }
0x207: {  	s9 =	simm.s32 $0xEF00  }
0x208: {  	s18 =	simm.s32 $0x12F00;
	[tilespmem:v9+s9+$0x0] =	vst.idx.add.f32.msk $0xffff, v3  }
0x209: {  	[tilespmem:v9+s18+$0x0] =	vst.idx.add.f32.msk $0xffff, v4  }
0x20a: {  	v9 =	vld [tilespmem:s23+$0x3000]  }
0x20b: {  	[tilespmem:v7+s9+$0x0] =	vst.idx.add.f32.msk $0xffff, v5  }
0x20c: {  	s28 =	simm.s32 $0xE500;
	[tilespmem:v7+s18+$0x0] =	vst.idx.add.f32.msk $0xffff, v6  }
0x20d: {  	[tilespmem:v8+s28+$0x0] =	vst.idx.add.f32.msk $0xffff, v1  }
0x20e: {  	s19 =	simm.s32 $0x12500;
	v7 =	vld [tilespmem:s23+$0x3010]  }
0x20f: {  	[tilespmem:v8+s19+$0x0] =	vst.idx.add.f32.msk $0xffff, v2  }
0x210: {  	v8 =	vld [tilespmem:s23+$0x2320];
	_ =	sdelay $0x1  }
0x211: {  	s21 =	simm.s32 $0xF000  }
0x212: {  	s22 =	simm.s32 $0x13000;
	[tilespmem:v9+s21+$0x0] =	vst.idx.add.f32.msk $0xffff, v3  }
0x213: {  	[tilespmem:v9+s22+$0x0] =	vst.idx.add.f32.msk $0xffff, v4  }
0x214: {  	v9 =	vld [tilespmem:s23+$0x3080]  }
0x215: {  	[tilespmem:v7+s21+$0x0] =	vst.idx.add.f32.msk $0xffff, v5  }
0x216: {  	s25 =	simm.s32 $0xE600;
	[tilespmem:v7+s22+$0x0] =	vst.idx.add.f32.msk $0xffff, v6  }
0x217: {  	[tilespmem:v8+s25+$0x0] =	vst.idx.add.f32.msk $0xffff, v1  }
0x218: {  	s26 =	simm.s32 $0x12600;
	v7 =	vld [tilespmem:s23+$0x3090]  }
0x219: {  	[tilespmem:v8+s26+$0x0] =	vst.idx.add.f32.msk $0xffff, v2  }
0x21a: {  	v8 =	vld [tilespmem:s23+$0x23A0];
	_ =	sdelay $0x1  }
0x21b: {  	s1 =	simm.s32 $0xF100  }
0x21c: {  	s9 =	simm.s32 $0x13100;
	[tilespmem:v9+s1+$0x0] =	vst.idx.add.f32.msk $0xffff, v3  }
0x21d: {  	[tilespmem:v9+s9+$0x0] =	vst.idx.add.f32.msk $0xffff, v4  }
0x21e: {  	v9 =	vld [tilespmem:s23+$0x3100]  }
0x21f: {  	[tilespmem:v7+s1+$0x0] =	vst.idx.add.f32.msk $0xffff, v5  }
0x220: {  	s16 =	simm.s32 $0xE700;
	[tilespmem:v7+s9+$0x0] =	vst.idx.add.f32.msk $0xffff, v6  }
0x221: {  	[tilespmem:v8+s16+$0x0] =	vst.idx.add.f32.msk $0xffff, v1  }
0x222: {  	s17 =	simm.s32 $0x12700;
	v7 =	vld [tilespmem:s23+$0x3110]  }
0x223: {  	[tilespmem:v8+s17+$0x0] =	vst.idx.add.f32.msk $0xffff, v2  }
0x224: {  	v8 =	vld [tilespmem:s23+$0x2820];
	_ =	sdelay $0x1  }
0x225: {  	s17 =	simm.s32 $0xF200  }
0x226: {  	s18 =	simm.s32 $0x13200;
	[tilespmem:v9+s17+$0x0] =	vst.idx.add.f32.msk $0xffff, v3  }
0x227: {  	[tilespmem:v9+s18+$0x0] =	vst.idx.add.f32.msk $0xffff, v4  }
0x228: {  	v9 =	vld [tilespmem:s23+$0x3180]  }
0x229: {  	[tilespmem:v7+s17+$0x0] =	vst.idx.add.f32.msk $0xffff, v5  }
0x22a: {  	s6 =	simm.s32 $0xE800;
	[tilespmem:v7+s18+$0x0] =	vst.idx.add.f32.msk $0xffff, v6  }
0x22b: {  	[tilespmem:v8+s6+$0x0] =	vst.idx.add.f32.msk $0xffff, v1  }
0x22c: {  	s20 =	simm.s32 $0x12800;
	v7 =	vld [tilespmem:s23+$0x3190]  }
0x22d: {  	[tilespmem:v8+s20+$0x0] =	vst.idx.add.f32.msk $0xffff, v2  }
0x22e: {  	v8 =	vld [tilespmem:s23+$0x28A0];
	_ =	sdelay $0x1  }
0x22f: {  	s19 =	simm.s32 $0xF300  }
0x230: {  	s20 =	simm.s32 $0x13300;
	[tilespmem:v9+s19+$0x0] =	vst.idx.add.f32.msk $0xffff, v3  }
0x231: {  	[tilespmem:v9+s20+$0x0] =	vst.idx.add.f32.msk $0xffff, v4  }
0x232: {  	v9 =	vld [tilespmem:s23+$0x3200]  }
0x233: {  	[tilespmem:v7+s19+$0x0] =	vst.idx.add.f32.msk $0xffff, v5  }
0x234: {  	s4 =	simm.s32 $0xE900;
	[tilespmem:v7+s20+$0x0] =	vst.idx.add.f32.msk $0xffff, v6  }
0x235: {  	[tilespmem:v8+s4+$0x0] =	vst.idx.add.f32.msk $0xffff, v1  }
0x236: {  	s5 =	simm.s32 $0x12900;
	v7 =	vld [tilespmem:s23+$0x3210]  }
0x237: {  	[tilespmem:v8+s5+$0x0] =	vst.idx.add.f32.msk $0xffff, v2  }
0x238: {  	v8 =	vld [tilespmem:s23+$0x2920];
	_ =	sdelay $0x1  }
0x239: {  	s21 =	simm.s32 $0xF400  }
0x23a: {  	s22 =	simm.s32 $0x13400;
	[tilespmem:v9+s21+$0x0] =	vst.idx.add.f32.msk $0xffff, v3  }
0x23b: {  	[tilespmem:v9+s22+$0x0] =	vst.idx.add.f32.msk $0xffff, v4  }
0x23c: {  	v9 =	vld [tilespmem:s23+$0x3280]  }
0x23d: {  	[tilespmem:v7+s21+$0x0] =	vst.idx.add.f32.msk $0xffff, v5  }
0x23e: {  	s2 =	simm.s32 $0xEA00;
	[tilespmem:v7+s22+$0x0] =	vst.idx.add.f32.msk $0xffff, v6  }
0x23f: {  	[tilespmem:v8+s2+$0x0] =	vst.idx.add.f32.msk $0xffff, v1  }
0x240: {  	s3 =	simm.s32 $0x12A00;
	v7 =	vld [tilespmem:s23+$0x3290]  }
0x241: {  	[tilespmem:v8+s3+$0x0] =	vst.idx.add.f32.msk $0xffff, v2  }
0x242: {  	v8 =	vld [tilespmem:s23+$0x29A0];
	_ =	sdelay $0x1  }
0x243: {  	s0 =	simm.s32 $0xF500  }
0x244: {  	s2 =	simm.s32 $0x13500;
	[tilespmem:v9+s0+$0x0] =	vst.idx.add.f32.msk $0xffff, v3  }
0x245: {  	[tilespmem:v9+s2+$0x0] =	vst.idx.add.f32.msk $0xffff, v4  }
0x246: {  	v9 =	vld [tilespmem:s23+$0x3300]  }
0x247: {  	[tilespmem:v7+s0+$0x0] =	vst.idx.add.f32.msk $0xffff, v5  }
0x248: {  	s14 =	simm.s32 $0xEB00;
	[tilespmem:v7+s2+$0x0] =	vst.idx.add.f32.msk $0xffff, v6  }
0x249: {  	[tilespmem:v8+s14+$0x0] =	vst.idx.add.f32.msk $0xffff, v1  }
0x24a: {  	s15 =	simm.s32 $0x12B00;
	v7 =	vld [tilespmem:s23+$0x3310]  }
0x24b: {  	[tilespmem:v8+s15+$0x0] =	vst.idx.add.f32.msk $0xffff, v2  }
0x24c: {  	v8 =	vld [tilespmem:s23+$0x2A20];
	_ =	sdelay $0x1  }
0x24d: {  	s15 =	simm.s32 $0xF600  }
0x24e: {  	s18 =	simm.s32 $0x13600;
	[tilespmem:v9+s15+$0x0] =	vst.idx.add.f32.msk $0xffff, v3  }
0x24f: {  	[tilespmem:v9+s18+$0x0] =	vst.idx.add.f32.msk $0xffff, v4  }
0x250: {  	v9 =	vld [tilespmem:s23+$0x3380]  }
0x251: {  	[tilespmem:v7+s15+$0x0] =	vst.idx.add.f32.msk $0xffff, v5  }
0x252: {  	s12 =	simm.s32 $0xEC00;
	[tilespmem:v7+s18+$0x0] =	vst.idx.add.f32.msk $0xffff, v6  }
0x253: {  	[tilespmem:v8+s12+$0x0] =	vst.idx.add.f32.msk $0xffff, v1  }
0x254: {  	s13 =	simm.s32 $0x12C00;
	v7 =	vld [tilespmem:s23+$0x3390]  }
0x255: {  	[tilespmem:v8+s13+$0x0] =	vst.idx.add.f32.msk $0xffff, v2  }
0x256: {  	v8 =	vld [tilespmem:s23+$0x2AA0];
	_ =	sdelay $0x1  }
0x257: {  	s19 =	simm.s32 $0xF700  }
0x258: {  	s20 =	simm.s32 $0x13700;
	[tilespmem:v9+s19+$0x0] =	vst.idx.add.f32.msk $0xffff, v3  }
0x259: {  	[tilespmem:v9+s20+$0x0] =	vst.idx.add.f32.msk $0xffff, v4  }
0x25a: {  	v9 =	vld [tilespmem:s23+$0x3800]  }
0x25b: {  	[tilespmem:v7+s19+$0x0] =	vst.idx.add.f32.msk $0xffff, v5  }
0x25c: {  	s10 =	simm.s32 $0xED00;
	[tilespmem:v7+s20+$0x0] =	vst.idx.add.f32.msk $0xffff, v6  }
0x25d: {  	[tilespmem:v8+s10+$0x0] =	vst.idx.add.f32.msk $0xffff, v1  }
0x25e: {  	s11 =	simm.s32 $0x12D00;
	v7 =	vld [tilespmem:s23+$0x3810]  }
0x25f: {  	[tilespmem:v8+s11+$0x0] =	vst.idx.add.f32.msk $0xffff, v2  }
0x260: {  	v8 =	vld [tilespmem:s23+$0x2B20];
	_ =	sdelay $0x1  }
0x261: {  	s21 =	simm.s32 $0xF800  }
0x262: {  	s22 =	simm.s32 $0x13800;
	[tilespmem:v9+s21+$0x0] =	vst.idx.add.f32.msk $0xffff, v3  }
0x263: {  	[tilespmem:v9+s22+$0x0] =	vst.idx.add.f32.msk $0xffff, v4  }
0x264: {  	v9 =	vld [tilespmem:s23+$0x3880]  }
0x265: {  	[tilespmem:v7+s21+$0x0] =	vst.idx.add.f32.msk $0xffff, v5  }
0x266: {  	s7 =	simm.s32 $0xEE00;
	[tilespmem:v7+s22+$0x0] =	vst.idx.add.f32.msk $0xffff, v6  }
0x267: {  	[tilespmem:v8+s7+$0x0] =	vst.idx.add.f32.msk $0xffff, v1  }
0x268: {  	s8 =	simm.s32 $0x12E00;
	v7 =	vld [tilespmem:s23+$0x3890]  }
0x269: {  	[tilespmem:v8+s8+$0x0] =	vst.idx.add.f32.msk $0xffff, v2  }
0x26a: {  	v8 =	vld [tilespmem:s23+$0x2BA0];
	_ =	sdelay $0x1  }
0x26b: {  	s10 =	simm.s32 $0xF900  }
0x26c: {  	s11 =	simm.s32 $0x13900;
	[tilespmem:v9+s10+$0x0] =	vst.idx.add.f32.msk $0xffff, v3  }
0x26d: {  	[tilespmem:v9+s11+$0x0] =	vst.idx.add.f32.msk $0xffff, v4  }
0x26e: {  	v9 =	vld [tilespmem:s23+$0x3900]  }
0x26f: {  	[tilespmem:v7+s10+$0x0] =	vst.idx.add.f32.msk $0xffff, v5  }
0x270: {  	s30 =	simm.s32 $0xEF00;
	[tilespmem:v7+s11+$0x0] =	vst.idx.add.f32.msk $0xffff, v6  }
0x271: {  	[tilespmem:v8+s30+$0x0] =	vst.idx.add.f32.msk $0xffff, v1  }
0x272: {  	s31 =	simm.s32 $0x12F00;
	v7 =	vld [tilespmem:s23+$0x3910]  }
0x273: {  	[tilespmem:v8+s31+$0x0] =	vst.idx.add.f32.msk $0xffff, v2  }
0x274: {  	v8 =	vld [tilespmem:s23+$0x3020];
	_ =	sdelay $0x1  }
0x275: {  	s12 =	simm.s32 $0xFA00  }
0x276: {  	s13 =	simm.s32 $0x13A00;
	[tilespmem:v9+s12+$0x0] =	vst.idx.add.f32.msk $0xffff, v3  }
0x277: {  	[tilespmem:v9+s13+$0x0] =	vst.idx.add.f32.msk $0xffff, v4  }
0x278: {  	v9 =	vld [tilespmem:s23+$0x3980]  }
0x279: {  	[tilespmem:v7+s12+$0x0] =	vst.idx.add.f32.msk $0xffff, v5  }
0x27a: {  	s28 =	simm.s32 $0xF000;
	[tilespmem:v7+s13+$0x0] =	vst.idx.add.f32.msk $0xffff, v6  }
0x27b: {  	[tilespmem:v8+s28+$0x0] =	vst.idx.add.f32.msk $0xffff, v1  }
0x27c: {  	s29 =	simm.s32 $0x13000;
	v7 =	vld [tilespmem:s23+$0x3990]  }
0x27d: {  	[tilespmem:v8+s29+$0x0] =	vst.idx.add.f32.msk $0xffff, v2  }
0x27e: {  	v8 =	vld [tilespmem:s23+$0x30A0];
	_ =	sdelay $0x1  }
0x27f: {  	s14 =	simm.s32 $0xFB00  }
0x280: {  	s15 =	simm.s32 $0x13B00;
	[tilespmem:v9+s14+$0x0] =	vst.idx.add.f32.msk $0xffff, v3  }
0x281: {  	[tilespmem:v9+s15+$0x0] =	vst.idx.add.f32.msk $0xffff, v4  }
0x282: {  	v9 =	vld [tilespmem:s23+$0x3A00]  }
0x283: {  	[tilespmem:v7+s14+$0x0] =	vst.idx.add.f32.msk $0xffff, v5  }
0x284: {  	s25 =	simm.s32 $0xF100;
	[tilespmem:v7+s15+$0x0] =	vst.idx.add.f32.msk $0xffff, v6  }
0x285: {  	[tilespmem:v8+s25+$0x0] =	vst.idx.add.f32.msk $0xffff, v1  }
0x286: {  	s26 =	simm.s32 $0x13100;
	v7 =	vld [tilespmem:s23+$0x3A10]  }
0x287: {  	[tilespmem:v8+s26+$0x0] =	vst.idx.add.f32.msk $0xffff, v2  }
0x288: {  	v8 =	vld [tilespmem:s23+$0x3120];
	_ =	sdelay $0x1  }
0x289: {  	s18 =	simm.s32 $0xFC00  }
0x28a: {  	s20 =	simm.s32 $0x13C00;
	[tilespmem:v9+s18+$0x0] =	vst.idx.add.f32.msk $0xffff, v3  }
0x28b: {  	[tilespmem:v9+s20+$0x0] =	vst.idx.add.f32.msk $0xffff, v4  }
0x28c: {  	v9 =	vld [tilespmem:s23+$0x3A80]  }
0x28d: {  	[tilespmem:v7+s18+$0x0] =	vst.idx.add.f32.msk $0xffff, v5  }
0x28e: {  	s16 =	simm.s32 $0xF200;
	[tilespmem:v7+s20+$0x0] =	vst.idx.add.f32.msk $0xffff, v6  }
0x28f: {  	[tilespmem:v8+s16+$0x0] =	vst.idx.add.f32.msk $0xffff, v1  }
0x290: {  	s17 =	simm.s32 $0x13200;
	v7 =	vld [tilespmem:s23+$0x3A90]  }
0x291: {  	[tilespmem:v8+s17+$0x0] =	vst.idx.add.f32.msk $0xffff, v2  }
0x292: {  	v8 =	vld [tilespmem:s23+$0x31A0];
	_ =	sdelay $0x1  }
0x293: {  	s21 =	simm.s32 $0xFD00  }
0x294: {  	s22 =	simm.s32 $0x13D00;
	[tilespmem:v9+s21+$0x0] =	vst.idx.add.f32.msk $0xffff, v3  }
0x295: {  	[tilespmem:v9+s22+$0x0] =	vst.idx.add.f32.msk $0xffff, v4  }
0x296: {  	v9 =	vld [tilespmem:s23+$0x3B00]  }
0x297: {  	[tilespmem:v7+s21+$0x0] =	vst.idx.add.f32.msk $0xffff, v5  }
0x298: {  	s6 =	simm.s32 $0xF300;
	[tilespmem:v7+s22+$0x0] =	vst.idx.add.f32.msk $0xffff, v6  }
0x299: {  	[tilespmem:v8+s6+$0x0] =	vst.idx.add.f32.msk $0xffff, v1  }
0x29a: {  	s9 =	simm.s32 $0x13300;
	v7 =	vld [tilespmem:s23+$0x3B10]  }
0x29b: {  	[tilespmem:v8+s9+$0x0] =	vst.idx.add.f32.msk $0xffff, v2  }
0x29c: {  	v8 =	vld [tilespmem:s23+$0x3220];
	_ =	sdelay $0x1  }
0x29d: {  	s25 =	simm.s32 $0xFE00  }
0x29e: {  	s26 =	simm.s32 $0x13E00;
	[tilespmem:v9+s25+$0x0] =	vst.idx.add.f32.msk $0xffff, v3  }
0x29f: {  	[tilespmem:v9+s26+$0x0] =	vst.idx.add.f32.msk $0xffff, v4  }
0x2a0: {  	v9 =	vld [tilespmem:s23+$0x3B80]  }
0x2a1: {  	[tilespmem:v7+s25+$0x0] =	vst.idx.add.f32.msk $0xffff, v5  }
0x2a2: {  	s4 =	simm.s32 $0xF400;
	[tilespmem:v7+s26+$0x0] =	vst.idx.add.f32.msk $0xffff, v6  }
0x2a3: {  	[tilespmem:v8+s4+$0x0] =	vst.idx.add.f32.msk $0xffff, v1  }
0x2a4: {  	s5 =	simm.s32 $0x13400;
	v7 =	vld [tilespmem:s23+$0x3B90]  }
0x2a5: {  	[tilespmem:v8+s5+$0x0] =	vst.idx.add.f32.msk $0xffff, v2  }
0x2a6: {  	v8 =	vld [tilespmem:s23+$0x32A0];
	_ =	sdelay $0x2  }
0x2a7: {  	s31 =	simm.s32 $0xFF00  }
0x2a8: {  	s25 =	simm.s32 $0x13F00;
	[tilespmem:v9+s31+$0x0] =	vst.idx.add.f32.msk $0xffff, v3  }
0x2a9: {  	[tilespmem:v9+s25+$0x0] =	vst.idx.add.f32.msk $0xffff, v4  }
0x2aa: {  	[tilespmem:v7+s31+$0x0] =	vst.idx.add.f32.msk $0xffff, v5  }
0x2ab: {  	s3 =	simm.s32 $0xF500;
	[tilespmem:v7+s25+$0x0] =	vst.idx.add.f32.msk $0xffff, v6  }
0x2ac: {  	s2 =	simm.s32 $0x13500;
	[tilespmem:v8+s3+$0x0] =	vst.idx.add.f32.msk $0xffff, v1  }
0x2ad: {  	[tilespmem:v8+s2+$0x0] =	vst.idx.add.f32.msk $0xffff, v2  }
0x2ae: {  	v3 =	vld [tilespmem:s23+$0x3320]  }
0x2af: {  	v52 =	vld [tilespmem:s23+$0x30]  }
0x2b0: {  	v55 =	vld [tilespmem:s23+$0x40];
	_ =	sdelay $0x1  }
0x2b1: {  	v53 =	vld [tilespmem:s24+$0x8030]  }
0x2b2: {  	v56 =	vld [tilespmem:s24+$0x8040]  }
0x2b3: {  	v54 =	vld [tilespmem:s24+$0xA030]  }
0x2b4: {  	v57 =	vld [tilespmem:s24+$0xA040]  }
0x2b5: {  	s0 =	simm.s32 $0xC000  }
0x2b6: {  	[tilespmem:v52+s0+$0x0] =	vst.idx.add.f32.msk $0xffff, v53  }
0x2b7: {  	s1 =	simm.s32 $0x10000;
	[tilespmem:v55+s0+$0x0] =	vst.idx.add.f32.msk $0xffff, v56  }
0x2b8: {  	[tilespmem:v52+s1+$0x0] =	vst.idx.add.f32.msk $0xffff, v54  }
0x2b9: {  	[tilespmem:v55+s1+$0x0] =	vst.idx.add.f32.msk $0xffff, v57  }
0x2ba: {  	v4 =	vld [tilespmem:s23+$0xB0]  }
0x2bb: {  	v9 =	vld [tilespmem:s23+$0xC0];
	_ =	sdelay $0x5  }
0x2bc: {  	s3 =	simm.s32 $0xC100  }
0x2bd: {  	[tilespmem:v4+s3+$0x0] =	vst.idx.add.f32.msk $0xffff, v53  }
0x2be: {  	s4 =	simm.s32 $0x10100;
	[tilespmem:v9+s3+$0x0] =	vst.idx.add.f32.msk $0xffff, v56  }
0x2bf: {  	s5 =	simm.s32 $0x10100;
	[tilespmem:v4+s4+$0x0] =	vst.idx.add.f32.msk $0xffff, v54  }
0x2c0: {  	[tilespmem:v9+s5+$0x0] =	vst.idx.add.f32.msk $0xffff, v57  }
0x2c1: {  	v4 =	vld [tilespmem:s23+$0x130]  }
0x2c2: {  	v9 =	vld [tilespmem:s23+$0x140];
	_ =	sdelay $0x5  }
0x2c3: {  	s30 =	simm.s32 $0xC200  }
0x2c4: {  	[tilespmem:v4+s30+$0x0] =	vst.idx.add.f32.msk $0xffff, v53  }
0x2c5: {  	s6 =	simm.s32 $0x10200;
	[tilespmem:v9+s30+$0x0] =	vst.idx.add.f32.msk $0xffff, v56  }
0x2c6: {  	[tilespmem:v4+s6+$0x0] =	vst.idx.add.f32.msk $0xffff, v54  }
0x2c7: {  	[tilespmem:v9+s6+$0x0] =	vst.idx.add.f32.msk $0xffff, v57  }
0x2c8: {  	v4 =	vld [tilespmem:s23+$0x1B0]  }
0x2c9: {  	v9 =	vld [tilespmem:s23+$0x1C0];
	_ =	sdelay $0x5  }
0x2ca: {  	s7 =	simm.s32 $0xC300  }
0x2cb: {  	[tilespmem:v4+s7+$0x0] =	vst.idx.add.f32.msk $0xffff, v53  }
0x2cc: {  	s8 =	simm.s32 $0x10300;
	[tilespmem:v9+s7+$0x0] =	vst.idx.add.f32.msk $0xffff, v56  }
0x2cd: {  	s9 =	simm.s32 $0x10300;
	[tilespmem:v4+s8+$0x0] =	vst.idx.add.f32.msk $0xffff, v54  }
0x2ce: {  	[tilespmem:v9+s9+$0x0] =	vst.idx.add.f32.msk $0xffff, v57  }
0x2cf: {  	v4 =	vld [tilespmem:s23+$0x230]  }
0x2d0: {  	v9 =	vld [tilespmem:s23+$0x240];
	_ =	sdelay $0x5  }
0x2d1: {  	s10 =	simm.s32 $0xC400  }
0x2d2: {  	[tilespmem:v4+s10+$0x0] =	vst.idx.add.f32.msk $0xffff, v53  }
0x2d3: {  	s11 =	simm.s32 $0x10400;
	[tilespmem:v9+s10+$0x0] =	vst.idx.add.f32.msk $0xffff, v56  }
0x2d4: {  	[tilespmem:v4+s11+$0x0] =	vst.idx.add.f32.msk $0xffff, v54  }
0x2d5: {  	[tilespmem:v9+s11+$0x0] =	vst.idx.add.f32.msk $0xffff, v57  }
0x2d6: {  	v4 =	vld [tilespmem:s23+$0x2B0]  }
0x2d7: {  	v9 =	vld [tilespmem:s23+$0x2C0];
	_ =	sdelay $0x5  }
0x2d8: {  	s12 =	simm.s32 $0xC500  }
0x2d9: {  	s14 =	simm.s32 $0xC500;
	[tilespmem:v4+s12+$0x0] =	vst.idx.add.f32.msk $0xffff, v53  }
0x2da: {  	s13 =	simm.s32 $0x10500;
	[tilespmem:v9+s14+$0x0] =	vst.idx.add.f32.msk $0xffff, v56  }
0x2db: {  	[tilespmem:v4+s13+$0x0] =	vst.idx.add.f32.msk $0xffff, v54  }
0x2dc: {  	[tilespmem:v9+s13+$0x0] =	vst.idx.add.f32.msk $0xffff, v57  }
0x2dd: {  	v4 =	vld [tilespmem:s23+$0x330]  }
0x2de: {  	v9 =	vld [tilespmem:s23+$0x340];
	_ =	sdelay $0x5  }
0x2df: {  	s17 =	simm.s32 $0xC600  }
0x2e0: {  	[tilespmem:v4+s17+$0x0] =	vst.idx.add.f32.msk $0xffff, v53  }
0x2e1: {  	s20 =	simm.s32 $0x10600;
	[tilespmem:v9+s17+$0x0] =	vst.idx.add.f32.msk $0xffff, v56  }
0x2e2: {  	[tilespmem:v4+s20+$0x0] =	vst.idx.add.f32.msk $0xffff, v54  }
0x2e3: {  	[tilespmem:v9+s20+$0x0] =	vst.idx.add.f32.msk $0xffff, v57  }
0x2e4: {  	v4 =	vld [tilespmem:s23+$0x3B0]  }
0x2e5: {  	v9 =	vld [tilespmem:s23+$0x3C0];
	_ =	sdelay $0x5  }
0x2e6: {  	s21 =	simm.s32 $0xC700  }
0x2e7: {  	[tilespmem:v4+s21+$0x0] =	vst.idx.add.f32.msk $0xffff, v53  }
0x2e8: {  	s22 =	simm.s32 $0x10700;
	[tilespmem:v9+s21+$0x0] =	vst.idx.add.f32.msk $0xffff, v56  }
0x2e9: {  	[tilespmem:v4+s22+$0x0] =	vst.idx.add.f32.msk $0xffff, v54  }
0x2ea: {  	[tilespmem:v9+s22+$0x0] =	vst.idx.add.f32.msk $0xffff, v57  }
0x2eb: {  	v4 =	vld [tilespmem:s23+$0x830]  }
0x2ec: {  	v9 =	vld [tilespmem:s23+$0x840];
	_ =	sdelay $0x5  }
0x2ed: {  	s26 =	simm.s32 $0xC800  }
0x2ee: {  	[tilespmem:v4+s26+$0x0] =	vst.idx.add.f32.msk $0xffff, v53  }
0x2ef: {  	s31 =	simm.s32 $0x10800;
	[tilespmem:v9+s26+$0x0] =	vst.idx.add.f32.msk $0xffff, v56  }
0x2f0: {  	s1 =	simm.s32 $0x10800;
	[tilespmem:v4+s31+$0x0] =	vst.idx.add.f32.msk $0xffff, v54  }
0x2f1: {  	[tilespmem:v9+s1+$0x0] =	vst.idx.add.f32.msk $0xffff, v57  }
0x2f2: {  	v4 =	vld [tilespmem:s23+$0x8B0]  }
0x2f3: {  	v9 =	vld [tilespmem:s23+$0x8C0];
	_ =	sdelay $0x5  }
0x2f4: {  	s2 =	simm.s32 $0xC900  }
0x2f5: {  	s4 =	simm.s32 $0xC900;
	[tilespmem:v4+s2+$0x0] =	vst.idx.add.f32.msk $0xffff, v53  }
0x2f6: {  	s3 =	simm.s32 $0x10900;
	[tilespmem:v9+s4+$0x0] =	vst.idx.add.f32.msk $0xffff, v56  }
0x2f7: {  	[tilespmem:v4+s3+$0x0] =	vst.idx.add.f32.msk $0xffff, v54  }
0x2f8: {  	[tilespmem:v9+s3+$0x0] =	vst.idx.add.f32.msk $0xffff, v57  }
0x2f9: {  	v4 =	vld [tilespmem:s23+$0x930]  }
0x2fa: {  	v9 =	vld [tilespmem:s23+$0x940];
	_ =	sdelay $0x5  }
0x2fb: {  	s5 =	simm.s32 $0xCA00  }
0x2fc: {  	[tilespmem:v4+s5+$0x0] =	vst.idx.add.f32.msk $0xffff, v53  }
0x2fd: {  	s6 =	simm.s32 $0x10A00;
	[tilespmem:v9+s5+$0x0] =	vst.idx.add.f32.msk $0xffff, v56  }
0x2fe: {  	[tilespmem:v4+s6+$0x0] =	vst.idx.add.f32.msk $0xffff, v54  }
0x2ff: {  	[tilespmem:v9+s6+$0x0] =	vst.idx.add.f32.msk $0xffff, v57  }
0x300: {  	v4 =	vld [tilespmem:s23+$0x9B0]  }
0x301: {  	v9 =	vld [tilespmem:s23+$0x9C0];
	_ =	sdelay $0x5  }
0x302: {  	s7 =	simm.s32 $0xCB00  }
0x303: {  	[tilespmem:v4+s7+$0x0] =	vst.idx.add.f32.msk $0xffff, v53  }
0x304: {  	s9 =	simm.s32 $0x10B00;
	[tilespmem:v9+s7+$0x0] =	vst.idx.add.f32.msk $0xffff, v56  }
0x305: {  	[tilespmem:v4+s9+$0x0] =	vst.idx.add.f32.msk $0xffff, v54  }
0x306: {  	[tilespmem:v9+s9+$0x0] =	vst.idx.add.f32.msk $0xffff, v57  }
0x307: {  	v4 =	vld [tilespmem:s23+$0xA30]  }
0x308: {  	v9 =	vld [tilespmem:s23+$0xA40];
	_ =	sdelay $0x5  }
0x309: {  	s17 =	simm.s32 $0xCC00  }
0x30a: {  	[tilespmem:v4+s17+$0x0] =	vst.idx.add.f32.msk $0xffff, v53  }
0x30b: {  	s20 =	simm.s32 $0x10C00;
	[tilespmem:v9+s17+$0x0] =	vst.idx.add.f32.msk $0xffff, v56  }
0x30c: {  	[tilespmem:v4+s20+$0x0] =	vst.idx.add.f32.msk $0xffff, v54  }
0x30d: {  	[tilespmem:v9+s20+$0x0] =	vst.idx.add.f32.msk $0xffff, v57  }
0x30e: {  	v4 =	vld [tilespmem:s23+$0xAB0]  }
0x30f: {  	v9 =	vld [tilespmem:s23+$0xAC0];
	_ =	sdelay $0x5  }
0x310: {  	s21 =	simm.s32 $0xCD00  }
0x311: {  	[tilespmem:v4+s21+$0x0] =	vst.idx.add.f32.msk $0xffff, v53  }
0x312: {  	s22 =	simm.s32 $0x10D00;
	[tilespmem:v9+s21+$0x0] =	vst.idx.add.f32.msk $0xffff, v56  }
0x313: {  	[tilespmem:v4+s22+$0x0] =	vst.idx.add.f32.msk $0xffff, v54  }
0x314: {  	[tilespmem:v9+s22+$0x0] =	vst.idx.add.f32.msk $0xffff, v57  }
0x315: {  	v4 =	vld [tilespmem:s23+$0xB30]  }
0x316: {  	v9 =	vld [tilespmem:s23+$0xB40];
	_ =	sdelay $0x5  }
0x317: {  	s26 =	simm.s32 $0xCE00  }
0x318: {  	[tilespmem:v4+s26+$0x0] =	vst.idx.add.f32.msk $0xffff, v53  }
0x319: {  	s31 =	simm.s32 $0x10E00;
	[tilespmem:v9+s26+$0x0] =	vst.idx.add.f32.msk $0xffff, v56  }
0x31a: {  	[tilespmem:v4+s31+$0x0] =	vst.idx.add.f32.msk $0xffff, v54  }
0x31b: {  	[tilespmem:v9+s31+$0x0] =	vst.idx.add.f32.msk $0xffff, v57  }
0x31c: {  	v4 =	vld [tilespmem:s23+$0xBB0]  }
0x31d: {  	v9 =	vld [tilespmem:s23+$0xBC0];
	_ =	sdelay $0x5  }
0x31e: {  	s1 =	simm.s32 $0xCF00  }
0x31f: {  	[tilespmem:v4+s1+$0x0] =	vst.idx.add.f32.msk $0xffff, v53  }
0x320: {  	s2 =	simm.s32 $0x10F00;
	[tilespmem:v9+s1+$0x0] =	vst.idx.add.f32.msk $0xffff, v56  }
0x321: {  	[tilespmem:v4+s2+$0x0] =	vst.idx.add.f32.msk $0xffff, v54  }
0x322: {  	[tilespmem:v9+s2+$0x0] =	vst.idx.add.f32.msk $0xffff, v57  }
0x323: {  	v4 =	vld [tilespmem:s23+$0x1030]  }
0x324: {  	v9 =	vld [tilespmem:s23+$0x1040];
	_ =	sdelay $0x5  }
0x325: {  	s29 =	simm.s32 $0xD000  }
0x326: {  	[tilespmem:v4+s29+$0x0] =	vst.idx.add.f32.msk $0xffff, v53  }
0x327: {  	s28 =	simm.s32 $0x11000;
	[tilespmem:v9+s29+$0x0] =	vst.idx.add.f32.msk $0xffff, v56  }
0x328: {  	[tilespmem:v4+s28+$0x0] =	vst.idx.add.f32.msk $0xffff, v54  }
0x329: {  	[tilespmem:v9+s28+$0x0] =	vst.idx.add.f32.msk $0xffff, v57  }
0x32a: {  	v4 =	vld [tilespmem:s23+$0x10B0]  }
0x32b: {  	v9 =	vld [tilespmem:s23+$0x10C0];
	_ =	sdelay $0x5  }
0x32c: {  	s5 =	simm.s32 $0xD100  }
0x32d: {  	[tilespmem:v4+s5+$0x0] =	vst.idx.add.f32.msk $0xffff, v53  }
0x32e: {  	s6 =	simm.s32 $0x11100;
	[tilespmem:v9+s5+$0x0] =	vst.idx.add.f32.msk $0xffff, v56  }
0x32f: {  	[tilespmem:v4+s6+$0x0] =	vst.idx.add.f32.msk $0xffff, v54  }
0x330: {  	[tilespmem:v9+s6+$0x0] =	vst.idx.add.f32.msk $0xffff, v57  }
0x331: {  	v4 =	vld [tilespmem:s23+$0x1130]  }
0x332: {  	v9 =	vld [tilespmem:s23+$0x1140];
	_ =	sdelay $0x5  }
0x333: {  	s7 =	simm.s32 $0xD200  }
0x334: {  	[tilespmem:v4+s7+$0x0] =	vst.idx.add.f32.msk $0xffff, v53  }
0x335: {  	s9 =	simm.s32 $0x11200;
	[tilespmem:v9+s7+$0x0] =	vst.idx.add.f32.msk $0xffff, v56  }
0x336: {  	[tilespmem:v4+s9+$0x0] =	vst.idx.add.f32.msk $0xffff, v54  }
0x337: {  	[tilespmem:v9+s9+$0x0] =	vst.idx.add.f32.msk $0xffff, v57  }
0x338: {  	v4 =	vld [tilespmem:s23+$0x11B0]  }
0x339: {  	v9 =	vld [tilespmem:s23+$0x11C0];
	_ =	sdelay $0x5  }
0x33a: {  	s20 =	simm.s32 $0xD300  }
0x33b: {  	[tilespmem:v4+s20+$0x0] =	vst.idx.add.f32.msk $0xffff, v53  }
0x33c: {  	s21 =	simm.s32 $0x11300;
	[tilespmem:v9+s20+$0x0] =	vst.idx.add.f32.msk $0xffff, v56  }
0x33d: {  	[tilespmem:v4+s21+$0x0] =	vst.idx.add.f32.msk $0xffff, v54  }
0x33e: {  	[tilespmem:v9+s21+$0x0] =	vst.idx.add.f32.msk $0xffff, v57  }
0x33f: {  	v4 =	vld [tilespmem:s23+$0x1230]  }
0x340: {  	v9 =	vld [tilespmem:s23+$0x1240];
	_ =	sdelay $0x5  }
0x341: {  	s22 =	simm.s32 $0xD400  }
0x342: {  	[tilespmem:v4+s22+$0x0] =	vst.idx.add.f32.msk $0xffff, v53  }
0x343: {  	s0 =	simm.s32 $0x11400;
	[tilespmem:v9+s22+$0x0] =	vst.idx.add.f32.msk $0xffff, v56  }
0x344: {  	[tilespmem:v4+s0+$0x0] =	vst.idx.add.f32.msk $0xffff, v54  }
0x345: {  	[tilespmem:v9+s0+$0x0] =	vst.idx.add.f32.msk $0xffff, v57  }
0x346: {  	v4 =	vld [tilespmem:s23+$0x12B0]  }
0x347: {  	v9 =	vld [tilespmem:s23+$0x12C0];
	_ =	sdelay $0x5  }
0x348: {  	s5 =	simm.s32 $0xD500  }
0x349: {  	[tilespmem:v4+s5+$0x0] =	vst.idx.add.f32.msk $0xffff, v53  }
0x34a: {  	s7 =	simm.s32 $0x11500;
	[tilespmem:v9+s5+$0x0] =	vst.idx.add.f32.msk $0xffff, v56  }
0x34b: {  	[tilespmem:v4+s7+$0x0] =	vst.idx.add.f32.msk $0xffff, v54  }
0x34c: {  	[tilespmem:v9+s7+$0x0] =	vst.idx.add.f32.msk $0xffff, v57  }
0x34d: {  	v4 =	vld [tilespmem:s23+$0x1330]  }
0x34e: {  	v9 =	vld [tilespmem:s23+$0x1340];
	_ =	sdelay $0x5  }
0x34f: {  	s20 =	simm.s32 $0xD600  }
0x350: {  	[tilespmem:v4+s20+$0x0] =	vst.idx.add.f32.msk $0xffff, v53  }
0x351: {  	s21 =	simm.s32 $0x11600;
	[tilespmem:v9+s20+$0x0] =	vst.idx.add.f32.msk $0xffff, v56  }
0x352: {  	[tilespmem:v4+s21+$0x0] =	vst.idx.add.f32.msk $0xffff, v54  }
0x353: {  	[tilespmem:v9+s21+$0x0] =	vst.idx.add.f32.msk $0xffff, v57  }
0x354: {  	v4 =	vld [tilespmem:s23+$0x13B0]  }
0x355: {  	v9 =	vld [tilespmem:s23+$0x13C0];
	_ =	sdelay $0x5  }
0x356: {  	s22 =	simm.s32 $0xD700  }
0x357: {  	[tilespmem:v4+s22+$0x0] =	vst.idx.add.f32.msk $0xffff, v53  }
0x358: {  	s0 =	simm.s32 $0x11700;
	[tilespmem:v9+s22+$0x0] =	vst.idx.add.f32.msk $0xffff, v56  }
0x359: {  	[tilespmem:v4+s0+$0x0] =	vst.idx.add.f32.msk $0xffff, v54  }
0x35a: {  	[tilespmem:v9+s0+$0x0] =	vst.idx.add.f32.msk $0xffff, v57  }
0x35b: {  	v4 =	vld [tilespmem:s23+$0x1830]  }
0x35c: {  	v9 =	vld [tilespmem:s23+$0x1840];
	_ =	sdelay $0x5  }
0x35d: {  	s7 =	simm.s32 $0xD800  }
0x35e: {  	[tilespmem:v4+s7+$0x0] =	vst.idx.add.f32.msk $0xffff, v53  }
0x35f: {  	s20 =	simm.s32 $0x11800;
	[tilespmem:v9+s7+$0x0] =	vst.idx.add.f32.msk $0xffff, v56  }
0x360: {  	[tilespmem:v4+s20+$0x0] =	vst.idx.add.f32.msk $0xffff, v54  }
0x361: {  	[tilespmem:v9+s20+$0x0] =	vst.idx.add.f32.msk $0xffff, v57  }
0x362: {  	v4 =	vld [tilespmem:s23+$0x18B0]  }
0x363: {  	v9 =	vld [tilespmem:s23+$0x18C0];
	_ =	sdelay $0x5  }
0x364: {  	s21 =	simm.s32 $0xD900  }
0x365: {  	[tilespmem:v4+s21+$0x0] =	vst.idx.add.f32.msk $0xffff, v53  }
0x366: {  	s0 =	simm.s32 $0x11900;
	[tilespmem:v9+s21+$0x0] =	vst.idx.add.f32.msk $0xffff, v56  }
0x367: {  	[tilespmem:v4+s0+$0x0] =	vst.idx.add.f32.msk $0xffff, v54  }
0x368: {  	[tilespmem:v9+s0+$0x0] =	vst.idx.add.f32.msk $0xffff, v57  }
0x369: {  	v4 =	vld [tilespmem:s23+$0x1930]  }
0x36a: {  	v9 =	vld [tilespmem:s23+$0x1940];
	_ =	sdelay $0x5  }
0x36b: {  	s7 =	simm.s32 $0xDA00  }
0x36c: {  	[tilespmem:v4+s7+$0x0] =	vst.idx.add.f32.msk $0xffff, v53  }
0x36d: {  	s0 =	simm.s32 $0x11A00;
	[tilespmem:v9+s7+$0x0] =	vst.idx.add.f32.msk $0xffff, v56  }
0x36e: {  	[tilespmem:v4+s0+$0x0] =	vst.idx.add.f32.msk $0xffff, v54  }
0x36f: {  	[tilespmem:v9+s0+$0x0] =	vst.idx.add.f32.msk $0xffff, v57  }
0x370: {  	v4 =	vld [tilespmem:s23+$0x19B0]  }
0x371: {  	v9 =	vld [tilespmem:s23+$0x19C0];
	_ =	sdelay $0x5  }
0x372: {  	s7 =	simm.s32 $0xDB00  }
0x373: {  	[tilespmem:v4+s7+$0x0] =	vst.idx.add.f32.msk $0xffff, v53  }
0x374: {  	s0 =	simm.s32 $0x11B00;
	[tilespmem:v9+s7+$0x0] =	vst.idx.add.f32.msk $0xffff, v56  }
0x375: {  	[tilespmem:v4+s0+$0x0] =	vst.idx.add.f32.msk $0xffff, v54  }
0x376: {  	[tilespmem:v9+s0+$0x0] =	vst.idx.add.f32.msk $0xffff, v57  }
0x377: {  	v4 =	vld [tilespmem:s23+$0x1A30]  }
0x378: {  	v9 =	vld [tilespmem:s23+$0x1A40];
	_ =	sdelay $0x5  }
0x379: {  	s7 =	simm.s32 $0xDC00  }
0x37a: {  	[tilespmem:v4+s7+$0x0] =	vst.idx.add.f32.msk $0xffff, v53  }
0x37b: {  	s0 =	simm.s32 $0x11C00;
	[tilespmem:v9+s7+$0x0] =	vst.idx.add.f32.msk $0xffff, v56  }
0x37c: {  	[tilespmem:v4+s0+$0x0] =	vst.idx.add.f32.msk $0xffff, v54  }
0x37d: {  	[tilespmem:v9+s0+$0x0] =	vst.idx.add.f32.msk $0xffff, v57  }
0x37e: {  	v4 =	vld [tilespmem:s23+$0x1AB0]  }
0x37f: {  	v9 =	vld [tilespmem:s23+$0x1AC0];
	_ =	sdelay $0x5  }
0x380: {  	s7 =	simm.s32 $0xDD00  }
0x381: {  	[tilespmem:v4+s7+$0x0] =	vst.idx.add.f32.msk $0xffff, v53  }
0x382: {  	s0 =	simm.s32 $0x11D00;
	[tilespmem:v9+s7+$0x0] =	vst.idx.add.f32.msk $0xffff, v56  }
0x383: {  	[tilespmem:v4+s0+$0x0] =	vst.idx.add.f32.msk $0xffff, v54  }
0x384: {  	[tilespmem:v9+s0+$0x0] =	vst.idx.add.f32.msk $0xffff, v57  }
0x385: {  	v4 =	vld [tilespmem:s23+$0x1B30]  }
0x386: {  	v9 =	vld [tilespmem:s23+$0x1B40];
	_ =	sdelay $0x5  }
0x387: {  	s5 =	simm.s32 $0xDE00  }
0x388: {  	[tilespmem:v4+s5+$0x0] =	vst.idx.add.f32.msk $0xffff, v53  }
0x389: {  	s7 =	simm.s32 $0x11E00;
	[tilespmem:v9+s5+$0x0] =	vst.idx.add.f32.msk $0xffff, v56  }
0x38a: {  	[tilespmem:v4+s7+$0x0] =	vst.idx.add.f32.msk $0xffff, v54  }
0x38b: {  	[tilespmem:v9+s7+$0x0] =	vst.idx.add.f32.msk $0xffff, v57  }
0x38c: {  	v4 =	vld [tilespmem:s23+$0x1BB0]  }
0x38d: {  	v9 =	vld [tilespmem:s23+$0x1BC0];
	_ =	sdelay $0x5  }
0x38e: {  	s5 =	simm.s32 $0xDF00  }
0x38f: {  	[tilespmem:v4+s5+$0x0] =	vst.idx.add.f32.msk $0xffff, v53  }
0x390: {  	s7 =	simm.s32 $0x11F00;
	[tilespmem:v9+s5+$0x0] =	vst.idx.add.f32.msk $0xffff, v56  }
0x391: {  	[tilespmem:v4+s7+$0x0] =	vst.idx.add.f32.msk $0xffff, v54  }
0x392: {  	[tilespmem:v9+s7+$0x0] =	vst.idx.add.f32.msk $0xffff, v57  }
0x393: {  	v4 =	vld [tilespmem:s23+$0x2030]  }
0x394: {  	v9 =	vld [tilespmem:s23+$0x2040];
	_ =	sdelay $0x5  }
0x395: {  	s5 =	simm.s32 $0xE000  }
0x396: {  	[tilespmem:v4+s5+$0x0] =	vst.idx.add.f32.msk $0xffff, v53  }
0x397: {  	s7 =	simm.s32 $0x12000;
	[tilespmem:v9+s5+$0x0] =	vst.idx.add.f32.msk $0xffff, v56  }
0x398: {  	[tilespmem:v4+s7+$0x0] =	vst.idx.add.f32.msk $0xffff, v54  }
0x399: {  	[tilespmem:v9+s7+$0x0] =	vst.idx.add.f32.msk $0xffff, v57  }
0x39a: {  	v4 =	vld [tilespmem:s23+$0x20B0]  }
0x39b: {  	v9 =	vld [tilespmem:s23+$0x20C0];
	_ =	sdelay $0x5  }
0x39c: {  	s5 =	simm.s32 $0xE100  }
0x39d: {  	[tilespmem:v4+s5+$0x0] =	vst.idx.add.f32.msk $0xffff, v53  }
0x39e: {  	s7 =	simm.s32 $0x12100;
	[tilespmem:v9+s5+$0x0] =	vst.idx.add.f32.msk $0xffff, v56  }
0x39f: {  	[tilespmem:v4+s7+$0x0] =	vst.idx.add.f32.msk $0xffff, v54  }
0x3a0: {  	[tilespmem:v9+s7+$0x0] =	vst.idx.add.f32.msk $0xffff, v57  }
0x3a1: {  	v4 =	vld [tilespmem:s23+$0x2130]  }
0x3a2: {  	v9 =	vld [tilespmem:s23+$0x2140];
	_ =	sdelay $0x5  }
0x3a3: {  	s5 =	simm.s32 $0xE200  }
0x3a4: {  	[tilespmem:v4+s5+$0x0] =	vst.idx.add.f32.msk $0xffff, v53  }
0x3a5: {  	s7 =	simm.s32 $0x12200;
	[tilespmem:v9+s5+$0x0] =	vst.idx.add.f32.msk $0xffff, v56  }
0x3a6: {  	[tilespmem:v4+s7+$0x0] =	vst.idx.add.f32.msk $0xffff, v54  }
0x3a7: {  	[tilespmem:v9+s7+$0x0] =	vst.idx.add.f32.msk $0xffff, v57  }
0x3a8: {  	v4 =	vld [tilespmem:s23+$0x21B0]  }
0x3a9: {  	v9 =	vld [tilespmem:s23+$0x21C0];
	_ =	sdelay $0x5  }
0x3aa: {  	s5 =	simm.s32 $0xE300  }
0x3ab: {  	[tilespmem:v4+s5+$0x0] =	vst.idx.add.f32.msk $0xffff, v53  }
0x3ac: {  	s7 =	simm.s32 $0x12300;
	[tilespmem:v9+s5+$0x0] =	vst.idx.add.f32.msk $0xffff, v56  }
0x3ad: {  	[tilespmem:v4+s7+$0x0] =	vst.idx.add.f32.msk $0xffff, v54  }
0x3ae: {  	[tilespmem:v9+s7+$0x0] =	vst.idx.add.f32.msk $0xffff, v57  }
0x3af: {  	v4 =	vld [tilespmem:s23+$0x2230]  }
0x3b0: {  	v9 =	vld [tilespmem:s23+$0x2240];
	_ =	sdelay $0x5  }
0x3b1: {  	s5 =	simm.s32 $0xE400  }
0x3b2: {  	[tilespmem:v4+s5+$0x0] =	vst.idx.add.f32.msk $0xffff, v53  }
0x3b3: {  	s7 =	simm.s32 $0x12400;
	[tilespmem:v9+s5+$0x0] =	vst.idx.add.f32.msk $0xffff, v56  }
0x3b4: {  	[tilespmem:v4+s7+$0x0] =	vst.idx.add.f32.msk $0xffff, v54  }
0x3b5: {  	[tilespmem:v9+s7+$0x0] =	vst.idx.add.f32.msk $0xffff, v57  }
0x3b6: {  	v4 =	vld [tilespmem:s23+$0x22B0]  }
0x3b7: {  	v9 =	vld [tilespmem:s23+$0x22C0];
	_ =	sdelay $0x1  }
0x3b8: {  	v10 =	vld [tilespmem:s23+$0x50]  }
0x3b9: {  	v58 =	vld [tilespmem:s24+$0xA050];
	s0 =	simm.s32 $0xF600  }
0x3ba: {  	s1 =	simm.s32 $0x13600;
	[tilespmem:v3+s0+$0x0] =	vst.idx.add.f32.msk $0xffff, v1  }
0x3bb: {  	[tilespmem:v3+s1+$0x0] =	vst.idx.add.f32.msk $0xffff, v2  }
0x3bc: {  	v3 =	vld [tilespmem:s24+$0x8050];
	s5 =	simm.s32 $0xE500  }
0x3bd: {  	[tilespmem:v4+s5+$0x0] =	vst.idx.add.f32.msk $0xffff, v53  }
0x3be: {  	s7 =	simm.s32 $0x12500;
	[tilespmem:v9+s5+$0x0] =	vst.idx.add.f32.msk $0xffff, v56  }
0x3bf: {  	[tilespmem:v4+s7+$0x0] =	vst.idx.add.f32.msk $0xffff, v54  }
0x3c0: {  	[tilespmem:v9+s7+$0x0] =	vst.idx.add.f32.msk $0xffff, v57  }
0x3c1: {  	v11 =	vld [tilespmem:s23+$0x2330]  }
0x3c2: {  	v9 =	vld [tilespmem:s23+$0x2340];
	_ =	sdelay $0x2  }
0x3c3: {  	s18 =	simm.s32 $0xC000  }
0x3c4: {  	s16 =	simm.s32 $0x10000;
	[tilespmem:v10+s18+$0x0] =	vst.idx.add.f32.msk $0xffff, v3  }
0x3c5: {  	[tilespmem:v10+s16+$0x0] =	vst.idx.add.f32.msk $0xffff, v58  }
0x3c6: {  	s16 =	simm.s32 $0xE600;
	v10 =	vld [tilespmem:s23+$0xD0]  }
0x3c7: {  	[tilespmem:v11+s16+$0x0] =	vst.idx.add.f32.msk $0xffff, v53  }
0x3c8: {  	s18 =	simm.s32 $0x12600;
	[tilespmem:v9+s16+$0x0] =	vst.idx.add.f32.msk $0xffff, v56  }
0x3c9: {  	[tilespmem:v11+s18+$0x0] =	vst.idx.add.f32.msk $0xffff, v54  }
0x3ca: {  	[tilespmem:v9+s18+$0x0] =	vst.idx.add.f32.msk $0xffff, v57  }
0x3cb: {  	v11 =	vld [tilespmem:s23+$0x23B0]  }
0x3cc: {  	v9 =	vld [tilespmem:s23+$0x23C0];
	_ =	sdelay $0x2  }
0x3cd: {  	s28 =	simm.s32 $0xC100  }
0x3ce: {  	s29 =	simm.s32 $0x10100;
	[tilespmem:v10+s28+$0x0] =	vst.idx.add.f32.msk $0xffff, v3  }
0x3cf: {  	[tilespmem:v10+s29+$0x0] =	vst.idx.add.f32.msk $0xffff, v58  }
0x3d0: {  	v10 =	vld [tilespmem:s23+$0x150];
	s7 =	simm.s32 $0xE700  }
0x3d1: {  	[tilespmem:v11+s7+$0x0] =	vst.idx.add.f32.msk $0xffff, v53  }
0x3d2: {  	s16 =	simm.s32 $0x12700;
	[tilespmem:v9+s7+$0x0] =	vst.idx.add.f32.msk $0xffff, v56  }
0x3d3: {  	[tilespmem:v11+s16+$0x0] =	vst.idx.add.f32.msk $0xffff, v54  }
0x3d4: {  	[tilespmem:v9+s16+$0x0] =	vst.idx.add.f32.msk $0xffff, v57  }
0x3d5: {  	v11 =	vld [tilespmem:s23+$0x2830]  }
0x3d6: {  	v9 =	vld [tilespmem:s23+$0x2840];
	_ =	sdelay $0x3  }
0x3d7: {  	[tilespmem:v10+s30+$0x0] =	vst.idx.add.f32.msk $0xffff, v3;
	s16 =	simm.s32 $0x10200  }
0x3d8: {  	[tilespmem:v10+s16+$0x0] =	vst.idx.add.f32.msk $0xffff, v58  }
0x3d9: {  	s5 =	simm.s32 $0xE800;
	v10 =	vld [tilespmem:s23+$0x1D0]  }
0x3da: {  	[tilespmem:v11+s5+$0x0] =	vst.idx.add.f32.msk $0xffff, v53  }
0x3db: {  	s7 =	simm.s32 $0x12800;
	[tilespmem:v9+s5+$0x0] =	vst.idx.add.f32.msk $0xffff, v56  }
0x3dc: {  	[tilespmem:v11+s7+$0x0] =	vst.idx.add.f32.msk $0xffff, v54  }
0x3dd: {  	[tilespmem:v9+s7+$0x0] =	vst.idx.add.f32.msk $0xffff, v57  }
0x3de: {  	v11 =	vld [tilespmem:s23+$0x28B0]  }
0x3df: {  	v9 =	vld [tilespmem:s23+$0x28C0];
	_ =	sdelay $0x2  }
0x3e0: {  	s7 =	simm.s32 $0xC300  }
0x3e1: {  	s26 =	simm.s32 $0x10300;
	[tilespmem:v10+s7+$0x0] =	vst.idx.add.f32.msk $0xffff, v3  }
0x3e2: {  	[tilespmem:v10+s26+$0x0] =	vst.idx.add.f32.msk $0xffff, v58  }
0x3e3: {  	s5 =	simm.s32 $0xE900;
	v10 =	vld [tilespmem:s23+$0x250]  }
0x3e4: {  	[tilespmem:v11+s5+$0x0] =	vst.idx.add.f32.msk $0xffff, v53  }
0x3e5: {  	s7 =	simm.s32 $0x12900;
	[tilespmem:v9+s5+$0x0] =	vst.idx.add.f32.msk $0xffff, v56  }
0x3e6: {  	[tilespmem:v11+s7+$0x0] =	vst.idx.add.f32.msk $0xffff, v54  }
0x3e7: {  	[tilespmem:v9+s7+$0x0] =	vst.idx.add.f32.msk $0xffff, v57  }
0x3e8: {  	v11 =	vld [tilespmem:s23+$0x2930]  }
0x3e9: {  	v9 =	vld [tilespmem:s23+$0x2940];
	_ =	sdelay $0x2  }
0x3ea: {  	s7 =	simm.s32 $0xC400  }
0x3eb: {  	s15 =	simm.s32 $0x10400;
	[tilespmem:v10+s7+$0x0] =	vst.idx.add.f32.msk $0xffff, v3  }
0x3ec: {  	[tilespmem:v10+s15+$0x0] =	vst.idx.add.f32.msk $0xffff, v58  }
0x3ed: {  	s5 =	simm.s32 $0xEA00;
	v10 =	vld [tilespmem:s23+$0x2D0]  }
0x3ee: {  	[tilespmem:v11+s5+$0x0] =	vst.idx.add.f32.msk $0xffff, v53  }
0x3ef: {  	s7 =	simm.s32 $0x12A00;
	[tilespmem:v9+s5+$0x0] =	vst.idx.add.f32.msk $0xffff, v56  }
0x3f0: {  	[tilespmem:v11+s7+$0x0] =	vst.idx.add.f32.msk $0xffff, v54  }
0x3f1: {  	[tilespmem:v9+s7+$0x0] =	vst.idx.add.f32.msk $0xffff, v57  }
0x3f2: {  	v11 =	vld [tilespmem:s23+$0x29B0]  }
0x3f3: {  	v9 =	vld [tilespmem:s23+$0x29C0];
	_ =	sdelay $0x2  }
0x3f4: {  	s4 =	simm.s32 $0xC500  }
0x3f5: {  	s8 =	simm.s32 $0x10500;
	[tilespmem:v10+s4+$0x0] =	vst.idx.add.f32.msk $0xffff, v3  }
0x3f6: {  	[tilespmem:v10+s8+$0x0] =	vst.idx.add.f32.msk $0xffff, v58  }
0x3f7: {  	s5 =	simm.s32 $0xEB00;
	v10 =	vld [tilespmem:s23+$0x350]  }
0x3f8: {  	[tilespmem:v11+s5+$0x0] =	vst.idx.add.f32.msk $0xffff, v53  }
0x3f9: {  	s8 =	simm.s32 $0x12B00;
	[tilespmem:v9+s5+$0x0] =	vst.idx.add.f32.msk $0xffff, v56  }
0x3fa: {  	[tilespmem:v11+s8+$0x0] =	vst.idx.add.f32.msk $0xffff, v54  }
0x3fb: {  	[tilespmem:v9+s8+$0x0] =	vst.idx.add.f32.msk $0xffff, v57  }
0x3fc: {  	v11 =	vld [tilespmem:s23+$0x2A30]  }
0x3fd: {  	v9 =	vld [tilespmem:s23+$0x2A40];
	_ =	sdelay $0x2  }
0x3fe: {  	s8 =	simm.s32 $0xC600  }
0x3ff: {  	[tilespmem:v10+s8+$0x0] =	vst.idx.add.f32.msk $0xffff, v3;
	s8 =	simm.s32 $0x10600  }
0x400: {  	[tilespmem:v10+s8+$0x0] =	vst.idx.add.f32.msk $0xffff, v58  }
0x401: {  	s5 =	simm.s32 $0xEC00;
	v10 =	vld [tilespmem:s23+$0x3D0]  }
0x402: {  	[tilespmem:v11+s5+$0x0] =	vst.idx.add.f32.msk $0xffff, v53  }
0x403: {  	s8 =	simm.s32 $0x12C00;
	[tilespmem:v9+s5+$0x0] =	vst.idx.add.f32.msk $0xffff, v56  }
0x404: {  	[tilespmem:v11+s8+$0x0] =	vst.idx.add.f32.msk $0xffff, v54  }
0x405: {  	[tilespmem:v9+s8+$0x0] =	vst.idx.add.f32.msk $0xffff, v57  }
0x406: {  	v11 =	vld [tilespmem:s23+$0x2AB0]  }
0x407: {  	v9 =	vld [tilespmem:s23+$0x2AC0];
	_ =	sdelay $0x2  }
0x408: {  	s10 =	simm.s32 $0xC700  }
0x409: {  	s14 =	simm.s32 $0x10700;
	[tilespmem:v10+s10+$0x0] =	vst.idx.add.f32.msk $0xffff, v3  }
0x40a: {  	[tilespmem:v10+s14+$0x0] =	vst.idx.add.f32.msk $0xffff, v58  }
0x40b: {  	s5 =	simm.s32 $0xED00;
	v10 =	vld [tilespmem:s23+$0x850]  }
0x40c: {  	[tilespmem:v11+s5+$0x0] =	vst.idx.add.f32.msk $0xffff, v53  }
0x40d: {  	s8 =	simm.s32 $0x12D00;
	[tilespmem:v9+s5+$0x0] =	vst.idx.add.f32.msk $0xffff, v56  }
0x40e: {  	[tilespmem:v11+s8+$0x0] =	vst.idx.add.f32.msk $0xffff, v54  }
0x40f: {  	[tilespmem:v9+s8+$0x0] =	vst.idx.add.f32.msk $0xffff, v57  }
0x410: {  	v11 =	vld [tilespmem:s23+$0x2B30]  }
0x411: {  	v9 =	vld [tilespmem:s23+$0x2B40];
	_ =	sdelay $0x2  }
0x412: {  	s11 =	simm.s32 $0xC800;
	v12 =	vld [tilespmem:s23+$0x33A0]  }
0x413: {  	s2 =	simm.s32 $0x10800;
	[tilespmem:v10+s11+$0x0] =	vst.idx.add.f32.msk $0xffff, v3  }
0x414: {  	[tilespmem:v10+s2+$0x0] =	vst.idx.add.f32.msk $0xffff, v58  }
0x415: {  	s8 =	simm.s32 $0xEE00;
	v10 =	vld [tilespmem:s23+$0x8D0]  }
0x416: {  	[tilespmem:v11+s8+$0x0] =	vst.idx.add.f32.msk $0xffff, v53  }
0x417: {  	s11 =	simm.s32 $0x12E00;
	[tilespmem:v9+s8+$0x0] =	vst.idx.add.f32.msk $0xffff, v56  }
0x418: {  	[tilespmem:v11+s11+$0x0] =	vst.idx.add.f32.msk $0xffff, v54  }
0x419: {  	[tilespmem:v9+s11+$0x0] =	vst.idx.add.f32.msk $0xffff, v57  }
0x41a: {  	v11 =	vld [tilespmem:s23+$0x2BB0]  }
0x41b: {  	s18 =	simm.s32 $0xF700;
	v9 =	vld [tilespmem:s23+$0x2BC0]  }
0x41c: {  	[tilespmem:v12+s18+$0x0] =	vst.idx.add.f32.msk $0xffff, v1;
	s16 =	simm.s32 $0x13700  }
0x41d: {  	[tilespmem:v12+s16+$0x0] =	vst.idx.add.f32.msk $0xffff, v2  }
0x41e: {  	s17 =	simm.s32 $0xC900;
	v12 =	vld [tilespmem:s23+$0x3820]  }
0x41f: {  	s11 =	simm.s32 $0x10900;
	[tilespmem:v10+s17+$0x0] =	vst.idx.add.f32.msk $0xffff, v3  }
0x420: {  	[tilespmem:v10+s11+$0x0] =	vst.idx.add.f32.msk $0xffff, v58  }
0x421: {  	s8 =	simm.s32 $0xEF00;
	v10 =	vld [tilespmem:s23+$0x950]  }
0x422: {  	[tilespmem:v11+s8+$0x0] =	vst.idx.add.f32.msk $0xffff, v53  }
0x423: {  	s11 =	simm.s32 $0x12F00;
	[tilespmem:v9+s8+$0x0] =	vst.idx.add.f32.msk $0xffff, v56  }
0x424: {  	[tilespmem:v11+s11+$0x0] =	vst.idx.add.f32.msk $0xffff, v54  }
0x425: {  	[tilespmem:v9+s11+$0x0] =	vst.idx.add.f32.msk $0xffff, v57  }
0x426: {  	v11 =	vld [tilespmem:s23+$0x3030]  }
0x427: {  	s15 =	simm.s32 $0xF800;
	v9 =	vld [tilespmem:s23+$0x3040]  }
0x428: {  	[tilespmem:v12+s15+$0x0] =	vst.idx.add.f32.msk $0xffff, v1;
	s7 =	simm.s32 $0x13800  }
0x429: {  	[tilespmem:v12+s7+$0x0] =	vst.idx.add.f32.msk $0xffff, v2  }
0x42a: {  	s13 =	simm.s32 $0xCA00;
	v12 =	vld [tilespmem:s23+$0x38A0]  }
0x42b: {  	s11 =	simm.s32 $0x10A00;
	[tilespmem:v10+s13+$0x0] =	vst.idx.add.f32.msk $0xffff, v3  }
0x42c: {  	[tilespmem:v10+s11+$0x0] =	vst.idx.add.f32.msk $0xffff, v58  }
0x42d: {  	s8 =	simm.s32 $0xF000;
	v10 =	vld [tilespmem:s23+$0x9D0]  }
0x42e: {  	[tilespmem:v11+s8+$0x0] =	vst.idx.add.f32.msk $0xffff, v53  }
0x42f: {  	s11 =	simm.s32 $0x13000;
	[tilespmem:v9+s8+$0x0] =	vst.idx.add.f32.msk $0xffff, v56  }
0x430: {  	[tilespmem:v11+s11+$0x0] =	vst.idx.add.f32.msk $0xffff, v54  }
0x431: {  	[tilespmem:v9+s11+$0x0] =	vst.idx.add.f32.msk $0xffff, v57  }
0x432: {  	v11 =	vld [tilespmem:s23+$0x30B0]  }
0x433: {  	s14 =	simm.s32 $0xF900;
	v9 =	vld [tilespmem:s23+$0x30C0]  }
0x434: {  	[tilespmem:v12+s14+$0x0] =	vst.idx.add.f32.msk $0xffff, v1;
	s5 =	simm.s32 $0x13900  }
0x435: {  	[tilespmem:v12+s5+$0x0] =	vst.idx.add.f32.msk $0xffff, v2  }
0x436: {  	s12 =	simm.s32 $0xCB00;
	v12 =	vld [tilespmem:s23+$0x3920]  }
0x437: {  	[tilespmem:v10+s12+$0x0] =	vst.idx.add.f32.msk $0xffff, v3;
	s12 =	simm.s32 $0x10B00  }
0x438: {  	[tilespmem:v10+s12+$0x0] =	vst.idx.add.f32.msk $0xffff, v58  }
0x439: {  	s8 =	simm.s32 $0xF100;
	v10 =	vld [tilespmem:s23+$0xA50]  }
0x43a: {  	[tilespmem:v11+s8+$0x0] =	vst.idx.add.f32.msk $0xffff, v53  }
0x43b: {  	s11 =	simm.s32 $0x13100;
	[tilespmem:v9+s8+$0x0] =	vst.idx.add.f32.msk $0xffff, v56  }
0x43c: {  	[tilespmem:v11+s11+$0x0] =	vst.idx.add.f32.msk $0xffff, v54  }
0x43d: {  	[tilespmem:v9+s11+$0x0] =	vst.idx.add.f32.msk $0xffff, v57  }
0x43e: {  	v11 =	vld [tilespmem:s23+$0x3130]  }
0x43f: {  	s13 =	simm.s32 $0xFA00;
	v9 =	vld [tilespmem:s23+$0x3140]  }
0x440: {  	[tilespmem:v12+s13+$0x0] =	vst.idx.add.f32.msk $0xffff, v1;
	s12 =	simm.s32 $0x13A00  }
0x441: {  	[tilespmem:v12+s12+$0x0] =	vst.idx.add.f32.msk $0xffff, v2  }
0x442: {  	v12 =	vld [tilespmem:s23+$0x39A0];
	s11 =	simm.s32 $0xCC00  }
0x443: {  	[tilespmem:v10+s11+$0x0] =	vst.idx.add.f32.msk $0xffff, v3;
	s11 =	simm.s32 $0x10C00  }
0x444: {  	[tilespmem:v10+s11+$0x0] =	vst.idx.add.f32.msk $0xffff, v58  }
0x445: {  	s8 =	simm.s32 $0xF200;
	v10 =	vld [tilespmem:s23+$0xAD0]  }
0x446: {  	[tilespmem:v11+s8+$0x0] =	vst.idx.add.f32.msk $0xffff, v53  }
0x447: {  	s11 =	simm.s32 $0x13200;
	[tilespmem:v9+s8+$0x0] =	vst.idx.add.f32.msk $0xffff, v56  }
0x448: {  	[tilespmem:v11+s11+$0x0] =	vst.idx.add.f32.msk $0xffff, v54  }
0x449: {  	[tilespmem:v9+s11+$0x0] =	vst.idx.add.f32.msk $0xffff, v57  }
0x44a: {  	v11 =	vld [tilespmem:s23+$0x31B0]  }
0x44b: {  	v9 =	vld [tilespmem:s23+$0x31C0];
	_ =	sdelay $0x1  }
0x44c: {  	s19 =	simm.s32 $0xFB00  }
0x44d: {  	[tilespmem:v12+s19+$0x0] =	vst.idx.add.f32.msk $0xffff, v1;
	s11 =	simm.s32 $0xCD00  }
0x44e: {  	[tilespmem:v10+s11+$0x0] =	vst.idx.add.f32.msk $0xffff, v3;
	s11 =	simm.s32 $0x10D00  }
0x44f: {  	[tilespmem:v10+s11+$0x0] =	vst.idx.add.f32.msk $0xffff, v58  }
0x450: {  	s11 =	simm.s32 $0xF300;
	v10 =	vld [tilespmem:s23+$0xB50]  }
0x451: {  	[tilespmem:v11+s11+$0x0] =	vst.idx.add.f32.msk $0xffff, v53  }
0x452: {  	s19 =	simm.s32 $0x13300;
	[tilespmem:v9+s11+$0x0] =	vst.idx.add.f32.msk $0xffff, v56  }
0x453: {  	[tilespmem:v11+s19+$0x0] =	vst.idx.add.f32.msk $0xffff, v54  }
0x454: {  	[tilespmem:v9+s19+$0x0] =	vst.idx.add.f32.msk $0xffff, v57  }
0x455: {  	v11 =	vld [tilespmem:s23+$0x3230]  }
0x456: {  	v9 =	vld [tilespmem:s23+$0x3240];
	_ =	sdelay $0x2  }
0x457: {  	s19 =	simm.s32 $0xCE00  }
0x458: {  	s11 =	simm.s32 $0x10E00;
	[tilespmem:v10+s19+$0x0] =	vst.idx.add.f32.msk $0xffff, v3  }
0x459: {  	[tilespmem:v10+s11+$0x0] =	vst.idx.add.f32.msk $0xffff, v58  }
0x45a: {  	s8 =	simm.s32 $0xF400;
	v10 =	vld [tilespmem:s23+$0xBD0]  }
0x45b: {  	[tilespmem:v11+s8+$0x0] =	vst.idx.add.f32.msk $0xffff, v53  }
0x45c: {  	s19 =	simm.s32 $0x13400;
	[tilespmem:v9+s8+$0x0] =	vst.idx.add.f32.msk $0xffff, v56  }
0x45d: {  	[tilespmem:v11+s19+$0x0] =	vst.idx.add.f32.msk $0xffff, v54  }
0x45e: {  	[tilespmem:v9+s19+$0x0] =	vst.idx.add.f32.msk $0xffff, v57  }
0x45f: {  	v11 =	vld [tilespmem:s23+$0x32B0]  }
0x460: {  	v9 =	vld [tilespmem:s23+$0x32C0];
	_ =	sdelay $0x2  }
0x461: {  	s19 =	simm.s32 $0xCF00  }
0x462: {  	s3 =	simm.s32 $0x10F00;
	[tilespmem:v10+s19+$0x0] =	vst.idx.add.f32.msk $0xffff, v3  }
0x463: {  	[tilespmem:v10+s3+$0x0] =	vst.idx.add.f32.msk $0xffff, v58  }
0x464: {  	s3 =	simm.s32 $0xF500;
	v10 =	vld [tilespmem:s23+$0x1050]  }
0x465: {  	[tilespmem:v11+s3+$0x0] =	vst.idx.add.f32.msk $0xffff, v53  }
0x466: {  	s19 =	simm.s32 $0x13500;
	[tilespmem:v9+s3+$0x0] =	vst.idx.add.f32.msk $0xffff, v56  }
0x467: {  	[tilespmem:v11+s19+$0x0] =	vst.idx.add.f32.msk $0xffff, v54  }
0x468: {  	[tilespmem:v9+s19+$0x0] =	vst.idx.add.f32.msk $0xffff, v57  }
0x469: {  	v11 =	vld [tilespmem:s23+$0x3330]  }
0x46a: {  	v9 =	vld [tilespmem:s23+$0x3340];
	_ =	sdelay $0x2  }
0x46b: {  	s19 =	simm.s32 $0xD000  }
0x46c: {  	s8 =	simm.s32 $0x11000;
	[tilespmem:v10+s19+$0x0] =	vst.idx.add.f32.msk $0xffff, v3  }
0x46d: {  	[tilespmem:v10+s8+$0x0] =	vst.idx.add.f32.msk $0xffff, v58  }
0x46e: {  	v10 =	vld [tilespmem:s23+$0x10D0]  }
0x46f: {  	[tilespmem:v11+s0+$0x0] =	vst.idx.add.f32.msk $0xffff, v53  }
0x470: {  	[tilespmem:v9+s0+$0x0] =	vst.idx.add.f32.msk $0xffff, v56  }
0x471: {  	[tilespmem:v11+s1+$0x0] =	vst.idx.add.f32.msk $0xffff, v54  }
0x472: {  	[tilespmem:v9+s1+$0x0] =	vst.idx.add.f32.msk $0xffff, v57  }
0x473: {  	v11 =	vld [tilespmem:s23+$0x33B0]  }
0x474: {  	v9 =	vld [tilespmem:s23+$0x33C0];
	_ =	sdelay $0x2  }
0x475: {  	s19 =	simm.s32 $0xD100  }
0x476: {  	s1 =	simm.s32 $0x11100;
	[tilespmem:v10+s19+$0x0] =	vst.idx.add.f32.msk $0xffff, v3  }
0x477: {  	[tilespmem:v10+s1+$0x0] =	vst.idx.add.f32.msk $0xffff, v58  }
0x478: {  	v10 =	vld [tilespmem:s23+$0x1150]  }
0x479: {  	[tilespmem:v11+s18+$0x0] =	vst.idx.add.f32.msk $0xffff, v53  }
0x47a: {  	[tilespmem:v9+s18+$0x0] =	vst.idx.add.f32.msk $0xffff, v56  }
0x47b: {  	[tilespmem:v11+s16+$0x0] =	vst.idx.add.f32.msk $0xffff, v54  }
0x47c: {  	[tilespmem:v9+s16+$0x0] =	vst.idx.add.f32.msk $0xffff, v57  }
0x47d: {  	v11 =	vld [tilespmem:s23+$0x3830]  }
0x47e: {  	v9 =	vld [tilespmem:s23+$0x3840];
	_ =	sdelay $0x2  }
0x47f: {  	s3 =	simm.s32 $0xD200  }
0x480: {  	s6 =	simm.s32 $0x11200;
	[tilespmem:v10+s3+$0x0] =	vst.idx.add.f32.msk $0xffff, v3  }
0x481: {  	[tilespmem:v10+s6+$0x0] =	vst.idx.add.f32.msk $0xffff, v58  }
0x482: {  	v10 =	vld [tilespmem:s23+$0x11D0]  }
0x483: {  	[tilespmem:v11+s15+$0x0] =	vst.idx.add.f32.msk $0xffff, v53  }
0x484: {  	[tilespmem:v9+s15+$0x0] =	vst.idx.add.f32.msk $0xffff, v56  }
0x485: {  	[tilespmem:v11+s7+$0x0] =	vst.idx.add.f32.msk $0xffff, v54  }
0x486: {  	[tilespmem:v9+s7+$0x0] =	vst.idx.add.f32.msk $0xffff, v57  }
0x487: {  	v11 =	vld [tilespmem:s23+$0x38B0]  }
0x488: {  	v9 =	vld [tilespmem:s23+$0x38C0];
	_ =	sdelay $0x2  }
0x489: {  	s7 =	simm.s32 $0xD300  }
0x48a: {  	s9 =	simm.s32 $0x11300;
	[tilespmem:v10+s7+$0x0] =	vst.idx.add.f32.msk $0xffff, v3  }
0x48b: {  	[tilespmem:v10+s9+$0x0] =	vst.idx.add.f32.msk $0xffff, v58  }
0x48c: {  	v10 =	vld [tilespmem:s23+$0x1250]  }
0x48d: {  	[tilespmem:v11+s14+$0x0] =	vst.idx.add.f32.msk $0xffff, v53  }
0x48e: {  	[tilespmem:v9+s14+$0x0] =	vst.idx.add.f32.msk $0xffff, v56  }
0x48f: {  	[tilespmem:v11+s5+$0x0] =	vst.idx.add.f32.msk $0xffff, v54  }
0x490: {  	[tilespmem:v9+s5+$0x0] =	vst.idx.add.f32.msk $0xffff, v57  }
0x491: {  	v11 =	vld [tilespmem:s23+$0x3930]  }
0x492: {  	v9 =	vld [tilespmem:s23+$0x3940];
	_ =	sdelay $0x2  }
0x493: {  	s31 =	simm.s32 $0xD400  }
0x494: {  	s15 =	simm.s32 $0x11400;
	[tilespmem:v10+s31+$0x0] =	vst.idx.add.f32.msk $0xffff, v3  }
0x495: {  	[tilespmem:v10+s15+$0x0] =	vst.idx.add.f32.msk $0xffff, v58  }
0x496: {  	v10 =	vld [tilespmem:s23+$0x12D0]  }
0x497: {  	[tilespmem:v11+s13+$0x0] =	vst.idx.add.f32.msk $0xffff, v53  }
0x498: {  	[tilespmem:v9+s13+$0x0] =	vst.idx.add.f32.msk $0xffff, v56  }
0x499: {  	[tilespmem:v11+s12+$0x0] =	vst.idx.add.f32.msk $0xffff, v54  }
0x49a: {  	[tilespmem:v9+s12+$0x0] =	vst.idx.add.f32.msk $0xffff, v57  }
0x49b: {  	v11 =	vld [tilespmem:s23+$0x39B0]  }
0x49c: {  	v9 =	vld [tilespmem:s23+$0x39C0]  }
0x49d: {  	s11 =	simm.s32 $0x13B00  }
0x49e: {  	[tilespmem:v12+s11+$0x0] =	vst.idx.add.f32.msk $0xffff, v2  }
0x49f: {  	v12 =	vld [tilespmem:s23+$0x3A20];
	s16 =	simm.s32 $0xD500  }
0x4a0: {  	s18 =	simm.s32 $0x11500;
	[tilespmem:v10+s16+$0x0] =	vst.idx.add.f32.msk $0xffff, v3  }
0x4a1: {  	[tilespmem:v10+s18+$0x0] =	vst.idx.add.f32.msk $0xffff, v58  }
0x4a2: {  	s19 =	simm.s32 $0xFB00;
	v10 =	vld [tilespmem:s23+$0x1350]  }
0x4a3: {  	[tilespmem:v11+s19+$0x0] =	vst.idx.add.f32.msk $0xffff, v53  }
0x4a4: {  	[tilespmem:v9+s19+$0x0] =	vst.idx.add.f32.msk $0xffff, v56  }
0x4a5: {  	s0 =	simm.s32 $0x13B00;
	[tilespmem:v11+s11+$0x0] =	vst.idx.add.f32.msk $0xffff, v54  }
0x4a6: {  	[tilespmem:v9+s0+$0x0] =	vst.idx.add.f32.msk $0xffff, v57  }
0x4a7: {  	v11 =	vld [tilespmem:s23+$0x3A30]  }
0x4a8: {  	s8 =	simm.s32 $0xFC00;
	v9 =	vld [tilespmem:s23+$0x3A40]  }
0x4a9: {  	[tilespmem:v12+s8+$0x0] =	vst.idx.add.f32.msk $0xffff, v1;
	s1 =	simm.s32 $0x13C00  }
0x4aa: {  	[tilespmem:v12+s1+$0x0] =	vst.idx.add.f32.msk $0xffff, v2  }
0x4ab: {  	v12 =	vld [tilespmem:s23+$0x3AA0];
	s9 =	simm.s32 $0xD600  }
0x4ac: {  	s11 =	simm.s32 $0x11600;
	[tilespmem:v10+s9+$0x0] =	vst.idx.add.f32.msk $0xffff, v3  }
0x4ad: {  	[tilespmem:v10+s11+$0x0] =	vst.idx.add.f32.msk $0xffff, v58  }
0x4ae: {  	v10 =	vld [tilespmem:s23+$0x13D0]  }
0x4af: {  	s13 =	simm.s32 $0xFC00;
	[tilespmem:v11+s8+$0x0] =	vst.idx.add.f32.msk $0xffff, v53  }
0x4b0: {  	[tilespmem:v9+s13+$0x0] =	vst.idx.add.f32.msk $0xffff, v56  }
0x4b1: {  	s14 =	simm.s32 $0x13C00;
	[tilespmem:v11+s1+$0x0] =	vst.idx.add.f32.msk $0xffff, v54  }
0x4b2: {  	[tilespmem:v9+s14+$0x0] =	vst.idx.add.f32.msk $0xffff, v57  }
0x4b3: {  	v11 =	vld [tilespmem:s23+$0x3AB0]  }
0x4b4: {  	s7 =	simm.s32 $0xFD00;
	v9 =	vld [tilespmem:s23+$0x3AC0]  }
0x4b5: {  	[tilespmem:v12+s7+$0x0] =	vst.idx.add.f32.msk $0xffff, v1;
	s5 =	simm.s32 $0x13D00  }
0x4b6: {  	[tilespmem:v12+s5+$0x0] =	vst.idx.add.f32.msk $0xffff, v2  }
0x4b7: {  	v12 =	vld [tilespmem:s23+$0x3B20];
	s15 =	simm.s32 $0xD700  }
0x4b8: {  	s16 =	simm.s32 $0x11700;
	[tilespmem:v10+s15+$0x0] =	vst.idx.add.f32.msk $0xffff, v3  }
0x4b9: {  	[tilespmem:v10+s16+$0x0] =	vst.idx.add.f32.msk $0xffff, v58  }
0x4ba: {  	v10 =	vld [tilespmem:s23+$0x1850]  }
0x4bb: {  	s19 =	simm.s32 $0xFD00;
	[tilespmem:v11+s7+$0x0] =	vst.idx.add.f32.msk $0xffff, v53  }
0x4bc: {  	[tilespmem:v9+s19+$0x0] =	vst.idx.add.f32.msk $0xffff, v56  }
0x4bd: {  	s0 =	simm.s32 $0x13D00;
	[tilespmem:v11+s5+$0x0] =	vst.idx.add.f32.msk $0xffff, v54  }
0x4be: {  	[tilespmem:v9+s0+$0x0] =	vst.idx.add.f32.msk $0xffff, v57  }
0x4bf: {  	v11 =	vld [tilespmem:s23+$0x3B30]  }
0x4c0: {  	s12 =	simm.s32 $0xFE00;
	v9 =	vld [tilespmem:s23+$0x3B40]  }
0x4c1: {  	[tilespmem:v12+s12+$0x0] =	vst.idx.add.f32.msk $0xffff, v1;
	s18 =	simm.s32 $0x13E00  }
0x4c2: {  	s22 =	simm.s32 $0xD800;
	[tilespmem:v12+s18+$0x0] =	vst.idx.add.f32.msk $0xffff, v2  }
0x4c3: {  	s7 =	simm.s32 $0x11800;
	[tilespmem:v10+s22+$0x0] =	vst.idx.add.f32.msk $0xffff, v3  }
0x4c4: {  	[tilespmem:v10+s7+$0x0] =	vst.idx.add.f32.msk $0xffff, v58  }
0x4c5: {  	v10 =	vld [tilespmem:s23+$0x18D0]  }
0x4c6: {  	v12 =	vld [tilespmem:s23+$0x3BA0]  }
0x4c7: {  	s8 =	simm.s32 $0xFE00;
	[tilespmem:v11+s12+$0x0] =	vst.idx.add.f32.msk $0xffff, v53  }
0x4c8: {  	[tilespmem:v9+s8+$0x0] =	vst.idx.add.f32.msk $0xffff, v56  }
0x4c9: {  	s9 =	simm.s32 $0x13E00;
	[tilespmem:v11+s18+$0x0] =	vst.idx.add.f32.msk $0xffff, v54  }
0x4ca: {  	[tilespmem:v9+s9+$0x0] =	vst.idx.add.f32.msk $0xffff, v57  }
0x4cb: {  	v11 =	vld [tilespmem:s23+$0x3BB0]  }
0x4cc: {  	s20 =	simm.s32 $0xD900;
	v9 =	vld [tilespmem:s23+$0x3BC0]  }
0x4cd: {  	s21 =	simm.s32 $0x11900;
	[tilespmem:v10+s20+$0x0] =	vst.idx.add.f32.msk $0xffff, v3  }
0x4ce: {  	[tilespmem:v10+s21+$0x0] =	vst.idx.add.f32.msk $0xffff, v58  }
0x4cf: {  	v10 =	vld [tilespmem:s23+$0x1950]  }
0x4d0: {  	s11 =	simm.s32 $0xFF00  }
0x4d1: {  	[tilespmem:v12+s11+$0x0] =	vst.idx.add.f32.msk $0xffff, v1  }
0x4d2: {  	[tilespmem:v12+s25+$0x0] =	vst.idx.add.f32.msk $0xffff, v2  }
0x4d3: {  	[tilespmem:v11+s11+$0x0] =	vst.idx.add.f32.msk $0xffff, v53  }
0x4d4: {  	[tilespmem:v9+s11+$0x0] =	vst.idx.add.f32.msk $0xffff, v56  }
0x4d5: {  	[tilespmem:v11+s25+$0x0] =	vst.idx.add.f32.msk $0xffff, v54  }
0x4d6: {  	s8 =	simm.s32 $0xDA00;
	[tilespmem:v9+s25+$0x0] =	vst.idx.add.f32.msk $0xffff, v57  }
0x4d7: {  	s11 =	simm.s32 $0x11A00;
	[tilespmem:v10+s8+$0x0] =	vst.idx.add.f32.msk $0xffff, v3  }
0x4d8: {  	[tilespmem:v10+s11+$0x0] =	vst.idx.add.f32.msk $0xffff, v58  }
0x4d9: {  	v59 =	vld [tilespmem:s23+$0x60]  }
0x4da: {  	v60 =	vld [tilespmem:s23+$0x70];
	_ =	sdelay $0x1  }
0x4db: {  	v1 =	vld [tilespmem:s24+$0x8060]  }
0x4dc: {  	v2 =	vld [tilespmem:s24+$0x8070]  }
0x4dd: {  	v61 =	vld [tilespmem:s24+$0xA060]  }
0x4de: {  	v62 =	vld [tilespmem:s24+$0xA070]  }
0x4df: {  	s12 =	simm.s32 $0xC000  }
0x4e0: {  	[tilespmem:v59+s12+$0x0] =	vst.idx.add.f32.msk $0xffff, v1  }
0x4e1: {  	s13 =	simm.s32 $0x10000;
	[tilespmem:v60+s12+$0x0] =	vst.idx.add.f32.msk $0xffff, v2  }
0x4e2: {  	[tilespmem:v59+s13+$0x0] =	vst.idx.add.f32.msk $0xffff, v61  }
0x4e3: {  	[tilespmem:v60+s13+$0x0] =	vst.idx.add.f32.msk $0xffff, v62  }
0x4e4: {  	v7 =	vld [tilespmem:s23+$0xE0]  }
0x4e5: {  	v8 =	vld [tilespmem:s23+$0xF0];
	_ =	sdelay $0x6  }
0x4e6: {  	[tilespmem:v7+s28+$0x0] =	vst.idx.add.f32.msk $0xffff, v1  }
0x4e7: {  	[tilespmem:v8+s28+$0x0] =	vst.idx.add.f32.msk $0xffff, v2  }
0x4e8: {  	[tilespmem:v7+s29+$0x0] =	vst.idx.add.f32.msk $0xffff, v61  }
0x4e9: {  	[tilespmem:v8+s29+$0x0] =	vst.idx.add.f32.msk $0xffff, v62  }
0x4ea: {  	v7 =	vld [tilespmem:s23+$0x160]  }
0x4eb: {  	v8 =	vld [tilespmem:s23+$0x170];
	_ =	sdelay $0x6  }
0x4ec: {  	[tilespmem:v7+s30+$0x0] =	vst.idx.add.f32.msk $0xffff, v1  }
0x4ed: {  	s14 =	simm.s32 $0x10200;
	[tilespmem:v8+s30+$0x0] =	vst.idx.add.f32.msk $0xffff, v2  }
0x4ee: {  	[tilespmem:v7+s14+$0x0] =	vst.idx.add.f32.msk $0xffff, v61  }
0x4ef: {  	[tilespmem:v8+s14+$0x0] =	vst.idx.add.f32.msk $0xffff, v62  }
0x4f0: {  	v7 =	vld [tilespmem:s23+$0x1E0]  }
0x4f1: {  	v8 =	vld [tilespmem:s23+$0x1F0];
	_ =	sdelay $0x5  }
0x4f2: {  	s15 =	simm.s32 $0xC300  }
0x4f3: {  	[tilespmem:v7+s15+$0x0] =	vst.idx.add.f32.msk $0xffff, v1  }
0x4f4: {  	[tilespmem:v8+s15+$0x0] =	vst.idx.add.f32.msk $0xffff, v2  }
0x4f5: {  	[tilespmem:v7+s26+$0x0] =	vst.idx.add.f32.msk $0xffff, v61  }
0x4f6: {  	[tilespmem:v8+s26+$0x0] =	vst.idx.add.f32.msk $0xffff, v62  }
0x4f7: {  	v7 =	vld [tilespmem:s23+$0x260]  }
0x4f8: {  	v8 =	vld [tilespmem:s23+$0x270];
	_ =	sdelay $0x5  }
0x4f9: {  	s16 =	simm.s32 $0xC400  }
0x4fa: {  	[tilespmem:v7+s16+$0x0] =	vst.idx.add.f32.msk $0xffff, v1  }
0x4fb: {  	s18 =	simm.s32 $0x10400;
	[tilespmem:v8+s16+$0x0] =	vst.idx.add.f32.msk $0xffff, v2  }
0x4fc: {  	[tilespmem:v7+s18+$0x0] =	vst.idx.add.f32.msk $0xffff, v61  }
0x4fd: {  	[tilespmem:v8+s18+$0x0] =	vst.idx.add.f32.msk $0xffff, v62  }
0x4fe: {  	v7 =	vld [tilespmem:s23+$0x2E0]  }
0x4ff: {  	v8 =	vld [tilespmem:s23+$0x2F0];
	_ =	sdelay $0x6  }
0x500: {  	[tilespmem:v7+s4+$0x0] =	vst.idx.add.f32.msk $0xffff, v1  }
0x501: {  	s19 =	simm.s32 $0x10500;
	[tilespmem:v8+s4+$0x0] =	vst.idx.add.f32.msk $0xffff, v2  }
0x502: {  	[tilespmem:v7+s19+$0x0] =	vst.idx.add.f32.msk $0xffff, v61  }
0x503: {  	[tilespmem:v8+s19+$0x0] =	vst.idx.add.f32.msk $0xffff, v62  }
0x504: {  	v7 =	vld [tilespmem:s23+$0x360]  }
0x505: {  	v8 =	vld [tilespmem:s23+$0x370];
	_ =	sdelay $0x5  }
0x506: {  	s20 =	simm.s32 $0xC600  }
0x507: {  	[tilespmem:v7+s20+$0x0] =	vst.idx.add.f32.msk $0xffff, v1  }
0x508: {  	s21 =	simm.s32 $0x10600;
	[tilespmem:v8+s20+$0x0] =	vst.idx.add.f32.msk $0xffff, v2  }
0x509: {  	[tilespmem:v7+s21+$0x0] =	vst.idx.add.f32.msk $0xffff, v61  }
0x50a: {  	[tilespmem:v8+s21+$0x0] =	vst.idx.add.f32.msk $0xffff, v62  }
0x50b: {  	v7 =	vld [tilespmem:s23+$0x3E0]  }
0x50c: {  	v8 =	vld [tilespmem:s23+$0x3F0];
	_ =	sdelay $0x6  }
0x50d: {  	[tilespmem:v7+s10+$0x0] =	vst.idx.add.f32.msk $0xffff, v1  }
0x50e: {  	s22 =	simm.s32 $0x10700;
	[tilespmem:v8+s10+$0x0] =	vst.idx.add.f32.msk $0xffff, v2  }
0x50f: {  	[tilespmem:v7+s22+$0x0] =	vst.idx.add.f32.msk $0xffff, v61  }
0x510: {  	[tilespmem:v8+s22+$0x0] =	vst.idx.add.f32.msk $0xffff, v62  }
0x511: {  	v7 =	vld [tilespmem:s23+$0x860]  }
0x512: {  	v8 =	vld [tilespmem:s23+$0x870];
	_ =	sdelay $0x5  }
0x513: {  	s24 =	simm.s32 $0xC800  }
0x514: {  	[tilespmem:v7+s24+$0x0] =	vst.idx.add.f32.msk $0xffff, v1  }
0x515: {  	[tilespmem:v8+s24+$0x0] =	vst.idx.add.f32.msk $0xffff, v2  }
0x516: {  	[tilespmem:v7+s2+$0x0] =	vst.idx.add.f32.msk $0xffff, v61  }
0x517: {  	[tilespmem:v8+s2+$0x0] =	vst.idx.add.f32.msk $0xffff, v62  }
0x518: {  	v7 =	vld [tilespmem:s23+$0x8E0]  }
0x519: {  	v8 =	vld [tilespmem:s23+$0x8F0];
	_ =	sdelay $0x6  }
0x51a: {  	[tilespmem:v7+s17+$0x0] =	vst.idx.add.f32.msk $0xffff, v1  }
0x51b: {  	s10 =	simm.s32 $0x10900;
	[tilespmem:v8+s17+$0x0] =	vst.idx.add.f32.msk $0xffff, v2  }
0x51c: {  	[tilespmem:v7+s10+$0x0] =	vst.idx.add.f32.msk $0xffff, v61  }
0x51d: {  	[tilespmem:v8+s10+$0x0] =	vst.idx.add.f32.msk $0xffff, v62  }
0x51e: {  	v7 =	vld [tilespmem:s23+$0x960]  }
0x51f: {  	v8 =	vld [tilespmem:s23+$0x970];
	_ =	sdelay $0x5  }
0x520: {  	s14 =	simm.s32 $0xCA00  }
0x521: {  	[tilespmem:v7+s14+$0x0] =	vst.idx.add.f32.msk $0xffff, v1  }
0x522: {  	s15 =	simm.s32 $0x10A00;
	[tilespmem:v8+s14+$0x0] =	vst.idx.add.f32.msk $0xffff, v2  }
0x523: {  	[tilespmem:v7+s15+$0x0] =	vst.idx.add.f32.msk $0xffff, v61  }
0x524: {  	[tilespmem:v8+s15+$0x0] =	vst.idx.add.f32.msk $0xffff, v62  }
0x525: {  	v7 =	vld [tilespmem:s23+$0x9E0]  }
0x526: {  	v8 =	vld [tilespmem:s23+$0x9F0];
	_ =	sdelay $0x5  }
0x527: {  	s16 =	simm.s32 $0xCB00  }
0x528: {  	[tilespmem:v7+s16+$0x0] =	vst.idx.add.f32.msk $0xffff, v1  }
0x529: {  	s17 =	simm.s32 $0x10B00;
	[tilespmem:v8+s16+$0x0] =	vst.idx.add.f32.msk $0xffff, v2  }
0x52a: {  	[tilespmem:v7+s17+$0x0] =	vst.idx.add.f32.msk $0xffff, v61  }
0x52b: {  	[tilespmem:v8+s17+$0x0] =	vst.idx.add.f32.msk $0xffff, v62  }
0x52c: {  	v7 =	vld [tilespmem:s23+$0xA60]  }
0x52d: {  	v8 =	vld [tilespmem:s23+$0xA70];
	_ =	sdelay $0x5  }
0x52e: {  	s18 =	simm.s32 $0xCC00  }
0x52f: {  	[tilespmem:v7+s18+$0x0] =	vst.idx.add.f32.msk $0xffff, v1  }
0x530: {  	s19 =	simm.s32 $0x10C00;
	[tilespmem:v8+s18+$0x0] =	vst.idx.add.f32.msk $0xffff, v2  }
0x531: {  	[tilespmem:v7+s19+$0x0] =	vst.idx.add.f32.msk $0xffff, v61  }
0x532: {  	[tilespmem:v8+s19+$0x0] =	vst.idx.add.f32.msk $0xffff, v62  }
0x533: {  	v7 =	vld [tilespmem:s23+$0xAE0]  }
0x534: {  	v8 =	vld [tilespmem:s23+$0xAF0];
	_ =	sdelay $0x5  }
0x535: {  	s20 =	simm.s32 $0xCD00  }
0x536: {  	[tilespmem:v7+s20+$0x0] =	vst.idx.add.f32.msk $0xffff, v1  }
0x537: {  	s21 =	simm.s32 $0x10D00;
	[tilespmem:v8+s20+$0x0] =	vst.idx.add.f32.msk $0xffff, v2  }
0x538: {  	[tilespmem:v7+s21+$0x0] =	vst.idx.add.f32.msk $0xffff, v61  }
0x539: {  	[tilespmem:v8+s21+$0x0] =	vst.idx.add.f32.msk $0xffff, v62  }
0x53a: {  	v7 =	vld [tilespmem:s23+$0xB60]  }
0x53b: {  	v8 =	vld [tilespmem:s23+$0xB70];
	_ =	sdelay $0x5  }
0x53c: {  	s22 =	simm.s32 $0xCE00  }
0x53d: {  	[tilespmem:v7+s22+$0x0] =	vst.idx.add.f32.msk $0xffff, v1  }
0x53e: {  	s24 =	simm.s32 $0x10E00;
	[tilespmem:v8+s22+$0x0] =	vst.idx.add.f32.msk $0xffff, v2  }
0x53f: {  	[tilespmem:v7+s24+$0x0] =	vst.idx.add.f32.msk $0xffff, v61  }
0x540: {  	[tilespmem:v8+s24+$0x0] =	vst.idx.add.f32.msk $0xffff, v62  }
0x541: {  	v7 =	vld [tilespmem:s23+$0xBE0]  }
0x542: {  	v8 =	vld [tilespmem:s23+$0xBF0];
	_ =	sdelay $0x5  }
0x543: {  	s10 =	simm.s32 $0xCF00  }
0x544: {  	[tilespmem:v7+s10+$0x0] =	vst.idx.add.f32.msk $0xffff, v1  }
0x545: {  	s15 =	simm.s32 $0x10F00;
	[tilespmem:v8+s10+$0x0] =	vst.idx.add.f32.msk $0xffff, v2  }
0x546: {  	[tilespmem:v7+s15+$0x0] =	vst.idx.add.f32.msk $0xffff, v61  }
0x547: {  	[tilespmem:v8+s15+$0x0] =	vst.idx.add.f32.msk $0xffff, v62  }
0x548: {  	v7 =	vld [tilespmem:s23+$0x1060]  }
0x549: {  	v8 =	vld [tilespmem:s23+$0x1070];
	_ =	sdelay $0x5  }
0x54a: {  	s16 =	simm.s32 $0xD000  }
0x54b: {  	[tilespmem:v7+s16+$0x0] =	vst.idx.add.f32.msk $0xffff, v1  }
0x54c: {  	s17 =	simm.s32 $0x11000;
	[tilespmem:v8+s16+$0x0] =	vst.idx.add.f32.msk $0xffff, v2  }
0x54d: {  	[tilespmem:v7+s17+$0x0] =	vst.idx.add.f32.msk $0xffff, v61  }
0x54e: {  	[tilespmem:v8+s17+$0x0] =	vst.idx.add.f32.msk $0xffff, v62  }
0x54f: {  	v7 =	vld [tilespmem:s23+$0x10E0]  }
0x550: {  	v8 =	vld [tilespmem:s23+$0x10F0];
	_ =	sdelay $0x5  }
0x551: {  	s18 =	simm.s32 $0xD100  }
0x552: {  	[tilespmem:v7+s18+$0x0] =	vst.idx.add.f32.msk $0xffff, v1  }
0x553: {  	s19 =	simm.s32 $0x11100;
	[tilespmem:v8+s18+$0x0] =	vst.idx.add.f32.msk $0xffff, v2  }
0x554: {  	[tilespmem:v7+s19+$0x0] =	vst.idx.add.f32.msk $0xffff, v61  }
0x555: {  	[tilespmem:v8+s19+$0x0] =	vst.idx.add.f32.msk $0xffff, v62  }
0x556: {  	v7 =	vld [tilespmem:s23+$0x1160]  }
0x557: {  	v8 =	vld [tilespmem:s23+$0x1170];
	_ =	sdelay $0x5  }
0x558: {  	s20 =	simm.s32 $0xD200  }
0x559: {  	[tilespmem:v7+s20+$0x0] =	vst.idx.add.f32.msk $0xffff, v1  }
0x55a: {  	[tilespmem:v8+s20+$0x0] =	vst.idx.add.f32.msk $0xffff, v2  }
0x55b: {  	[tilespmem:v7+s6+$0x0] =	vst.idx.add.f32.msk $0xffff, v61  }
0x55c: {  	[tilespmem:v8+s6+$0x0] =	vst.idx.add.f32.msk $0xffff, v62  }
0x55d: {  	v7 =	vld [tilespmem:s23+$0x11E0]  }
0x55e: {  	v8 =	vld [tilespmem:s23+$0x11F0];
	_ =	sdelay $0x5  }
0x55f: {  	s21 =	simm.s32 $0xD300  }
0x560: {  	[tilespmem:v7+s21+$0x0] =	vst.idx.add.f32.msk $0xffff, v1  }
0x561: {  	s22 =	simm.s32 $0x11300;
	[tilespmem:v8+s21+$0x0] =	vst.idx.add.f32.msk $0xffff, v2  }
0x562: {  	[tilespmem:v7+s22+$0x0] =	vst.idx.add.f32.msk $0xffff, v61  }
0x563: {  	[tilespmem:v8+s22+$0x0] =	vst.idx.add.f32.msk $0xffff, v62  }
0x564: {  	v7 =	vld [tilespmem:s23+$0x1260]  }
0x565: {  	v8 =	vld [tilespmem:s23+$0x1270];
	_ =	sdelay $0x6  }
0x566: {  	[tilespmem:v7+s31+$0x0] =	vst.idx.add.f32.msk $0xffff, v1  }
0x567: {  	s24 =	simm.s32 $0x11400;
	[tilespmem:v8+s31+$0x0] =	vst.idx.add.f32.msk $0xffff, v2  }
0x568: {  	[tilespmem:v7+s24+$0x0] =	vst.idx.add.f32.msk $0xffff, v61  }
0x569: {  	[tilespmem:v8+s24+$0x0] =	vst.idx.add.f32.msk $0xffff, v62  }
0x56a: {  	v7 =	vld [tilespmem:s23+$0x12E0]  }
0x56b: {  	v8 =	vld [tilespmem:s23+$0x12F0];
	_ =	sdelay $0x5  }
0x56c: {  	s6 =	simm.s32 $0xD500  }
0x56d: {  	[tilespmem:v7+s6+$0x0] =	vst.idx.add.f32.msk $0xffff, v1  }
0x56e: {  	s10 =	simm.s32 $0x11500;
	[tilespmem:v8+s6+$0x0] =	vst.idx.add.f32.msk $0xffff, v2  }
0x56f: {  	[tilespmem:v7+s10+$0x0] =	vst.idx.add.f32.msk $0xffff, v61  }
0x570: {  	[tilespmem:v8+s10+$0x0] =	vst.idx.add.f32.msk $0xffff, v62  }
0x571: {  	v7 =	vld [tilespmem:s23+$0x1360]  }
0x572: {  	v8 =	vld [tilespmem:s23+$0x1370];
	_ =	sdelay $0x5  }
0x573: {  	s14 =	simm.s32 $0xD600  }
0x574: {  	[tilespmem:v7+s14+$0x0] =	vst.idx.add.f32.msk $0xffff, v1  }
0x575: {  	s15 =	simm.s32 $0x11600;
	[tilespmem:v8+s14+$0x0] =	vst.idx.add.f32.msk $0xffff, v2  }
0x576: {  	[tilespmem:v7+s15+$0x0] =	vst.idx.add.f32.msk $0xffff, v61  }
0x577: {  	[tilespmem:v8+s15+$0x0] =	vst.idx.add.f32.msk $0xffff, v62  }
0x578: {  	v7 =	vld [tilespmem:s23+$0x13E0]  }
0x579: {  	v8 =	vld [tilespmem:s23+$0x13F0];
	_ =	sdelay $0x5  }
0x57a: {  	s16 =	simm.s32 $0xD700  }
0x57b: {  	[tilespmem:v7+s16+$0x0] =	vst.idx.add.f32.msk $0xffff, v1  }
0x57c: {  	s17 =	simm.s32 $0x11700;
	[tilespmem:v8+s16+$0x0] =	vst.idx.add.f32.msk $0xffff, v2  }
0x57d: {  	[tilespmem:v7+s17+$0x0] =	vst.idx.add.f32.msk $0xffff, v61  }
0x57e: {  	[tilespmem:v8+s17+$0x0] =	vst.idx.add.f32.msk $0xffff, v62  }
0x57f: {  	v7 =	vld [tilespmem:s23+$0x1860]  }
0x580: {  	v8 =	vld [tilespmem:s23+$0x1870];
	_ =	sdelay $0x5  }
0x581: {  	s18 =	simm.s32 $0xD800  }
0x582: {  	[tilespmem:v7+s18+$0x0] =	vst.idx.add.f32.msk $0xffff, v1  }
0x583: {  	s19 =	simm.s32 $0x11800;
	[tilespmem:v8+s18+$0x0] =	vst.idx.add.f32.msk $0xffff, v2  }
0x584: {  	[tilespmem:v7+s19+$0x0] =	vst.idx.add.f32.msk $0xffff, v61  }
0x585: {  	[tilespmem:v8+s19+$0x0] =	vst.idx.add.f32.msk $0xffff, v62  }
0x586: {  	v7 =	vld [tilespmem:s23+$0x18E0]  }
0x587: {  	v8 =	vld [tilespmem:s23+$0x18F0];
	_ =	sdelay $0x5  }
0x588: {  	s20 =	simm.s32 $0xD900  }
0x589: {  	[tilespmem:v7+s20+$0x0] =	vst.idx.add.f32.msk $0xffff, v1  }
0x58a: {  	s21 =	simm.s32 $0x11900;
	[tilespmem:v8+s20+$0x0] =	vst.idx.add.f32.msk $0xffff, v2  }
0x58b: {  	[tilespmem:v7+s21+$0x0] =	vst.idx.add.f32.msk $0xffff, v61  }
0x58c: {  	[tilespmem:v8+s21+$0x0] =	vst.idx.add.f32.msk $0xffff, v62  }
0x58d: {  	v7 =	vld [tilespmem:s23+$0x1960]  }
0x58e: {  	v8 =	vld [tilespmem:s23+$0x1970];
	_ =	sdelay $0x5  }
0x58f: {  	v63 =	vld [tilespmem:s23+$0x19D0]  }
0x590: {  	[tilespmem:v7+s8+$0x0] =	vst.idx.add.f32.msk $0xffff, v1  }
0x591: {  	[tilespmem:v8+s8+$0x0] =	vst.idx.add.f32.msk $0xffff, v2  }
0x592: {  	[tilespmem:v7+s11+$0x0] =	vst.idx.add.f32.msk $0xffff, v61  }
0x593: {  	[tilespmem:v8+s11+$0x0] =	vst.idx.add.f32.msk $0xffff, v62  }
0x594: {  	v7 =	vld [tilespmem:s23+$0x19E0]  }
0x595: {  	v8 =	vld [tilespmem:s23+$0x19F0];
	_ =	sdelay $0x2  }
0x596: {  	s22 =	simm.s32 $0xDB00  }
0x597: {  	[tilespmem:v63+s22+$0x0] =	vst.idx.add.f32.msk $0xffff, v3;
	s24 =	simm.s32 $0x11B00  }
0x598: {  	[tilespmem:v63+s24+$0x0] =	vst.idx.add.f32.msk $0xffff, v58  }
0x599: {  	v9 =	vld [tilespmem:s23+$0x1A50]  }
0x59a: {  	s31 =	simm.s32 $0xDB00;
	[tilespmem:v7+s22+$0x0] =	vst.idx.add.f32.msk $0xffff, v1  }
0x59b: {  	[tilespmem:v8+s31+$0x0] =	vst.idx.add.f32.msk $0xffff, v2  }
0x59c: {  	s2 =	simm.s32 $0x11B00;
	[tilespmem:v7+s24+$0x0] =	vst.idx.add.f32.msk $0xffff, v61  }
0x59d: {  	[tilespmem:v8+s2+$0x0] =	vst.idx.add.f32.msk $0xffff, v62  }
0x59e: {  	v7 =	vld [tilespmem:s23+$0x1A60]  }
0x59f: {  	v8 =	vld [tilespmem:s23+$0x1A70];
	_ =	sdelay $0x2  }
0x5a0: {  	s10 =	simm.s32 $0xDC00  }
0x5a1: {  	[tilespmem:v9+s10+$0x0] =	vst.idx.add.f32.msk $0xffff, v3;
	s11 =	simm.s32 $0x11C00  }
0x5a2: {  	[tilespmem:v9+s11+$0x0] =	vst.idx.add.f32.msk $0xffff, v58  }
0x5a3: {  	v9 =	vld [tilespmem:s23+$0x1AD0]  }
0x5a4: {  	s14 =	simm.s32 $0xDC00;
	[tilespmem:v7+s10+$0x0] =	vst.idx.add.f32.msk $0xffff, v1  }
0x5a5: {  	[tilespmem:v8+s14+$0x0] =	vst.idx.add.f32.msk $0xffff, v2  }
0x5a6: {  	s15 =	simm.s32 $0x11C00;
	[tilespmem:v7+s11+$0x0] =	vst.idx.add.f32.msk $0xffff, v61  }
0x5a7: {  	[tilespmem:v8+s15+$0x0] =	vst.idx.add.f32.msk $0xffff, v62  }
0x5a8: {  	v7 =	vld [tilespmem:s23+$0x1AE0]  }
0x5a9: {  	v8 =	vld [tilespmem:s23+$0x1AF0];
	_ =	sdelay $0x2  }
0x5aa: {  	s16 =	simm.s32 $0xDD00  }
0x5ab: {  	s17 =	simm.s32 $0x11D00;
	[tilespmem:v9+s16+$0x0] =	vst.idx.add.f32.msk $0xffff, v3  }
0x5ac: {  	[tilespmem:v9+s17+$0x0] =	vst.idx.add.f32.msk $0xffff, v58  }
0x5ad: {  	v9 =	vld [tilespmem:s23+$0x1B50]  }
0x5ae: {  	s18 =	simm.s32 $0xDD00;
	[tilespmem:v7+s16+$0x0] =	vst.idx.add.f32.msk $0xffff, v1  }
0x5af: {  	[tilespmem:v8+s18+$0x0] =	vst.idx.add.f32.msk $0xffff, v2  }
0x5b0: {  	s19 =	simm.s32 $0x11D00;
	[tilespmem:v7+s17+$0x0] =	vst.idx.add.f32.msk $0xffff, v61  }
0x5b1: {  	[tilespmem:v8+s19+$0x0] =	vst.idx.add.f32.msk $0xffff, v62  }
0x5b2: {  	v7 =	vld [tilespmem:s23+$0x1B60]  }
0x5b3: {  	v8 =	vld [tilespmem:s23+$0x1B70];
	_ =	sdelay $0x2  }
0x5b4: {  	s20 =	simm.s32 $0xDE00  }
0x5b5: {  	s21 =	simm.s32 $0x11E00;
	[tilespmem:v9+s20+$0x0] =	vst.idx.add.f32.msk $0xffff, v3  }
0x5b6: {  	[tilespmem:v9+s21+$0x0] =	vst.idx.add.f32.msk $0xffff, v58  }
0x5b7: {  	v9 =	vld [tilespmem:s23+$0x1BD0]  }
0x5b8: {  	s22 =	simm.s32 $0xDE00;
	[tilespmem:v7+s20+$0x0] =	vst.idx.add.f32.msk $0xffff, v1  }
0x5b9: {  	[tilespmem:v8+s22+$0x0] =	vst.idx.add.f32.msk $0xffff, v2  }
0x5ba: {  	s24 =	simm.s32 $0x11E00;
	[tilespmem:v7+s21+$0x0] =	vst.idx.add.f32.msk $0xffff, v61  }
0x5bb: {  	[tilespmem:v8+s24+$0x0] =	vst.idx.add.f32.msk $0xffff, v62  }
0x5bc: {  	v7 =	vld [tilespmem:s23+$0x1BE0]  }
0x5bd: {  	v8 =	vld [tilespmem:s23+$0x1BF0];
	_ =	sdelay $0x2  }
0x5be: {  	s31 =	simm.s32 $0xDF00  }
0x5bf: {  	s2 =	simm.s32 $0x11F00;
	[tilespmem:v9+s31+$0x0] =	vst.idx.add.f32.msk $0xffff, v3  }
0x5c0: {  	[tilespmem:v9+s2+$0x0] =	vst.idx.add.f32.msk $0xffff, v58  }
0x5c1: {  	v9 =	vld [tilespmem:s23+$0x2050]  }
0x5c2: {  	s10 =	simm.s32 $0xDF00;
	[tilespmem:v7+s31+$0x0] =	vst.idx.add.f32.msk $0xffff, v1  }
0x5c3: {  	[tilespmem:v8+s10+$0x0] =	vst.idx.add.f32.msk $0xffff, v2  }
0x5c4: {  	s11 =	simm.s32 $0x11F00;
	[tilespmem:v7+s2+$0x0] =	vst.idx.add.f32.msk $0xffff, v61  }
0x5c5: {  	[tilespmem:v8+s11+$0x0] =	vst.idx.add.f32.msk $0xffff, v62  }
0x5c6: {  	v7 =	vld [tilespmem:s23+$0x2060]  }
0x5c7: {  	v8 =	vld [tilespmem:s23+$0x2070];
	_ =	sdelay $0x2  }
0x5c8: {  	s14 =	simm.s32 $0xE000  }
0x5c9: {  	s15 =	simm.s32 $0x12000;
	[tilespmem:v9+s14+$0x0] =	vst.idx.add.f32.msk $0xffff, v3  }
0x5ca: {  	[tilespmem:v9+s15+$0x0] =	vst.idx.add.f32.msk $0xffff, v58  }
0x5cb: {  	v9 =	vld [tilespmem:s23+$0x20D0]  }
0x5cc: {  	s16 =	simm.s32 $0xE000;
	[tilespmem:v7+s14+$0x0] =	vst.idx.add.f32.msk $0xffff, v1  }
0x5cd: {  	[tilespmem:v8+s16+$0x0] =	vst.idx.add.f32.msk $0xffff, v2  }
0x5ce: {  	s17 =	simm.s32 $0x12000;
	[tilespmem:v7+s15+$0x0] =	vst.idx.add.f32.msk $0xffff, v61  }
0x5cf: {  	[tilespmem:v8+s17+$0x0] =	vst.idx.add.f32.msk $0xffff, v62  }
0x5d0: {  	v7 =	vld [tilespmem:s23+$0x20E0]  }
0x5d1: {  	v8 =	vld [tilespmem:s23+$0x20F0];
	_ =	sdelay $0x2  }
0x5d2: {  	s18 =	simm.s32 $0xE100  }
0x5d3: {  	s19 =	simm.s32 $0x12100;
	[tilespmem:v9+s18+$0x0] =	vst.idx.add.f32.msk $0xffff, v3  }
0x5d4: {  	[tilespmem:v9+s19+$0x0] =	vst.idx.add.f32.msk $0xffff, v58  }
0x5d5: {  	v9 =	vld [tilespmem:s23+$0x2150]  }
0x5d6: {  	s20 =	simm.s32 $0xE100;
	[tilespmem:v7+s18+$0x0] =	vst.idx.add.f32.msk $0xffff, v1  }
0x5d7: {  	[tilespmem:v8+s20+$0x0] =	vst.idx.add.f32.msk $0xffff, v2  }
0x5d8: {  	s21 =	simm.s32 $0x12100;
	[tilespmem:v7+s19+$0x0] =	vst.idx.add.f32.msk $0xffff, v61  }
0x5d9: {  	[tilespmem:v8+s21+$0x0] =	vst.idx.add.f32.msk $0xffff, v62  }
0x5da: {  	v7 =	vld [tilespmem:s23+$0x2160]  }
0x5db: {  	v8 =	vld [tilespmem:s23+$0x2170];
	_ =	sdelay $0x2  }
0x5dc: {  	s22 =	simm.s32 $0xE200  }
0x5dd: {  	s24 =	simm.s32 $0x12200;
	[tilespmem:v9+s22+$0x0] =	vst.idx.add.f32.msk $0xffff, v3  }
0x5de: {  	[tilespmem:v9+s24+$0x0] =	vst.idx.add.f32.msk $0xffff, v58  }
0x5df: {  	v9 =	vld [tilespmem:s23+$0x21D0]  }
0x5e0: {  	s31 =	simm.s32 $0xE200;
	[tilespmem:v7+s22+$0x0] =	vst.idx.add.f32.msk $0xffff, v1  }
0x5e1: {  	[tilespmem:v8+s31+$0x0] =	vst.idx.add.f32.msk $0xffff, v2  }
0x5e2: {  	s2 =	simm.s32 $0x12200;
	[tilespmem:v7+s24+$0x0] =	vst.idx.add.f32.msk $0xffff, v61  }
0x5e3: {  	[tilespmem:v8+s2+$0x0] =	vst.idx.add.f32.msk $0xffff, v62  }
0x5e4: {  	v7 =	vld [tilespmem:s23+$0x21E0]  }
0x5e5: {  	v8 =	vld [tilespmem:s23+$0x21F0];
	_ =	sdelay $0x2  }
0x5e6: {  	s10 =	simm.s32 $0xE300  }
0x5e7: {  	s11 =	simm.s32 $0x12300;
	[tilespmem:v9+s10+$0x0] =	vst.idx.add.f32.msk $0xffff, v3  }
0x5e8: {  	[tilespmem:v9+s11+$0x0] =	vst.idx.add.f32.msk $0xffff, v58  }
0x5e9: {  	v9 =	vld [tilespmem:s23+$0x2250]  }
0x5ea: {  	s14 =	simm.s32 $0xE300;
	[tilespmem:v7+s10+$0x0] =	vst.idx.add.f32.msk $0xffff, v1  }
0x5eb: {  	[tilespmem:v8+s14+$0x0] =	vst.idx.add.f32.msk $0xffff, v2  }
0x5ec: {  	s15 =	simm.s32 $0x12300;
	[tilespmem:v7+s11+$0x0] =	vst.idx.add.f32.msk $0xffff, v61  }
0x5ed: {  	[tilespmem:v8+s15+$0x0] =	vst.idx.add.f32.msk $0xffff, v62  }
0x5ee: {  	v7 =	vld [tilespmem:s23+$0x2260]  }
0x5ef: {  	v8 =	vld [tilespmem:s23+$0x2270];
	_ =	sdelay $0x2  }
0x5f0: {  	s16 =	simm.s32 $0xE400  }
0x5f1: {  	s17 =	simm.s32 $0x12400;
	[tilespmem:v9+s16+$0x0] =	vst.idx.add.f32.msk $0xffff, v3  }
0x5f2: {  	[tilespmem:v9+s17+$0x0] =	vst.idx.add.f32.msk $0xffff, v58  }
0x5f3: {  	v9 =	vld [tilespmem:s23+$0x22D0]  }
0x5f4: {  	s18 =	simm.s32 $0xE400;
	[tilespmem:v7+s16+$0x0] =	vst.idx.add.f32.msk $0xffff, v1  }
0x5f5: {  	[tilespmem:v8+s18+$0x0] =	vst.idx.add.f32.msk $0xffff, v2  }
0x5f6: {  	s19 =	simm.s32 $0x12400;
	[tilespmem:v7+s17+$0x0] =	vst.idx.add.f32.msk $0xffff, v61  }
0x5f7: {  	[tilespmem:v8+s19+$0x0] =	vst.idx.add.f32.msk $0xffff, v62  }
0x5f8: {  	v7 =	vld [tilespmem:s23+$0x22E0]  }
0x5f9: {  	v8 =	vld [tilespmem:s23+$0x22F0];
	_ =	sdelay $0x2  }
0x5fa: {  	s20 =	simm.s32 $0xE500  }
0x5fb: {  	s21 =	simm.s32 $0x12500;
	[tilespmem:v9+s20+$0x0] =	vst.idx.add.f32.msk $0xffff, v3  }
0x5fc: {  	[tilespmem:v9+s21+$0x0] =	vst.idx.add.f32.msk $0xffff, v58  }
0x5fd: {  	v9 =	vld [tilespmem:s23+$0x2350]  }
0x5fe: {  	s22 =	simm.s32 $0xE500;
	[tilespmem:v7+s20+$0x0] =	vst.idx.add.f32.msk $0xffff, v1  }
0x5ff: {  	[tilespmem:v8+s22+$0x0] =	vst.idx.add.f32.msk $0xffff, v2  }
0x600: {  	s24 =	simm.s32 $0x12500;
	[tilespmem:v7+s21+$0x0] =	vst.idx.add.f32.msk $0xffff, v61  }
0x601: {  	[tilespmem:v8+s24+$0x0] =	vst.idx.add.f32.msk $0xffff, v62  }
0x602: {  	v7 =	vld [tilespmem:s23+$0x2360]  }
0x603: {  	v8 =	vld [tilespmem:s23+$0x2370];
	_ =	sdelay $0x2  }
0x604: {  	s31 =	simm.s32 $0xE600  }
0x605: {  	s2 =	simm.s32 $0x12600;
	[tilespmem:v9+s31+$0x0] =	vst.idx.add.f32.msk $0xffff, v3  }
0x606: {  	[tilespmem:v9+s2+$0x0] =	vst.idx.add.f32.msk $0xffff, v58  }
0x607: {  	v9 =	vld [tilespmem:s23+$0x23D0]  }
0x608: {  	s10 =	simm.s32 $0xE600;
	[tilespmem:v7+s31+$0x0] =	vst.idx.add.f32.msk $0xffff, v1  }
0x609: {  	[tilespmem:v8+s10+$0x0] =	vst.idx.add.f32.msk $0xffff, v2  }
0x60a: {  	s11 =	simm.s32 $0x12600;
	[tilespmem:v7+s2+$0x0] =	vst.idx.add.f32.msk $0xffff, v61  }
0x60b: {  	[tilespmem:v8+s11+$0x0] =	vst.idx.add.f32.msk $0xffff, v62  }
0x60c: {  	v7 =	vld [tilespmem:s23+$0x23E0]  }
0x60d: {  	v8 =	vld [tilespmem:s23+$0x23F0];
	_ =	sdelay $0x2  }
0x60e: {  	s14 =	simm.s32 $0xE700  }
0x60f: {  	s15 =	simm.s32 $0x12700;
	[tilespmem:v9+s14+$0x0] =	vst.idx.add.f32.msk $0xffff, v3  }
0x610: {  	[tilespmem:v9+s15+$0x0] =	vst.idx.add.f32.msk $0xffff, v58  }
0x611: {  	v9 =	vld [tilespmem:s23+$0x2850]  }
0x612: {  	s16 =	simm.s32 $0xE700;
	[tilespmem:v7+s14+$0x0] =	vst.idx.add.f32.msk $0xffff, v1  }
0x613: {  	[tilespmem:v8+s16+$0x0] =	vst.idx.add.f32.msk $0xffff, v2  }
0x614: {  	s17 =	simm.s32 $0x12700;
	[tilespmem:v7+s15+$0x0] =	vst.idx.add.f32.msk $0xffff, v61  }
0x615: {  	[tilespmem:v8+s17+$0x0] =	vst.idx.add.f32.msk $0xffff, v62  }
0x616: {  	v7 =	vld [tilespmem:s23+$0x2860]  }
0x617: {  	v8 =	vld [tilespmem:s23+$0x2870];
	_ =	sdelay $0x2  }
0x618: {  	s18 =	simm.s32 $0xE800  }
0x619: {  	s19 =	simm.s32 $0x12800;
	[tilespmem:v9+s18+$0x0] =	vst.idx.add.f32.msk $0xffff, v3  }
0x61a: {  	[tilespmem:v9+s19+$0x0] =	vst.idx.add.f32.msk $0xffff, v58  }
0x61b: {  	v9 =	vld [tilespmem:s23+$0x28D0]  }
0x61c: {  	s20 =	simm.s32 $0xE800;
	[tilespmem:v7+s18+$0x0] =	vst.idx.add.f32.msk $0xffff, v1  }
0x61d: {  	[tilespmem:v8+s20+$0x0] =	vst.idx.add.f32.msk $0xffff, v2  }
0x61e: {  	s21 =	simm.s32 $0x12800;
	[tilespmem:v7+s19+$0x0] =	vst.idx.add.f32.msk $0xffff, v61  }
0x61f: {  	[tilespmem:v8+s21+$0x0] =	vst.idx.add.f32.msk $0xffff, v62  }
0x620: {  	v7 =	vld [tilespmem:s23+$0x28E0]  }
0x621: {  	v8 =	vld [tilespmem:s23+$0x28F0];
	_ =	sdelay $0x2  }
0x622: {  	s22 =	simm.s32 $0xE900  }
0x623: {  	s24 =	simm.s32 $0x12900;
	[tilespmem:v9+s22+$0x0] =	vst.idx.add.f32.msk $0xffff, v3  }
0x624: {  	[tilespmem:v9+s24+$0x0] =	vst.idx.add.f32.msk $0xffff, v58  }
0x625: {  	v9 =	vld [tilespmem:s23+$0x2950]  }
0x626: {  	s31 =	simm.s32 $0xE900;
	[tilespmem:v7+s22+$0x0] =	vst.idx.add.f32.msk $0xffff, v1  }
0x627: {  	[tilespmem:v8+s31+$0x0] =	vst.idx.add.f32.msk $0xffff, v2  }
0x628: {  	s2 =	simm.s32 $0x12900;
	[tilespmem:v7+s24+$0x0] =	vst.idx.add.f32.msk $0xffff, v61  }
0x629: {  	[tilespmem:v8+s2+$0x0] =	vst.idx.add.f32.msk $0xffff, v62  }
0x62a: {  	v7 =	vld [tilespmem:s23+$0x2960]  }
0x62b: {  	v8 =	vld [tilespmem:s23+$0x2970];
	_ =	sdelay $0x2  }
0x62c: {  	s10 =	simm.s32 $0xEA00  }
0x62d: {  	s11 =	simm.s32 $0x12A00;
	[tilespmem:v9+s10+$0x0] =	vst.idx.add.f32.msk $0xffff, v3  }
0x62e: {  	[tilespmem:v9+s11+$0x0] =	vst.idx.add.f32.msk $0xffff, v58  }
0x62f: {  	v9 =	vld [tilespmem:s23+$0x29D0]  }
0x630: {  	s14 =	simm.s32 $0xEA00;
	[tilespmem:v7+s10+$0x0] =	vst.idx.add.f32.msk $0xffff, v1  }
0x631: {  	[tilespmem:v8+s14+$0x0] =	vst.idx.add.f32.msk $0xffff, v2  }
0x632: {  	s15 =	simm.s32 $0x12A00;
	[tilespmem:v7+s11+$0x0] =	vst.idx.add.f32.msk $0xffff, v61  }
0x633: {  	[tilespmem:v8+s15+$0x0] =	vst.idx.add.f32.msk $0xffff, v62  }
0x634: {  	v7 =	vld [tilespmem:s23+$0x29E0]  }
0x635: {  	v8 =	vld [tilespmem:s23+$0x29F0];
	_ =	sdelay $0x2  }
0x636: {  	s16 =	simm.s32 $0xEB00  }
0x637: {  	s17 =	simm.s32 $0x12B00;
	[tilespmem:v9+s16+$0x0] =	vst.idx.add.f32.msk $0xffff, v3  }
0x638: {  	[tilespmem:v9+s17+$0x0] =	vst.idx.add.f32.msk $0xffff, v58  }
0x639: {  	v9 =	vld [tilespmem:s23+$0x2A50]  }
0x63a: {  	s18 =	simm.s32 $0xEB00;
	[tilespmem:v7+s16+$0x0] =	vst.idx.add.f32.msk $0xffff, v1  }
0x63b: {  	[tilespmem:v8+s18+$0x0] =	vst.idx.add.f32.msk $0xffff, v2  }
0x63c: {  	s19 =	simm.s32 $0x12B00;
	[tilespmem:v7+s17+$0x0] =	vst.idx.add.f32.msk $0xffff, v61  }
0x63d: {  	[tilespmem:v8+s19+$0x0] =	vst.idx.add.f32.msk $0xffff, v62  }
0x63e: {  	v7 =	vld [tilespmem:s23+$0x2A60]  }
0x63f: {  	v8 =	vld [tilespmem:s23+$0x2A70];
	_ =	sdelay $0x2  }
0x640: {  	s20 =	simm.s32 $0xEC00  }
0x641: {  	s21 =	simm.s32 $0x12C00;
	[tilespmem:v9+s20+$0x0] =	vst.idx.add.f32.msk $0xffff, v3  }
0x642: {  	[tilespmem:v9+s21+$0x0] =	vst.idx.add.f32.msk $0xffff, v58  }
0x643: {  	v9 =	vld [tilespmem:s23+$0x2AD0]  }
0x644: {  	s22 =	simm.s32 $0xEC00;
	[tilespmem:v7+s20+$0x0] =	vst.idx.add.f32.msk $0xffff, v1  }
0x645: {  	[tilespmem:v8+s22+$0x0] =	vst.idx.add.f32.msk $0xffff, v2  }
0x646: {  	s24 =	simm.s32 $0x12C00;
	[tilespmem:v7+s21+$0x0] =	vst.idx.add.f32.msk $0xffff, v61  }
0x647: {  	[tilespmem:v8+s24+$0x0] =	vst.idx.add.f32.msk $0xffff, v62  }
0x648: {  	v7 =	vld [tilespmem:s23+$0x2AE0]  }
0x649: {  	v8 =	vld [tilespmem:s23+$0x2AF0];
	_ =	sdelay $0x2  }
0x64a: {  	s31 =	simm.s32 $0xED00  }
0x64b: {  	s2 =	simm.s32 $0x12D00;
	[tilespmem:v9+s31+$0x0] =	vst.idx.add.f32.msk $0xffff, v3  }
0x64c: {  	[tilespmem:v9+s2+$0x0] =	vst.idx.add.f32.msk $0xffff, v58  }
0x64d: {  	v9 =	vld [tilespmem:s23+$0x2B50]  }
0x64e: {  	s10 =	simm.s32 $0xED00;
	[tilespmem:v7+s31+$0x0] =	vst.idx.add.f32.msk $0xffff, v1  }
0x64f: {  	[tilespmem:v8+s10+$0x0] =	vst.idx.add.f32.msk $0xffff, v2  }
0x650: {  	s11 =	simm.s32 $0x12D00;
	[tilespmem:v7+s2+$0x0] =	vst.idx.add.f32.msk $0xffff, v61  }
0x651: {  	[tilespmem:v8+s11+$0x0] =	vst.idx.add.f32.msk $0xffff, v62  }
0x652: {  	v7 =	vld [tilespmem:s23+$0x2B60]  }
0x653: {  	v8 =	vld [tilespmem:s23+$0x2B70];
	_ =	sdelay $0x2  }
0x654: {  	s14 =	simm.s32 $0xEE00  }
0x655: {  	s15 =	simm.s32 $0x12E00;
	[tilespmem:v9+s14+$0x0] =	vst.idx.add.f32.msk $0xffff, v3  }
0x656: {  	[tilespmem:v9+s15+$0x0] =	vst.idx.add.f32.msk $0xffff, v58  }
0x657: {  	v9 =	vld [tilespmem:s23+$0x2BD0]  }
0x658: {  	s16 =	simm.s32 $0xEE00;
	[tilespmem:v7+s14+$0x0] =	vst.idx.add.f32.msk $0xffff, v1  }
0x659: {  	[tilespmem:v8+s16+$0x0] =	vst.idx.add.f32.msk $0xffff, v2  }
0x65a: {  	s17 =	simm.s32 $0x12E00;
	[tilespmem:v7+s15+$0x0] =	vst.idx.add.f32.msk $0xffff, v61  }
0x65b: {  	[tilespmem:v8+s17+$0x0] =	vst.idx.add.f32.msk $0xffff, v62  }
0x65c: {  	v7 =	vld [tilespmem:s23+$0x2BE0]  }
0x65d: {  	v8 =	vld [tilespmem:s23+$0x2BF0];
	_ =	sdelay $0x2  }
0x65e: {  	s18 =	simm.s32 $0xEF00  }
0x65f: {  	s19 =	simm.s32 $0x12F00;
	[tilespmem:v9+s18+$0x0] =	vst.idx.add.f32.msk $0xffff, v3  }
0x660: {  	[tilespmem:v9+s19+$0x0] =	vst.idx.add.f32.msk $0xffff, v58  }
0x661: {  	v9 =	vld [tilespmem:s23+$0x3050]  }
0x662: {  	s20 =	simm.s32 $0xEF00;
	[tilespmem:v7+s18+$0x0] =	vst.idx.add.f32.msk $0xffff, v1  }
0x663: {  	[tilespmem:v8+s20+$0x0] =	vst.idx.add.f32.msk $0xffff, v2  }
0x664: {  	s21 =	simm.s32 $0x12F00;
	[tilespmem:v7+s19+$0x0] =	vst.idx.add.f32.msk $0xffff, v61  }
0x665: {  	[tilespmem:v8+s21+$0x0] =	vst.idx.add.f32.msk $0xffff, v62  }
0x666: {  	v7 =	vld [tilespmem:s23+$0x3060]  }
0x667: {  	v8 =	vld [tilespmem:s23+$0x3070];
	_ =	sdelay $0x2  }
0x668: {  	s22 =	simm.s32 $0xF000  }
0x669: {  	s24 =	simm.s32 $0x13000;
	[tilespmem:v9+s22+$0x0] =	vst.idx.add.f32.msk $0xffff, v3  }
0x66a: {  	[tilespmem:v9+s24+$0x0] =	vst.idx.add.f32.msk $0xffff, v58  }
0x66b: {  	v9 =	vld [tilespmem:s23+$0x30D0]  }
0x66c: {  	s31 =	simm.s32 $0xF000;
	[tilespmem:v7+s22+$0x0] =	vst.idx.add.f32.msk $0xffff, v1  }
0x66d: {  	[tilespmem:v8+s31+$0x0] =	vst.idx.add.f32.msk $0xffff, v2  }
0x66e: {  	s2 =	simm.s32 $0x13000;
	[tilespmem:v7+s24+$0x0] =	vst.idx.add.f32.msk $0xffff, v61  }
0x66f: {  	[tilespmem:v8+s2+$0x0] =	vst.idx.add.f32.msk $0xffff, v62  }
0x670: {  	v7 =	vld [tilespmem:s23+$0x30E0]  }
0x671: {  	v8 =	vld [tilespmem:s23+$0x30F0];
	_ =	sdelay $0x2  }
0x672: {  	s10 =	simm.s32 $0xF100  }
0x673: {  	s11 =	simm.s32 $0x13100;
	[tilespmem:v9+s10+$0x0] =	vst.idx.add.f32.msk $0xffff, v3  }
0x674: {  	[tilespmem:v9+s11+$0x0] =	vst.idx.add.f32.msk $0xffff, v58  }
0x675: {  	v9 =	vld [tilespmem:s23+$0x3150]  }
0x676: {  	s14 =	simm.s32 $0xF100;
	[tilespmem:v7+s10+$0x0] =	vst.idx.add.f32.msk $0xffff, v1  }
0x677: {  	[tilespmem:v8+s14+$0x0] =	vst.idx.add.f32.msk $0xffff, v2  }
0x678: {  	s15 =	simm.s32 $0x13100;
	[tilespmem:v7+s11+$0x0] =	vst.idx.add.f32.msk $0xffff, v61  }
0x679: {  	[tilespmem:v8+s15+$0x0] =	vst.idx.add.f32.msk $0xffff, v62  }
0x67a: {  	v7 =	vld [tilespmem:s23+$0x3160]  }
0x67b: {  	v8 =	vld [tilespmem:s23+$0x3170];
	_ =	sdelay $0x2  }
0x67c: {  	s16 =	simm.s32 $0xF200  }
0x67d: {  	s17 =	simm.s32 $0x13200;
	[tilespmem:v9+s16+$0x0] =	vst.idx.add.f32.msk $0xffff, v3  }
0x67e: {  	[tilespmem:v9+s17+$0x0] =	vst.idx.add.f32.msk $0xffff, v58  }
0x67f: {  	v9 =	vld [tilespmem:s23+$0x31D0]  }
0x680: {  	s18 =	simm.s32 $0xF200;
	[tilespmem:v7+s16+$0x0] =	vst.idx.add.f32.msk $0xffff, v1  }
0x681: {  	[tilespmem:v8+s18+$0x0] =	vst.idx.add.f32.msk $0xffff, v2  }
0x682: {  	s19 =	simm.s32 $0x13200;
	[tilespmem:v7+s17+$0x0] =	vst.idx.add.f32.msk $0xffff, v61  }
0x683: {  	[tilespmem:v8+s19+$0x0] =	vst.idx.add.f32.msk $0xffff, v62  }
0x684: {  	v7 =	vld [tilespmem:s23+$0x31E0]  }
0x685: {  	v8 =	vld [tilespmem:s23+$0x31F0];
	_ =	sdelay $0x2  }
0x686: {  	s20 =	simm.s32 $0xF300  }
0x687: {  	s21 =	simm.s32 $0x13300;
	[tilespmem:v9+s20+$0x0] =	vst.idx.add.f32.msk $0xffff, v3  }
0x688: {  	[tilespmem:v9+s21+$0x0] =	vst.idx.add.f32.msk $0xffff, v58  }
0x689: {  	v9 =	vld [tilespmem:s23+$0x3250]  }
0x68a: {  	s22 =	simm.s32 $0xF300;
	[tilespmem:v7+s20+$0x0] =	vst.idx.add.f32.msk $0xffff, v1  }
0x68b: {  	[tilespmem:v8+s22+$0x0] =	vst.idx.add.f32.msk $0xffff, v2  }
0x68c: {  	s24 =	simm.s32 $0x13300;
	[tilespmem:v7+s21+$0x0] =	vst.idx.add.f32.msk $0xffff, v61  }
0x68d: {  	[tilespmem:v8+s24+$0x0] =	vst.idx.add.f32.msk $0xffff, v62  }
0x68e: {  	v7 =	vld [tilespmem:s23+$0x3260]  }
0x68f: {  	v8 =	vld [tilespmem:s23+$0x3270];
	_ =	sdelay $0x2  }
0x690: {  	s31 =	simm.s32 $0xF400  }
0x691: {  	s2 =	simm.s32 $0x13400;
	[tilespmem:v9+s31+$0x0] =	vst.idx.add.f32.msk $0xffff, v3  }
0x692: {  	[tilespmem:v9+s2+$0x0] =	vst.idx.add.f32.msk $0xffff, v58  }
0x693: {  	v9 =	vld [tilespmem:s23+$0x32D0]  }
0x694: {  	s10 =	simm.s32 $0xF400;
	[tilespmem:v7+s31+$0x0] =	vst.idx.add.f32.msk $0xffff, v1  }
0x695: {  	[tilespmem:v8+s10+$0x0] =	vst.idx.add.f32.msk $0xffff, v2  }
0x696: {  	s11 =	simm.s32 $0x13400;
	[tilespmem:v7+s2+$0x0] =	vst.idx.add.f32.msk $0xffff, v61  }
0x697: {  	[tilespmem:v8+s11+$0x0] =	vst.idx.add.f32.msk $0xffff, v62  }
0x698: {  	v7 =	vld [tilespmem:s23+$0x32E0]  }
0x699: {  	v8 =	vld [tilespmem:s23+$0x32F0];
	_ =	sdelay $0x2  }
0x69a: {  	s14 =	simm.s32 $0xF500  }
0x69b: {  	s15 =	simm.s32 $0x13500;
	[tilespmem:v9+s14+$0x0] =	vst.idx.add.f32.msk $0xffff, v3  }
0x69c: {  	[tilespmem:v9+s15+$0x0] =	vst.idx.add.f32.msk $0xffff, v58  }
0x69d: {  	v9 =	vld [tilespmem:s23+$0x3350]  }
0x69e: {  	s16 =	simm.s32 $0xF500;
	[tilespmem:v7+s14+$0x0] =	vst.idx.add.f32.msk $0xffff, v1  }
0x69f: {  	[tilespmem:v8+s16+$0x0] =	vst.idx.add.f32.msk $0xffff, v2  }
0x6a0: {  	s17 =	simm.s32 $0x13500;
	[tilespmem:v7+s15+$0x0] =	vst.idx.add.f32.msk $0xffff, v61  }
0x6a1: {  	[tilespmem:v8+s17+$0x0] =	vst.idx.add.f32.msk $0xffff, v62  }
0x6a2: {  	v7 =	vld [tilespmem:s23+$0x3360]  }
0x6a3: {  	v8 =	vld [tilespmem:s23+$0x3370];
	_ =	sdelay $0x2  }
0x6a4: {  	s18 =	simm.s32 $0xF600  }
0x6a5: {  	s19 =	simm.s32 $0x13600;
	[tilespmem:v9+s18+$0x0] =	vst.idx.add.f32.msk $0xffff, v3  }
0x6a6: {  	[tilespmem:v9+s19+$0x0] =	vst.idx.add.f32.msk $0xffff, v58  }
0x6a7: {  	v9 =	vld [tilespmem:s23+$0x33D0]  }
0x6a8: {  	s20 =	simm.s32 $0xF600;
	[tilespmem:v7+s18+$0x0] =	vst.idx.add.f32.msk $0xffff, v1  }
0x6a9: {  	[tilespmem:v8+s20+$0x0] =	vst.idx.add.f32.msk $0xffff, v2  }
0x6aa: {  	s21 =	simm.s32 $0x13600;
	[tilespmem:v7+s19+$0x0] =	vst.idx.add.f32.msk $0xffff, v61  }
0x6ab: {  	[tilespmem:v8+s21+$0x0] =	vst.idx.add.f32.msk $0xffff, v62  }
0x6ac: {  	v7 =	vld [tilespmem:s23+$0x33E0]  }
0x6ad: {  	v8 =	vld [tilespmem:s23+$0x33F0];
	_ =	sdelay $0x2  }
0x6ae: {  	s22 =	simm.s32 $0xF700  }
0x6af: {  	s24 =	simm.s32 $0x13700;
	[tilespmem:v9+s22+$0x0] =	vst.idx.add.f32.msk $0xffff, v3  }
0x6b0: {  	[tilespmem:v9+s24+$0x0] =	vst.idx.add.f32.msk $0xffff, v58  }
0x6b1: {  	v9 =	vld [tilespmem:s23+$0x3850]  }
0x6b2: {  	s31 =	simm.s32 $0xF700;
	[tilespmem:v7+s22+$0x0] =	vst.idx.add.f32.msk $0xffff, v1  }
0x6b3: {  	[tilespmem:v8+s31+$0x0] =	vst.idx.add.f32.msk $0xffff, v2  }
0x6b4: {  	s2 =	simm.s32 $0x13700;
	[tilespmem:v7+s24+$0x0] =	vst.idx.add.f32.msk $0xffff, v61  }
0x6b5: {  	[tilespmem:v8+s2+$0x0] =	vst.idx.add.f32.msk $0xffff, v62  }
0x6b6: {  	v7 =	vld [tilespmem:s23+$0x3860]  }
0x6b7: {  	v8 =	vld [tilespmem:s23+$0x3870];
	_ =	sdelay $0x2  }
0x6b8: {  	s6 =	simm.s32 $0xF800  }
0x6b9: {  	s10 =	simm.s32 $0x13800;
	[tilespmem:v9+s6+$0x0] =	vst.idx.add.f32.msk $0xffff, v3  }
0x6ba: {  	[tilespmem:v9+s10+$0x0] =	vst.idx.add.f32.msk $0xffff, v58  }
0x6bb: {  	v9 =	vld [tilespmem:s23+$0x38D0]  }
0x6bc: {  	s11 =	simm.s32 $0xF800;
	[tilespmem:v7+s6+$0x0] =	vst.idx.add.f32.msk $0xffff, v1  }
0x6bd: {  	[tilespmem:v8+s11+$0x0] =	vst.idx.add.f32.msk $0xffff, v2  }
0x6be: {  	s14 =	simm.s32 $0x13800;
	[tilespmem:v7+s10+$0x0] =	vst.idx.add.f32.msk $0xffff, v61  }
0x6bf: {  	[tilespmem:v8+s14+$0x0] =	vst.idx.add.f32.msk $0xffff, v62  }
0x6c0: {  	v7 =	vld [tilespmem:s23+$0x38E0]  }
0x6c1: {  	v8 =	vld [tilespmem:s23+$0x38F0];
	_ =	sdelay $0x2  }
0x6c2: {  	s15 =	simm.s32 $0xF900  }
0x6c3: {  	s16 =	simm.s32 $0x13900;
	[tilespmem:v9+s15+$0x0] =	vst.idx.add.f32.msk $0xffff, v3  }
0x6c4: {  	[tilespmem:v9+s16+$0x0] =	vst.idx.add.f32.msk $0xffff, v58  }
0x6c5: {  	v9 =	vld [tilespmem:s23+$0x3950]  }
0x6c6: {  	s17 =	simm.s32 $0xF900;
	[tilespmem:v7+s15+$0x0] =	vst.idx.add.f32.msk $0xffff, v1  }
0x6c7: {  	[tilespmem:v8+s17+$0x0] =	vst.idx.add.f32.msk $0xffff, v2  }
0x6c8: {  	s18 =	simm.s32 $0x13900;
	[tilespmem:v7+s16+$0x0] =	vst.idx.add.f32.msk $0xffff, v61  }
0x6c9: {  	[tilespmem:v8+s18+$0x0] =	vst.idx.add.f32.msk $0xffff, v62  }
0x6ca: {  	v7 =	vld [tilespmem:s23+$0x3960]  }
0x6cb: {  	v8 =	vld [tilespmem:s23+$0x3970];
	_ =	sdelay $0x2  }
0x6cc: {  	s19 =	simm.s32 $0xFA00  }
0x6cd: {  	s20 =	simm.s32 $0x13A00;
	[tilespmem:v9+s19+$0x0] =	vst.idx.add.f32.msk $0xffff, v3  }
0x6ce: {  	[tilespmem:v9+s20+$0x0] =	vst.idx.add.f32.msk $0xffff, v58  }
0x6cf: {  	v9 =	vld [tilespmem:s23+$0x39D0]  }
0x6d0: {  	s21 =	simm.s32 $0xFA00;
	[tilespmem:v7+s19+$0x0] =	vst.idx.add.f32.msk $0xffff, v1  }
0x6d1: {  	[tilespmem:v8+s21+$0x0] =	vst.idx.add.f32.msk $0xffff, v2  }
0x6d2: {  	s22 =	simm.s32 $0x13A00;
	[tilespmem:v7+s20+$0x0] =	vst.idx.add.f32.msk $0xffff, v61  }
0x6d3: {  	[tilespmem:v8+s22+$0x0] =	vst.idx.add.f32.msk $0xffff, v62  }
0x6d4: {  	v7 =	vld [tilespmem:s23+$0x39E0]  }
0x6d5: {  	v8 =	vld [tilespmem:s23+$0x39F0];
	_ =	sdelay $0x2  }
0x6d6: {  	s24 =	simm.s32 $0xFB00  }
0x6d7: {  	s31 =	simm.s32 $0x13B00;
	[tilespmem:v9+s24+$0x0] =	vst.idx.add.f32.msk $0xffff, v3  }
0x6d8: {  	[tilespmem:v9+s31+$0x0] =	vst.idx.add.f32.msk $0xffff, v58  }
0x6d9: {  	v9 =	vld [tilespmem:s23+$0x3A50]  }
0x6da: {  	s2 =	simm.s32 $0xFB00;
	[tilespmem:v7+s24+$0x0] =	vst.idx.add.f32.msk $0xffff, v1  }
0x6db: {  	[tilespmem:v8+s2+$0x0] =	vst.idx.add.f32.msk $0xffff, v2  }
0x6dc: {  	s10 =	simm.s32 $0x13B00;
	[tilespmem:v7+s31+$0x0] =	vst.idx.add.f32.msk $0xffff, v61  }
0x6dd: {  	[tilespmem:v8+s10+$0x0] =	vst.idx.add.f32.msk $0xffff, v62  }
0x6de: {  	v7 =	vld [tilespmem:s23+$0x3A60]  }
0x6df: {  	v8 =	vld [tilespmem:s23+$0x3A70];
	_ =	sdelay $0x2  }
0x6e0: {  	s11 =	simm.s32 $0xFC00  }
0x6e1: {  	s14 =	simm.s32 $0x13C00;
	[tilespmem:v9+s11+$0x0] =	vst.idx.add.f32.msk $0xffff, v3  }
0x6e2: {  	[tilespmem:v9+s14+$0x0] =	vst.idx.add.f32.msk $0xffff, v58  }
0x6e3: {  	v9 =	vld [tilespmem:s23+$0x3AD0]  }
0x6e4: {  	s15 =	simm.s32 $0xFC00;
	[tilespmem:v7+s11+$0x0] =	vst.idx.add.f32.msk $0xffff, v1  }
0x6e5: {  	[tilespmem:v8+s15+$0x0] =	vst.idx.add.f32.msk $0xffff, v2  }
0x6e6: {  	s16 =	simm.s32 $0x13C00;
	[tilespmem:v7+s14+$0x0] =	vst.idx.add.f32.msk $0xffff, v61  }
0x6e7: {  	[tilespmem:v8+s16+$0x0] =	vst.idx.add.f32.msk $0xffff, v62  }
0x6e8: {  	v7 =	vld [tilespmem:s23+$0x3AE0]  }
0x6e9: {  	v8 =	vld [tilespmem:s23+$0x3AF0];
	_ =	sdelay $0x2  }
0x6ea: {  	s17 =	simm.s32 $0xFD00  }
0x6eb: {  	s18 =	simm.s32 $0x13D00;
	[tilespmem:v9+s17+$0x0] =	vst.idx.add.f32.msk $0xffff, v3  }
0x6ec: {  	[tilespmem:v9+s18+$0x0] =	vst.idx.add.f32.msk $0xffff, v58  }
0x6ed: {  	v9 =	vld [tilespmem:s23+$0x3B50]  }
0x6ee: {  	s19 =	simm.s32 $0xFD00;
	[tilespmem:v7+s17+$0x0] =	vst.idx.add.f32.msk $0xffff, v1  }
0x6ef: {  	[tilespmem:v8+s19+$0x0] =	vst.idx.add.f32.msk $0xffff, v2  }
0x6f0: {  	s20 =	simm.s32 $0x13D00;
	[tilespmem:v7+s18+$0x0] =	vst.idx.add.f32.msk $0xffff, v61  }
0x6f1: {  	[tilespmem:v8+s20+$0x0] =	vst.idx.add.f32.msk $0xffff, v62  }
0x6f2: {  	v7 =	vld [tilespmem:s23+$0x3B60]  }
0x6f3: {  	v8 =	vld [tilespmem:s23+$0x3B70];
	_ =	sdelay $0x2  }
0x6f4: {  	s21 =	simm.s32 $0xFE00  }
0x6f5: {  	s22 =	simm.s32 $0x13E00;
	[tilespmem:v9+s21+$0x0] =	vst.idx.add.f32.msk $0xffff, v3  }
0x6f6: {  	[tilespmem:v9+s22+$0x0] =	vst.idx.add.f32.msk $0xffff, v58  }
0x6f7: {  	v9 =	vld [tilespmem:s23+$0x3BD0]  }
0x6f8: {  	s24 =	simm.s32 $0xFE00;
	[tilespmem:v7+s21+$0x0] =	vst.idx.add.f32.msk $0xffff, v1  }
0x6f9: {  	[tilespmem:v8+s24+$0x0] =	vst.idx.add.f32.msk $0xffff, v2  }
0x6fa: {  	s31 =	simm.s32 $0x13E00;
	[tilespmem:v7+s22+$0x0] =	vst.idx.add.f32.msk $0xffff, v61  }
0x6fb: {  	[tilespmem:v8+s31+$0x0] =	vst.idx.add.f32.msk $0xffff, v62  }
0x6fc: {  	v7 =	vld [tilespmem:s23+$0x3BE0]  }
0x6fd: {  	v8 =	vld [tilespmem:s23+$0x3BF0];
	_ =	sdelay $0x3  }
0x6fe: {  	s3 =	simm.s32 $0xFF00  }
0x6ff: {  	p1 =	por p0, p0;
	[tilespmem:v9+s3+$0x0] =	vst.idx.add.f32.msk $0xffff, v3  }
.Ltmp3:
0x700: {  	[tilespmem:v9+s25+$0x0] =	vst.idx.add.f32.msk $0xffff, v58;
	(pc) =	sbr.rel @p1 .LBB2_5-.Ltmp3, $4  }
0x701: {  	p0 =	por $0x0, $0x0;
	[tilespmem:v7+s3+$0x0] =	vst.idx.add.f32.msk $0xffff, v1  }
0x702: {  	s1 =	simm.s32 $0xC300;
	s5 =	simm.s32 $0x10500;
	s0 =	simm.s32 $0xC700;
	[tilespmem:v8+s3+$0x0] =	vst.idx.add.f32.msk $0xffff, v2  }
0x703: {  	s7 =	simm.s32 $0xC600;
	s9 =	simm.s32 $0x10600;
	s12 =	simm.s32 $0xC400;
	[tilespmem:v7+s25+$0x0] =	vst.idx.add.f32.msk $0xffff, v61  }
0x704: {  	s13 =	simm.s32 $0x10400;
	s28 =	simm.s32 $0x10200;
	s24 =	simm.s32 $0x8;
	[tilespmem:v8+s25+$0x0] =	vst.idx.add.f32.msk $0xffff, v62  }
0x705: {  	s0 =	rddreg [dreg:$0xf]  }
0x706: {  	s23 =	rddreg [dreg:$0x9]  }
0x707: {  	p0 =	seq.s32 s0, $0xF;
	s0 =	rddreg [dreg:$0x10]  }
0x708: {  	s23 =	sadd.s32 @!p0 s0, s23  }
0x709: {  	s1 =	simm.s32 @!p0 $0x800;
	s25 =	simm.s32 @!p0 $0x200000;
	s24 =	simm.s32 @!p0 $0x0  }
0x70a: {  	[tilespmem:s24], [sflag:$0x1] =	stream.strided.gather @!p0 [hbm4b:s23+s1], $0x4000, s25, s1, $0x38;
	[tilespmem:$0x14000] =	vst v63  }
0x70b: {  	s22 =	simm.s32 $0x2;
	s24 =	sor.u32 $0x100, s0  }
0x70c: {  	s25 =	sor.u32 $0x110, s0;
	_ =	swait.ge [sflag:s22], $0x4000;
	[dreg:$0x11] =	wrdreg s24  }
0x70d: {  	s26 =	sor.u32 $0x120, s0;
	[dreg:$0x12] =	wrdreg s25  }
0x70e: {  	s28 =	sor.u32 $0x130, s0;
	[dreg:$0x13] =	wrdreg s26  }
0x70f: {  	s29 =	sor.u32 $0x140, s0;
	[dreg:$0x14] =	wrdreg s28  }
0x710: {  	s30 =	sor.u32 $0x150, s0;
	[dreg:$0x15] =	wrdreg s29  }
0x711: {  	p1 =	por $0x1, $0x1;
	s31 =	sor.u32 $0x160, s0;
	[dreg:$0x16] =	wrdreg s30  }
0x712: {  	s0 =	sor.u32 $0x170, s0;
	[dreg:$0x17] =	wrdreg s31;
	[sflag:s22] =	ssyncset.done $0x0  }
0x713: {  	[dreg:$0x18] =	wrdreg s0;
	s24 =	simm.s32 $0x0;
	[sflag:s22] =	ssyncadd.s32 $0xFFFFC000  }
.LBB2_7:
0x714: {  	s23 =	sshll.u32 s24, $0x7  }
0x715: {  	s23 =	sand.u32 $0x3FFFFF80, s23  }
0x716: {  	v1 =	vld [tilespmem:s23+$0x4000]  }
0x717: {  	s1 =	sshll.u32 s24, $0x4;
	s0 =	rddreg [dreg:$0x11]  }
0x718: {  	s25 =	sor.u32 s0, s1  }
0x719: {  	v3 =	vld [tilespmem:s25+$0x8000]  }
0x71a: {  	v4 =	vld [tilespmem:s25+$0xA000];
	_ =	sdelay $0x2  }
0x71b: {  	s2 =	simm.s32 $0xC000  }
0x71c: {  	s3 =	simm.s32 $0x10000;
	[tilespmem:v1+s2+$0x0] =	vst.idx.add.f32.msk $0xffff, v3  }
0x71d: {  	[tilespmem:v1+s3+$0x0] =	vst.idx.add.f32.msk $0xffff, v4  }
0x71e: {  	v1 =	vld [tilespmem:s23+$0x4080];
	_ =	sdelay $0x6  }
0x71f: {  	s4 =	simm.s32 $0xC100  }
0x720: {  	s5 =	simm.s32 $0x10100;
	[tilespmem:v1+s4+$0x0] =	vst.idx.add.f32.msk $0xffff, v3  }
0x721: {  	[tilespmem:v1+s5+$0x0] =	vst.idx.add.f32.msk $0xffff, v4  }
0x722: {  	v1 =	vld [tilespmem:s23+$0x4100];
	_ =	sdelay $0x6  }
0x723: {  	s6 =	simm.s32 $0xC200  }
0x724: {  	s7 =	simm.s32 $0x10200;
	[tilespmem:v1+s6+$0x0] =	vst.idx.add.f32.msk $0xffff, v3  }
0x725: {  	[tilespmem:v1+s7+$0x0] =	vst.idx.add.f32.msk $0xffff, v4  }
0x726: {  	v1 =	vld [tilespmem:s23+$0x4180];
	_ =	sdelay $0x6  }
0x727: {  	s26 =	simm.s32 $0xC300  }
0x728: {  	s31 =	simm.s32 $0x10300;
	[tilespmem:v1+s26+$0x0] =	vst.idx.add.f32.msk $0xffff, v3  }
0x729: {  	[tilespmem:v1+s31+$0x0] =	vst.idx.add.f32.msk $0xffff, v4  }
0x72a: {  	v1 =	vld [tilespmem:s23+$0x4200];
	_ =	sdelay $0x6  }
0x72b: {  	s30 =	simm.s32 $0xC400  }
0x72c: {  	s29 =	simm.s32 $0x10400;
	[tilespmem:v1+s30+$0x0] =	vst.idx.add.f32.msk $0xffff, v3  }
0x72d: {  	[tilespmem:v1+s29+$0x0] =	vst.idx.add.f32.msk $0xffff, v4  }
0x72e: {  	v1 =	vld [tilespmem:s23+$0x4280];
	_ =	sdelay $0x6  }
0x72f: {  	s28 =	simm.s32 $0xC500  }
0x730: {  	s22 =	simm.s32 $0x10500;
	[tilespmem:v1+s28+$0x0] =	vst.idx.add.f32.msk $0xffff, v3  }
0x731: {  	[tilespmem:v1+s22+$0x0] =	vst.idx.add.f32.msk $0xffff, v4  }
0x732: {  	v1 =	vld [tilespmem:s23+$0x4300];
	_ =	sdelay $0x6  }
0x733: {  	s21 =	simm.s32 $0xC600  }
0x734: {  	s20 =	simm.s32 $0x10600;
	[tilespmem:v1+s21+$0x0] =	vst.idx.add.f32.msk $0xffff, v3  }
0x735: {  	[tilespmem:v1+s20+$0x0] =	vst.idx.add.f32.msk $0xffff, v4  }
0x736: {  	v1 =	vld [tilespmem:s23+$0x4380];
	_ =	sdelay $0x6  }
0x737: {  	s19 =	simm.s32 $0xC700  }
0x738: {  	s18 =	simm.s32 $0x10700;
	[tilespmem:v1+s19+$0x0] =	vst.idx.add.f32.msk $0xffff, v3  }
0x739: {  	[tilespmem:v1+s18+$0x0] =	vst.idx.add.f32.msk $0xffff, v4  }
0x73a: {  	v1 =	vld [tilespmem:s23+$0x4800];
	_ =	sdelay $0x6  }
0x73b: {  	s17 =	simm.s32 $0xC800  }
0x73c: {  	s16 =	simm.s32 $0x10800;
	[tilespmem:v1+s17+$0x0] =	vst.idx.add.f32.msk $0xffff, v3  }
0x73d: {  	[tilespmem:v1+s16+$0x0] =	vst.idx.add.f32.msk $0xffff, v4  }
0x73e: {  	v1 =	vld [tilespmem:s23+$0x4880];
	_ =	sdelay $0x6  }
0x73f: {  	s15 =	simm.s32 $0xC900  }
0x740: {  	s14 =	simm.s32 $0x10900;
	[tilespmem:v1+s15+$0x0] =	vst.idx.add.f32.msk $0xffff, v3  }
0x741: {  	[tilespmem:v1+s14+$0x0] =	vst.idx.add.f32.msk $0xffff, v4  }
0x742: {  	v1 =	vld [tilespmem:s23+$0x4900];
	_ =	sdelay $0x6  }
0x743: {  	s13 =	simm.s32 $0xCA00  }
0x744: {  	s12 =	simm.s32 $0x10A00;
	[tilespmem:v1+s13+$0x0] =	vst.idx.add.f32.msk $0xffff, v3  }
0x745: {  	[tilespmem:v1+s12+$0x0] =	vst.idx.add.f32.msk $0xffff, v4  }
0x746: {  	v1 =	vld [tilespmem:s23+$0x4980];
	_ =	sdelay $0x6  }
0x747: {  	s11 =	simm.s32 $0xCB00  }
0x748: {  	s10 =	simm.s32 $0x10B00;
	[tilespmem:v1+s11+$0x0] =	vst.idx.add.f32.msk $0xffff, v3  }
0x749: {  	[tilespmem:v1+s10+$0x0] =	vst.idx.add.f32.msk $0xffff, v4  }
0x74a: {  	v1 =	vld [tilespmem:s23+$0x4A00];
	_ =	sdelay $0x6  }
0x74b: {  	s9 =	simm.s32 $0xCC00  }
0x74c: {  	s8 =	simm.s32 $0x10C00;
	[tilespmem:v1+s9+$0x0] =	vst.idx.add.f32.msk $0xffff, v3  }
0x74d: {  	[tilespmem:v1+s8+$0x0] =	vst.idx.add.f32.msk $0xffff, v4  }
0x74e: {  	v1 =	vld [tilespmem:s23+$0x4A80];
	_ =	sdelay $0x6  }
0x74f: {  	s24 =	simm.s32 $0xCD00  }
0x750: {  	[tilespmem:v1+s24+$0x0] =	vst.idx.add.f32.msk $0xffff, v3;
	s24 =	simm.s32 $0x10D00  }
0x751: {  	[tilespmem:v1+s24+$0x0] =	vst.idx.add.f32.msk $0xffff, v4  }
0x752: {  	v1 =	vld [tilespmem:s23+$0x4B00];
	_ =	sdelay $0x6  }
0x753: {  	s25 =	simm.s32 $0xCE00  }
0x754: {  	[tilespmem:v1+s25+$0x0] =	vst.idx.add.f32.msk $0xffff, v3;
	s25 =	simm.s32 $0x10E00  }
0x755: {  	[tilespmem:v1+s25+$0x0] =	vst.idx.add.f32.msk $0xffff, v4  }
0x756: {  	v1 =	vld [tilespmem:s23+$0x4B80];
	_ =	sdelay $0x6  }
0x757: {  	s25 =	simm.s32 $0xCF00  }
0x758: {  	[tilespmem:v1+s25+$0x0] =	vst.idx.add.f32.msk $0xffff, v3;
	s25 =	simm.s32 $0x10F00  }
0x759: {  	[tilespmem:v1+s25+$0x0] =	vst.idx.add.f32.msk $0xffff, v4  }
0x75a: {  	v1 =	vld [tilespmem:s23+$0x5000];
	_ =	sdelay $0x6  }
0x75b: {  	s25 =	simm.s32 $0xD000  }
0x75c: {  	[tilespmem:v1+s25+$0x0] =	vst.idx.add.f32.msk $0xffff, v3;
	s25 =	simm.s32 $0x11000  }
0x75d: {  	[tilespmem:v1+s25+$0x0] =	vst.idx.add.f32.msk $0xffff, v4  }
0x75e: {  	v1 =	vld [tilespmem:s23+$0x4010]  }
0x75f: {  	s25 =	rddreg [dreg:$0x12]  }
0x760: {  	s0 =	sor.u32 s25, s1  }
0x761: {  	v5 =	vld [tilespmem:s0+$0x8000]  }
0x762: {  	v6 =	vld [tilespmem:s0+$0xA000];
	_ =	sdelay $0x3  }
0x763: {  	[tilespmem:v1+s2+$0x0] =	vst.idx.add.f32.msk $0xffff, v5  }
0x764: {  	[tilespmem:v1+s3+$0x0] =	vst.idx.add.f32.msk $0xffff, v6  }
0x765: {  	v1 =	vld [tilespmem:s23+$0x4090];
	_ =	sdelay $0x6  }
0x766: {  	[dreg:$0x19] =	wrdreg s1  }
0x767: {  	[tilespmem:v1+s4+$0x0] =	vst.idx.add.f32.msk $0xffff, v5  }
0x768: {  	[tilespmem:v1+s5+$0x0] =	vst.idx.add.f32.msk $0xffff, v6  }
0x769: {  	v1 =	vld [tilespmem:s23+$0x4110];
	_ =	sdelay $0x7  }
0x76a: {  	[tilespmem:v1+s6+$0x0] =	vst.idx.add.f32.msk $0xffff, v5  }
0x76b: {  	[tilespmem:v1+s7+$0x0] =	vst.idx.add.f32.msk $0xffff, v6  }
0x76c: {  	v1 =	vld [tilespmem:s23+$0x4190];
	_ =	sdelay $0x7  }
0x76d: {  	[tilespmem:v1+s26+$0x0] =	vst.idx.add.f32.msk $0xffff, v5  }
0x76e: {  	[tilespmem:v1+s31+$0x0] =	vst.idx.add.f32.msk $0xffff, v6  }
0x76f: {  	v1 =	vld [tilespmem:s23+$0x4210];
	_ =	sdelay $0x7  }
0x770: {  	[tilespmem:v1+s30+$0x0] =	vst.idx.add.f32.msk $0xffff, v5  }
0x771: {  	[tilespmem:v1+s29+$0x0] =	vst.idx.add.f32.msk $0xffff, v6  }
0x772: {  	v1 =	vld [tilespmem:s23+$0x4290];
	_ =	sdelay $0x7  }
0x773: {  	[tilespmem:v1+s28+$0x0] =	vst.idx.add.f32.msk $0xffff, v5  }
0x774: {  	[tilespmem:v1+s22+$0x0] =	vst.idx.add.f32.msk $0xffff, v6  }
0x775: {  	v1 =	vld [tilespmem:s23+$0x4310];
	_ =	sdelay $0x7  }
0x776: {  	[tilespmem:v1+s21+$0x0] =	vst.idx.add.f32.msk $0xffff, v5  }
0x777: {  	[tilespmem:v1+s20+$0x0] =	vst.idx.add.f32.msk $0xffff, v6  }
0x778: {  	v1 =	vld [tilespmem:s23+$0x4390];
	_ =	sdelay $0x7  }
0x779: {  	[tilespmem:v1+s19+$0x0] =	vst.idx.add.f32.msk $0xffff, v5  }
0x77a: {  	[tilespmem:v1+s18+$0x0] =	vst.idx.add.f32.msk $0xffff, v6  }
0x77b: {  	v1 =	vld [tilespmem:s23+$0x4810];
	_ =	sdelay $0x7  }
0x77c: {  	[tilespmem:v1+s17+$0x0] =	vst.idx.add.f32.msk $0xffff, v5  }
0x77d: {  	[tilespmem:v1+s16+$0x0] =	vst.idx.add.f32.msk $0xffff, v6  }
0x77e: {  	v1 =	vld [tilespmem:s23+$0x4890];
	_ =	sdelay $0x6  }
0x77f: {  	v8 =	vld [tilespmem:s23+$0x4020]  }
0x780: {  	s25 =	rddreg [dreg:$0x13];
	[tilespmem:v1+s15+$0x0] =	vst.idx.add.f32.msk $0xffff, v5  }
0x781: {  	s1 =	sor.u32 s25, s1;
	[tilespmem:v1+s14+$0x0] =	vst.idx.add.f32.msk $0xffff, v6  }
0x782: {  	v1 =	vld [tilespmem:s1+$0x8000]  }
0x783: {  	v2 =	vld [tilespmem:s1+$0xA000]  }
0x784: {  	v7 =	vld [tilespmem:s23+$0x4910];
	_ =	sdelay $0x2  }
0x785: {  	[tilespmem:v8+s2+$0x0] =	vst.idx.add.f32.msk $0xffff, v1  }
0x786: {  	[tilespmem:v8+s3+$0x0] =	vst.idx.add.f32.msk $0xffff, v2  }
0x787: {  	v8 =	vld [tilespmem:s23+$0x40A0];
	_ =	sdelay $0x2  }
0x788: {  	[tilespmem:v7+s13+$0x0] =	vst.idx.add.f32.msk $0xffff, v5  }
0x789: {  	[tilespmem:v7+s12+$0x0] =	vst.idx.add.f32.msk $0xffff, v6  }
0x78a: {  	v7 =	vld [tilespmem:s23+$0x4990];
	_ =	sdelay $0x2  }
0x78b: {  	[tilespmem:v8+s4+$0x0] =	vst.idx.add.f32.msk $0xffff, v1  }
0x78c: {  	[tilespmem:v8+s5+$0x0] =	vst.idx.add.f32.msk $0xffff, v2  }
0x78d: {  	v8 =	vld [tilespmem:s23+$0x4120];
	_ =	sdelay $0x2  }
0x78e: {  	[tilespmem:v7+s11+$0x0] =	vst.idx.add.f32.msk $0xffff, v5  }
0x78f: {  	[tilespmem:v7+s10+$0x0] =	vst.idx.add.f32.msk $0xffff, v6  }
0x790: {  	v7 =	vld [tilespmem:s23+$0x4A10];
	_ =	sdelay $0x2  }
0x791: {  	[tilespmem:v8+s6+$0x0] =	vst.idx.add.f32.msk $0xffff, v1  }
0x792: {  	[tilespmem:v8+s7+$0x0] =	vst.idx.add.f32.msk $0xffff, v2  }
0x793: {  	v8 =	vld [tilespmem:s23+$0x41A0];
	_ =	sdelay $0x2  }
0x794: {  	[tilespmem:v7+s9+$0x0] =	vst.idx.add.f32.msk $0xffff, v5  }
0x795: {  	[tilespmem:v7+s8+$0x0] =	vst.idx.add.f32.msk $0xffff, v6  }
0x796: {  	v7 =	vld [tilespmem:s23+$0x4A90];
	_ =	sdelay $0x2  }
0x797: {  	[tilespmem:v8+s26+$0x0] =	vst.idx.add.f32.msk $0xffff, v1  }
0x798: {  	[tilespmem:v8+s31+$0x0] =	vst.idx.add.f32.msk $0xffff, v2  }
0x799: {  	v8 =	vld [tilespmem:s23+$0x4220];
	_ =	sdelay $0x1  }
0x79a: {  	s25 =	simm.s32 $0xCD00  }
0x79b: {  	[tilespmem:v7+s25+$0x0] =	vst.idx.add.f32.msk $0xffff, v5  }
0x79c: {  	[tilespmem:v7+s24+$0x0] =	vst.idx.add.f32.msk $0xffff, v6  }
0x79d: {  	v7 =	vld [tilespmem:s23+$0x4B10];
	_ =	sdelay $0x2  }
0x79e: {  	[tilespmem:v8+s30+$0x0] =	vst.idx.add.f32.msk $0xffff, v1  }
0x79f: {  	[tilespmem:v8+s29+$0x0] =	vst.idx.add.f32.msk $0xffff, v2  }
0x7a0: {  	v8 =	vld [tilespmem:s23+$0x42A0];
	_ =	sdelay $0x1  }
0x7a1: {  	s25 =	simm.s32 $0xCE00  }
0x7a2: {  	s26 =	simm.s32 $0x10E00;
	[tilespmem:v7+s25+$0x0] =	vst.idx.add.f32.msk $0xffff, v5  }
0x7a3: {  	[tilespmem:v7+s26+$0x0] =	vst.idx.add.f32.msk $0xffff, v6  }
0x7a4: {  	v7 =	vld [tilespmem:s23+$0x4B90];
	_ =	sdelay $0x1  }
0x7a5: {  	v9 =	vld [tilespmem:s23+$0x5080]  }
0x7a6: {  	[tilespmem:v8+s28+$0x0] =	vst.idx.add.f32.msk $0xffff, v1  }
0x7a7: {  	[tilespmem:v8+s22+$0x0] =	vst.idx.add.f32.msk $0xffff, v2  }
0x7a8: {  	v8 =	vld [tilespmem:s23+$0x4320];
	_ =	sdelay $0x1  }
0x7a9: {  	s30 =	simm.s32 $0xCF00  }
0x7aa: {  	s1 =	simm.s32 $0x10F00;
	[tilespmem:v7+s30+$0x0] =	vst.idx.add.f32.msk $0xffff, v5  }
0x7ab: {  	[tilespmem:v7+s1+$0x0] =	vst.idx.add.f32.msk $0xffff, v6  }
0x7ac: {  	v7 =	vld [tilespmem:s23+$0x5010]  }
0x7ad: {  	s5 =	simm.s32 $0xD100  }
0x7ae: {  	[tilespmem:v9+s5+$0x0] =	vst.idx.add.f32.msk $0xffff, v3  }
0x7af: {  	[tilespmem:v8+s21+$0x0] =	vst.idx.add.f32.msk $0xffff, v1  }
0x7b0: {  	[tilespmem:v8+s20+$0x0] =	vst.idx.add.f32.msk $0xffff, v2  }
0x7b1: {  	s6 =	simm.s32 $0x11100;
	v8 =	vld [tilespmem:s23+$0x43A0]  }
0x7b2: {  	[tilespmem:v9+s6+$0x0] =	vst.idx.add.f32.msk $0xffff, v4  }
0x7b3: {  	s3 =	simm.s32 $0xD000;
	v9 =	vld [tilespmem:s23+$0x5100]  }
0x7b4: {  	s4 =	simm.s32 $0x11000;
	[tilespmem:v7+s3+$0x0] =	vst.idx.add.f32.msk $0xffff, v5  }
0x7b5: {  	[tilespmem:v7+s4+$0x0] =	vst.idx.add.f32.msk $0xffff, v6  }
0x7b6: {  	v7 =	vld [tilespmem:s23+$0x5090];
	_ =	sdelay $0x2  }
0x7b7: {  	[tilespmem:v8+s19+$0x0] =	vst.idx.add.f32.msk $0xffff, v1  }
0x7b8: {  	[tilespmem:v8+s18+$0x0] =	vst.idx.add.f32.msk $0xffff, v2  }
0x7b9: {  	s18 =	simm.s32 $0xD200;
	v8 =	vld [tilespmem:s23+$0x4820]  }
0x7ba: {  	s19 =	simm.s32 $0x11200;
	[tilespmem:v9+s18+$0x0] =	vst.idx.add.f32.msk $0xffff, v3  }
0x7bb: {  	[tilespmem:v9+s19+$0x0] =	vst.idx.add.f32.msk $0xffff, v4  }
0x7bc: {  	[tilespmem:v7+s5+$0x0] =	vst.idx.add.f32.msk $0xffff, v5  }
0x7bd: {  	v9 =	vld [tilespmem:s23+$0x5180]  }
0x7be: {  	[tilespmem:v7+s6+$0x0] =	vst.idx.add.f32.msk $0xffff, v6  }
0x7bf: {  	v7 =	vld [tilespmem:s23+$0x5110];
	_ =	sdelay $0x2  }
0x7c0: {  	[tilespmem:v8+s17+$0x0] =	vst.idx.add.f32.msk $0xffff, v1  }
0x7c1: {  	[tilespmem:v8+s16+$0x0] =	vst.idx.add.f32.msk $0xffff, v2  }
0x7c2: {  	s20 =	simm.s32 $0xD300;
	v8 =	vld [tilespmem:s23+$0x48A0]  }
0x7c3: {  	s21 =	simm.s32 $0x11300;
	[tilespmem:v9+s20+$0x0] =	vst.idx.add.f32.msk $0xffff, v3  }
0x7c4: {  	[tilespmem:v9+s21+$0x0] =	vst.idx.add.f32.msk $0xffff, v4  }
0x7c5: {  	[tilespmem:v7+s18+$0x0] =	vst.idx.add.f32.msk $0xffff, v5  }
0x7c6: {  	v9 =	vld [tilespmem:s23+$0x5200]  }
0x7c7: {  	[tilespmem:v7+s19+$0x0] =	vst.idx.add.f32.msk $0xffff, v6  }
0x7c8: {  	v7 =	vld [tilespmem:s23+$0x5190];
	_ =	sdelay $0x2  }
0x7c9: {  	[tilespmem:v8+s15+$0x0] =	vst.idx.add.f32.msk $0xffff, v1  }
0x7ca: {  	[tilespmem:v8+s14+$0x0] =	vst.idx.add.f32.msk $0xffff, v2  }
0x7cb: {  	s22 =	simm.s32 $0xD400;
	v8 =	vld [tilespmem:s23+$0x4920]  }
0x7cc: {  	s28 =	simm.s32 $0x11400;
	[tilespmem:v9+s22+$0x0] =	vst.idx.add.f32.msk $0xffff, v3  }
0x7cd: {  	[tilespmem:v9+s28+$0x0] =	vst.idx.add.f32.msk $0xffff, v4  }
0x7ce: {  	[tilespmem:v7+s20+$0x0] =	vst.idx.add.f32.msk $0xffff, v5  }
0x7cf: {  	v9 =	vld [tilespmem:s23+$0x5280]  }
0x7d0: {  	[tilespmem:v7+s21+$0x0] =	vst.idx.add.f32.msk $0xffff, v6  }
0x7d1: {  	v7 =	vld [tilespmem:s23+$0x5210];
	_ =	sdelay $0x2  }
0x7d2: {  	[tilespmem:v8+s13+$0x0] =	vst.idx.add.f32.msk $0xffff, v1  }
0x7d3: {  	[tilespmem:v8+s12+$0x0] =	vst.idx.add.f32.msk $0xffff, v2  }
0x7d4: {  	s13 =	simm.s32 $0xD500;
	v8 =	vld [tilespmem:s23+$0x49A0]  }
0x7d5: {  	s17 =	simm.s32 $0x11500;
	[tilespmem:v9+s13+$0x0] =	vst.idx.add.f32.msk $0xffff, v3  }
0x7d6: {  	[tilespmem:v9+s17+$0x0] =	vst.idx.add.f32.msk $0xffff, v4  }
0x7d7: {  	[tilespmem:v7+s22+$0x0] =	vst.idx.add.f32.msk $0xffff, v5  }
0x7d8: {  	v9 =	vld [tilespmem:s23+$0x5300]  }
0x7d9: {  	[tilespmem:v7+s28+$0x0] =	vst.idx.add.f32.msk $0xffff, v6  }
0x7da: {  	v7 =	vld [tilespmem:s23+$0x5290];
	_ =	sdelay $0x2  }
0x7db: {  	[tilespmem:v8+s11+$0x0] =	vst.idx.add.f32.msk $0xffff, v1  }
0x7dc: {  	[tilespmem:v8+s10+$0x0] =	vst.idx.add.f32.msk $0xffff, v2  }
0x7dd: {  	s18 =	simm.s32 $0xD600;
	v8 =	vld [tilespmem:s23+$0x4A20]  }
0x7de: {  	s19 =	simm.s32 $0x11600;
	[tilespmem:v9+s18+$0x0] =	vst.idx.add.f32.msk $0xffff, v3  }
0x7df: {  	[tilespmem:v9+s19+$0x0] =	vst.idx.add.f32.msk $0xffff, v4  }
0x7e0: {  	[tilespmem:v7+s13+$0x0] =	vst.idx.add.f32.msk $0xffff, v5  }
0x7e1: {  	v9 =	vld [tilespmem:s23+$0x5380]  }
0x7e2: {  	[tilespmem:v7+s17+$0x0] =	vst.idx.add.f32.msk $0xffff, v6  }
0x7e3: {  	v7 =	vld [tilespmem:s23+$0x5310];
	_ =	sdelay $0x2  }
0x7e4: {  	[tilespmem:v8+s9+$0x0] =	vst.idx.add.f32.msk $0xffff, v1  }
0x7e5: {  	[tilespmem:v8+s8+$0x0] =	vst.idx.add.f32.msk $0xffff, v2  }
0x7e6: {  	s20 =	simm.s32 $0xD700;
	v8 =	vld [tilespmem:s23+$0x4AA0]  }
0x7e7: {  	s21 =	simm.s32 $0x11700;
	[tilespmem:v9+s20+$0x0] =	vst.idx.add.f32.msk $0xffff, v3  }
0x7e8: {  	[tilespmem:v9+s21+$0x0] =	vst.idx.add.f32.msk $0xffff, v4  }
0x7e9: {  	[tilespmem:v7+s18+$0x0] =	vst.idx.add.f32.msk $0xffff, v5  }
0x7ea: {  	v9 =	vld [tilespmem:s23+$0x5800]  }
0x7eb: {  	[tilespmem:v7+s19+$0x0] =	vst.idx.add.f32.msk $0xffff, v6  }
0x7ec: {  	v7 =	vld [tilespmem:s23+$0x5390];
	_ =	sdelay $0x1  }
0x7ed: {  	s2 =	simm.s32 $0xCD00  }
0x7ee: {  	[tilespmem:v8+s2+$0x0] =	vst.idx.add.f32.msk $0xffff, v1  }
0x7ef: {  	[tilespmem:v8+s24+$0x0] =	vst.idx.add.f32.msk $0xffff, v2  }
0x7f0: {  	s22 =	simm.s32 $0xD800;
	v8 =	vld [tilespmem:s23+$0x4B20]  }
0x7f1: {  	s24 =	simm.s32 $0x11800;
	[tilespmem:v9+s22+$0x0] =	vst.idx.add.f32.msk $0xffff, v3  }
0x7f2: {  	[tilespmem:v9+s24+$0x0] =	vst.idx.add.f32.msk $0xffff, v4  }
0x7f3: {  	[tilespmem:v7+s20+$0x0] =	vst.idx.add.f32.msk $0xffff, v5  }
0x7f4: {  	v9 =	vld [tilespmem:s23+$0x5880]  }
0x7f5: {  	[tilespmem:v7+s21+$0x0] =	vst.idx.add.f32.msk $0xffff, v6  }
0x7f6: {  	v7 =	vld [tilespmem:s23+$0x5810];
	_ =	sdelay $0x2  }
0x7f7: {  	s31 =	simm.s32 $0x10E00;
	[tilespmem:v8+s25+$0x0] =	vst.idx.add.f32.msk $0xffff, v1  }
0x7f8: {  	[tilespmem:v8+s31+$0x0] =	vst.idx.add.f32.msk $0xffff, v2  }
0x7f9: {  	s28 =	simm.s32 $0xD900;
	v8 =	vld [tilespmem:s23+$0x4BA0]  }
0x7fa: {  	s31 =	simm.s32 $0x11900;
	[tilespmem:v9+s28+$0x0] =	vst.idx.add.f32.msk $0xffff, v3  }
0x7fb: {  	[tilespmem:v9+s31+$0x0] =	vst.idx.add.f32.msk $0xffff, v4  }
0x7fc: {  	[tilespmem:v7+s22+$0x0] =	vst.idx.add.f32.msk $0xffff, v5  }
0x7fd: {  	v9 =	vld [tilespmem:s23+$0x5900]  }
0x7fe: {  	[tilespmem:v7+s24+$0x0] =	vst.idx.add.f32.msk $0xffff, v6  }
0x7ff: {  	v7 =	vld [tilespmem:s23+$0x5890];
	_ =	sdelay $0x1  }
0x800: {  	s29 =	simm.s32 $0xCF00  }
0x801: {  	s30 =	simm.s32 $0x10F00;
	[tilespmem:v8+s29+$0x0] =	vst.idx.add.f32.msk $0xffff, v1  }
0x802: {  	[tilespmem:v8+s30+$0x0] =	vst.idx.add.f32.msk $0xffff, v2  }
0x803: {  	s1 =	simm.s32 $0xDA00;
	v8 =	vld [tilespmem:s23+$0x5020]  }
0x804: {  	s2 =	simm.s32 $0x11A00;
	[tilespmem:v9+s1+$0x0] =	vst.idx.add.f32.msk $0xffff, v3  }
0x805: {  	[tilespmem:v9+s2+$0x0] =	vst.idx.add.f32.msk $0xffff, v4  }
0x806: {  	[tilespmem:v7+s28+$0x0] =	vst.idx.add.f32.msk $0xffff, v5  }
0x807: {  	v9 =	vld [tilespmem:s23+$0x5980]  }
0x808: {  	[tilespmem:v7+s31+$0x0] =	vst.idx.add.f32.msk $0xffff, v6  }
0x809: {  	v7 =	vld [tilespmem:s23+$0x5910];
	_ =	sdelay $0x1  }
0x80a: {  	s7 =	simm.s32 $0xD000  }
0x80b: {  	s26 =	simm.s32 $0x11000;
	[tilespmem:v8+s7+$0x0] =	vst.idx.add.f32.msk $0xffff, v1  }
0x80c: {  	[tilespmem:v8+s26+$0x0] =	vst.idx.add.f32.msk $0xffff, v2  }
0x80d: {  	s8 =	simm.s32 $0xDB00;
	v8 =	vld [tilespmem:s23+$0x50A0]  }
0x80e: {  	s9 =	simm.s32 $0x11B00;
	[tilespmem:v9+s8+$0x0] =	vst.idx.add.f32.msk $0xffff, v3  }
0x80f: {  	[tilespmem:v9+s9+$0x0] =	vst.idx.add.f32.msk $0xffff, v4  }
0x810: {  	[tilespmem:v7+s1+$0x0] =	vst.idx.add.f32.msk $0xffff, v5  }
0x811: {  	v9 =	vld [tilespmem:s23+$0x5A00]  }
0x812: {  	[tilespmem:v7+s2+$0x0] =	vst.idx.add.f32.msk $0xffff, v6  }
0x813: {  	v7 =	vld [tilespmem:s23+$0x5990];
	_ =	sdelay $0x1  }
0x814: {  	s26 =	simm.s32 $0xD100  }
0x815: {  	s3 =	simm.s32 $0x11100;
	[tilespmem:v8+s26+$0x0] =	vst.idx.add.f32.msk $0xffff, v1  }
0x816: {  	[tilespmem:v8+s3+$0x0] =	vst.idx.add.f32.msk $0xffff, v2  }
0x817: {  	s30 =	simm.s32 $0xDC00;
	v8 =	vld [tilespmem:s23+$0x5120]  }
0x818: {  	s31 =	simm.s32 $0x11C00;
	[tilespmem:v9+s30+$0x0] =	vst.idx.add.f32.msk $0xffff, v3  }
0x819: {  	[tilespmem:v9+s31+$0x0] =	vst.idx.add.f32.msk $0xffff, v4  }
0x81a: {  	[tilespmem:v7+s8+$0x0] =	vst.idx.add.f32.msk $0xffff, v5  }
0x81b: {  	v9 =	vld [tilespmem:s23+$0x5A80]  }
0x81c: {  	[tilespmem:v7+s9+$0x0] =	vst.idx.add.f32.msk $0xffff, v6  }
0x81d: {  	v7 =	vld [tilespmem:s23+$0x5A10];
	_ =	sdelay $0x1  }
0x81e: {  	s4 =	simm.s32 $0xD200  }
0x81f: {  	s5 =	simm.s32 $0x11200;
	[tilespmem:v8+s4+$0x0] =	vst.idx.add.f32.msk $0xffff, v1  }
0x820: {  	[tilespmem:v8+s5+$0x0] =	vst.idx.add.f32.msk $0xffff, v2  }
0x821: {  	s2 =	simm.s32 $0xDD00;
	v8 =	vld [tilespmem:s23+$0x51A0]  }
0x822: {  	s3 =	simm.s32 $0x11D00;
	[tilespmem:v9+s2+$0x0] =	vst.idx.add.f32.msk $0xffff, v3  }
0x823: {  	[tilespmem:v9+s3+$0x0] =	vst.idx.add.f32.msk $0xffff, v4  }
0x824: {  	[tilespmem:v7+s30+$0x0] =	vst.idx.add.f32.msk $0xffff, v5  }
0x825: {  	v9 =	vld [tilespmem:s23+$0x5B00]  }
0x826: {  	[tilespmem:v7+s31+$0x0] =	vst.idx.add.f32.msk $0xffff, v6  }
0x827: {  	v7 =	vld [tilespmem:s23+$0x5A90];
	_ =	sdelay $0x1  }
0x828: {  	s6 =	simm.s32 $0xD300  }
0x829: {  	s16 =	simm.s32 $0x11300;
	[tilespmem:v8+s6+$0x0] =	vst.idx.add.f32.msk $0xffff, v1  }
0x82a: {  	[tilespmem:v8+s16+$0x0] =	vst.idx.add.f32.msk $0xffff, v2  }
0x82b: {  	s4 =	simm.s32 $0xDE00;
	v8 =	vld [tilespmem:s23+$0x5220]  }
0x82c: {  	s5 =	simm.s32 $0x11E00;
	[tilespmem:v9+s4+$0x0] =	vst.idx.add.f32.msk $0xffff, v3  }
0x82d: {  	[tilespmem:v9+s5+$0x0] =	vst.idx.add.f32.msk $0xffff, v4  }
0x82e: {  	[tilespmem:v7+s2+$0x0] =	vst.idx.add.f32.msk $0xffff, v5  }
0x82f: {  	v9 =	vld [tilespmem:s23+$0x5B80]  }
0x830: {  	[tilespmem:v7+s3+$0x0] =	vst.idx.add.f32.msk $0xffff, v6  }
0x831: {  	v7 =	vld [tilespmem:s23+$0x5B10];
	_ =	sdelay $0x1  }
0x832: {  	s14 =	simm.s32 $0xD400  }
0x833: {  	s15 =	simm.s32 $0x11400;
	[tilespmem:v8+s14+$0x0] =	vst.idx.add.f32.msk $0xffff, v1  }
0x834: {  	[tilespmem:v8+s15+$0x0] =	vst.idx.add.f32.msk $0xffff, v2  }
0x835: {  	s6 =	simm.s32 $0xDF00;
	v8 =	vld [tilespmem:s23+$0x52A0]  }
0x836: {  	s9 =	simm.s32 $0x11F00;
	[tilespmem:v9+s6+$0x0] =	vst.idx.add.f32.msk $0xffff, v3  }
0x837: {  	[tilespmem:v9+s9+$0x0] =	vst.idx.add.f32.msk $0xffff, v4  }
0x838: {  	[tilespmem:v7+s4+$0x0] =	vst.idx.add.f32.msk $0xffff, v5  }
0x839: {  	v9 =	vld [tilespmem:s23+$0x6000]  }
0x83a: {  	[tilespmem:v7+s5+$0x0] =	vst.idx.add.f32.msk $0xffff, v6  }
0x83b: {  	v7 =	vld [tilespmem:s23+$0x5B90];
	_ =	sdelay $0x1  }
0x83c: {  	s12 =	simm.s32 $0xD500  }
0x83d: {  	s13 =	simm.s32 $0x11500;
	[tilespmem:v8+s12+$0x0] =	vst.idx.add.f32.msk $0xffff, v1  }
0x83e: {  	[tilespmem:v8+s13+$0x0] =	vst.idx.add.f32.msk $0xffff, v2  }
0x83f: {  	s13 =	simm.s32 $0xE000;
	v8 =	vld [tilespmem:s23+$0x5320]  }
0x840: {  	s14 =	simm.s32 $0x12000;
	[tilespmem:v9+s13+$0x0] =	vst.idx.add.f32.msk $0xffff, v3  }
0x841: {  	[tilespmem:v9+s14+$0x0] =	vst.idx.add.f32.msk $0xffff, v4  }
0x842: {  	[tilespmem:v7+s6+$0x0] =	vst.idx.add.f32.msk $0xffff, v5  }
0x843: {  	v9 =	vld [tilespmem:s23+$0x6080]  }
0x844: {  	[tilespmem:v7+s9+$0x0] =	vst.idx.add.f32.msk $0xffff, v6  }
0x845: {  	v7 =	vld [tilespmem:s23+$0x6010];
	_ =	sdelay $0x1  }
0x846: {  	s10 =	simm.s32 $0xD600  }
0x847: {  	s11 =	simm.s32 $0x11600;
	[tilespmem:v8+s10+$0x0] =	vst.idx.add.f32.msk $0xffff, v1  }
0x848: {  	[tilespmem:v8+s11+$0x0] =	vst.idx.add.f32.msk $0xffff, v2  }
0x849: {  	s15 =	simm.s32 $0xE100;
	v8 =	vld [tilespmem:s23+$0x53A0]  }
0x84a: {  	s16 =	simm.s32 $0x12100;
	[tilespmem:v9+s15+$0x0] =	vst.idx.add.f32.msk $0xffff, v3  }
0x84b: {  	[tilespmem:v9+s16+$0x0] =	vst.idx.add.f32.msk $0xffff, v4  }
0x84c: {  	[tilespmem:v7+s13+$0x0] =	vst.idx.add.f32.msk $0xffff, v5  }
0x84d: {  	v9 =	vld [tilespmem:s23+$0x6100]  }
0x84e: {  	[tilespmem:v7+s14+$0x0] =	vst.idx.add.f32.msk $0xffff, v6  }
0x84f: {  	v7 =	vld [tilespmem:s23+$0x6090];
	_ =	sdelay $0x1  }
0x850: {  	s17 =	simm.s32 $0xD700  }
0x851: {  	s18 =	simm.s32 $0x11700;
	[tilespmem:v8+s17+$0x0] =	vst.idx.add.f32.msk $0xffff, v1  }
0x852: {  	[tilespmem:v8+s18+$0x0] =	vst.idx.add.f32.msk $0xffff, v2  }
0x853: {  	s17 =	simm.s32 $0xE200;
	v8 =	vld [tilespmem:s23+$0x5820]  }
0x854: {  	s18 =	simm.s32 $0x12200;
	[tilespmem:v9+s17+$0x0] =	vst.idx.add.f32.msk $0xffff, v3  }
0x855: {  	[tilespmem:v9+s18+$0x0] =	vst.idx.add.f32.msk $0xffff, v4  }
0x856: {  	[tilespmem:v7+s15+$0x0] =	vst.idx.add.f32.msk $0xffff, v5  }
0x857: {  	v9 =	vld [tilespmem:s23+$0x6180]  }
0x858: {  	[tilespmem:v7+s16+$0x0] =	vst.idx.add.f32.msk $0xffff, v6  }
0x859: {  	v7 =	vld [tilespmem:s23+$0x6110];
	_ =	sdelay $0x1  }
0x85a: {  	s19 =	simm.s32 $0xD800  }
0x85b: {  	s21 =	simm.s32 $0x11800;
	[tilespmem:v8+s19+$0x0] =	vst.idx.add.f32.msk $0xffff, v1  }
0x85c: {  	[tilespmem:v8+s21+$0x0] =	vst.idx.add.f32.msk $0xffff, v2  }
0x85d: {  	s21 =	simm.s32 $0xE300;
	v8 =	vld [tilespmem:s23+$0x58A0]  }
0x85e: {  	s30 =	simm.s32 $0x12300;
	[tilespmem:v9+s21+$0x0] =	vst.idx.add.f32.msk $0xffff, v3  }
0x85f: {  	[tilespmem:v9+s30+$0x0] =	vst.idx.add.f32.msk $0xffff, v4  }
0x860: {  	[tilespmem:v7+s17+$0x0] =	vst.idx.add.f32.msk $0xffff, v5  }
0x861: {  	v9 =	vld [tilespmem:s23+$0x6200]  }
0x862: {  	[tilespmem:v7+s18+$0x0] =	vst.idx.add.f32.msk $0xffff, v6  }
0x863: {  	v7 =	vld [tilespmem:s23+$0x6190];
	_ =	sdelay $0x1  }
0x864: {  	s24 =	simm.s32 $0xD900  }
0x865: {  	s25 =	simm.s32 $0x11900;
	[tilespmem:v8+s24+$0x0] =	vst.idx.add.f32.msk $0xffff, v1  }
0x866: {  	[tilespmem:v8+s25+$0x0] =	vst.idx.add.f32.msk $0xffff, v2  }
0x867: {  	s1 =	simm.s32 $0xE400;
	v8 =	vld [tilespmem:s23+$0x5920]  }
0x868: {  	s12 =	simm.s32 $0x12400;
	[tilespmem:v9+s1+$0x0] =	vst.idx.add.f32.msk $0xffff, v3  }
0x869: {  	[tilespmem:v9+s12+$0x0] =	vst.idx.add.f32.msk $0xffff, v4  }
0x86a: {  	[tilespmem:v7+s21+$0x0] =	vst.idx.add.f32.msk $0xffff, v5  }
0x86b: {  	v9 =	vld [tilespmem:s23+$0x6280]  }
0x86c: {  	[tilespmem:v7+s30+$0x0] =	vst.idx.add.f32.msk $0xffff, v6  }
0x86d: {  	v7 =	vld [tilespmem:s23+$0x6210];
	_ =	sdelay $0x1  }
0x86e: {  	s20 =	simm.s32 $0xDA00  }
0x86f: {  	s22 =	simm.s32 $0x11A00;
	[tilespmem:v8+s20+$0x0] =	vst.idx.add.f32.msk $0xffff, v1  }
0x870: {  	[tilespmem:v8+s22+$0x0] =	vst.idx.add.f32.msk $0xffff, v2  }
0x871: {  	s13 =	simm.s32 $0xE500;
	v8 =	vld [tilespmem:s23+$0x59A0]  }
0x872: {  	s16 =	simm.s32 $0x12500;
	[tilespmem:v9+s13+$0x0] =	vst.idx.add.f32.msk $0xffff, v3  }
0x873: {  	[tilespmem:v9+s16+$0x0] =	vst.idx.add.f32.msk $0xffff, v4  }
0x874: {  	[tilespmem:v7+s1+$0x0] =	vst.idx.add.f32.msk $0xffff, v5  }
0x875: {  	v9 =	vld [tilespmem:s23+$0x6300]  }
0x876: {  	[tilespmem:v7+s12+$0x0] =	vst.idx.add.f32.msk $0xffff, v6  }
0x877: {  	v7 =	vld [tilespmem:s23+$0x6290];
	_ =	sdelay $0x1  }
0x878: {  	s28 =	simm.s32 $0xDB00  }
0x879: {  	s29 =	simm.s32 $0x11B00;
	[tilespmem:v8+s28+$0x0] =	vst.idx.add.f32.msk $0xffff, v1  }
0x87a: {  	[tilespmem:v8+s29+$0x0] =	vst.idx.add.f32.msk $0xffff, v2  }
0x87b: {  	s17 =	simm.s32 $0xE600;
	v8 =	vld [tilespmem:s23+$0x5A20]  }
0x87c: {  	s18 =	simm.s32 $0x12600;
	[tilespmem:v9+s17+$0x0] =	vst.idx.add.f32.msk $0xffff, v3  }
0x87d: {  	[tilespmem:v9+s18+$0x0] =	vst.idx.add.f32.msk $0xffff, v4  }
0x87e: {  	[tilespmem:v7+s13+$0x0] =	vst.idx.add.f32.msk $0xffff, v5  }
0x87f: {  	v9 =	vld [tilespmem:s23+$0x6380]  }
0x880: {  	[tilespmem:v7+s16+$0x0] =	vst.idx.add.f32.msk $0xffff, v6  }
0x881: {  	v7 =	vld [tilespmem:s23+$0x6310];
	_ =	sdelay $0x1  }
0x882: {  	s7 =	simm.s32 $0xDC00  }
0x883: {  	s31 =	simm.s32 $0x11C00;
	[tilespmem:v8+s7+$0x0] =	vst.idx.add.f32.msk $0xffff, v1  }
0x884: {  	[tilespmem:v8+s31+$0x0] =	vst.idx.add.f32.msk $0xffff, v2  }
0x885: {  	s31 =	simm.s32 $0xE700;
	v8 =	vld [tilespmem:s23+$0x5AA0]  }
0x886: {  	s19 =	simm.s32 $0x12700;
	[tilespmem:v9+s31+$0x0] =	vst.idx.add.f32.msk $0xffff, v3  }
0x887: {  	[tilespmem:v9+s19+$0x0] =	vst.idx.add.f32.msk $0xffff, v4  }
0x888: {  	[tilespmem:v7+s17+$0x0] =	vst.idx.add.f32.msk $0xffff, v5  }
0x889: {  	v9 =	vld [tilespmem:s23+$0x6800]  }
0x88a: {  	[tilespmem:v7+s18+$0x0] =	vst.idx.add.f32.msk $0xffff, v6  }
0x88b: {  	v7 =	vld [tilespmem:s23+$0x6390];
	_ =	sdelay $0x1  }
0x88c: {  	s8 =	simm.s32 $0xDD00  }
0x88d: {  	s26 =	simm.s32 $0x11D00;
	[tilespmem:v8+s8+$0x0] =	vst.idx.add.f32.msk $0xffff, v1  }
0x88e: {  	[tilespmem:v8+s26+$0x0] =	vst.idx.add.f32.msk $0xffff, v2  }
0x88f: {  	s20 =	simm.s32 $0xE800;
	v8 =	vld [tilespmem:s23+$0x5B20]  }
0x890: {  	s21 =	simm.s32 $0x12800;
	[tilespmem:v9+s20+$0x0] =	vst.idx.add.f32.msk $0xffff, v3  }
0x891: {  	[tilespmem:v9+s21+$0x0] =	vst.idx.add.f32.msk $0xffff, v4  }
0x892: {  	[tilespmem:v7+s31+$0x0] =	vst.idx.add.f32.msk $0xffff, v5  }
0x893: {  	v9 =	vld [tilespmem:s23+$0x6880]  }
0x894: {  	[tilespmem:v7+s19+$0x0] =	vst.idx.add.f32.msk $0xffff, v6  }
0x895: {  	v7 =	vld [tilespmem:s23+$0x6810];
	_ =	sdelay $0x1  }
0x896: {  	s2 =	simm.s32 $0xDE00  }
0x897: {  	s3 =	simm.s32 $0x11E00;
	[tilespmem:v8+s2+$0x0] =	vst.idx.add.f32.msk $0xffff, v1  }
0x898: {  	[tilespmem:v8+s3+$0x0] =	vst.idx.add.f32.msk $0xffff, v2  }
0x899: {  	s22 =	simm.s32 $0xE900;
	v8 =	vld [tilespmem:s23+$0x5BA0]  }
0x89a: {  	s24 =	simm.s32 $0x12900;
	[tilespmem:v9+s22+$0x0] =	vst.idx.add.f32.msk $0xffff, v3  }
0x89b: {  	[tilespmem:v9+s24+$0x0] =	vst.idx.add.f32.msk $0xffff, v4  }
0x89c: {  	[tilespmem:v7+s20+$0x0] =	vst.idx.add.f32.msk $0xffff, v5  }
0x89d: {  	v9 =	vld [tilespmem:s23+$0x6900]  }
0x89e: {  	[tilespmem:v7+s21+$0x0] =	vst.idx.add.f32.msk $0xffff, v6  }
0x89f: {  	v7 =	vld [tilespmem:s23+$0x6890];
	_ =	sdelay $0x1  }
0x8a0: {  	s4 =	simm.s32 $0xDF00  }
0x8a1: {  	s5 =	simm.s32 $0x11F00;
	[tilespmem:v8+s4+$0x0] =	vst.idx.add.f32.msk $0xffff, v1  }
0x8a2: {  	[tilespmem:v8+s5+$0x0] =	vst.idx.add.f32.msk $0xffff, v2  }
0x8a3: {  	s2 =	simm.s32 $0xEA00;
	v8 =	vld [tilespmem:s23+$0x6020]  }
0x8a4: {  	s3 =	simm.s32 $0x12A00;
	[tilespmem:v9+s2+$0x0] =	vst.idx.add.f32.msk $0xffff, v3  }
0x8a5: {  	[tilespmem:v9+s3+$0x0] =	vst.idx.add.f32.msk $0xffff, v4  }
0x8a6: {  	[tilespmem:v7+s22+$0x0] =	vst.idx.add.f32.msk $0xffff, v5  }
0x8a7: {  	v9 =	vld [tilespmem:s23+$0x6980]  }
0x8a8: {  	[tilespmem:v7+s24+$0x0] =	vst.idx.add.f32.msk $0xffff, v6  }
0x8a9: {  	v7 =	vld [tilespmem:s23+$0x6910];
	_ =	sdelay $0x1  }
0x8aa: {  	s6 =	simm.s32 $0xE000  }
0x8ab: {  	s9 =	simm.s32 $0x12000;
	[tilespmem:v8+s6+$0x0] =	vst.idx.add.f32.msk $0xffff, v1  }
0x8ac: {  	[tilespmem:v8+s9+$0x0] =	vst.idx.add.f32.msk $0xffff, v2  }
0x8ad: {  	s4 =	simm.s32 $0xEB00;
	v8 =	vld [tilespmem:s23+$0x60A0]  }
0x8ae: {  	s5 =	simm.s32 $0x12B00;
	[tilespmem:v9+s4+$0x0] =	vst.idx.add.f32.msk $0xffff, v3  }
0x8af: {  	[tilespmem:v9+s5+$0x0] =	vst.idx.add.f32.msk $0xffff, v4  }
0x8b0: {  	[tilespmem:v7+s2+$0x0] =	vst.idx.add.f32.msk $0xffff, v5  }
0x8b1: {  	v9 =	vld [tilespmem:s23+$0x6A00]  }
0x8b2: {  	[tilespmem:v7+s3+$0x0] =	vst.idx.add.f32.msk $0xffff, v6  }
0x8b3: {  	v7 =	vld [tilespmem:s23+$0x6990];
	_ =	sdelay $0x1  }
0x8b4: {  	s10 =	simm.s32 $0xE100  }
0x8b5: {  	s11 =	simm.s32 $0x12100;
	[tilespmem:v8+s10+$0x0] =	vst.idx.add.f32.msk $0xffff, v1  }
0x8b6: {  	[tilespmem:v8+s11+$0x0] =	vst.idx.add.f32.msk $0xffff, v2  }
0x8b7: {  	s6 =	simm.s32 $0xEC00;
	v8 =	vld [tilespmem:s23+$0x6120]  }
0x8b8: {  	s7 =	simm.s32 $0x12C00;
	[tilespmem:v9+s6+$0x0] =	vst.idx.add.f32.msk $0xffff, v3  }
0x8b9: {  	[tilespmem:v9+s7+$0x0] =	vst.idx.add.f32.msk $0xffff, v4  }
0x8ba: {  	[tilespmem:v7+s4+$0x0] =	vst.idx.add.f32.msk $0xffff, v5  }
0x8bb: {  	v9 =	vld [tilespmem:s23+$0x6A80]  }
0x8bc: {  	[tilespmem:v7+s5+$0x0] =	vst.idx.add.f32.msk $0xffff, v6  }
0x8bd: {  	v7 =	vld [tilespmem:s23+$0x6A10];
	_ =	sdelay $0x1  }
0x8be: {  	s14 =	simm.s32 $0xE200  }
0x8bf: {  	s15 =	simm.s32 $0x12200;
	[tilespmem:v8+s14+$0x0] =	vst.idx.add.f32.msk $0xffff, v1  }
0x8c0: {  	[tilespmem:v8+s15+$0x0] =	vst.idx.add.f32.msk $0xffff, v2  }
0x8c1: {  	s8 =	simm.s32 $0xED00;
	v8 =	vld [tilespmem:s23+$0x61A0]  }
0x8c2: {  	s9 =	simm.s32 $0x12D00;
	[tilespmem:v9+s8+$0x0] =	vst.idx.add.f32.msk $0xffff, v3  }
0x8c3: {  	[tilespmem:v9+s9+$0x0] =	vst.idx.add.f32.msk $0xffff, v4  }
0x8c4: {  	[tilespmem:v7+s6+$0x0] =	vst.idx.add.f32.msk $0xffff, v5  }
0x8c5: {  	v9 =	vld [tilespmem:s23+$0x6B00]  }
0x8c6: {  	[tilespmem:v7+s7+$0x0] =	vst.idx.add.f32.msk $0xffff, v6  }
0x8c7: {  	v7 =	vld [tilespmem:s23+$0x6A90];
	_ =	sdelay $0x1  }
0x8c8: {  	s10 =	simm.s32 $0xE300  }
0x8c9: {  	s11 =	simm.s32 $0x12300;
	[tilespmem:v8+s10+$0x0] =	vst.idx.add.f32.msk $0xffff, v1  }
0x8ca: {  	[tilespmem:v8+s11+$0x0] =	vst.idx.add.f32.msk $0xffff, v2  }
0x8cb: {  	s14 =	simm.s32 $0xEE00;
	v8 =	vld [tilespmem:s23+$0x6220]  }
0x8cc: {  	s15 =	simm.s32 $0x12E00;
	[tilespmem:v9+s14+$0x0] =	vst.idx.add.f32.msk $0xffff, v3  }
0x8cd: {  	[tilespmem:v9+s15+$0x0] =	vst.idx.add.f32.msk $0xffff, v4  }
0x8ce: {  	[tilespmem:v7+s8+$0x0] =	vst.idx.add.f32.msk $0xffff, v5  }
0x8cf: {  	v9 =	vld [tilespmem:s23+$0x6B80]  }
0x8d0: {  	[tilespmem:v7+s9+$0x0] =	vst.idx.add.f32.msk $0xffff, v6  }
0x8d1: {  	v7 =	vld [tilespmem:s23+$0x6B10];
	_ =	sdelay $0x1  }
0x8d2: {  	s2 =	simm.s32 $0xE400  }
0x8d3: {  	s3 =	simm.s32 $0x12400;
	[tilespmem:v8+s2+$0x0] =	vst.idx.add.f32.msk $0xffff, v1  }
0x8d4: {  	[tilespmem:v8+s3+$0x0] =	vst.idx.add.f32.msk $0xffff, v2  }
0x8d5: {  	s4 =	simm.s32 $0xEF00;
	v8 =	vld [tilespmem:s23+$0x62A0]  }
0x8d6: {  	s5 =	simm.s32 $0x12F00;
	[tilespmem:v9+s4+$0x0] =	vst.idx.add.f32.msk $0xffff, v3  }
0x8d7: {  	[tilespmem:v9+s5+$0x0] =	vst.idx.add.f32.msk $0xffff, v4  }
0x8d8: {  	[tilespmem:v7+s14+$0x0] =	vst.idx.add.f32.msk $0xffff, v5  }
0x8d9: {  	v9 =	vld [tilespmem:s23+$0x7000]  }
0x8da: {  	[tilespmem:v7+s15+$0x0] =	vst.idx.add.f32.msk $0xffff, v6  }
0x8db: {  	v7 =	vld [tilespmem:s23+$0x6B90];
	_ =	sdelay $0x1  }
0x8dc: {  	s6 =	simm.s32 $0xE500  }
0x8dd: {  	s7 =	simm.s32 $0x12500;
	[tilespmem:v8+s6+$0x0] =	vst.idx.add.f32.msk $0xffff, v1  }
0x8de: {  	[tilespmem:v8+s7+$0x0] =	vst.idx.add.f32.msk $0xffff, v2  }
0x8df: {  	s8 =	simm.s32 $0xF000;
	v8 =	vld [tilespmem:s23+$0x6320]  }
0x8e0: {  	s11 =	simm.s32 $0x13000;
	[tilespmem:v9+s8+$0x0] =	vst.idx.add.f32.msk $0xffff, v3  }
0x8e1: {  	[tilespmem:v9+s11+$0x0] =	vst.idx.add.f32.msk $0xffff, v4  }
0x8e2: {  	[tilespmem:v7+s4+$0x0] =	vst.idx.add.f32.msk $0xffff, v5  }
0x8e3: {  	v9 =	vld [tilespmem:s23+$0x7080]  }
0x8e4: {  	[tilespmem:v7+s5+$0x0] =	vst.idx.add.f32.msk $0xffff, v6  }
0x8e5: {  	v7 =	vld [tilespmem:s23+$0x7010];
	_ =	sdelay $0x1  }
0x8e6: {  	s29 =	simm.s32 $0xE600  }
0x8e7: {  	s30 =	simm.s32 $0x12600;
	[tilespmem:v8+s29+$0x0] =	vst.idx.add.f32.msk $0xffff, v1  }
0x8e8: {  	[tilespmem:v8+s30+$0x0] =	vst.idx.add.f32.msk $0xffff, v2  }
0x8e9: {  	s2 =	simm.s32 $0xF100;
	v8 =	vld [tilespmem:s23+$0x63A0]  }
0x8ea: {  	s3 =	simm.s32 $0x13100;
	[tilespmem:v9+s2+$0x0] =	vst.idx.add.f32.msk $0xffff, v3  }
0x8eb: {  	[tilespmem:v9+s3+$0x0] =	vst.idx.add.f32.msk $0xffff, v4  }
0x8ec: {  	[tilespmem:v7+s8+$0x0] =	vst.idx.add.f32.msk $0xffff, v5  }
0x8ed: {  	v9 =	vld [tilespmem:s23+$0x7100]  }
0x8ee: {  	[tilespmem:v7+s11+$0x0] =	vst.idx.add.f32.msk $0xffff, v6  }
0x8ef: {  	v7 =	vld [tilespmem:s23+$0x7090];
	_ =	sdelay $0x2  }
0x8f0: {  	s25 =	simm.s32 $0x12700;
	[tilespmem:v8+s31+$0x0] =	vst.idx.add.f32.msk $0xffff, v1  }
0x8f1: {  	[tilespmem:v8+s25+$0x0] =	vst.idx.add.f32.msk $0xffff, v2  }
0x8f2: {  	s4 =	simm.s32 $0xF200;
	v8 =	vld [tilespmem:s23+$0x6820]  }
0x8f3: {  	s11 =	simm.s32 $0x13200;
	[tilespmem:v9+s4+$0x0] =	vst.idx.add.f32.msk $0xffff, v3  }
0x8f4: {  	[tilespmem:v9+s11+$0x0] =	vst.idx.add.f32.msk $0xffff, v4  }
0x8f5: {  	[tilespmem:v7+s2+$0x0] =	vst.idx.add.f32.msk $0xffff, v5  }
0x8f6: {  	v9 =	vld [tilespmem:s23+$0x7180]  }
0x8f7: {  	[tilespmem:v7+s3+$0x0] =	vst.idx.add.f32.msk $0xffff, v6  }
0x8f8: {  	v7 =	vld [tilespmem:s23+$0x7110];
	_ =	sdelay $0x1  }
0x8f9: {  	s26 =	simm.s32 $0xE800  }
0x8fa: {  	s28 =	simm.s32 $0x12800;
	[tilespmem:v8+s26+$0x0] =	vst.idx.add.f32.msk $0xffff, v1  }
0x8fb: {  	[tilespmem:v8+s28+$0x0] =	vst.idx.add.f32.msk $0xffff, v2  }
0x8fc: {  	s26 =	simm.s32 $0xF300;
	v8 =	vld [tilespmem:s23+$0x68A0]  }
0x8fd: {  	s28 =	simm.s32 $0x13300;
	[tilespmem:v9+s26+$0x0] =	vst.idx.add.f32.msk $0xffff, v3  }
0x8fe: {  	[tilespmem:v9+s28+$0x0] =	vst.idx.add.f32.msk $0xffff, v4  }
0x8ff: {  	[tilespmem:v7+s4+$0x0] =	vst.idx.add.f32.msk $0xffff, v5  }
0x900: {  	v9 =	vld [tilespmem:s23+$0x7200]  }
0x901: {  	[tilespmem:v7+s11+$0x0] =	vst.idx.add.f32.msk $0xffff, v6  }
0x902: {  	v7 =	vld [tilespmem:s23+$0x7190];
	_ =	sdelay $0x1  }
0x903: {  	s12 =	simm.s32 $0xE900  }
0x904: {  	s13 =	simm.s32 $0x12900;
	[tilespmem:v8+s12+$0x0] =	vst.idx.add.f32.msk $0xffff, v1  }
0x905: {  	[tilespmem:v8+s13+$0x0] =	vst.idx.add.f32.msk $0xffff, v2  }
0x906: {  	s29 =	simm.s32 $0xF400;
	v8 =	vld [tilespmem:s23+$0x6920]  }
0x907: {  	s30 =	simm.s32 $0x13400;
	[tilespmem:v9+s29+$0x0] =	vst.idx.add.f32.msk $0xffff, v3  }
0x908: {  	[tilespmem:v9+s30+$0x0] =	vst.idx.add.f32.msk $0xffff, v4  }
0x909: {  	[tilespmem:v7+s26+$0x0] =	vst.idx.add.f32.msk $0xffff, v5  }
0x90a: {  	v9 =	vld [tilespmem:s23+$0x7280]  }
0x90b: {  	[tilespmem:v7+s28+$0x0] =	vst.idx.add.f32.msk $0xffff, v6  }
0x90c: {  	v7 =	vld [tilespmem:s23+$0x7210];
	_ =	sdelay $0x1  }
0x90d: {  	s24 =	simm.s32 $0xEA00  }
0x90e: {  	s22 =	simm.s32 $0x12A00;
	[tilespmem:v8+s24+$0x0] =	vst.idx.add.f32.msk $0xffff, v1  }
0x90f: {  	[tilespmem:v8+s22+$0x0] =	vst.idx.add.f32.msk $0xffff, v2  }
0x910: {  	s0 =	simm.s32 $0xF500;
	v8 =	vld [tilespmem:s23+$0x69A0]  }
0x911: {  	s11 =	simm.s32 $0x13500;
	[tilespmem:v9+s0+$0x0] =	vst.idx.add.f32.msk $0xffff, v3  }
0x912: {  	[tilespmem:v9+s11+$0x0] =	vst.idx.add.f32.msk $0xffff, v4  }
0x913: {  	[tilespmem:v7+s29+$0x0] =	vst.idx.add.f32.msk $0xffff, v5  }
0x914: {  	v9 =	vld [tilespmem:s23+$0x7300]  }
0x915: {  	[tilespmem:v7+s30+$0x0] =	vst.idx.add.f32.msk $0xffff, v6  }
0x916: {  	v7 =	vld [tilespmem:s23+$0x7290];
	_ =	sdelay $0x1  }
0x917: {  	s20 =	simm.s32 $0xEB00  }
0x918: {  	s21 =	simm.s32 $0x12B00;
	[tilespmem:v8+s20+$0x0] =	vst.idx.add.f32.msk $0xffff, v1  }
0x919: {  	[tilespmem:v8+s21+$0x0] =	vst.idx.add.f32.msk $0xffff, v2  }
0x91a: {  	s20 =	simm.s32 $0xF600;
	v8 =	vld [tilespmem:s23+$0x6A20]  }
0x91b: {  	s21 =	simm.s32 $0x13600;
	[tilespmem:v9+s20+$0x0] =	vst.idx.add.f32.msk $0xffff, v3  }
0x91c: {  	[tilespmem:v9+s21+$0x0] =	vst.idx.add.f32.msk $0xffff, v4  }
0x91d: {  	[tilespmem:v7+s0+$0x0] =	vst.idx.add.f32.msk $0xffff, v5  }
0x91e: {  	v9 =	vld [tilespmem:s23+$0x7380]  }
0x91f: {  	[tilespmem:v7+s11+$0x0] =	vst.idx.add.f32.msk $0xffff, v6  }
0x920: {  	v7 =	vld [tilespmem:s23+$0x7310];
	_ =	sdelay $0x1  }
0x921: {  	s18 =	simm.s32 $0xEC00  }
0x922: {  	s19 =	simm.s32 $0x12C00;
	[tilespmem:v8+s18+$0x0] =	vst.idx.add.f32.msk $0xffff, v1  }
0x923: {  	[tilespmem:v8+s19+$0x0] =	vst.idx.add.f32.msk $0xffff, v2  }
0x924: {  	s22 =	simm.s32 $0xF700;
	v8 =	vld [tilespmem:s23+$0x6AA0]  }
0x925: {  	s26 =	simm.s32 $0x13700;
	[tilespmem:v9+s22+$0x0] =	vst.idx.add.f32.msk $0xffff, v3  }
0x926: {  	[tilespmem:v9+s26+$0x0] =	vst.idx.add.f32.msk $0xffff, v4  }
0x927: {  	[tilespmem:v7+s20+$0x0] =	vst.idx.add.f32.msk $0xffff, v5  }
0x928: {  	v9 =	vld [tilespmem:s23+$0x7800]  }
0x929: {  	[tilespmem:v7+s21+$0x0] =	vst.idx.add.f32.msk $0xffff, v6  }
0x92a: {  	v7 =	vld [tilespmem:s23+$0x7390];
	_ =	sdelay $0x1  }
0x92b: {  	s16 =	simm.s32 $0xED00  }
0x92c: {  	s17 =	simm.s32 $0x12D00;
	[tilespmem:v8+s16+$0x0] =	vst.idx.add.f32.msk $0xffff, v1  }
0x92d: {  	[tilespmem:v8+s17+$0x0] =	vst.idx.add.f32.msk $0xffff, v2  }
0x92e: {  	s28 =	simm.s32 $0xF800;
	v8 =	vld [tilespmem:s23+$0x6B20]  }
0x92f: {  	s29 =	simm.s32 $0x13800;
	[tilespmem:v9+s28+$0x0] =	vst.idx.add.f32.msk $0xffff, v3  }
0x930: {  	[tilespmem:v9+s29+$0x0] =	vst.idx.add.f32.msk $0xffff, v4  }
0x931: {  	[tilespmem:v7+s22+$0x0] =	vst.idx.add.f32.msk $0xffff, v5  }
0x932: {  	v9 =	vld [tilespmem:s23+$0x7880]  }
0x933: {  	[tilespmem:v7+s26+$0x0] =	vst.idx.add.f32.msk $0xffff, v6  }
0x934: {  	v7 =	vld [tilespmem:s23+$0x7810];
	_ =	sdelay $0x1  }
0x935: {  	s14 =	simm.s32 $0xEE00  }
0x936: {  	s15 =	simm.s32 $0x12E00;
	[tilespmem:v8+s14+$0x0] =	vst.idx.add.f32.msk $0xffff, v1  }
0x937: {  	[tilespmem:v8+s15+$0x0] =	vst.idx.add.f32.msk $0xffff, v2  }
0x938: {  	s14 =	simm.s32 $0xF900;
	v8 =	vld [tilespmem:s23+$0x6BA0]  }
0x939: {  	s15 =	simm.s32 $0x13900;
	[tilespmem:v9+s14+$0x0] =	vst.idx.add.f32.msk $0xffff, v3  }
0x93a: {  	[tilespmem:v9+s15+$0x0] =	vst.idx.add.f32.msk $0xffff, v4  }
0x93b: {  	[tilespmem:v7+s28+$0x0] =	vst.idx.add.f32.msk $0xffff, v5  }
0x93c: {  	v9 =	vld [tilespmem:s23+$0x7900]  }
0x93d: {  	[tilespmem:v7+s29+$0x0] =	vst.idx.add.f32.msk $0xffff, v6  }
0x93e: {  	v7 =	vld [tilespmem:s23+$0x7890];
	_ =	sdelay $0x1  }
0x93f: {  	s9 =	simm.s32 $0xEF00  }
0x940: {  	s10 =	simm.s32 $0x12F00;
	[tilespmem:v8+s9+$0x0] =	vst.idx.add.f32.msk $0xffff, v1  }
0x941: {  	[tilespmem:v8+s10+$0x0] =	vst.idx.add.f32.msk $0xffff, v2  }
0x942: {  	s16 =	simm.s32 $0xFA00;
	v8 =	vld [tilespmem:s23+$0x7020]  }
0x943: {  	s17 =	simm.s32 $0x13A00;
	[tilespmem:v9+s16+$0x0] =	vst.idx.add.f32.msk $0xffff, v3  }
0x944: {  	[tilespmem:v9+s17+$0x0] =	vst.idx.add.f32.msk $0xffff, v4  }
0x945: {  	[tilespmem:v7+s14+$0x0] =	vst.idx.add.f32.msk $0xffff, v5  }
0x946: {  	v9 =	vld [tilespmem:s23+$0x7980]  }
0x947: {  	[tilespmem:v7+s15+$0x0] =	vst.idx.add.f32.msk $0xffff, v6  }
0x948: {  	v7 =	vld [tilespmem:s23+$0x7910];
	_ =	sdelay $0x1  }
0x949: {  	s7 =	simm.s32 $0xF000  }
0x94a: {  	s8 =	simm.s32 $0x13000;
	[tilespmem:v8+s7+$0x0] =	vst.idx.add.f32.msk $0xffff, v1  }
0x94b: {  	[tilespmem:v8+s8+$0x0] =	vst.idx.add.f32.msk $0xffff, v2  }
0x94c: {  	s18 =	simm.s32 $0xFB00;
	v8 =	vld [tilespmem:s23+$0x70A0]  }
0x94d: {  	s19 =	simm.s32 $0x13B00;
	[tilespmem:v9+s18+$0x0] =	vst.idx.add.f32.msk $0xffff, v3  }
0x94e: {  	[tilespmem:v9+s19+$0x0] =	vst.idx.add.f32.msk $0xffff, v4  }
0x94f: {  	[tilespmem:v7+s16+$0x0] =	vst.idx.add.f32.msk $0xffff, v5  }
0x950: {  	v9 =	vld [tilespmem:s23+$0x7A00]  }
0x951: {  	[tilespmem:v7+s17+$0x0] =	vst.idx.add.f32.msk $0xffff, v6  }
0x952: {  	v7 =	vld [tilespmem:s23+$0x7990];
	_ =	sdelay $0x1  }
0x953: {  	s5 =	simm.s32 $0xF100  }
0x954: {  	s6 =	simm.s32 $0x13100;
	[tilespmem:v8+s5+$0x0] =	vst.idx.add.f32.msk $0xffff, v1  }
0x955: {  	[tilespmem:v8+s6+$0x0] =	vst.idx.add.f32.msk $0xffff, v2  }
0x956: {  	s20 =	simm.s32 $0xFC00;
	v8 =	vld [tilespmem:s23+$0x7120]  }
0x957: {  	s21 =	simm.s32 $0x13C00;
	[tilespmem:v9+s20+$0x0] =	vst.idx.add.f32.msk $0xffff, v3  }
0x958: {  	[tilespmem:v9+s21+$0x0] =	vst.idx.add.f32.msk $0xffff, v4  }
0x959: {  	[tilespmem:v7+s18+$0x0] =	vst.idx.add.f32.msk $0xffff, v5  }
0x95a: {  	v9 =	vld [tilespmem:s23+$0x7A80]  }
0x95b: {  	[tilespmem:v7+s19+$0x0] =	vst.idx.add.f32.msk $0xffff, v6  }
0x95c: {  	v7 =	vld [tilespmem:s23+$0x7A10];
	_ =	sdelay $0x1  }
0x95d: {  	s25 =	simm.s32 $0xF200  }
0x95e: {  	s3 =	simm.s32 $0x13200;
	[tilespmem:v8+s25+$0x0] =	vst.idx.add.f32.msk $0xffff, v1  }
0x95f: {  	[tilespmem:v8+s3+$0x0] =	vst.idx.add.f32.msk $0xffff, v2  }
0x960: {  	s22 =	simm.s32 $0xFD00;
	v8 =	vld [tilespmem:s23+$0x71A0]  }
0x961: {  	s25 =	simm.s32 $0x13D00;
	[tilespmem:v9+s22+$0x0] =	vst.idx.add.f32.msk $0xffff, v3  }
0x962: {  	[tilespmem:v9+s25+$0x0] =	vst.idx.add.f32.msk $0xffff, v4  }
0x963: {  	[tilespmem:v7+s20+$0x0] =	vst.idx.add.f32.msk $0xffff, v5  }
0x964: {  	v9 =	vld [tilespmem:s23+$0x7B00]  }
0x965: {  	[tilespmem:v7+s21+$0x0] =	vst.idx.add.f32.msk $0xffff, v6  }
0x966: {  	v7 =	vld [tilespmem:s23+$0x7A90]  }
0x967: {  	s4 =	simm.s32 $0xF300  }
0x968: {  	s2 =	simm.s32 $0x13300;
	[tilespmem:v8+s4+$0x0] =	vst.idx.add.f32.msk $0xffff, v1  }
0x969: {  	[tilespmem:v8+s2+$0x0] =	vst.idx.add.f32.msk $0xffff, v2  }
0x96a: {  	v8 =	vld [tilespmem:s23+$0x7220]  }
0x96b: {  	s26 =	simm.s32 $0xFE00  }
0x96c: {  	s28 =	simm.s32 $0x13E00;
	[tilespmem:v9+s26+$0x0] =	vst.idx.add.f32.msk $0xffff, v3  }
0x96d: {  	[tilespmem:v9+s28+$0x0] =	vst.idx.add.f32.msk $0xffff, v4  }
0x96e: {  	[tilespmem:v7+s22+$0x0] =	vst.idx.add.f32.msk $0xffff, v5  }
0x96f: {  	[tilespmem:v7+s25+$0x0] =	vst.idx.add.f32.msk $0xffff, v6  }
0x970: {  	v7 =	vld [tilespmem:s23+$0x7B10]  }
0x971: {  	s12 =	simm.s32 $0xF400;
	v9 =	vld [tilespmem:s23+$0x7B80]  }
0x972: {  	s13 =	simm.s32 $0x13400;
	[tilespmem:v8+s12+$0x0] =	vst.idx.add.f32.msk $0xffff, v1  }
0x973: {  	[tilespmem:v8+s13+$0x0] =	vst.idx.add.f32.msk $0xffff, v2  }
0x974: {  	v8 =	vld [tilespmem:s23+$0x72A0];
	_ =	sdelay $0x2  }
0x975: {  	v52 =	vld [tilespmem:s23+$0x4030]  }
0x976: {  	[tilespmem:v7+s26+$0x0] =	vst.idx.add.f32.msk $0xffff, v5  }
0x977: {  	[tilespmem:v7+s28+$0x0] =	vst.idx.add.f32.msk $0xffff, v6  }
0x978: {  	s13 =	simm.s32 $0xFF00;
	v7 =	vld [tilespmem:s23+$0x7B90]  }
0x979: {  	s24 =	simm.s32 $0xF500;
	[tilespmem:v9+s13+$0x0] =	vst.idx.add.f32.msk $0xffff, v3  }
0x97a: {  	s11 =	simm.s32 $0x13500;
	s29 =	rddreg [dreg:$0x14];
	[tilespmem:v8+s24+$0x0] =	vst.idx.add.f32.msk $0xffff, v1  }
0x97b: {  	s12 =	simm.s32 $0x13F00;
	[tilespmem:v8+s11+$0x0] =	vst.idx.add.f32.msk $0xffff, v2;
	s11 =	rddreg [dreg:$0x19]  }
0x97c: {  	[tilespmem:v9+s12+$0x0] =	vst.idx.add.f32.msk $0xffff, v4;
	s25 =	sor.u32 s29, s11  }
0x97d: {  	v53 =	vld [tilespmem:s25+$0x8000]  }
0x97e: {  	v3 =	vld [tilespmem:s23+$0x7320]  }
0x97f: {  	v54 =	vld [tilespmem:s25+$0xA000]  }
0x980: {  	[tilespmem:v7+s13+$0x0] =	vst.idx.add.f32.msk $0xffff, v5  }
0x981: {  	s0 =	simm.s32 $0xC000;
	[tilespmem:v7+s12+$0x0] =	vst.idx.add.f32.msk $0xffff, v6  }
0x982: {  	[tilespmem:v52+s0+$0x0] =	vst.idx.add.f32.msk $0xffff, v53  }
0x983: {  	v55 =	vld [tilespmem:s23+$0x4040]  }
0x984: {  	s2 =	rddreg [dreg:$0x15]  }
0x985: {  	s25 =	sor.u32 s2, s11  }
0x986: {  	v56 =	vld [tilespmem:s25+$0x8000]  }
0x987: {  	s1 =	simm.s32 $0x10000;
	v57 =	vld [tilespmem:s25+$0xA000]  }
0x988: {  	[tilespmem:v52+s1+$0x0] =	vst.idx.add.f32.msk $0xffff, v54  }
0x989: {  	v4 =	vld [tilespmem:s23+$0x40B0];
	_ =	sdelay $0x1  }
0x98a: {  	[tilespmem:v55+s0+$0x0] =	vst.idx.add.f32.msk $0xffff, v56  }
0x98b: {  	[tilespmem:v55+s1+$0x0] =	vst.idx.add.f32.msk $0xffff, v57  }
0x98c: {  	v9 =	vld [tilespmem:s23+$0x40C0];
	_ =	sdelay $0x2  }
0x98d: {  	s3 =	simm.s32 $0xC100  }
0x98e: {  	s4 =	simm.s32 $0x10100;
	[tilespmem:v4+s3+$0x0] =	vst.idx.add.f32.msk $0xffff, v53  }
0x98f: {  	[tilespmem:v4+s4+$0x0] =	vst.idx.add.f32.msk $0xffff, v54  }
0x990: {  	v4 =	vld [tilespmem:s23+$0x4130];
	_ =	sdelay $0x1  }
0x991: {  	[tilespmem:v9+s3+$0x0] =	vst.idx.add.f32.msk $0xffff, v56  }
0x992: {  	[tilespmem:v9+s4+$0x0] =	vst.idx.add.f32.msk $0xffff, v57  }
0x993: {  	v9 =	vld [tilespmem:s23+$0x4140];
	_ =	sdelay $0x2  }
0x994: {  	s5 =	simm.s32 $0xC200  }
0x995: {  	s6 =	simm.s32 $0x10200;
	[tilespmem:v4+s5+$0x0] =	vst.idx.add.f32.msk $0xffff, v53  }
0x996: {  	[tilespmem:v4+s6+$0x0] =	vst.idx.add.f32.msk $0xffff, v54  }
0x997: {  	v4 =	vld [tilespmem:s23+$0x41B0];
	_ =	sdelay $0x1  }
0x998: {  	[tilespmem:v9+s5+$0x0] =	vst.idx.add.f32.msk $0xffff, v56  }
0x999: {  	[tilespmem:v9+s6+$0x0] =	vst.idx.add.f32.msk $0xffff, v57  }
0x99a: {  	v9 =	vld [tilespmem:s23+$0x41C0];
	_ =	sdelay $0x2  }
0x99b: {  	s7 =	simm.s32 $0xC300  }
0x99c: {  	s8 =	simm.s32 $0x10300;
	[tilespmem:v4+s7+$0x0] =	vst.idx.add.f32.msk $0xffff, v53  }
0x99d: {  	[tilespmem:v4+s8+$0x0] =	vst.idx.add.f32.msk $0xffff, v54  }
0x99e: {  	v4 =	vld [tilespmem:s23+$0x4230];
	_ =	sdelay $0x1  }
0x99f: {  	[tilespmem:v9+s7+$0x0] =	vst.idx.add.f32.msk $0xffff, v56  }
0x9a0: {  	[tilespmem:v9+s8+$0x0] =	vst.idx.add.f32.msk $0xffff, v57  }
0x9a1: {  	v9 =	vld [tilespmem:s23+$0x4240];
	_ =	sdelay $0x2  }
0x9a2: {  	s14 =	simm.s32 $0xC400  }
0x9a3: {  	s15 =	simm.s32 $0x10400;
	[tilespmem:v4+s14+$0x0] =	vst.idx.add.f32.msk $0xffff, v53  }
0x9a4: {  	[tilespmem:v4+s15+$0x0] =	vst.idx.add.f32.msk $0xffff, v54  }
0x9a5: {  	v4 =	vld [tilespmem:s23+$0x42B0];
	_ =	sdelay $0x1  }
0x9a6: {  	[tilespmem:v9+s14+$0x0] =	vst.idx.add.f32.msk $0xffff, v56  }
0x9a7: {  	[tilespmem:v9+s15+$0x0] =	vst.idx.add.f32.msk $0xffff, v57  }
0x9a8: {  	v9 =	vld [tilespmem:s23+$0x42C0];
	_ =	sdelay $0x2  }
0x9a9: {  	s17 =	simm.s32 $0xC500  }
0x9aa: {  	s18 =	simm.s32 $0x10500;
	[tilespmem:v4+s17+$0x0] =	vst.idx.add.f32.msk $0xffff, v53  }
0x9ab: {  	[tilespmem:v4+s18+$0x0] =	vst.idx.add.f32.msk $0xffff, v54  }
0x9ac: {  	v4 =	vld [tilespmem:s23+$0x4330];
	_ =	sdelay $0x1  }
0x9ad: {  	[tilespmem:v9+s17+$0x0] =	vst.idx.add.f32.msk $0xffff, v56  }
0x9ae: {  	[tilespmem:v9+s18+$0x0] =	vst.idx.add.f32.msk $0xffff, v57  }
0x9af: {  	v9 =	vld [tilespmem:s23+$0x4340];
	_ =	sdelay $0x2  }
0x9b0: {  	s19 =	simm.s32 $0xC600  }
0x9b1: {  	s20 =	simm.s32 $0x10600;
	[tilespmem:v4+s19+$0x0] =	vst.idx.add.f32.msk $0xffff, v53  }
0x9b2: {  	[tilespmem:v4+s20+$0x0] =	vst.idx.add.f32.msk $0xffff, v54  }
0x9b3: {  	v4 =	vld [tilespmem:s23+$0x43B0];
	_ =	sdelay $0x1  }
0x9b4: {  	[tilespmem:v9+s19+$0x0] =	vst.idx.add.f32.msk $0xffff, v56  }
0x9b5: {  	[tilespmem:v9+s20+$0x0] =	vst.idx.add.f32.msk $0xffff, v57  }
0x9b6: {  	v9 =	vld [tilespmem:s23+$0x43C0];
	_ =	sdelay $0x2  }
0x9b7: {  	s21 =	simm.s32 $0xC700  }
0x9b8: {  	s22 =	simm.s32 $0x10700;
	[tilespmem:v4+s21+$0x0] =	vst.idx.add.f32.msk $0xffff, v53  }
0x9b9: {  	[tilespmem:v4+s22+$0x0] =	vst.idx.add.f32.msk $0xffff, v54  }
0x9ba: {  	v4 =	vld [tilespmem:s23+$0x4830];
	_ =	sdelay $0x1  }
0x9bb: {  	[tilespmem:v9+s21+$0x0] =	vst.idx.add.f32.msk $0xffff, v56  }
0x9bc: {  	[tilespmem:v9+s22+$0x0] =	vst.idx.add.f32.msk $0xffff, v57  }
0x9bd: {  	v9 =	vld [tilespmem:s23+$0x4840];
	_ =	sdelay $0x2  }
0x9be: {  	s24 =	simm.s32 $0xC800  }
0x9bf: {  	s26 =	simm.s32 $0x10800;
	[tilespmem:v4+s24+$0x0] =	vst.idx.add.f32.msk $0xffff, v53  }
0x9c0: {  	[tilespmem:v4+s26+$0x0] =	vst.idx.add.f32.msk $0xffff, v54  }
0x9c1: {  	v4 =	vld [tilespmem:s23+$0x48B0];
	_ =	sdelay $0x1  }
0x9c2: {  	[tilespmem:v9+s24+$0x0] =	vst.idx.add.f32.msk $0xffff, v56  }
0x9c3: {  	[tilespmem:v9+s26+$0x0] =	vst.idx.add.f32.msk $0xffff, v57  }
0x9c4: {  	v9 =	vld [tilespmem:s23+$0x48C0];
	_ =	sdelay $0x2  }
0x9c5: {  	s28 =	simm.s32 $0xC900  }
0x9c6: {  	s29 =	simm.s32 $0x10900;
	[tilespmem:v4+s28+$0x0] =	vst.idx.add.f32.msk $0xffff, v53  }
0x9c7: {  	[tilespmem:v4+s29+$0x0] =	vst.idx.add.f32.msk $0xffff, v54  }
0x9c8: {  	v4 =	vld [tilespmem:s23+$0x4930];
	_ =	sdelay $0x1  }
0x9c9: {  	[tilespmem:v9+s28+$0x0] =	vst.idx.add.f32.msk $0xffff, v56  }
0x9ca: {  	[tilespmem:v9+s29+$0x0] =	vst.idx.add.f32.msk $0xffff, v57  }
0x9cb: {  	v9 =	vld [tilespmem:s23+$0x4940];
	_ =	sdelay $0x2  }
0x9cc: {  	s0 =	simm.s32 $0xCA00  }
0x9cd: {  	s1 =	simm.s32 $0x10A00;
	[tilespmem:v4+s0+$0x0] =	vst.idx.add.f32.msk $0xffff, v53  }
0x9ce: {  	[tilespmem:v4+s1+$0x0] =	vst.idx.add.f32.msk $0xffff, v54  }
0x9cf: {  	v4 =	vld [tilespmem:s23+$0x49B0];
	_ =	sdelay $0x1  }
0x9d0: {  	[tilespmem:v9+s0+$0x0] =	vst.idx.add.f32.msk $0xffff, v56  }
0x9d1: {  	[tilespmem:v9+s1+$0x0] =	vst.idx.add.f32.msk $0xffff, v57  }
0x9d2: {  	v9 =	vld [tilespmem:s23+$0x49C0];
	_ =	sdelay $0x2  }
0x9d3: {  	s2 =	simm.s32 $0xCB00  }
0x9d4: {  	s4 =	simm.s32 $0x10B00;
	[tilespmem:v4+s2+$0x0] =	vst.idx.add.f32.msk $0xffff, v53  }
0x9d5: {  	[tilespmem:v4+s4+$0x0] =	vst.idx.add.f32.msk $0xffff, v54  }
0x9d6: {  	v4 =	vld [tilespmem:s23+$0x4A30];
	_ =	sdelay $0x1  }
0x9d7: {  	[tilespmem:v9+s2+$0x0] =	vst.idx.add.f32.msk $0xffff, v56  }
0x9d8: {  	[tilespmem:v9+s4+$0x0] =	vst.idx.add.f32.msk $0xffff, v57  }
0x9d9: {  	v9 =	vld [tilespmem:s23+$0x4A40];
	_ =	sdelay $0x2  }
0x9da: {  	s6 =	simm.s32 $0xCC00  }
0x9db: {  	s14 =	simm.s32 $0x10C00;
	[tilespmem:v4+s6+$0x0] =	vst.idx.add.f32.msk $0xffff, v53  }
0x9dc: {  	[tilespmem:v4+s14+$0x0] =	vst.idx.add.f32.msk $0xffff, v54  }
0x9dd: {  	v4 =	vld [tilespmem:s23+$0x4AB0];
	_ =	sdelay $0x1  }
0x9de: {  	[tilespmem:v9+s6+$0x0] =	vst.idx.add.f32.msk $0xffff, v56  }
0x9df: {  	[tilespmem:v9+s14+$0x0] =	vst.idx.add.f32.msk $0xffff, v57  }
0x9e0: {  	v9 =	vld [tilespmem:s23+$0x4AC0];
	_ =	sdelay $0x2  }
0x9e1: {  	s15 =	simm.s32 $0xCD00  }
0x9e2: {  	s17 =	simm.s32 $0x10D00;
	[tilespmem:v4+s15+$0x0] =	vst.idx.add.f32.msk $0xffff, v53  }
0x9e3: {  	[tilespmem:v4+s17+$0x0] =	vst.idx.add.f32.msk $0xffff, v54  }
0x9e4: {  	v4 =	vld [tilespmem:s23+$0x4B30];
	_ =	sdelay $0x1  }
0x9e5: {  	[tilespmem:v9+s15+$0x0] =	vst.idx.add.f32.msk $0xffff, v56  }
0x9e6: {  	[tilespmem:v9+s17+$0x0] =	vst.idx.add.f32.msk $0xffff, v57  }
0x9e7: {  	v9 =	vld [tilespmem:s23+$0x4B40];
	_ =	sdelay $0x2  }
0x9e8: {  	s18 =	simm.s32 $0xCE00  }
0x9e9: {  	s19 =	simm.s32 $0x10E00;
	[tilespmem:v4+s18+$0x0] =	vst.idx.add.f32.msk $0xffff, v53  }
0x9ea: {  	[tilespmem:v4+s19+$0x0] =	vst.idx.add.f32.msk $0xffff, v54  }
0x9eb: {  	v4 =	vld [tilespmem:s23+$0x4BB0];
	_ =	sdelay $0x1  }
0x9ec: {  	[tilespmem:v9+s18+$0x0] =	vst.idx.add.f32.msk $0xffff, v56  }
0x9ed: {  	[tilespmem:v9+s19+$0x0] =	vst.idx.add.f32.msk $0xffff, v57  }
0x9ee: {  	v9 =	vld [tilespmem:s23+$0x4BC0];
	_ =	sdelay $0x2  }
0x9ef: {  	s20 =	simm.s32 $0xCF00  }
0x9f0: {  	s21 =	simm.s32 $0x10F00;
	[tilespmem:v4+s20+$0x0] =	vst.idx.add.f32.msk $0xffff, v53  }
0x9f1: {  	[tilespmem:v4+s21+$0x0] =	vst.idx.add.f32.msk $0xffff, v54  }
0x9f2: {  	v4 =	vld [tilespmem:s23+$0x5030];
	_ =	sdelay $0x1  }
0x9f3: {  	[tilespmem:v9+s20+$0x0] =	vst.idx.add.f32.msk $0xffff, v56  }
0x9f4: {  	[tilespmem:v9+s21+$0x0] =	vst.idx.add.f32.msk $0xffff, v57  }
0x9f5: {  	v9 =	vld [tilespmem:s23+$0x5040];
	_ =	sdelay $0x2  }
0x9f6: {  	s22 =	simm.s32 $0xD000  }
0x9f7: {  	s24 =	simm.s32 $0x11000;
	[tilespmem:v4+s22+$0x0] =	vst.idx.add.f32.msk $0xffff, v53  }
0x9f8: {  	[tilespmem:v4+s24+$0x0] =	vst.idx.add.f32.msk $0xffff, v54  }
0x9f9: {  	v4 =	vld [tilespmem:s23+$0x50B0];
	_ =	sdelay $0x1  }
0x9fa: {  	[tilespmem:v9+s22+$0x0] =	vst.idx.add.f32.msk $0xffff, v56  }
0x9fb: {  	[tilespmem:v9+s24+$0x0] =	vst.idx.add.f32.msk $0xffff, v57  }
0x9fc: {  	v9 =	vld [tilespmem:s23+$0x50C0];
	_ =	sdelay $0x2  }
0x9fd: {  	s25 =	simm.s32 $0xD100  }
0x9fe: {  	s26 =	simm.s32 $0x11100;
	[tilespmem:v4+s25+$0x0] =	vst.idx.add.f32.msk $0xffff, v53  }
0x9ff: {  	[tilespmem:v4+s26+$0x0] =	vst.idx.add.f32.msk $0xffff, v54  }
0xa00: {  	v4 =	vld [tilespmem:s23+$0x5130];
	_ =	sdelay $0x1  }
0xa01: {  	[tilespmem:v9+s25+$0x0] =	vst.idx.add.f32.msk $0xffff, v56  }
0xa02: {  	[tilespmem:v9+s26+$0x0] =	vst.idx.add.f32.msk $0xffff, v57  }
0xa03: {  	v9 =	vld [tilespmem:s23+$0x5140];
	_ =	sdelay $0x2  }
0xa04: {  	s28 =	simm.s32 $0xD200  }
0xa05: {  	s29 =	simm.s32 $0x11200;
	[tilespmem:v4+s28+$0x0] =	vst.idx.add.f32.msk $0xffff, v53  }
0xa06: {  	[tilespmem:v4+s29+$0x0] =	vst.idx.add.f32.msk $0xffff, v54  }
0xa07: {  	v4 =	vld [tilespmem:s23+$0x51B0];
	_ =	sdelay $0x1  }
0xa08: {  	[tilespmem:v9+s28+$0x0] =	vst.idx.add.f32.msk $0xffff, v56  }
0xa09: {  	[tilespmem:v9+s29+$0x0] =	vst.idx.add.f32.msk $0xffff, v57  }
0xa0a: {  	v9 =	vld [tilespmem:s23+$0x51C0];
	_ =	sdelay $0x2  }
0xa0b: {  	s0 =	simm.s32 $0xD300  }
0xa0c: {  	s1 =	simm.s32 $0x11300;
	[tilespmem:v4+s0+$0x0] =	vst.idx.add.f32.msk $0xffff, v53  }
0xa0d: {  	[tilespmem:v4+s1+$0x0] =	vst.idx.add.f32.msk $0xffff, v54  }
0xa0e: {  	v4 =	vld [tilespmem:s23+$0x5230];
	_ =	sdelay $0x1  }
0xa0f: {  	[tilespmem:v9+s0+$0x0] =	vst.idx.add.f32.msk $0xffff, v56  }
0xa10: {  	[tilespmem:v9+s1+$0x0] =	vst.idx.add.f32.msk $0xffff, v57  }
0xa11: {  	v9 =	vld [tilespmem:s23+$0x5240];
	_ =	sdelay $0x2  }
0xa12: {  	s2 =	simm.s32 $0xD400  }
0xa13: {  	s14 =	simm.s32 $0x11400;
	[tilespmem:v4+s2+$0x0] =	vst.idx.add.f32.msk $0xffff, v53  }
0xa14: {  	[tilespmem:v4+s14+$0x0] =	vst.idx.add.f32.msk $0xffff, v54  }
0xa15: {  	v4 =	vld [tilespmem:s23+$0x52B0];
	_ =	sdelay $0x1  }
0xa16: {  	[tilespmem:v9+s2+$0x0] =	vst.idx.add.f32.msk $0xffff, v56  }
0xa17: {  	[tilespmem:v9+s14+$0x0] =	vst.idx.add.f32.msk $0xffff, v57  }
0xa18: {  	v9 =	vld [tilespmem:s23+$0x52C0];
	_ =	sdelay $0x2  }
0xa19: {  	s15 =	simm.s32 $0xD500  }
0xa1a: {  	s17 =	simm.s32 $0x11500;
	[tilespmem:v4+s15+$0x0] =	vst.idx.add.f32.msk $0xffff, v53  }
0xa1b: {  	[tilespmem:v4+s17+$0x0] =	vst.idx.add.f32.msk $0xffff, v54  }
0xa1c: {  	v4 =	vld [tilespmem:s23+$0x5330];
	_ =	sdelay $0x1  }
0xa1d: {  	[tilespmem:v9+s15+$0x0] =	vst.idx.add.f32.msk $0xffff, v56  }
0xa1e: {  	[tilespmem:v9+s17+$0x0] =	vst.idx.add.f32.msk $0xffff, v57  }
0xa1f: {  	v9 =	vld [tilespmem:s23+$0x5340];
	_ =	sdelay $0x2  }
0xa20: {  	s18 =	simm.s32 $0xD600  }
0xa21: {  	s19 =	simm.s32 $0x11600;
	[tilespmem:v4+s18+$0x0] =	vst.idx.add.f32.msk $0xffff, v53  }
0xa22: {  	[tilespmem:v4+s19+$0x0] =	vst.idx.add.f32.msk $0xffff, v54  }
0xa23: {  	v4 =	vld [tilespmem:s23+$0x53B0];
	_ =	sdelay $0x1  }
0xa24: {  	[tilespmem:v9+s18+$0x0] =	vst.idx.add.f32.msk $0xffff, v56  }
0xa25: {  	[tilespmem:v9+s19+$0x0] =	vst.idx.add.f32.msk $0xffff, v57  }
0xa26: {  	v9 =	vld [tilespmem:s23+$0x53C0];
	_ =	sdelay $0x2  }
0xa27: {  	s20 =	simm.s32 $0xD700  }
0xa28: {  	s21 =	simm.s32 $0x11700;
	[tilespmem:v4+s20+$0x0] =	vst.idx.add.f32.msk $0xffff, v53  }
0xa29: {  	[tilespmem:v4+s21+$0x0] =	vst.idx.add.f32.msk $0xffff, v54  }
0xa2a: {  	v4 =	vld [tilespmem:s23+$0x5830];
	_ =	sdelay $0x1  }
0xa2b: {  	[tilespmem:v9+s20+$0x0] =	vst.idx.add.f32.msk $0xffff, v56  }
0xa2c: {  	[tilespmem:v9+s21+$0x0] =	vst.idx.add.f32.msk $0xffff, v57  }
0xa2d: {  	v9 =	vld [tilespmem:s23+$0x5840];
	_ =	sdelay $0x2  }
0xa2e: {  	s0 =	simm.s32 $0xD800  }
0xa2f: {  	s1 =	simm.s32 $0x11800;
	[tilespmem:v4+s0+$0x0] =	vst.idx.add.f32.msk $0xffff, v53  }
0xa30: {  	[tilespmem:v4+s1+$0x0] =	vst.idx.add.f32.msk $0xffff, v54  }
0xa31: {  	v4 =	vld [tilespmem:s23+$0x58B0];
	_ =	sdelay $0x1  }
0xa32: {  	[tilespmem:v9+s0+$0x0] =	vst.idx.add.f32.msk $0xffff, v56  }
0xa33: {  	[tilespmem:v9+s1+$0x0] =	vst.idx.add.f32.msk $0xffff, v57  }
0xa34: {  	v9 =	vld [tilespmem:s23+$0x58C0];
	_ =	sdelay $0x2  }
0xa35: {  	s2 =	simm.s32 $0xD900  }
0xa36: {  	s14 =	simm.s32 $0x11900;
	[tilespmem:v4+s2+$0x0] =	vst.idx.add.f32.msk $0xffff, v53  }
0xa37: {  	[tilespmem:v4+s14+$0x0] =	vst.idx.add.f32.msk $0xffff, v54  }
0xa38: {  	v4 =	vld [tilespmem:s23+$0x5930];
	_ =	sdelay $0x1  }
0xa39: {  	[tilespmem:v9+s2+$0x0] =	vst.idx.add.f32.msk $0xffff, v56  }
0xa3a: {  	[tilespmem:v9+s14+$0x0] =	vst.idx.add.f32.msk $0xffff, v57  }
0xa3b: {  	v9 =	vld [tilespmem:s23+$0x5940];
	_ =	sdelay $0x2  }
0xa3c: {  	s15 =	simm.s32 $0xDA00  }
0xa3d: {  	s25 =	simm.s32 $0x11A00;
	[tilespmem:v4+s15+$0x0] =	vst.idx.add.f32.msk $0xffff, v53  }
0xa3e: {  	[tilespmem:v4+s25+$0x0] =	vst.idx.add.f32.msk $0xffff, v54  }
0xa3f: {  	v4 =	vld [tilespmem:s23+$0x59B0];
	_ =	sdelay $0x1  }
0xa40: {  	[tilespmem:v9+s15+$0x0] =	vst.idx.add.f32.msk $0xffff, v56  }
0xa41: {  	[tilespmem:v9+s25+$0x0] =	vst.idx.add.f32.msk $0xffff, v57  }
0xa42: {  	v9 =	vld [tilespmem:s23+$0x59C0];
	_ =	sdelay $0x2  }
0xa43: {  	s1 =	simm.s32 $0xDB00  }
0xa44: {  	s2 =	simm.s32 $0x11B00;
	[tilespmem:v4+s1+$0x0] =	vst.idx.add.f32.msk $0xffff, v53  }
0xa45: {  	[tilespmem:v4+s2+$0x0] =	vst.idx.add.f32.msk $0xffff, v54  }
0xa46: {  	v4 =	vld [tilespmem:s23+$0x5A30];
	_ =	sdelay $0x1  }
0xa47: {  	[tilespmem:v9+s1+$0x0] =	vst.idx.add.f32.msk $0xffff, v56  }
0xa48: {  	[tilespmem:v9+s2+$0x0] =	vst.idx.add.f32.msk $0xffff, v57  }
0xa49: {  	v9 =	vld [tilespmem:s23+$0x5A40];
	_ =	sdelay $0x2  }
0xa4a: {  	s25 =	simm.s32 $0xDC00  }
0xa4b: {  	s1 =	simm.s32 $0x11C00;
	[tilespmem:v4+s25+$0x0] =	vst.idx.add.f32.msk $0xffff, v53  }
0xa4c: {  	[tilespmem:v4+s1+$0x0] =	vst.idx.add.f32.msk $0xffff, v54  }
0xa4d: {  	v4 =	vld [tilespmem:s23+$0x5AB0];
	_ =	sdelay $0x1  }
0xa4e: {  	[tilespmem:v9+s25+$0x0] =	vst.idx.add.f32.msk $0xffff, v56  }
0xa4f: {  	[tilespmem:v9+s1+$0x0] =	vst.idx.add.f32.msk $0xffff, v57  }
0xa50: {  	v9 =	vld [tilespmem:s23+$0x5AC0];
	_ =	sdelay $0x2  }
0xa51: {  	s2 =	simm.s32 $0xDD00  }
0xa52: {  	s25 =	simm.s32 $0x11D00;
	[tilespmem:v4+s2+$0x0] =	vst.idx.add.f32.msk $0xffff, v53  }
0xa53: {  	[tilespmem:v4+s25+$0x0] =	vst.idx.add.f32.msk $0xffff, v54  }
0xa54: {  	v4 =	vld [tilespmem:s23+$0x5B30];
	_ =	sdelay $0x1  }
0xa55: {  	[tilespmem:v9+s2+$0x0] =	vst.idx.add.f32.msk $0xffff, v56  }
0xa56: {  	[tilespmem:v9+s25+$0x0] =	vst.idx.add.f32.msk $0xffff, v57  }
0xa57: {  	v9 =	vld [tilespmem:s23+$0x5B40];
	_ =	sdelay $0x2  }
0xa58: {  	s2 =	simm.s32 $0xDE00  }
0xa59: {  	[tilespmem:v4+s2+$0x0] =	vst.idx.add.f32.msk $0xffff, v53;
	s25 =	simm.s32 $0x11E00  }
0xa5a: {  	[tilespmem:v4+s25+$0x0] =	vst.idx.add.f32.msk $0xffff, v54  }
0xa5b: {  	v4 =	vld [tilespmem:s23+$0x5BB0];
	_ =	sdelay $0x1  }
0xa5c: {  	[tilespmem:v9+s2+$0x0] =	vst.idx.add.f32.msk $0xffff, v56  }
0xa5d: {  	[tilespmem:v9+s25+$0x0] =	vst.idx.add.f32.msk $0xffff, v57  }
0xa5e: {  	v9 =	vld [tilespmem:s23+$0x5BC0];
	_ =	sdelay $0x2  }
0xa5f: {  	s2 =	simm.s32 $0xDF00  }
0xa60: {  	[tilespmem:v4+s2+$0x0] =	vst.idx.add.f32.msk $0xffff, v53;
	s25 =	simm.s32 $0x11F00  }
0xa61: {  	[tilespmem:v4+s25+$0x0] =	vst.idx.add.f32.msk $0xffff, v54  }
0xa62: {  	v4 =	vld [tilespmem:s23+$0x6030];
	_ =	sdelay $0x1  }
0xa63: {  	[tilespmem:v9+s2+$0x0] =	vst.idx.add.f32.msk $0xffff, v56  }
0xa64: {  	[tilespmem:v9+s25+$0x0] =	vst.idx.add.f32.msk $0xffff, v57  }
0xa65: {  	v9 =	vld [tilespmem:s23+$0x6040];
	_ =	sdelay $0x2  }
0xa66: {  	s2 =	simm.s32 $0xE000  }
0xa67: {  	[tilespmem:v4+s2+$0x0] =	vst.idx.add.f32.msk $0xffff, v53;
	s25 =	simm.s32 $0x12000  }
0xa68: {  	[tilespmem:v4+s25+$0x0] =	vst.idx.add.f32.msk $0xffff, v54  }
0xa69: {  	v4 =	vld [tilespmem:s23+$0x60B0];
	_ =	sdelay $0x1  }
0xa6a: {  	[tilespmem:v9+s2+$0x0] =	vst.idx.add.f32.msk $0xffff, v56  }
0xa6b: {  	[tilespmem:v9+s25+$0x0] =	vst.idx.add.f32.msk $0xffff, v57  }
0xa6c: {  	v9 =	vld [tilespmem:s23+$0x60C0];
	_ =	sdelay $0x2  }
0xa6d: {  	s2 =	simm.s32 $0xE100  }
0xa6e: {  	[tilespmem:v4+s2+$0x0] =	vst.idx.add.f32.msk $0xffff, v53;
	s25 =	simm.s32 $0x12100  }
0xa6f: {  	[tilespmem:v4+s25+$0x0] =	vst.idx.add.f32.msk $0xffff, v54  }
0xa70: {  	v4 =	vld [tilespmem:s23+$0x6130];
	_ =	sdelay $0x1  }
0xa71: {  	[tilespmem:v9+s2+$0x0] =	vst.idx.add.f32.msk $0xffff, v56  }
0xa72: {  	[tilespmem:v9+s25+$0x0] =	vst.idx.add.f32.msk $0xffff, v57  }
0xa73: {  	v9 =	vld [tilespmem:s23+$0x6140];
	_ =	sdelay $0x2  }
0xa74: {  	s2 =	simm.s32 $0xE200  }
0xa75: {  	[tilespmem:v4+s2+$0x0] =	vst.idx.add.f32.msk $0xffff, v53;
	s25 =	simm.s32 $0x12200  }
0xa76: {  	[tilespmem:v4+s25+$0x0] =	vst.idx.add.f32.msk $0xffff, v54  }
0xa77: {  	v4 =	vld [tilespmem:s23+$0x61B0];
	_ =	sdelay $0x1  }
0xa78: {  	[tilespmem:v9+s2+$0x0] =	vst.idx.add.f32.msk $0xffff, v56  }
0xa79: {  	[tilespmem:v9+s25+$0x0] =	vst.idx.add.f32.msk $0xffff, v57  }
0xa7a: {  	v9 =	vld [tilespmem:s23+$0x61C0];
	_ =	sdelay $0x2  }
0xa7b: {  	s1 =	simm.s32 $0xE300  }
0xa7c: {  	s2 =	simm.s32 $0x12300;
	[tilespmem:v4+s1+$0x0] =	vst.idx.add.f32.msk $0xffff, v53  }
0xa7d: {  	[tilespmem:v4+s2+$0x0] =	vst.idx.add.f32.msk $0xffff, v54  }
0xa7e: {  	v4 =	vld [tilespmem:s23+$0x6230];
	_ =	sdelay $0x1  }
0xa7f: {  	[tilespmem:v9+s1+$0x0] =	vst.idx.add.f32.msk $0xffff, v56  }
0xa80: {  	[tilespmem:v9+s2+$0x0] =	vst.idx.add.f32.msk $0xffff, v57  }
0xa81: {  	v9 =	vld [tilespmem:s23+$0x6240]  }
0xa82: {  	v10 =	vld [tilespmem:s23+$0x4050];
	s25 =	simm.s32 $0xF600  }
0xa83: {  	s30 =	simm.s32 $0x13600;
	[tilespmem:v3+s25+$0x0] =	vst.idx.add.f32.msk $0xffff, v1  }
0xa84: {  	s0 =	simm.s32 $0xE400;
	[tilespmem:v3+s30+$0x0] =	vst.idx.add.f32.msk $0xffff, v2  }
0xa85: {  	s1 =	simm.s32 $0x12400;
	[tilespmem:v4+s0+$0x0] =	vst.idx.add.f32.msk $0xffff, v53  }
0xa86: {  	s2 =	rddreg [dreg:$0x16];
	[tilespmem:v4+s1+$0x0] =	vst.idx.add.f32.msk $0xffff, v54  }
0xa87: {  	s25 =	sor.u32 s2, s11;
	v4 =	vld [tilespmem:s23+$0x62B0]  }
0xa88: {  	v3 =	vld [tilespmem:s25+$0x8000]  }
0xa89: {  	[tilespmem:v9+s0+$0x0] =	vst.idx.add.f32.msk $0xffff, v56  }
0xa8a: {  	[tilespmem:v9+s1+$0x0] =	vst.idx.add.f32.msk $0xffff, v57  }
0xa8b: {  	v9 =	vld [tilespmem:s23+$0x62C0];
	_ =	sdelay $0x2  }
0xa8c: {  	v58 =	vld [tilespmem:s25+$0xA000];
	s25 =	simm.s32 $0xC000  }
0xa8d: {  	[tilespmem:v10+s25+$0x0] =	vst.idx.add.f32.msk $0xffff, v3;
	s1 =	simm.s32 $0xE500  }
0xa8e: {  	s30 =	simm.s32 $0x12500;
	[tilespmem:v4+s1+$0x0] =	vst.idx.add.f32.msk $0xffff, v53  }
0xa8f: {  	[tilespmem:v4+s30+$0x0] =	vst.idx.add.f32.msk $0xffff, v54  }
0xa90: {  	v11 =	vld [tilespmem:s23+$0x6330]  }
0xa91: {  	[tilespmem:v9+s1+$0x0] =	vst.idx.add.f32.msk $0xffff, v56  }
0xa92: {  	[tilespmem:v9+s30+$0x0] =	vst.idx.add.f32.msk $0xffff, v57  }
0xa93: {  	s30 =	simm.s32 $0x10000;
	v9 =	vld [tilespmem:s23+$0x6340]  }
0xa94: {  	[tilespmem:v10+s30+$0x0] =	vst.idx.add.f32.msk $0xffff, v58  }
0xa95: {  	v10 =	vld [tilespmem:s23+$0x40D0];
	_ =	sdelay $0x1  }
0xa96: {  	s1 =	simm.s32 $0xE600  }
0xa97: {  	s2 =	simm.s32 $0x12600;
	[tilespmem:v11+s1+$0x0] =	vst.idx.add.f32.msk $0xffff, v53  }
0xa98: {  	[tilespmem:v11+s2+$0x0] =	vst.idx.add.f32.msk $0xffff, v54  }
0xa99: {  	v11 =	vld [tilespmem:s23+$0x63B0]  }
0xa9a: {  	[tilespmem:v9+s1+$0x0] =	vst.idx.add.f32.msk $0xffff, v56  }
0xa9b: {  	s25 =	simm.s32 $0xC100;
	[tilespmem:v9+s2+$0x0] =	vst.idx.add.f32.msk $0xffff, v57  }
0xa9c: {  	[tilespmem:v10+s25+$0x0] =	vst.idx.add.f32.msk $0xffff, v3  }
0xa9d: {  	s10 =	simm.s32 $0x10100;
	v9 =	vld [tilespmem:s23+$0x63C0]  }
0xa9e: {  	[tilespmem:v10+s10+$0x0] =	vst.idx.add.f32.msk $0xffff, v58  }
0xa9f: {  	v10 =	vld [tilespmem:s23+$0x4150];
	_ =	sdelay $0x2  }
0xaa0: {  	s30 =	simm.s32 $0x12700;
	[tilespmem:v11+s31+$0x0] =	vst.idx.add.f32.msk $0xffff, v53  }
0xaa1: {  	[tilespmem:v11+s30+$0x0] =	vst.idx.add.f32.msk $0xffff, v54  }
0xaa2: {  	v11 =	vld [tilespmem:s23+$0x6830]  }
0xaa3: {  	[tilespmem:v9+s31+$0x0] =	vst.idx.add.f32.msk $0xffff, v56  }
0xaa4: {  	s1 =	simm.s32 $0xC200;
	[tilespmem:v9+s30+$0x0] =	vst.idx.add.f32.msk $0xffff, v57  }
0xaa5: {  	[tilespmem:v10+s1+$0x0] =	vst.idx.add.f32.msk $0xffff, v3  }
0xaa6: {  	s9 =	simm.s32 $0x10200;
	v9 =	vld [tilespmem:s23+$0x6840]  }
0xaa7: {  	[tilespmem:v10+s9+$0x0] =	vst.idx.add.f32.msk $0xffff, v58  }
0xaa8: {  	v10 =	vld [tilespmem:s23+$0x41D0];
	_ =	sdelay $0x1  }
0xaa9: {  	s2 =	simm.s32 $0xE800  }
0xaaa: {  	s25 =	simm.s32 $0x12800;
	[tilespmem:v11+s2+$0x0] =	vst.idx.add.f32.msk $0xffff, v53  }
0xaab: {  	[tilespmem:v11+s25+$0x0] =	vst.idx.add.f32.msk $0xffff, v54  }
0xaac: {  	v11 =	vld [tilespmem:s23+$0x68B0]  }
0xaad: {  	[tilespmem:v9+s2+$0x0] =	vst.idx.add.f32.msk $0xffff, v56  }
0xaae: {  	s30 =	simm.s32 $0xC300;
	[tilespmem:v9+s25+$0x0] =	vst.idx.add.f32.msk $0xffff, v57  }
0xaaf: {  	[tilespmem:v10+s30+$0x0] =	vst.idx.add.f32.msk $0xffff, v3  }
0xab0: {  	s1 =	simm.s32 $0x10300;
	v9 =	vld [tilespmem:s23+$0x68C0]  }
0xab1: {  	[tilespmem:v10+s1+$0x0] =	vst.idx.add.f32.msk $0xffff, v58  }
0xab2: {  	v10 =	vld [tilespmem:s23+$0x4250];
	_ =	sdelay $0x1  }
0xab3: {  	s2 =	simm.s32 $0xE900  }
0xab4: {  	s25 =	simm.s32 $0x12900;
	[tilespmem:v11+s2+$0x0] =	vst.idx.add.f32.msk $0xffff, v53  }
0xab5: {  	[tilespmem:v11+s25+$0x0] =	vst.idx.add.f32.msk $0xffff, v54  }
0xab6: {  	v11 =	vld [tilespmem:s23+$0x6930]  }
0xab7: {  	[tilespmem:v9+s2+$0x0] =	vst.idx.add.f32.msk $0xffff, v56  }
0xab8: {  	s30 =	simm.s32 $0xC400;
	[tilespmem:v9+s25+$0x0] =	vst.idx.add.f32.msk $0xffff, v57  }
0xab9: {  	[tilespmem:v10+s30+$0x0] =	vst.idx.add.f32.msk $0xffff, v3  }
0xaba: {  	s8 =	simm.s32 $0x10400;
	v9 =	vld [tilespmem:s23+$0x6940]  }
0xabb: {  	[tilespmem:v10+s8+$0x0] =	vst.idx.add.f32.msk $0xffff, v58  }
0xabc: {  	v10 =	vld [tilespmem:s23+$0x42D0];
	_ =	sdelay $0x1  }
0xabd: {  	v12 =	vld [tilespmem:s23+$0x73A0];
	s1 =	simm.s32 $0xEA00  }
0xabe: {  	s2 =	simm.s32 $0x12A00;
	[tilespmem:v11+s1+$0x0] =	vst.idx.add.f32.msk $0xffff, v53  }
0xabf: {  	[tilespmem:v11+s2+$0x0] =	vst.idx.add.f32.msk $0xffff, v54  }
0xac0: {  	v11 =	vld [tilespmem:s23+$0x69B0]  }
0xac1: {  	[tilespmem:v9+s1+$0x0] =	vst.idx.add.f32.msk $0xffff, v56  }
0xac2: {  	s25 =	simm.s32 $0xC500;
	[tilespmem:v9+s2+$0x0] =	vst.idx.add.f32.msk $0xffff, v57  }
0xac3: {  	[tilespmem:v10+s25+$0x0] =	vst.idx.add.f32.msk $0xffff, v3  }
0xac4: {  	s30 =	simm.s32 $0x10500;
	v9 =	vld [tilespmem:s23+$0x69C0]  }
0xac5: {  	[tilespmem:v10+s30+$0x0] =	vst.idx.add.f32.msk $0xffff, v58  }
0xac6: {  	v10 =	vld [tilespmem:s23+$0x4350]  }
0xac7: {  	s10 =	simm.s32 $0xF700  }
0xac8: {  	[tilespmem:v12+s10+$0x0] =	vst.idx.add.f32.msk $0xffff, v1;
	s1 =	simm.s32 $0xEB00  }
0xac9: {  	s25 =	simm.s32 $0x12B00;
	[tilespmem:v11+s1+$0x0] =	vst.idx.add.f32.msk $0xffff, v53  }
0xaca: {  	[tilespmem:v11+s25+$0x0] =	vst.idx.add.f32.msk $0xffff, v54  }
0xacb: {  	v11 =	vld [tilespmem:s23+$0x6A30]  }
0xacc: {  	[tilespmem:v9+s1+$0x0] =	vst.idx.add.f32.msk $0xffff, v56  }
0xacd: {  	s30 =	simm.s32 $0xC600;
	[tilespmem:v9+s25+$0x0] =	vst.idx.add.f32.msk $0xffff, v57  }
0xace: {  	[tilespmem:v10+s30+$0x0] =	vst.idx.add.f32.msk $0xffff, v3  }
0xacf: {  	s1 =	simm.s32 $0x10600;
	v9 =	vld [tilespmem:s23+$0x6A40]  }
0xad0: {  	[tilespmem:v10+s1+$0x0] =	vst.idx.add.f32.msk $0xffff, v58  }
0xad1: {  	s9 =	simm.s32 $0x13700;
	v10 =	vld [tilespmem:s23+$0x43D0]  }
0xad2: {  	[tilespmem:v12+s9+$0x0] =	vst.idx.add.f32.msk $0xffff, v2  }
0xad3: {  	v12 =	vld [tilespmem:s23+$0x7820];
	s25 =	simm.s32 $0xEC00  }
0xad4: {  	s30 =	simm.s32 $0x12C00;
	[tilespmem:v11+s25+$0x0] =	vst.idx.add.f32.msk $0xffff, v53  }
0xad5: {  	[tilespmem:v11+s30+$0x0] =	vst.idx.add.f32.msk $0xffff, v54  }
0xad6: {  	v11 =	vld [tilespmem:s23+$0x6AB0]  }
0xad7: {  	[tilespmem:v9+s25+$0x0] =	vst.idx.add.f32.msk $0xffff, v56  }
0xad8: {  	s1 =	simm.s32 $0xC700;
	[tilespmem:v9+s30+$0x0] =	vst.idx.add.f32.msk $0xffff, v57  }
0xad9: {  	[tilespmem:v10+s1+$0x0] =	vst.idx.add.f32.msk $0xffff, v3  }
0xada: {  	s7 =	simm.s32 $0x10700;
	v9 =	vld [tilespmem:s23+$0x6AC0]  }
0xadb: {  	[tilespmem:v10+s7+$0x0] =	vst.idx.add.f32.msk $0xffff, v58  }
0xadc: {  	v10 =	vld [tilespmem:s23+$0x4850]  }
0xadd: {  	s8 =	simm.s32 $0xF800  }
0xade: {  	[tilespmem:v12+s8+$0x0] =	vst.idx.add.f32.msk $0xffff, v1;
	s25 =	simm.s32 $0xED00  }
0xadf: {  	s30 =	simm.s32 $0x12D00;
	[tilespmem:v11+s25+$0x0] =	vst.idx.add.f32.msk $0xffff, v53  }
0xae0: {  	[tilespmem:v11+s30+$0x0] =	vst.idx.add.f32.msk $0xffff, v54  }
0xae1: {  	v11 =	vld [tilespmem:s23+$0x6B30]  }
0xae2: {  	[tilespmem:v9+s25+$0x0] =	vst.idx.add.f32.msk $0xffff, v56  }
0xae3: {  	s1 =	simm.s32 $0xC800;
	[tilespmem:v9+s30+$0x0] =	vst.idx.add.f32.msk $0xffff, v57  }
0xae4: {  	[tilespmem:v10+s1+$0x0] =	vst.idx.add.f32.msk $0xffff, v3  }
0xae5: {  	s3 =	simm.s32 $0x10800;
	v9 =	vld [tilespmem:s23+$0x6B40]  }
0xae6: {  	[tilespmem:v10+s3+$0x0] =	vst.idx.add.f32.msk $0xffff, v58  }
0xae7: {  	s2 =	simm.s32 $0x13800;
	v10 =	vld [tilespmem:s23+$0x48D0]  }
0xae8: {  	[tilespmem:v12+s2+$0x0] =	vst.idx.add.f32.msk $0xffff, v2  }
0xae9: {  	v12 =	vld [tilespmem:s23+$0x78A0];
	s3 =	simm.s32 $0xEE00  }
0xaea: {  	s25 =	simm.s32 $0x12E00;
	[tilespmem:v11+s3+$0x0] =	vst.idx.add.f32.msk $0xffff, v53  }
0xaeb: {  	[tilespmem:v11+s25+$0x0] =	vst.idx.add.f32.msk $0xffff, v54  }
0xaec: {  	v11 =	vld [tilespmem:s23+$0x6BB0]  }
0xaed: {  	[tilespmem:v9+s3+$0x0] =	vst.idx.add.f32.msk $0xffff, v56  }
0xaee: {  	s30 =	simm.s32 $0xC900;
	[tilespmem:v9+s25+$0x0] =	vst.idx.add.f32.msk $0xffff, v57  }
0xaef: {  	[tilespmem:v10+s30+$0x0] =	vst.idx.add.f32.msk $0xffff, v3  }
0xaf0: {  	s3 =	simm.s32 $0x10900;
	v9 =	vld [tilespmem:s23+$0x6BC0]  }
0xaf1: {  	[tilespmem:v10+s3+$0x0] =	vst.idx.add.f32.msk $0xffff, v58  }
0xaf2: {  	v10 =	vld [tilespmem:s23+$0x4950]  }
0xaf3: {  	s7 =	simm.s32 $0xF900  }
0xaf4: {  	[tilespmem:v12+s7+$0x0] =	vst.idx.add.f32.msk $0xffff, v1;
	s25 =	simm.s32 $0xEF00  }
0xaf5: {  	s30 =	simm.s32 $0x12F00;
	[tilespmem:v11+s25+$0x0] =	vst.idx.add.f32.msk $0xffff, v53  }
0xaf6: {  	[tilespmem:v11+s30+$0x0] =	vst.idx.add.f32.msk $0xffff, v54  }
0xaf7: {  	v11 =	vld [tilespmem:s23+$0x7030]  }
0xaf8: {  	[tilespmem:v9+s25+$0x0] =	vst.idx.add.f32.msk $0xffff, v56  }
0xaf9: {  	s3 =	simm.s32 $0xCA00;
	[tilespmem:v9+s30+$0x0] =	vst.idx.add.f32.msk $0xffff, v57  }
0xafa: {  	[tilespmem:v10+s3+$0x0] =	vst.idx.add.f32.msk $0xffff, v3  }
0xafb: {  	s5 =	simm.s32 $0x10A00;
	v9 =	vld [tilespmem:s23+$0x7040]  }
0xafc: {  	[tilespmem:v10+s5+$0x0] =	vst.idx.add.f32.msk $0xffff, v58  }
0xafd: {  	s1 =	simm.s32 $0x13900;
	v10 =	vld [tilespmem:s23+$0x49D0]  }
0xafe: {  	[tilespmem:v12+s1+$0x0] =	vst.idx.add.f32.msk $0xffff, v2  }
0xaff: {  	v12 =	vld [tilespmem:s23+$0x7920];
	s25 =	simm.s32 $0xF000  }
0xb00: {  	s30 =	simm.s32 $0x13000;
	[tilespmem:v11+s25+$0x0] =	vst.idx.add.f32.msk $0xffff, v53  }
0xb01: {  	[tilespmem:v11+s30+$0x0] =	vst.idx.add.f32.msk $0xffff, v54  }
0xb02: {  	v11 =	vld [tilespmem:s23+$0x70B0]  }
0xb03: {  	[tilespmem:v9+s25+$0x0] =	vst.idx.add.f32.msk $0xffff, v56  }
0xb04: {  	s3 =	simm.s32 $0xCB00;
	[tilespmem:v9+s30+$0x0] =	vst.idx.add.f32.msk $0xffff, v57  }
0xb05: {  	[tilespmem:v10+s3+$0x0] =	vst.idx.add.f32.msk $0xffff, v3  }
0xb06: {  	s4 =	simm.s32 $0x10B00;
	v9 =	vld [tilespmem:s23+$0x70C0]  }
0xb07: {  	[tilespmem:v10+s4+$0x0] =	vst.idx.add.f32.msk $0xffff, v58  }
0xb08: {  	v10 =	vld [tilespmem:s23+$0x4A50]  }
0xb09: {  	s5 =	simm.s32 $0xFA00  }
0xb0a: {  	[tilespmem:v12+s5+$0x0] =	vst.idx.add.f32.msk $0xffff, v1;
	s25 =	simm.s32 $0xF100  }
0xb0b: {  	s30 =	simm.s32 $0x13100;
	[tilespmem:v11+s25+$0x0] =	vst.idx.add.f32.msk $0xffff, v53  }
0xb0c: {  	[tilespmem:v11+s30+$0x0] =	vst.idx.add.f32.msk $0xffff, v54  }
0xb0d: {  	v11 =	vld [tilespmem:s23+$0x7130]  }
0xb0e: {  	[tilespmem:v9+s25+$0x0] =	vst.idx.add.f32.msk $0xffff, v56  }
0xb0f: {  	s25 =	simm.s32 $0xCC00;
	[tilespmem:v9+s30+$0x0] =	vst.idx.add.f32.msk $0xffff, v57  }
0xb10: {  	[tilespmem:v10+s25+$0x0] =	vst.idx.add.f32.msk $0xffff, v3  }
0xb11: {  	s30 =	simm.s32 $0x10C00;
	v9 =	vld [tilespmem:s23+$0x7140]  }
0xb12: {  	[tilespmem:v10+s30+$0x0] =	vst.idx.add.f32.msk $0xffff, v58  }
0xb13: {  	s4 =	simm.s32 $0x13A00;
	v10 =	vld [tilespmem:s23+$0x4AD0]  }
0xb14: {  	[tilespmem:v12+s4+$0x0] =	vst.idx.add.f32.msk $0xffff, v2  }
0xb15: {  	s3 =	simm.s32 $0xF200;
	v12 =	vld [tilespmem:s23+$0x79A0]  }
0xb16: {  	s25 =	simm.s32 $0x13200;
	[tilespmem:v11+s3+$0x0] =	vst.idx.add.f32.msk $0xffff, v53  }
0xb17: {  	[tilespmem:v11+s25+$0x0] =	vst.idx.add.f32.msk $0xffff, v54  }
0xb18: {  	v11 =	vld [tilespmem:s23+$0x71B0]  }
0xb19: {  	[tilespmem:v9+s3+$0x0] =	vst.idx.add.f32.msk $0xffff, v56  }
0xb1a: {  	s30 =	simm.s32 $0xCD00;
	[tilespmem:v9+s25+$0x0] =	vst.idx.add.f32.msk $0xffff, v57  }
0xb1b: {  	[tilespmem:v10+s30+$0x0] =	vst.idx.add.f32.msk $0xffff, v3  }
0xb1c: {  	s3 =	simm.s32 $0x10D00;
	v9 =	vld [tilespmem:s23+$0x71C0]  }
0xb1d: {  	[tilespmem:v10+s3+$0x0] =	vst.idx.add.f32.msk $0xffff, v58  }
0xb1e: {  	v10 =	vld [tilespmem:s23+$0x4B50]  }
0xb1f: {  	s16 =	simm.s32 $0xFB00  }
0xb20: {  	[tilespmem:v12+s16+$0x0] =	vst.idx.add.f32.msk $0xffff, v1;
	s25 =	simm.s32 $0xF300  }
0xb21: {  	s30 =	simm.s32 $0x13300;
	[tilespmem:v11+s25+$0x0] =	vst.idx.add.f32.msk $0xffff, v53  }
0xb22: {  	[tilespmem:v11+s30+$0x0] =	vst.idx.add.f32.msk $0xffff, v54  }
0xb23: {  	v11 =	vld [tilespmem:s23+$0x7230]  }
0xb24: {  	[tilespmem:v9+s25+$0x0] =	vst.idx.add.f32.msk $0xffff, v56  }
0xb25: {  	s16 =	simm.s32 $0xCE00;
	[tilespmem:v9+s30+$0x0] =	vst.idx.add.f32.msk $0xffff, v57  }
0xb26: {  	[tilespmem:v10+s16+$0x0] =	vst.idx.add.f32.msk $0xffff, v3  }
0xb27: {  	s6 =	simm.s32 $0x10E00;
	v9 =	vld [tilespmem:s23+$0x7240]  }
0xb28: {  	[tilespmem:v10+s6+$0x0] =	vst.idx.add.f32.msk $0xffff, v58  }
0xb29: {  	v10 =	vld [tilespmem:s23+$0x4BD0];
	_ =	sdelay $0x1  }
0xb2a: {  	s25 =	simm.s32 $0xF400  }
0xb2b: {  	s30 =	simm.s32 $0x13400;
	[tilespmem:v11+s25+$0x0] =	vst.idx.add.f32.msk $0xffff, v53  }
0xb2c: {  	[tilespmem:v11+s30+$0x0] =	vst.idx.add.f32.msk $0xffff, v54  }
0xb2d: {  	v11 =	vld [tilespmem:s23+$0x72B0]  }
0xb2e: {  	[tilespmem:v9+s25+$0x0] =	vst.idx.add.f32.msk $0xffff, v56  }
0xb2f: {  	s3 =	simm.s32 $0xCF00;
	[tilespmem:v9+s30+$0x0] =	vst.idx.add.f32.msk $0xffff, v57  }
0xb30: {  	[tilespmem:v10+s3+$0x0] =	vst.idx.add.f32.msk $0xffff, v3  }
0xb31: {  	s16 =	simm.s32 $0x10F00;
	v9 =	vld [tilespmem:s23+$0x72C0]  }
0xb32: {  	[tilespmem:v10+s16+$0x0] =	vst.idx.add.f32.msk $0xffff, v58  }
0xb33: {  	v10 =	vld [tilespmem:s23+$0x5050];
	_ =	sdelay $0x1  }
0xb34: {  	s25 =	simm.s32 $0xF500  }
0xb35: {  	s30 =	simm.s32 $0x13500;
	[tilespmem:v11+s25+$0x0] =	vst.idx.add.f32.msk $0xffff, v53  }
0xb36: {  	[tilespmem:v11+s30+$0x0] =	vst.idx.add.f32.msk $0xffff, v54  }
0xb37: {  	v11 =	vld [tilespmem:s23+$0x7330]  }
0xb38: {  	[tilespmem:v9+s25+$0x0] =	vst.idx.add.f32.msk $0xffff, v56  }
0xb39: {  	s16 =	simm.s32 $0xD000;
	[tilespmem:v9+s30+$0x0] =	vst.idx.add.f32.msk $0xffff, v57  }
0xb3a: {  	[tilespmem:v10+s16+$0x0] =	vst.idx.add.f32.msk $0xffff, v3  }
0xb3b: {  	s25 =	simm.s32 $0x11000;
	v9 =	vld [tilespmem:s23+$0x7340]  }
0xb3c: {  	[tilespmem:v10+s25+$0x0] =	vst.idx.add.f32.msk $0xffff, v58  }
0xb3d: {  	v10 =	vld [tilespmem:s23+$0x50D0];
	_ =	sdelay $0x1  }
0xb3e: {  	s30 =	simm.s32 $0xF600  }
0xb3f: {  	s16 =	simm.s32 $0x13600;
	[tilespmem:v11+s30+$0x0] =	vst.idx.add.f32.msk $0xffff, v53  }
0xb40: {  	[tilespmem:v11+s16+$0x0] =	vst.idx.add.f32.msk $0xffff, v54  }
0xb41: {  	v11 =	vld [tilespmem:s23+$0x73B0]  }
0xb42: {  	[tilespmem:v9+s30+$0x0] =	vst.idx.add.f32.msk $0xffff, v56  }
0xb43: {  	s25 =	simm.s32 $0xD100;
	[tilespmem:v9+s16+$0x0] =	vst.idx.add.f32.msk $0xffff, v57  }
0xb44: {  	[tilespmem:v10+s25+$0x0] =	vst.idx.add.f32.msk $0xffff, v3  }
0xb45: {  	s30 =	simm.s32 $0x11100;
	v9 =	vld [tilespmem:s23+$0x73C0]  }
0xb46: {  	[tilespmem:v10+s30+$0x0] =	vst.idx.add.f32.msk $0xffff, v58  }
0xb47: {  	v10 =	vld [tilespmem:s23+$0x5150];
	_ =	sdelay $0x2  }
0xb48: {  	[tilespmem:v11+s10+$0x0] =	vst.idx.add.f32.msk $0xffff, v53  }
0xb49: {  	[tilespmem:v11+s9+$0x0] =	vst.idx.add.f32.msk $0xffff, v54  }
0xb4a: {  	v11 =	vld [tilespmem:s23+$0x7830]  }
0xb4b: {  	[tilespmem:v9+s10+$0x0] =	vst.idx.add.f32.msk $0xffff, v56  }
0xb4c: {  	s16 =	simm.s32 $0xD200;
	[tilespmem:v9+s9+$0x0] =	vst.idx.add.f32.msk $0xffff, v57  }
0xb4d: {  	[tilespmem:v10+s16+$0x0] =	vst.idx.add.f32.msk $0xffff, v3  }
0xb4e: {  	s30 =	simm.s32 $0x11200;
	v9 =	vld [tilespmem:s23+$0x7840]  }
0xb4f: {  	[tilespmem:v10+s30+$0x0] =	vst.idx.add.f32.msk $0xffff, v58  }
0xb50: {  	s6 =	simm.s32 $0x13B00;
	v10 =	vld [tilespmem:s23+$0x51D0]  }
0xb51: {  	[tilespmem:v12+s6+$0x0] =	vst.idx.add.f32.msk $0xffff, v2  }
0xb52: {  	v12 =	vld [tilespmem:s23+$0x7A20]  }
0xb53: {  	[tilespmem:v11+s8+$0x0] =	vst.idx.add.f32.msk $0xffff, v53  }
0xb54: {  	[tilespmem:v11+s2+$0x0] =	vst.idx.add.f32.msk $0xffff, v54  }
0xb55: {  	v11 =	vld [tilespmem:s23+$0x78B0]  }
0xb56: {  	[tilespmem:v9+s8+$0x0] =	vst.idx.add.f32.msk $0xffff, v56  }
0xb57: {  	s8 =	simm.s32 $0xD300;
	[tilespmem:v9+s2+$0x0] =	vst.idx.add.f32.msk $0xffff, v57  }
0xb58: {  	[tilespmem:v10+s8+$0x0] =	vst.idx.add.f32.msk $0xffff, v3  }
0xb59: {  	s9 =	simm.s32 $0x11300;
	v9 =	vld [tilespmem:s23+$0x78C0]  }
0xb5a: {  	[tilespmem:v10+s9+$0x0] =	vst.idx.add.f32.msk $0xffff, v58  }
0xb5b: {  	v10 =	vld [tilespmem:s23+$0x5250]  }
0xb5c: {  	s3 =	simm.s32 $0xFC00  }
0xb5d: {  	[tilespmem:v12+s3+$0x0] =	vst.idx.add.f32.msk $0xffff, v1  }
0xb5e: {  	[tilespmem:v11+s7+$0x0] =	vst.idx.add.f32.msk $0xffff, v53  }
0xb5f: {  	[tilespmem:v11+s1+$0x0] =	vst.idx.add.f32.msk $0xffff, v54  }
0xb60: {  	v11 =	vld [tilespmem:s23+$0x7930]  }
0xb61: {  	[tilespmem:v9+s7+$0x0] =	vst.idx.add.f32.msk $0xffff, v56  }
0xb62: {  	s10 =	simm.s32 $0xD400;
	[tilespmem:v9+s1+$0x0] =	vst.idx.add.f32.msk $0xffff, v57  }
0xb63: {  	[tilespmem:v10+s10+$0x0] =	vst.idx.add.f32.msk $0xffff, v3  }
0xb64: {  	s16 =	simm.s32 $0x11400;
	v9 =	vld [tilespmem:s23+$0x7940]  }
0xb65: {  	[tilespmem:v10+s16+$0x0] =	vst.idx.add.f32.msk $0xffff, v58  }
0xb66: {  	s25 =	simm.s32 $0x13C00;
	v10 =	vld [tilespmem:s23+$0x52D0]  }
0xb67: {  	[tilespmem:v12+s25+$0x0] =	vst.idx.add.f32.msk $0xffff, v2  }
0xb68: {  	v12 =	vld [tilespmem:s23+$0x7AA0]  }
0xb69: {  	[tilespmem:v11+s5+$0x0] =	vst.idx.add.f32.msk $0xffff, v53  }
0xb6a: {  	[tilespmem:v11+s4+$0x0] =	vst.idx.add.f32.msk $0xffff, v54  }
0xb6b: {  	v11 =	vld [tilespmem:s23+$0x79B0]  }
0xb6c: {  	[tilespmem:v9+s5+$0x0] =	vst.idx.add.f32.msk $0xffff, v56  }
0xb6d: {  	s28 =	simm.s32 $0xD500;
	[tilespmem:v9+s4+$0x0] =	vst.idx.add.f32.msk $0xffff, v57  }
0xb6e: {  	[tilespmem:v10+s28+$0x0] =	vst.idx.add.f32.msk $0xffff, v3  }
0xb6f: {  	s29 =	simm.s32 $0x11500;
	v9 =	vld [tilespmem:s23+$0x79C0]  }
0xb70: {  	[tilespmem:v10+s29+$0x0] =	vst.idx.add.f32.msk $0xffff, v58  }
0xb71: {  	v10 =	vld [tilespmem:s23+$0x5350]  }
0xb72: {  	s2 =	simm.s32 $0xFD00  }
0xb73: {  	[tilespmem:v12+s2+$0x0] =	vst.idx.add.f32.msk $0xffff, v1;
	s7 =	simm.s32 $0xFB00  }
0xb74: {  	[tilespmem:v11+s7+$0x0] =	vst.idx.add.f32.msk $0xffff, v53  }
0xb75: {  	[tilespmem:v11+s6+$0x0] =	vst.idx.add.f32.msk $0xffff, v54  }
0xb76: {  	v11 =	vld [tilespmem:s23+$0x7A30]  }
0xb77: {  	s8 =	simm.s32 $0x13B00;
	[tilespmem:v9+s7+$0x0] =	vst.idx.add.f32.msk $0xffff, v56  }
0xb78: {  	s22 =	simm.s32 $0xD600;
	[tilespmem:v9+s8+$0x0] =	vst.idx.add.f32.msk $0xffff, v57  }
0xb79: {  	[tilespmem:v10+s22+$0x0] =	vst.idx.add.f32.msk $0xffff, v3  }
0xb7a: {  	s26 =	simm.s32 $0x11600;
	v9 =	vld [tilespmem:s23+$0x7A40]  }
0xb7b: {  	[tilespmem:v10+s26+$0x0] =	vst.idx.add.f32.msk $0xffff, v58  }
0xb7c: {  	s30 =	simm.s32 $0x13D00;
	v10 =	vld [tilespmem:s23+$0x53D0]  }
0xb7d: {  	[tilespmem:v12+s30+$0x0] =	vst.idx.add.f32.msk $0xffff, v2  }
0xb7e: {  	v12 =	vld [tilespmem:s23+$0x7B20]  }
0xb7f: {  	[tilespmem:v11+s3+$0x0] =	vst.idx.add.f32.msk $0xffff, v53  }
0xb80: {  	[tilespmem:v11+s25+$0x0] =	vst.idx.add.f32.msk $0xffff, v54  }
0xb81: {  	s10 =	simm.s32 $0xFC00;
	v11 =	vld [tilespmem:s23+$0x7AB0]  }
0xb82: {  	s16 =	simm.s32 $0x13C00;
	[tilespmem:v9+s10+$0x0] =	vst.idx.add.f32.msk $0xffff, v56  }
0xb83: {  	s20 =	simm.s32 $0xD700;
	[tilespmem:v9+s16+$0x0] =	vst.idx.add.f32.msk $0xffff, v57  }
0xb84: {  	[tilespmem:v10+s20+$0x0] =	vst.idx.add.f32.msk $0xffff, v3  }
0xb85: {  	s21 =	simm.s32 $0x11700;
	v9 =	vld [tilespmem:s23+$0x7AC0]  }
0xb86: {  	[tilespmem:v10+s21+$0x0] =	vst.idx.add.f32.msk $0xffff, v58  }
0xb87: {  	v10 =	vld [tilespmem:s23+$0x5850]  }
0xb88: {  	s9 =	simm.s32 $0xFE00  }
0xb89: {  	[tilespmem:v12+s9+$0x0] =	vst.idx.add.f32.msk $0xffff, v1  }
0xb8a: {  	[tilespmem:v11+s2+$0x0] =	vst.idx.add.f32.msk $0xffff, v53  }
0xb8b: {  	[tilespmem:v11+s30+$0x0] =	vst.idx.add.f32.msk $0xffff, v54  }
0xb8c: {  	s26 =	simm.s32 $0xFD00;
	v11 =	vld [tilespmem:s23+$0x7B30]  }
0xb8d: {  	s28 =	simm.s32 $0x13D00;
	[tilespmem:v9+s26+$0x0] =	vst.idx.add.f32.msk $0xffff, v56  }
0xb8e: {  	s18 =	simm.s32 $0xD800;
	[tilespmem:v9+s28+$0x0] =	vst.idx.add.f32.msk $0xffff, v57  }
0xb8f: {  	[tilespmem:v10+s18+$0x0] =	vst.idx.add.f32.msk $0xffff, v3  }
0xb90: {  	s19 =	simm.s32 $0x11800;
	v9 =	vld [tilespmem:s23+$0x7B40]  }
0xb91: {  	[tilespmem:v10+s19+$0x0] =	vst.idx.add.f32.msk $0xffff, v58  }
0xb92: {  	s22 =	simm.s32 $0x13E00;
	v10 =	vld [tilespmem:s23+$0x58D0]  }
0xb93: {  	[tilespmem:v12+s22+$0x0] =	vst.idx.add.f32.msk $0xffff, v2  }
0xb94: {  	v12 =	vld [tilespmem:s23+$0x7BA0]  }
0xb95: {  	[tilespmem:v11+s9+$0x0] =	vst.idx.add.f32.msk $0xffff, v53  }
0xb96: {  	[tilespmem:v11+s22+$0x0] =	vst.idx.add.f32.msk $0xffff, v54  }
0xb97: {  	s29 =	simm.s32 $0xFE00;
	v11 =	vld [tilespmem:s23+$0x7BB0]  }
0xb98: {  	s30 =	simm.s32 $0x13E00;
	[tilespmem:v9+s29+$0x0] =	vst.idx.add.f32.msk $0xffff, v56  }
0xb99: {  	s24 =	simm.s32 $0xD900;
	[tilespmem:v9+s30+$0x0] =	vst.idx.add.f32.msk $0xffff, v57  }
0xb9a: {  	[tilespmem:v10+s24+$0x0] =	vst.idx.add.f32.msk $0xffff, v3  }
0xb9b: {  	s17 =	simm.s32 $0x11900;
	v9 =	vld [tilespmem:s23+$0x7BC0]  }
0xb9c: {  	[tilespmem:v10+s17+$0x0] =	vst.idx.add.f32.msk $0xffff, v58  }
0xb9d: {  	v10 =	vld [tilespmem:s23+$0x5950]  }
0xb9e: {  	v59 =	vld [tilespmem:s23+$0x4060]  }
0xb9f: {  	[tilespmem:v12+s13+$0x0] =	vst.idx.add.f32.msk $0xffff, v1  }
0xba0: {  	[tilespmem:v12+s12+$0x0] =	vst.idx.add.f32.msk $0xffff, v2  }
0xba1: {  	[tilespmem:v11+s13+$0x0] =	vst.idx.add.f32.msk $0xffff, v53  }
0xba2: {  	[tilespmem:v11+s12+$0x0] =	vst.idx.add.f32.msk $0xffff, v54  }
0xba3: {  	[tilespmem:v9+s13+$0x0] =	vst.idx.add.f32.msk $0xffff, v56  }
0xba4: {  	s14 =	simm.s32 $0xDA00;
	[tilespmem:v9+s12+$0x0] =	vst.idx.add.f32.msk $0xffff, v57  }
0xba5: {  	s15 =	simm.s32 $0x11A00;
	[tilespmem:v10+s14+$0x0] =	vst.idx.add.f32.msk $0xffff, v3  }
0xba6: {  	[tilespmem:v10+s15+$0x0] =	vst.idx.add.f32.msk $0xffff, v58  }
0xba7: {  	s25 =	rddreg [dreg:$0x17]  }
0xba8: {  	v60 =	vld [tilespmem:s23+$0x4070];
	s25 =	sor.u32 s25, s11  }
0xba9: {  	s0 =	rddreg [dreg:$0x18];
	v1 =	vld [tilespmem:s25+$0x8000]  }
0xbaa: {  	s1 =	sor.u32 s0, s11;
	v2 =	vld [tilespmem:s25+$0xA000]  }
0xbab: {  	v61 =	vld [tilespmem:s1+$0x8000];
	_ =	sdelay $0x1  }
0xbac: {  	s2 =	simm.s32 $0xC000;
	v62 =	vld [tilespmem:s1+$0xA000]  }
0xbad: {  	s3 =	simm.s32 $0x10000;
	[tilespmem:v59+s2+$0x0] =	vst.idx.add.f32.msk $0xffff, v1  }
0xbae: {  	[tilespmem:v59+s3+$0x0] =	vst.idx.add.f32.msk $0xffff, v2  }
0xbaf: {  	[tilespmem:v60+s2+$0x0] =	vst.idx.add.f32.msk $0xffff, v61  }
0xbb0: {  	v7 =	vld [tilespmem:s23+$0x40E0]  }
0xbb1: {  	[tilespmem:v60+s3+$0x0] =	vst.idx.add.f32.msk $0xffff, v62  }
0xbb2: {  	v8 =	vld [tilespmem:s23+$0x40F0];
	_ =	sdelay $0x4  }
0xbb3: {  	s4 =	simm.s32 $0xC100  }
0xbb4: {  	s5 =	simm.s32 $0x10100;
	[tilespmem:v7+s4+$0x0] =	vst.idx.add.f32.msk $0xffff, v1  }
0xbb5: {  	[tilespmem:v7+s5+$0x0] =	vst.idx.add.f32.msk $0xffff, v2  }
0xbb6: {  	[tilespmem:v8+s4+$0x0] =	vst.idx.add.f32.msk $0xffff, v61  }
0xbb7: {  	v7 =	vld [tilespmem:s23+$0x4160]  }
0xbb8: {  	[tilespmem:v8+s5+$0x0] =	vst.idx.add.f32.msk $0xffff, v62  }
0xbb9: {  	v8 =	vld [tilespmem:s23+$0x4170];
	_ =	sdelay $0x4  }
0xbba: {  	s6 =	simm.s32 $0xC200  }
0xbbb: {  	s7 =	simm.s32 $0x10200;
	[tilespmem:v7+s6+$0x0] =	vst.idx.add.f32.msk $0xffff, v1  }
0xbbc: {  	[tilespmem:v7+s7+$0x0] =	vst.idx.add.f32.msk $0xffff, v2  }
0xbbd: {  	[tilespmem:v8+s6+$0x0] =	vst.idx.add.f32.msk $0xffff, v61  }
0xbbe: {  	v7 =	vld [tilespmem:s23+$0x41E0]  }
0xbbf: {  	[tilespmem:v8+s7+$0x0] =	vst.idx.add.f32.msk $0xffff, v62  }
0xbc0: {  	v8 =	vld [tilespmem:s23+$0x41F0];
	_ =	sdelay $0x4  }
0xbc1: {  	s8 =	simm.s32 $0xC300  }
0xbc2: {  	s9 =	simm.s32 $0x10300;
	[tilespmem:v7+s8+$0x0] =	vst.idx.add.f32.msk $0xffff, v1  }
0xbc3: {  	[tilespmem:v7+s9+$0x0] =	vst.idx.add.f32.msk $0xffff, v2  }
0xbc4: {  	[tilespmem:v8+s8+$0x0] =	vst.idx.add.f32.msk $0xffff, v61  }
0xbc5: {  	v7 =	vld [tilespmem:s23+$0x4260]  }
0xbc6: {  	[tilespmem:v8+s9+$0x0] =	vst.idx.add.f32.msk $0xffff, v62  }
0xbc7: {  	v8 =	vld [tilespmem:s23+$0x4270];
	_ =	sdelay $0x4  }
0xbc8: {  	s10 =	simm.s32 $0xC400  }
0xbc9: {  	s11 =	simm.s32 $0x10400;
	[tilespmem:v7+s10+$0x0] =	vst.idx.add.f32.msk $0xffff, v1  }
0xbca: {  	[tilespmem:v7+s11+$0x0] =	vst.idx.add.f32.msk $0xffff, v2  }
0xbcb: {  	[tilespmem:v8+s10+$0x0] =	vst.idx.add.f32.msk $0xffff, v61  }
0xbcc: {  	v7 =	vld [tilespmem:s23+$0x42E0]  }
0xbcd: {  	[tilespmem:v8+s11+$0x0] =	vst.idx.add.f32.msk $0xffff, v62  }
0xbce: {  	v8 =	vld [tilespmem:s23+$0x42F0];
	_ =	sdelay $0x4  }
0xbcf: {  	s16 =	simm.s32 $0xC500  }
0xbd0: {  	s17 =	simm.s32 $0x10500;
	[tilespmem:v7+s16+$0x0] =	vst.idx.add.f32.msk $0xffff, v1  }
0xbd1: {  	[tilespmem:v7+s17+$0x0] =	vst.idx.add.f32.msk $0xffff, v2  }
0xbd2: {  	[tilespmem:v8+s16+$0x0] =	vst.idx.add.f32.msk $0xffff, v61  }
0xbd3: {  	v7 =	vld [tilespmem:s23+$0x4360]  }
0xbd4: {  	[tilespmem:v8+s17+$0x0] =	vst.idx.add.f32.msk $0xffff, v62  }
0xbd5: {  	v8 =	vld [tilespmem:s23+$0x4370];
	_ =	sdelay $0x4  }
0xbd6: {  	s18 =	simm.s32 $0xC600  }
0xbd7: {  	s19 =	simm.s32 $0x10600;
	[tilespmem:v7+s18+$0x0] =	vst.idx.add.f32.msk $0xffff, v1  }
0xbd8: {  	[tilespmem:v7+s19+$0x0] =	vst.idx.add.f32.msk $0xffff, v2  }
0xbd9: {  	[tilespmem:v8+s18+$0x0] =	vst.idx.add.f32.msk $0xffff, v61  }
0xbda: {  	v7 =	vld [tilespmem:s23+$0x43E0]  }
0xbdb: {  	[tilespmem:v8+s19+$0x0] =	vst.idx.add.f32.msk $0xffff, v62  }
0xbdc: {  	v8 =	vld [tilespmem:s23+$0x43F0];
	_ =	sdelay $0x4  }
0xbdd: {  	s20 =	simm.s32 $0xC700  }
0xbde: {  	s21 =	simm.s32 $0x10700;
	[tilespmem:v7+s20+$0x0] =	vst.idx.add.f32.msk $0xffff, v1  }
0xbdf: {  	[tilespmem:v7+s21+$0x0] =	vst.idx.add.f32.msk $0xffff, v2  }
0xbe0: {  	[tilespmem:v8+s20+$0x0] =	vst.idx.add.f32.msk $0xffff, v61  }
0xbe1: {  	v7 =	vld [tilespmem:s23+$0x4860]  }
0xbe2: {  	[tilespmem:v8+s21+$0x0] =	vst.idx.add.f32.msk $0xffff, v62  }
0xbe3: {  	v8 =	vld [tilespmem:s23+$0x4870];
	_ =	sdelay $0x4  }
0xbe4: {  	s22 =	simm.s32 $0xC800  }
0xbe5: {  	s26 =	simm.s32 $0x10800;
	[tilespmem:v7+s22+$0x0] =	vst.idx.add.f32.msk $0xffff, v1  }
0xbe6: {  	[tilespmem:v7+s26+$0x0] =	vst.idx.add.f32.msk $0xffff, v2  }
0xbe7: {  	[tilespmem:v8+s22+$0x0] =	vst.idx.add.f32.msk $0xffff, v61  }
0xbe8: {  	v7 =	vld [tilespmem:s23+$0x48E0]  }
0xbe9: {  	[tilespmem:v8+s26+$0x0] =	vst.idx.add.f32.msk $0xffff, v62  }
0xbea: {  	v8 =	vld [tilespmem:s23+$0x48F0];
	_ =	sdelay $0x4  }
0xbeb: {  	s28 =	simm.s32 $0xC900  }
0xbec: {  	s29 =	simm.s32 $0x10900;
	[tilespmem:v7+s28+$0x0] =	vst.idx.add.f32.msk $0xffff, v1  }
0xbed: {  	[tilespmem:v7+s29+$0x0] =	vst.idx.add.f32.msk $0xffff, v2  }
0xbee: {  	[tilespmem:v8+s28+$0x0] =	vst.idx.add.f32.msk $0xffff, v61  }
0xbef: {  	v7 =	vld [tilespmem:s23+$0x4960]  }
0xbf0: {  	[tilespmem:v8+s29+$0x0] =	vst.idx.add.f32.msk $0xffff, v62  }
0xbf1: {  	v8 =	vld [tilespmem:s23+$0x4970];
	_ =	sdelay $0x4  }
0xbf2: {  	s30 =	simm.s32 $0xCA00  }
0xbf3: {  	s0 =	simm.s32 $0x10A00;
	[tilespmem:v7+s30+$0x0] =	vst.idx.add.f32.msk $0xffff, v1  }
0xbf4: {  	[tilespmem:v7+s0+$0x0] =	vst.idx.add.f32.msk $0xffff, v2  }
0xbf5: {  	[tilespmem:v8+s30+$0x0] =	vst.idx.add.f32.msk $0xffff, v61  }
0xbf6: {  	v7 =	vld [tilespmem:s23+$0x49E0]  }
0xbf7: {  	[tilespmem:v8+s0+$0x0] =	vst.idx.add.f32.msk $0xffff, v62  }
0xbf8: {  	v8 =	vld [tilespmem:s23+$0x49F0];
	_ =	sdelay $0x4  }
0xbf9: {  	s2 =	simm.s32 $0xCB00  }
0xbfa: {  	s3 =	simm.s32 $0x10B00;
	[tilespmem:v7+s2+$0x0] =	vst.idx.add.f32.msk $0xffff, v1  }
0xbfb: {  	[tilespmem:v7+s3+$0x0] =	vst.idx.add.f32.msk $0xffff, v2  }
0xbfc: {  	[tilespmem:v8+s2+$0x0] =	vst.idx.add.f32.msk $0xffff, v61  }
0xbfd: {  	v7 =	vld [tilespmem:s23+$0x4A60]  }
0xbfe: {  	[tilespmem:v8+s3+$0x0] =	vst.idx.add.f32.msk $0xffff, v62  }
0xbff: {  	v8 =	vld [tilespmem:s23+$0x4A70];
	_ =	sdelay $0x4  }
0xc00: {  	s4 =	simm.s32 $0xCC00  }
0xc01: {  	s5 =	simm.s32 $0x10C00;
	[tilespmem:v7+s4+$0x0] =	vst.idx.add.f32.msk $0xffff, v1  }
0xc02: {  	[tilespmem:v7+s5+$0x0] =	vst.idx.add.f32.msk $0xffff, v2  }
0xc03: {  	[tilespmem:v8+s4+$0x0] =	vst.idx.add.f32.msk $0xffff, v61  }
0xc04: {  	v7 =	vld [tilespmem:s23+$0x4AE0]  }
0xc05: {  	[tilespmem:v8+s5+$0x0] =	vst.idx.add.f32.msk $0xffff, v62  }
0xc06: {  	v8 =	vld [tilespmem:s23+$0x4AF0];
	_ =	sdelay $0x4  }
0xc07: {  	s6 =	simm.s32 $0xCD00  }
0xc08: {  	s7 =	simm.s32 $0x10D00;
	[tilespmem:v7+s6+$0x0] =	vst.idx.add.f32.msk $0xffff, v1  }
0xc09: {  	[tilespmem:v7+s7+$0x0] =	vst.idx.add.f32.msk $0xffff, v2  }
0xc0a: {  	[tilespmem:v8+s6+$0x0] =	vst.idx.add.f32.msk $0xffff, v61  }
0xc0b: {  	v7 =	vld [tilespmem:s23+$0x4B60]  }
0xc0c: {  	[tilespmem:v8+s7+$0x0] =	vst.idx.add.f32.msk $0xffff, v62  }
0xc0d: {  	v8 =	vld [tilespmem:s23+$0x4B70];
	_ =	sdelay $0x4  }
0xc0e: {  	s8 =	simm.s32 $0xCE00  }
0xc0f: {  	s9 =	simm.s32 $0x10E00;
	[tilespmem:v7+s8+$0x0] =	vst.idx.add.f32.msk $0xffff, v1  }
0xc10: {  	[tilespmem:v7+s9+$0x0] =	vst.idx.add.f32.msk $0xffff, v2  }
0xc11: {  	[tilespmem:v8+s8+$0x0] =	vst.idx.add.f32.msk $0xffff, v61  }
0xc12: {  	v7 =	vld [tilespmem:s23+$0x4BE0]  }
0xc13: {  	[tilespmem:v8+s9+$0x0] =	vst.idx.add.f32.msk $0xffff, v62  }
0xc14: {  	v8 =	vld [tilespmem:s23+$0x4BF0];
	_ =	sdelay $0x4  }
0xc15: {  	s10 =	simm.s32 $0xCF00  }
0xc16: {  	s11 =	simm.s32 $0x10F00;
	[tilespmem:v7+s10+$0x0] =	vst.idx.add.f32.msk $0xffff, v1  }
0xc17: {  	[tilespmem:v7+s11+$0x0] =	vst.idx.add.f32.msk $0xffff, v2  }
0xc18: {  	[tilespmem:v8+s10+$0x0] =	vst.idx.add.f32.msk $0xffff, v61  }
0xc19: {  	v7 =	vld [tilespmem:s23+$0x5060]  }
0xc1a: {  	[tilespmem:v8+s11+$0x0] =	vst.idx.add.f32.msk $0xffff, v62  }
0xc1b: {  	v8 =	vld [tilespmem:s23+$0x5070];
	_ =	sdelay $0x4  }
0xc1c: {  	s16 =	simm.s32 $0xD000  }
0xc1d: {  	s17 =	simm.s32 $0x11000;
	[tilespmem:v7+s16+$0x0] =	vst.idx.add.f32.msk $0xffff, v1  }
0xc1e: {  	[tilespmem:v7+s17+$0x0] =	vst.idx.add.f32.msk $0xffff, v2  }
0xc1f: {  	[tilespmem:v8+s16+$0x0] =	vst.idx.add.f32.msk $0xffff, v61  }
0xc20: {  	v7 =	vld [tilespmem:s23+$0x50E0]  }
0xc21: {  	[tilespmem:v8+s17+$0x0] =	vst.idx.add.f32.msk $0xffff, v62  }
0xc22: {  	v8 =	vld [tilespmem:s23+$0x50F0];
	_ =	sdelay $0x4  }
0xc23: {  	s18 =	simm.s32 $0xD100  }
0xc24: {  	s19 =	simm.s32 $0x11100;
	[tilespmem:v7+s18+$0x0] =	vst.idx.add.f32.msk $0xffff, v1  }
0xc25: {  	[tilespmem:v7+s19+$0x0] =	vst.idx.add.f32.msk $0xffff, v2  }
0xc26: {  	[tilespmem:v8+s18+$0x0] =	vst.idx.add.f32.msk $0xffff, v61  }
0xc27: {  	v7 =	vld [tilespmem:s23+$0x5160]  }
0xc28: {  	[tilespmem:v8+s19+$0x0] =	vst.idx.add.f32.msk $0xffff, v62  }
0xc29: {  	v8 =	vld [tilespmem:s23+$0x5170];
	_ =	sdelay $0x4  }
0xc2a: {  	s20 =	simm.s32 $0xD200  }
0xc2b: {  	s21 =	simm.s32 $0x11200;
	[tilespmem:v7+s20+$0x0] =	vst.idx.add.f32.msk $0xffff, v1  }
0xc2c: {  	[tilespmem:v7+s21+$0x0] =	vst.idx.add.f32.msk $0xffff, v2  }
0xc2d: {  	[tilespmem:v8+s20+$0x0] =	vst.idx.add.f32.msk $0xffff, v61  }
0xc2e: {  	v7 =	vld [tilespmem:s23+$0x51E0]  }
0xc2f: {  	[tilespmem:v8+s21+$0x0] =	vst.idx.add.f32.msk $0xffff, v62  }
0xc30: {  	v8 =	vld [tilespmem:s23+$0x51F0];
	_ =	sdelay $0x4  }
0xc31: {  	s22 =	simm.s32 $0xD300  }
0xc32: {  	s24 =	simm.s32 $0x11300;
	[tilespmem:v7+s22+$0x0] =	vst.idx.add.f32.msk $0xffff, v1  }
0xc33: {  	[tilespmem:v7+s24+$0x0] =	vst.idx.add.f32.msk $0xffff, v2  }
0xc34: {  	[tilespmem:v8+s22+$0x0] =	vst.idx.add.f32.msk $0xffff, v61  }
0xc35: {  	v7 =	vld [tilespmem:s23+$0x5260]  }
0xc36: {  	[tilespmem:v8+s24+$0x0] =	vst.idx.add.f32.msk $0xffff, v62  }
0xc37: {  	v8 =	vld [tilespmem:s23+$0x5270];
	_ =	sdelay $0x4  }
0xc38: {  	s26 =	simm.s32 $0xD400  }
0xc39: {  	s28 =	simm.s32 $0x11400;
	[tilespmem:v7+s26+$0x0] =	vst.idx.add.f32.msk $0xffff, v1  }
0xc3a: {  	[tilespmem:v7+s28+$0x0] =	vst.idx.add.f32.msk $0xffff, v2  }
0xc3b: {  	[tilespmem:v8+s26+$0x0] =	vst.idx.add.f32.msk $0xffff, v61  }
0xc3c: {  	v7 =	vld [tilespmem:s23+$0x52E0]  }
0xc3d: {  	[tilespmem:v8+s28+$0x0] =	vst.idx.add.f32.msk $0xffff, v62  }
0xc3e: {  	v8 =	vld [tilespmem:s23+$0x52F0];
	_ =	sdelay $0x4  }
0xc3f: {  	s29 =	simm.s32 $0xD500  }
0xc40: {  	s30 =	simm.s32 $0x11500;
	[tilespmem:v7+s29+$0x0] =	vst.idx.add.f32.msk $0xffff, v1  }
0xc41: {  	[tilespmem:v7+s30+$0x0] =	vst.idx.add.f32.msk $0xffff, v2  }
0xc42: {  	[tilespmem:v8+s29+$0x0] =	vst.idx.add.f32.msk $0xffff, v61  }
0xc43: {  	v7 =	vld [tilespmem:s23+$0x5360]  }
0xc44: {  	[tilespmem:v8+s30+$0x0] =	vst.idx.add.f32.msk $0xffff, v62  }
0xc45: {  	v8 =	vld [tilespmem:s23+$0x5370];
	_ =	sdelay $0x4  }
0xc46: {  	s2 =	simm.s32 $0xD600  }
0xc47: {  	s3 =	simm.s32 $0x11600;
	[tilespmem:v7+s2+$0x0] =	vst.idx.add.f32.msk $0xffff, v1  }
0xc48: {  	[tilespmem:v7+s3+$0x0] =	vst.idx.add.f32.msk $0xffff, v2  }
0xc49: {  	[tilespmem:v8+s2+$0x0] =	vst.idx.add.f32.msk $0xffff, v61  }
0xc4a: {  	v7 =	vld [tilespmem:s23+$0x53E0]  }
0xc4b: {  	[tilespmem:v8+s3+$0x0] =	vst.idx.add.f32.msk $0xffff, v62  }
0xc4c: {  	v8 =	vld [tilespmem:s23+$0x53F0];
	_ =	sdelay $0x4  }
0xc4d: {  	s4 =	simm.s32 $0xD700  }
0xc4e: {  	s5 =	simm.s32 $0x11700;
	[tilespmem:v7+s4+$0x0] =	vst.idx.add.f32.msk $0xffff, v1  }
0xc4f: {  	[tilespmem:v7+s5+$0x0] =	vst.idx.add.f32.msk $0xffff, v2  }
0xc50: {  	[tilespmem:v8+s4+$0x0] =	vst.idx.add.f32.msk $0xffff, v61  }
0xc51: {  	v7 =	vld [tilespmem:s23+$0x5860]  }
0xc52: {  	[tilespmem:v8+s5+$0x0] =	vst.idx.add.f32.msk $0xffff, v62  }
0xc53: {  	v8 =	vld [tilespmem:s23+$0x5870];
	_ =	sdelay $0x4  }
0xc54: {  	s6 =	simm.s32 $0xD800  }
0xc55: {  	s7 =	simm.s32 $0x11800;
	[tilespmem:v7+s6+$0x0] =	vst.idx.add.f32.msk $0xffff, v1  }
0xc56: {  	[tilespmem:v7+s7+$0x0] =	vst.idx.add.f32.msk $0xffff, v2  }
0xc57: {  	[tilespmem:v8+s6+$0x0] =	vst.idx.add.f32.msk $0xffff, v61  }
0xc58: {  	v7 =	vld [tilespmem:s23+$0x58E0]  }
0xc59: {  	[tilespmem:v8+s7+$0x0] =	vst.idx.add.f32.msk $0xffff, v62  }
0xc5a: {  	v8 =	vld [tilespmem:s23+$0x58F0];
	_ =	sdelay $0x4  }
0xc5b: {  	s8 =	simm.s32 $0xD900  }
0xc5c: {  	s9 =	simm.s32 $0x11900;
	[tilespmem:v7+s8+$0x0] =	vst.idx.add.f32.msk $0xffff, v1  }
0xc5d: {  	[tilespmem:v7+s9+$0x0] =	vst.idx.add.f32.msk $0xffff, v2  }
0xc5e: {  	[tilespmem:v8+s8+$0x0] =	vst.idx.add.f32.msk $0xffff, v61  }
0xc5f: {  	v7 =	vld [tilespmem:s23+$0x5960]  }
0xc60: {  	[tilespmem:v8+s9+$0x0] =	vst.idx.add.f32.msk $0xffff, v62  }
0xc61: {  	v8 =	vld [tilespmem:s23+$0x5970];
	_ =	sdelay $0x4  }
0xc62: {  	v63 =	vld [tilespmem:s23+$0x59D0]  }
0xc63: {  	[tilespmem:v7+s14+$0x0] =	vst.idx.add.f32.msk $0xffff, v1  }
0xc64: {  	[tilespmem:v7+s15+$0x0] =	vst.idx.add.f32.msk $0xffff, v2  }
0xc65: {  	[tilespmem:v8+s14+$0x0] =	vst.idx.add.f32.msk $0xffff, v61  }
0xc66: {  	v7 =	vld [tilespmem:s23+$0x59E0]  }
0xc67: {  	[tilespmem:v8+s15+$0x0] =	vst.idx.add.f32.msk $0xffff, v62  }
0xc68: {  	v8 =	vld [tilespmem:s23+$0x59F0];
	_ =	sdelay $0x1  }
0xc69: {  	s10 =	simm.s32 $0xDB00  }
0xc6a: {  	[tilespmem:v63+s10+$0x0] =	vst.idx.add.f32.msk $0xffff, v3;
	s11 =	simm.s32 $0x11B00  }
0xc6b: {  	[tilespmem:v63+s11+$0x0] =	vst.idx.add.f32.msk $0xffff, v58  }
0xc6c: {  	v9 =	vld [tilespmem:s23+$0x5A50]  }
0xc6d: {  	[tilespmem:v7+s10+$0x0] =	vst.idx.add.f32.msk $0xffff, v1  }
0xc6e: {  	s14 =	simm.s32 $0xDB00;
	[tilespmem:v7+s11+$0x0] =	vst.idx.add.f32.msk $0xffff, v2  }
0xc6f: {  	[tilespmem:v8+s14+$0x0] =	vst.idx.add.f32.msk $0xffff, v61  }
0xc70: {  	s15 =	simm.s32 $0x11B00;
	v7 =	vld [tilespmem:s23+$0x5A60]  }
0xc71: {  	[tilespmem:v8+s15+$0x0] =	vst.idx.add.f32.msk $0xffff, v62  }
0xc72: {  	v8 =	vld [tilespmem:s23+$0x5A70];
	_ =	sdelay $0x1  }
0xc73: {  	s16 =	simm.s32 $0xDC00  }
0xc74: {  	[tilespmem:v9+s16+$0x0] =	vst.idx.add.f32.msk $0xffff, v3;
	s17 =	simm.s32 $0x11C00  }
0xc75: {  	[tilespmem:v9+s17+$0x0] =	vst.idx.add.f32.msk $0xffff, v58  }
0xc76: {  	v9 =	vld [tilespmem:s23+$0x5AD0]  }
0xc77: {  	[tilespmem:v7+s16+$0x0] =	vst.idx.add.f32.msk $0xffff, v1  }
0xc78: {  	s18 =	simm.s32 $0xDC00;
	[tilespmem:v7+s17+$0x0] =	vst.idx.add.f32.msk $0xffff, v2  }
0xc79: {  	[tilespmem:v8+s18+$0x0] =	vst.idx.add.f32.msk $0xffff, v61  }
0xc7a: {  	s19 =	simm.s32 $0x11C00;
	v7 =	vld [tilespmem:s23+$0x5AE0]  }
0xc7b: {  	[tilespmem:v8+s19+$0x0] =	vst.idx.add.f32.msk $0xffff, v62  }
0xc7c: {  	v8 =	vld [tilespmem:s23+$0x5AF0];
	_ =	sdelay $0x1  }
0xc7d: {  	s20 =	simm.s32 $0xDD00  }
0xc7e: {  	[tilespmem:v9+s20+$0x0] =	vst.idx.add.f32.msk $0xffff, v3;
	s21 =	simm.s32 $0x11D00  }
0xc7f: {  	[tilespmem:v9+s21+$0x0] =	vst.idx.add.f32.msk $0xffff, v58  }
0xc80: {  	v9 =	vld [tilespmem:s23+$0x5B50]  }
0xc81: {  	[tilespmem:v7+s20+$0x0] =	vst.idx.add.f32.msk $0xffff, v1  }
0xc82: {  	s22 =	simm.s32 $0xDD00;
	[tilespmem:v7+s21+$0x0] =	vst.idx.add.f32.msk $0xffff, v2  }
0xc83: {  	[tilespmem:v8+s22+$0x0] =	vst.idx.add.f32.msk $0xffff, v61  }
0xc84: {  	s24 =	simm.s32 $0x11D00;
	v7 =	vld [tilespmem:s23+$0x5B60]  }
0xc85: {  	[tilespmem:v8+s24+$0x0] =	vst.idx.add.f32.msk $0xffff, v62  }
0xc86: {  	v8 =	vld [tilespmem:s23+$0x5B70];
	_ =	sdelay $0x1  }
0xc87: {  	s26 =	simm.s32 $0xDE00  }
0xc88: {  	[tilespmem:v9+s26+$0x0] =	vst.idx.add.f32.msk $0xffff, v3;
	s28 =	simm.s32 $0x11E00  }
0xc89: {  	[tilespmem:v9+s28+$0x0] =	vst.idx.add.f32.msk $0xffff, v58  }
0xc8a: {  	v9 =	vld [tilespmem:s23+$0x5BD0]  }
0xc8b: {  	[tilespmem:v7+s26+$0x0] =	vst.idx.add.f32.msk $0xffff, v1  }
0xc8c: {  	s29 =	simm.s32 $0xDE00;
	[tilespmem:v7+s28+$0x0] =	vst.idx.add.f32.msk $0xffff, v2  }
0xc8d: {  	[tilespmem:v8+s29+$0x0] =	vst.idx.add.f32.msk $0xffff, v61  }
0xc8e: {  	s30 =	simm.s32 $0x11E00;
	v7 =	vld [tilespmem:s23+$0x5BE0]  }
0xc8f: {  	[tilespmem:v8+s30+$0x0] =	vst.idx.add.f32.msk $0xffff, v62  }
0xc90: {  	v8 =	vld [tilespmem:s23+$0x5BF0];
	_ =	sdelay $0x1  }
0xc91: {  	s2 =	simm.s32 $0xDF00  }
0xc92: {  	[tilespmem:v9+s2+$0x0] =	vst.idx.add.f32.msk $0xffff, v3;
	s3 =	simm.s32 $0x11F00  }
0xc93: {  	[tilespmem:v9+s3+$0x0] =	vst.idx.add.f32.msk $0xffff, v58  }
0xc94: {  	v9 =	vld [tilespmem:s23+$0x6050]  }
0xc95: {  	[tilespmem:v7+s2+$0x0] =	vst.idx.add.f32.msk $0xffff, v1  }
0xc96: {  	s4 =	simm.s32 $0xDF00;
	[tilespmem:v7+s3+$0x0] =	vst.idx.add.f32.msk $0xffff, v2  }
0xc97: {  	[tilespmem:v8+s4+$0x0] =	vst.idx.add.f32.msk $0xffff, v61  }
0xc98: {  	s5 =	simm.s32 $0x11F00;
	v7 =	vld [tilespmem:s23+$0x6060]  }
0xc99: {  	[tilespmem:v8+s5+$0x0] =	vst.idx.add.f32.msk $0xffff, v62  }
0xc9a: {  	v8 =	vld [tilespmem:s23+$0x6070];
	_ =	sdelay $0x1  }
0xc9b: {  	s6 =	simm.s32 $0xE000  }
0xc9c: {  	[tilespmem:v9+s6+$0x0] =	vst.idx.add.f32.msk $0xffff, v3;
	s7 =	simm.s32 $0x12000  }
0xc9d: {  	[tilespmem:v9+s7+$0x0] =	vst.idx.add.f32.msk $0xffff, v58  }
0xc9e: {  	v9 =	vld [tilespmem:s23+$0x60D0]  }
0xc9f: {  	[tilespmem:v7+s6+$0x0] =	vst.idx.add.f32.msk $0xffff, v1  }
0xca0: {  	s8 =	simm.s32 $0xE000;
	[tilespmem:v7+s7+$0x0] =	vst.idx.add.f32.msk $0xffff, v2  }
0xca1: {  	[tilespmem:v8+s8+$0x0] =	vst.idx.add.f32.msk $0xffff, v61  }
0xca2: {  	s9 =	simm.s32 $0x12000;
	v7 =	vld [tilespmem:s23+$0x60E0]  }
0xca3: {  	[tilespmem:v8+s9+$0x0] =	vst.idx.add.f32.msk $0xffff, v62  }
0xca4: {  	v8 =	vld [tilespmem:s23+$0x60F0];
	_ =	sdelay $0x1  }
0xca5: {  	s10 =	simm.s32 $0xE100  }
0xca6: {  	[tilespmem:v9+s10+$0x0] =	vst.idx.add.f32.msk $0xffff, v3;
	s11 =	simm.s32 $0x12100  }
0xca7: {  	[tilespmem:v9+s11+$0x0] =	vst.idx.add.f32.msk $0xffff, v58  }
0xca8: {  	v9 =	vld [tilespmem:s23+$0x6150]  }
0xca9: {  	[tilespmem:v7+s10+$0x0] =	vst.idx.add.f32.msk $0xffff, v1  }
0xcaa: {  	s14 =	simm.s32 $0xE100;
	[tilespmem:v7+s11+$0x0] =	vst.idx.add.f32.msk $0xffff, v2  }
0xcab: {  	[tilespmem:v8+s14+$0x0] =	vst.idx.add.f32.msk $0xffff, v61  }
0xcac: {  	s15 =	simm.s32 $0x12100;
	v7 =	vld [tilespmem:s23+$0x6160]  }
0xcad: {  	[tilespmem:v8+s15+$0x0] =	vst.idx.add.f32.msk $0xffff, v62  }
0xcae: {  	v8 =	vld [tilespmem:s23+$0x6170];
	_ =	sdelay $0x1  }
0xcaf: {  	s16 =	simm.s32 $0xE200  }
0xcb0: {  	[tilespmem:v9+s16+$0x0] =	vst.idx.add.f32.msk $0xffff, v3;
	s17 =	simm.s32 $0x12200  }
0xcb1: {  	[tilespmem:v9+s17+$0x0] =	vst.idx.add.f32.msk $0xffff, v58  }
0xcb2: {  	v9 =	vld [tilespmem:s23+$0x61D0]  }
0xcb3: {  	[tilespmem:v7+s16+$0x0] =	vst.idx.add.f32.msk $0xffff, v1  }
0xcb4: {  	s18 =	simm.s32 $0xE200;
	[tilespmem:v7+s17+$0x0] =	vst.idx.add.f32.msk $0xffff, v2  }
0xcb5: {  	[tilespmem:v8+s18+$0x0] =	vst.idx.add.f32.msk $0xffff, v61  }
0xcb6: {  	s19 =	simm.s32 $0x12200;
	v7 =	vld [tilespmem:s23+$0x61E0]  }
0xcb7: {  	[tilespmem:v8+s19+$0x0] =	vst.idx.add.f32.msk $0xffff, v62  }
0xcb8: {  	v8 =	vld [tilespmem:s23+$0x61F0];
	_ =	sdelay $0x1  }
0xcb9: {  	s20 =	simm.s32 $0xE300  }
0xcba: {  	[tilespmem:v9+s20+$0x0] =	vst.idx.add.f32.msk $0xffff, v3;
	s21 =	simm.s32 $0x12300  }
0xcbb: {  	[tilespmem:v9+s21+$0x0] =	vst.idx.add.f32.msk $0xffff, v58  }
0xcbc: {  	v9 =	vld [tilespmem:s23+$0x6250]  }
0xcbd: {  	[tilespmem:v7+s20+$0x0] =	vst.idx.add.f32.msk $0xffff, v1  }
0xcbe: {  	s22 =	simm.s32 $0xE300;
	[tilespmem:v7+s21+$0x0] =	vst.idx.add.f32.msk $0xffff, v2  }
0xcbf: {  	[tilespmem:v8+s22+$0x0] =	vst.idx.add.f32.msk $0xffff, v61  }
0xcc0: {  	s24 =	simm.s32 $0x12300;
	v7 =	vld [tilespmem:s23+$0x6260]  }
0xcc1: {  	[tilespmem:v8+s24+$0x0] =	vst.idx.add.f32.msk $0xffff, v62  }
0xcc2: {  	v8 =	vld [tilespmem:s23+$0x6270];
	_ =	sdelay $0x1  }
0xcc3: {  	s26 =	simm.s32 $0xE400  }
0xcc4: {  	[tilespmem:v9+s26+$0x0] =	vst.idx.add.f32.msk $0xffff, v3;
	s28 =	simm.s32 $0x12400  }
0xcc5: {  	[tilespmem:v9+s28+$0x0] =	vst.idx.add.f32.msk $0xffff, v58  }
0xcc6: {  	v9 =	vld [tilespmem:s23+$0x62D0]  }
0xcc7: {  	[tilespmem:v7+s26+$0x0] =	vst.idx.add.f32.msk $0xffff, v1  }
0xcc8: {  	s29 =	simm.s32 $0xE400;
	[tilespmem:v7+s28+$0x0] =	vst.idx.add.f32.msk $0xffff, v2  }
0xcc9: {  	[tilespmem:v8+s29+$0x0] =	vst.idx.add.f32.msk $0xffff, v61  }
0xcca: {  	s30 =	simm.s32 $0x12400;
	v7 =	vld [tilespmem:s23+$0x62E0]  }
0xccb: {  	[tilespmem:v8+s30+$0x0] =	vst.idx.add.f32.msk $0xffff, v62  }
0xccc: {  	v8 =	vld [tilespmem:s23+$0x62F0];
	_ =	sdelay $0x1  }
0xccd: {  	s1 =	simm.s32 $0xE500  }
0xcce: {  	s2 =	simm.s32 $0x12500;
	[tilespmem:v9+s1+$0x0] =	vst.idx.add.f32.msk $0xffff, v3  }
0xccf: {  	[tilespmem:v9+s2+$0x0] =	vst.idx.add.f32.msk $0xffff, v58  }
0xcd0: {  	v9 =	vld [tilespmem:s23+$0x6350]  }
0xcd1: {  	[tilespmem:v7+s1+$0x0] =	vst.idx.add.f32.msk $0xffff, v1  }
0xcd2: {  	s3 =	simm.s32 $0xE500;
	[tilespmem:v7+s2+$0x0] =	vst.idx.add.f32.msk $0xffff, v2  }
0xcd3: {  	[tilespmem:v8+s3+$0x0] =	vst.idx.add.f32.msk $0xffff, v61  }
0xcd4: {  	s4 =	simm.s32 $0x12500;
	v7 =	vld [tilespmem:s23+$0x6360]  }
0xcd5: {  	[tilespmem:v8+s4+$0x0] =	vst.idx.add.f32.msk $0xffff, v62  }
0xcd6: {  	v8 =	vld [tilespmem:s23+$0x6370];
	_ =	sdelay $0x1  }
0xcd7: {  	s5 =	simm.s32 $0xE600  }
0xcd8: {  	s6 =	simm.s32 $0x12600;
	[tilespmem:v9+s5+$0x0] =	vst.idx.add.f32.msk $0xffff, v3  }
0xcd9: {  	[tilespmem:v9+s6+$0x0] =	vst.idx.add.f32.msk $0xffff, v58  }
0xcda: {  	v9 =	vld [tilespmem:s23+$0x63D0]  }
0xcdb: {  	[tilespmem:v7+s5+$0x0] =	vst.idx.add.f32.msk $0xffff, v1  }
0xcdc: {  	s7 =	simm.s32 $0xE600;
	[tilespmem:v7+s6+$0x0] =	vst.idx.add.f32.msk $0xffff, v2  }
0xcdd: {  	[tilespmem:v8+s7+$0x0] =	vst.idx.add.f32.msk $0xffff, v61  }
0xcde: {  	s8 =	simm.s32 $0x12600;
	v7 =	vld [tilespmem:s23+$0x63E0]  }
0xcdf: {  	[tilespmem:v8+s8+$0x0] =	vst.idx.add.f32.msk $0xffff, v62  }
0xce0: {  	v8 =	vld [tilespmem:s23+$0x63F0];
	_ =	sdelay $0x2  }
0xce1: {  	s9 =	simm.s32 $0x12700;
	[tilespmem:v9+s31+$0x0] =	vst.idx.add.f32.msk $0xffff, v3  }
0xce2: {  	[tilespmem:v9+s9+$0x0] =	vst.idx.add.f32.msk $0xffff, v58  }
0xce3: {  	v9 =	vld [tilespmem:s23+$0x6850]  }
0xce4: {  	[tilespmem:v7+s31+$0x0] =	vst.idx.add.f32.msk $0xffff, v1  }
0xce5: {  	[tilespmem:v7+s9+$0x0] =	vst.idx.add.f32.msk $0xffff, v2  }
0xce6: {  	[tilespmem:v8+s31+$0x0] =	vst.idx.add.f32.msk $0xffff, v61  }
0xce7: {  	s10 =	simm.s32 $0x12700;
	v7 =	vld [tilespmem:s23+$0x6860]  }
0xce8: {  	[tilespmem:v8+s10+$0x0] =	vst.idx.add.f32.msk $0xffff, v62  }
0xce9: {  	v8 =	vld [tilespmem:s23+$0x6870];
	_ =	sdelay $0x1  }
0xcea: {  	s11 =	simm.s32 $0xE800  }
0xceb: {  	s14 =	simm.s32 $0x12800;
	[tilespmem:v9+s11+$0x0] =	vst.idx.add.f32.msk $0xffff, v3  }
0xcec: {  	[tilespmem:v9+s14+$0x0] =	vst.idx.add.f32.msk $0xffff, v58  }
0xced: {  	v9 =	vld [tilespmem:s23+$0x68D0]  }
0xcee: {  	[tilespmem:v7+s11+$0x0] =	vst.idx.add.f32.msk $0xffff, v1  }
0xcef: {  	s15 =	simm.s32 $0xE800;
	[tilespmem:v7+s14+$0x0] =	vst.idx.add.f32.msk $0xffff, v2  }
0xcf0: {  	[tilespmem:v8+s15+$0x0] =	vst.idx.add.f32.msk $0xffff, v61  }
0xcf1: {  	s16 =	simm.s32 $0x12800;
	v7 =	vld [tilespmem:s23+$0x68E0]  }
0xcf2: {  	[tilespmem:v8+s16+$0x0] =	vst.idx.add.f32.msk $0xffff, v62  }
0xcf3: {  	v8 =	vld [tilespmem:s23+$0x68F0];
	_ =	sdelay $0x1  }
0xcf4: {  	s17 =	simm.s32 $0xE900  }
0xcf5: {  	s18 =	simm.s32 $0x12900;
	[tilespmem:v9+s17+$0x0] =	vst.idx.add.f32.msk $0xffff, v3  }
0xcf6: {  	[tilespmem:v9+s18+$0x0] =	vst.idx.add.f32.msk $0xffff, v58  }
0xcf7: {  	v9 =	vld [tilespmem:s23+$0x6950]  }
0xcf8: {  	[tilespmem:v7+s17+$0x0] =	vst.idx.add.f32.msk $0xffff, v1  }
0xcf9: {  	s19 =	simm.s32 $0xE900;
	[tilespmem:v7+s18+$0x0] =	vst.idx.add.f32.msk $0xffff, v2  }
0xcfa: {  	[tilespmem:v8+s19+$0x0] =	vst.idx.add.f32.msk $0xffff, v61  }
0xcfb: {  	s20 =	simm.s32 $0x12900;
	v7 =	vld [tilespmem:s23+$0x6960]  }
0xcfc: {  	[tilespmem:v8+s20+$0x0] =	vst.idx.add.f32.msk $0xffff, v62  }
0xcfd: {  	v8 =	vld [tilespmem:s23+$0x6970];
	_ =	sdelay $0x1  }
0xcfe: {  	s21 =	simm.s32 $0xEA00  }
0xcff: {  	s22 =	simm.s32 $0x12A00;
	[tilespmem:v9+s21+$0x0] =	vst.idx.add.f32.msk $0xffff, v3  }
0xd00: {  	[tilespmem:v9+s22+$0x0] =	vst.idx.add.f32.msk $0xffff, v58  }
0xd01: {  	v9 =	vld [tilespmem:s23+$0x69D0]  }
0xd02: {  	[tilespmem:v7+s21+$0x0] =	vst.idx.add.f32.msk $0xffff, v1  }
0xd03: {  	s24 =	simm.s32 $0xEA00;
	[tilespmem:v7+s22+$0x0] =	vst.idx.add.f32.msk $0xffff, v2  }
0xd04: {  	[tilespmem:v8+s24+$0x0] =	vst.idx.add.f32.msk $0xffff, v61  }
0xd05: {  	s26 =	simm.s32 $0x12A00;
	v7 =	vld [tilespmem:s23+$0x69E0]  }
0xd06: {  	[tilespmem:v8+s26+$0x0] =	vst.idx.add.f32.msk $0xffff, v62  }
0xd07: {  	v8 =	vld [tilespmem:s23+$0x69F0];
	_ =	sdelay $0x1  }
0xd08: {  	s28 =	simm.s32 $0xEB00  }
0xd09: {  	s29 =	simm.s32 $0x12B00;
	[tilespmem:v9+s28+$0x0] =	vst.idx.add.f32.msk $0xffff, v3  }
0xd0a: {  	[tilespmem:v9+s29+$0x0] =	vst.idx.add.f32.msk $0xffff, v58  }
0xd0b: {  	v9 =	vld [tilespmem:s23+$0x6A50]  }
0xd0c: {  	[tilespmem:v7+s28+$0x0] =	vst.idx.add.f32.msk $0xffff, v1  }
0xd0d: {  	s30 =	simm.s32 $0xEB00;
	[tilespmem:v7+s29+$0x0] =	vst.idx.add.f32.msk $0xffff, v2  }
0xd0e: {  	[tilespmem:v8+s30+$0x0] =	vst.idx.add.f32.msk $0xffff, v61  }
0xd0f: {  	s31 =	simm.s32 $0x12B00;
	v7 =	vld [tilespmem:s23+$0x6A60]  }
0xd10: {  	[tilespmem:v8+s31+$0x0] =	vst.idx.add.f32.msk $0xffff, v62  }
0xd11: {  	v8 =	vld [tilespmem:s23+$0x6A70];
	_ =	sdelay $0x1  }
0xd12: {  	s1 =	simm.s32 $0xEC00  }
0xd13: {  	s2 =	simm.s32 $0x12C00;
	[tilespmem:v9+s1+$0x0] =	vst.idx.add.f32.msk $0xffff, v3  }
0xd14: {  	[tilespmem:v9+s2+$0x0] =	vst.idx.add.f32.msk $0xffff, v58  }
0xd15: {  	v9 =	vld [tilespmem:s23+$0x6AD0]  }
0xd16: {  	[tilespmem:v7+s1+$0x0] =	vst.idx.add.f32.msk $0xffff, v1  }
0xd17: {  	s3 =	simm.s32 $0xEC00;
	[tilespmem:v7+s2+$0x0] =	vst.idx.add.f32.msk $0xffff, v2  }
0xd18: {  	[tilespmem:v8+s3+$0x0] =	vst.idx.add.f32.msk $0xffff, v61  }
0xd19: {  	s4 =	simm.s32 $0x12C00;
	v7 =	vld [tilespmem:s23+$0x6AE0]  }
0xd1a: {  	[tilespmem:v8+s4+$0x0] =	vst.idx.add.f32.msk $0xffff, v62  }
0xd1b: {  	v8 =	vld [tilespmem:s23+$0x6AF0];
	_ =	sdelay $0x1  }
0xd1c: {  	s5 =	simm.s32 $0xED00  }
0xd1d: {  	s6 =	simm.s32 $0x12D00;
	[tilespmem:v9+s5+$0x0] =	vst.idx.add.f32.msk $0xffff, v3  }
0xd1e: {  	[tilespmem:v9+s6+$0x0] =	vst.idx.add.f32.msk $0xffff, v58  }
0xd1f: {  	v9 =	vld [tilespmem:s23+$0x6B50]  }
0xd20: {  	[tilespmem:v7+s5+$0x0] =	vst.idx.add.f32.msk $0xffff, v1  }
0xd21: {  	s7 =	simm.s32 $0xED00;
	[tilespmem:v7+s6+$0x0] =	vst.idx.add.f32.msk $0xffff, v2  }
0xd22: {  	[tilespmem:v8+s7+$0x0] =	vst.idx.add.f32.msk $0xffff, v61  }
0xd23: {  	s8 =	simm.s32 $0x12D00;
	v7 =	vld [tilespmem:s23+$0x6B60]  }
0xd24: {  	[tilespmem:v8+s8+$0x0] =	vst.idx.add.f32.msk $0xffff, v62  }
0xd25: {  	v8 =	vld [tilespmem:s23+$0x6B70];
	_ =	sdelay $0x1  }
0xd26: {  	s9 =	simm.s32 $0xEE00  }
0xd27: {  	s10 =	simm.s32 $0x12E00;
	[tilespmem:v9+s9+$0x0] =	vst.idx.add.f32.msk $0xffff, v3  }
0xd28: {  	[tilespmem:v9+s10+$0x0] =	vst.idx.add.f32.msk $0xffff, v58  }
0xd29: {  	v9 =	vld [tilespmem:s23+$0x6BD0]  }
0xd2a: {  	[tilespmem:v7+s9+$0x0] =	vst.idx.add.f32.msk $0xffff, v1  }
0xd2b: {  	s11 =	simm.s32 $0xEE00;
	[tilespmem:v7+s10+$0x0] =	vst.idx.add.f32.msk $0xffff, v2  }
0xd2c: {  	[tilespmem:v8+s11+$0x0] =	vst.idx.add.f32.msk $0xffff, v61  }
0xd2d: {  	s14 =	simm.s32 $0x12E00;
	v7 =	vld [tilespmem:s23+$0x6BE0]  }
0xd2e: {  	[tilespmem:v8+s14+$0x0] =	vst.idx.add.f32.msk $0xffff, v62  }
0xd2f: {  	v8 =	vld [tilespmem:s23+$0x6BF0];
	_ =	sdelay $0x1  }
0xd30: {  	s15 =	simm.s32 $0xEF00  }
0xd31: {  	s16 =	simm.s32 $0x12F00;
	[tilespmem:v9+s15+$0x0] =	vst.idx.add.f32.msk $0xffff, v3  }
0xd32: {  	[tilespmem:v9+s16+$0x0] =	vst.idx.add.f32.msk $0xffff, v58  }
0xd33: {  	v9 =	vld [tilespmem:s23+$0x7050]  }
0xd34: {  	[tilespmem:v7+s15+$0x0] =	vst.idx.add.f32.msk $0xffff, v1  }
0xd35: {  	s17 =	simm.s32 $0xEF00;
	[tilespmem:v7+s16+$0x0] =	vst.idx.add.f32.msk $0xffff, v2  }
0xd36: {  	[tilespmem:v8+s17+$0x0] =	vst.idx.add.f32.msk $0xffff, v61  }
0xd37: {  	s18 =	simm.s32 $0x12F00;
	v7 =	vld [tilespmem:s23+$0x7060]  }
0xd38: {  	[tilespmem:v8+s18+$0x0] =	vst.idx.add.f32.msk $0xffff, v62  }
0xd39: {  	v8 =	vld [tilespmem:s23+$0x7070];
	_ =	sdelay $0x1  }
0xd3a: {  	s19 =	simm.s32 $0xF000  }
0xd3b: {  	s20 =	simm.s32 $0x13000;
	[tilespmem:v9+s19+$0x0] =	vst.idx.add.f32.msk $0xffff, v3  }
0xd3c: {  	[tilespmem:v9+s20+$0x0] =	vst.idx.add.f32.msk $0xffff, v58  }
0xd3d: {  	v9 =	vld [tilespmem:s23+$0x70D0]  }
0xd3e: {  	[tilespmem:v7+s19+$0x0] =	vst.idx.add.f32.msk $0xffff, v1  }
0xd3f: {  	s21 =	simm.s32 $0xF000;
	[tilespmem:v7+s20+$0x0] =	vst.idx.add.f32.msk $0xffff, v2  }
0xd40: {  	[tilespmem:v8+s21+$0x0] =	vst.idx.add.f32.msk $0xffff, v61  }
0xd41: {  	s22 =	simm.s32 $0x13000;
	v7 =	vld [tilespmem:s23+$0x70E0]  }
0xd42: {  	[tilespmem:v8+s22+$0x0] =	vst.idx.add.f32.msk $0xffff, v62  }
0xd43: {  	v8 =	vld [tilespmem:s23+$0x70F0];
	_ =	sdelay $0x1  }
0xd44: {  	s24 =	simm.s32 $0xF100  }
0xd45: {  	s26 =	simm.s32 $0x13100;
	[tilespmem:v9+s24+$0x0] =	vst.idx.add.f32.msk $0xffff, v3  }
0xd46: {  	[tilespmem:v9+s26+$0x0] =	vst.idx.add.f32.msk $0xffff, v58  }
0xd47: {  	v9 =	vld [tilespmem:s23+$0x7150]  }
0xd48: {  	[tilespmem:v7+s24+$0x0] =	vst.idx.add.f32.msk $0xffff, v1  }
0xd49: {  	s28 =	simm.s32 $0xF100;
	[tilespmem:v7+s26+$0x0] =	vst.idx.add.f32.msk $0xffff, v2  }
0xd4a: {  	[tilespmem:v8+s28+$0x0] =	vst.idx.add.f32.msk $0xffff, v61  }
0xd4b: {  	s29 =	simm.s32 $0x13100;
	v7 =	vld [tilespmem:s23+$0x7160]  }
0xd4c: {  	[tilespmem:v8+s29+$0x0] =	vst.idx.add.f32.msk $0xffff, v62  }
0xd4d: {  	v8 =	vld [tilespmem:s23+$0x7170];
	_ =	sdelay $0x1  }
0xd4e: {  	s30 =	simm.s32 $0xF200  }
0xd4f: {  	s31 =	simm.s32 $0x13200;
	[tilespmem:v9+s30+$0x0] =	vst.idx.add.f32.msk $0xffff, v3  }
0xd50: {  	[tilespmem:v9+s31+$0x0] =	vst.idx.add.f32.msk $0xffff, v58  }
0xd51: {  	v9 =	vld [tilespmem:s23+$0x71D0]  }
0xd52: {  	[tilespmem:v7+s30+$0x0] =	vst.idx.add.f32.msk $0xffff, v1  }
0xd53: {  	s2 =	simm.s32 $0xF200;
	[tilespmem:v7+s31+$0x0] =	vst.idx.add.f32.msk $0xffff, v2  }
0xd54: {  	[tilespmem:v8+s2+$0x0] =	vst.idx.add.f32.msk $0xffff, v61  }
0xd55: {  	s3 =	simm.s32 $0x13200;
	v7 =	vld [tilespmem:s23+$0x71E0]  }
0xd56: {  	[tilespmem:v8+s3+$0x0] =	vst.idx.add.f32.msk $0xffff, v62  }
0xd57: {  	v8 =	vld [tilespmem:s23+$0x71F0];
	_ =	sdelay $0x1  }
0xd58: {  	s4 =	simm.s32 $0xF300  }
0xd59: {  	s5 =	simm.s32 $0x13300;
	[tilespmem:v9+s4+$0x0] =	vst.idx.add.f32.msk $0xffff, v3  }
0xd5a: {  	[tilespmem:v9+s5+$0x0] =	vst.idx.add.f32.msk $0xffff, v58  }
0xd5b: {  	v9 =	vld [tilespmem:s23+$0x7250]  }
0xd5c: {  	[tilespmem:v7+s4+$0x0] =	vst.idx.add.f32.msk $0xffff, v1  }
0xd5d: {  	s6 =	simm.s32 $0xF300;
	[tilespmem:v7+s5+$0x0] =	vst.idx.add.f32.msk $0xffff, v2  }
0xd5e: {  	[tilespmem:v8+s6+$0x0] =	vst.idx.add.f32.msk $0xffff, v61  }
0xd5f: {  	s7 =	simm.s32 $0x13300;
	v7 =	vld [tilespmem:s23+$0x7260]  }
0xd60: {  	[tilespmem:v8+s7+$0x0] =	vst.idx.add.f32.msk $0xffff, v62  }
0xd61: {  	v8 =	vld [tilespmem:s23+$0x7270];
	_ =	sdelay $0x1  }
0xd62: {  	s8 =	simm.s32 $0xF400  }
0xd63: {  	s9 =	simm.s32 $0x13400;
	[tilespmem:v9+s8+$0x0] =	vst.idx.add.f32.msk $0xffff, v3  }
0xd64: {  	[tilespmem:v9+s9+$0x0] =	vst.idx.add.f32.msk $0xffff, v58  }
0xd65: {  	v9 =	vld [tilespmem:s23+$0x72D0]  }
0xd66: {  	[tilespmem:v7+s8+$0x0] =	vst.idx.add.f32.msk $0xffff, v1  }
0xd67: {  	s10 =	simm.s32 $0xF400;
	[tilespmem:v7+s9+$0x0] =	vst.idx.add.f32.msk $0xffff, v2  }
0xd68: {  	[tilespmem:v8+s10+$0x0] =	vst.idx.add.f32.msk $0xffff, v61  }
0xd69: {  	s11 =	simm.s32 $0x13400;
	v7 =	vld [tilespmem:s23+$0x72E0]  }
0xd6a: {  	[tilespmem:v8+s11+$0x0] =	vst.idx.add.f32.msk $0xffff, v62  }
0xd6b: {  	v8 =	vld [tilespmem:s23+$0x72F0];
	_ =	sdelay $0x1  }
0xd6c: {  	s14 =	simm.s32 $0xF500  }
0xd6d: {  	s15 =	simm.s32 $0x13500;
	[tilespmem:v9+s14+$0x0] =	vst.idx.add.f32.msk $0xffff, v3  }
0xd6e: {  	[tilespmem:v9+s15+$0x0] =	vst.idx.add.f32.msk $0xffff, v58  }
0xd6f: {  	v9 =	vld [tilespmem:s23+$0x7350]  }
0xd70: {  	[tilespmem:v7+s14+$0x0] =	vst.idx.add.f32.msk $0xffff, v1  }
0xd71: {  	s16 =	simm.s32 $0xF500;
	[tilespmem:v7+s15+$0x0] =	vst.idx.add.f32.msk $0xffff, v2  }
0xd72: {  	[tilespmem:v8+s16+$0x0] =	vst.idx.add.f32.msk $0xffff, v61  }
0xd73: {  	s17 =	simm.s32 $0x13500;
	v7 =	vld [tilespmem:s23+$0x7360]  }
0xd74: {  	[tilespmem:v8+s17+$0x0] =	vst.idx.add.f32.msk $0xffff, v62  }
0xd75: {  	v8 =	vld [tilespmem:s23+$0x7370];
	_ =	sdelay $0x1  }
0xd76: {  	s18 =	simm.s32 $0xF600  }
0xd77: {  	s19 =	simm.s32 $0x13600;
	[tilespmem:v9+s18+$0x0] =	vst.idx.add.f32.msk $0xffff, v3  }
0xd78: {  	[tilespmem:v9+s19+$0x0] =	vst.idx.add.f32.msk $0xffff, v58  }
0xd79: {  	v9 =	vld [tilespmem:s23+$0x73D0]  }
0xd7a: {  	[tilespmem:v7+s18+$0x0] =	vst.idx.add.f32.msk $0xffff, v1  }
0xd7b: {  	s20 =	simm.s32 $0xF600;
	[tilespmem:v7+s19+$0x0] =	vst.idx.add.f32.msk $0xffff, v2  }
0xd7c: {  	[tilespmem:v8+s20+$0x0] =	vst.idx.add.f32.msk $0xffff, v61  }
0xd7d: {  	s21 =	simm.s32 $0x13600;
	v7 =	vld [tilespmem:s23+$0x73E0]  }
0xd7e: {  	[tilespmem:v8+s21+$0x0] =	vst.idx.add.f32.msk $0xffff, v62  }
0xd7f: {  	v8 =	vld [tilespmem:s23+$0x73F0];
	_ =	sdelay $0x1  }
0xd80: {  	s22 =	simm.s32 $0xF700  }
0xd81: {  	s24 =	simm.s32 $0x13700;
	[tilespmem:v9+s22+$0x0] =	vst.idx.add.f32.msk $0xffff, v3  }
0xd82: {  	[tilespmem:v9+s24+$0x0] =	vst.idx.add.f32.msk $0xffff, v58  }
0xd83: {  	v9 =	vld [tilespmem:s23+$0x7850]  }
0xd84: {  	[tilespmem:v7+s22+$0x0] =	vst.idx.add.f32.msk $0xffff, v1  }
0xd85: {  	s26 =	simm.s32 $0xF700;
	[tilespmem:v7+s24+$0x0] =	vst.idx.add.f32.msk $0xffff, v2  }
0xd86: {  	[tilespmem:v8+s26+$0x0] =	vst.idx.add.f32.msk $0xffff, v61  }
0xd87: {  	s28 =	simm.s32 $0x13700;
	v7 =	vld [tilespmem:s23+$0x7860]  }
0xd88: {  	[tilespmem:v8+s28+$0x0] =	vst.idx.add.f32.msk $0xffff, v62  }
0xd89: {  	v8 =	vld [tilespmem:s23+$0x7870];
	_ =	sdelay $0x1  }
0xd8a: {  	s29 =	simm.s32 $0xF800  }
0xd8b: {  	s30 =	simm.s32 $0x13800;
	[tilespmem:v9+s29+$0x0] =	vst.idx.add.f32.msk $0xffff, v3  }
0xd8c: {  	[tilespmem:v9+s30+$0x0] =	vst.idx.add.f32.msk $0xffff, v58  }
0xd8d: {  	v9 =	vld [tilespmem:s23+$0x78D0]  }
0xd8e: {  	[tilespmem:v7+s29+$0x0] =	vst.idx.add.f32.msk $0xffff, v1  }
0xd8f: {  	s31 =	simm.s32 $0xF800;
	[tilespmem:v7+s30+$0x0] =	vst.idx.add.f32.msk $0xffff, v2  }
0xd90: {  	[tilespmem:v8+s31+$0x0] =	vst.idx.add.f32.msk $0xffff, v61  }
0xd91: {  	s2 =	simm.s32 $0x13800;
	v7 =	vld [tilespmem:s23+$0x78E0]  }
0xd92: {  	[tilespmem:v8+s2+$0x0] =	vst.idx.add.f32.msk $0xffff, v62  }
0xd93: {  	v8 =	vld [tilespmem:s23+$0x78F0];
	_ =	sdelay $0x1  }
0xd94: {  	s3 =	simm.s32 $0xF900  }
0xd95: {  	s4 =	simm.s32 $0x13900;
	[tilespmem:v9+s3+$0x0] =	vst.idx.add.f32.msk $0xffff, v3  }
0xd96: {  	[tilespmem:v9+s4+$0x0] =	vst.idx.add.f32.msk $0xffff, v58  }
0xd97: {  	v9 =	vld [tilespmem:s23+$0x7950]  }
0xd98: {  	[tilespmem:v7+s3+$0x0] =	vst.idx.add.f32.msk $0xffff, v1  }
0xd99: {  	s5 =	simm.s32 $0xF900;
	[tilespmem:v7+s4+$0x0] =	vst.idx.add.f32.msk $0xffff, v2  }
0xd9a: {  	[tilespmem:v8+s5+$0x0] =	vst.idx.add.f32.msk $0xffff, v61  }
0xd9b: {  	s6 =	simm.s32 $0x13900;
	v7 =	vld [tilespmem:s23+$0x7960]  }
0xd9c: {  	[tilespmem:v8+s6+$0x0] =	vst.idx.add.f32.msk $0xffff, v62  }
0xd9d: {  	v8 =	vld [tilespmem:s23+$0x7970];
	_ =	sdelay $0x1  }
0xd9e: {  	s7 =	simm.s32 $0xFA00  }
0xd9f: {  	s8 =	simm.s32 $0x13A00;
	[tilespmem:v9+s7+$0x0] =	vst.idx.add.f32.msk $0xffff, v3  }
0xda0: {  	[tilespmem:v9+s8+$0x0] =	vst.idx.add.f32.msk $0xffff, v58  }
0xda1: {  	v9 =	vld [tilespmem:s23+$0x79D0]  }
0xda2: {  	[tilespmem:v7+s7+$0x0] =	vst.idx.add.f32.msk $0xffff, v1  }
0xda3: {  	s9 =	simm.s32 $0xFA00;
	[tilespmem:v7+s8+$0x0] =	vst.idx.add.f32.msk $0xffff, v2  }
0xda4: {  	[tilespmem:v8+s9+$0x0] =	vst.idx.add.f32.msk $0xffff, v61  }
0xda5: {  	s10 =	simm.s32 $0x13A00;
	v7 =	vld [tilespmem:s23+$0x79E0]  }
0xda6: {  	[tilespmem:v8+s10+$0x0] =	vst.idx.add.f32.msk $0xffff, v62  }
0xda7: {  	v8 =	vld [tilespmem:s23+$0x79F0];
	_ =	sdelay $0x1  }
0xda8: {  	s11 =	simm.s32 $0xFB00  }
0xda9: {  	s14 =	simm.s32 $0x13B00;
	[tilespmem:v9+s11+$0x0] =	vst.idx.add.f32.msk $0xffff, v3  }
0xdaa: {  	[tilespmem:v9+s14+$0x0] =	vst.idx.add.f32.msk $0xffff, v58  }
0xdab: {  	v9 =	vld [tilespmem:s23+$0x7A50]  }
0xdac: {  	[tilespmem:v7+s11+$0x0] =	vst.idx.add.f32.msk $0xffff, v1  }
0xdad: {  	s15 =	simm.s32 $0xFB00;
	[tilespmem:v7+s14+$0x0] =	vst.idx.add.f32.msk $0xffff, v2  }
0xdae: {  	[tilespmem:v8+s15+$0x0] =	vst.idx.add.f32.msk $0xffff, v61  }
0xdaf: {  	s16 =	simm.s32 $0x13B00;
	v7 =	vld [tilespmem:s23+$0x7A60]  }
0xdb0: {  	[tilespmem:v8+s16+$0x0] =	vst.idx.add.f32.msk $0xffff, v62  }
0xdb1: {  	v8 =	vld [tilespmem:s23+$0x7A70];
	_ =	sdelay $0x1  }
0xdb2: {  	s17 =	simm.s32 $0xFC00  }
0xdb3: {  	s18 =	simm.s32 $0x13C00;
	[tilespmem:v9+s17+$0x0] =	vst.idx.add.f32.msk $0xffff, v3  }
0xdb4: {  	[tilespmem:v9+s18+$0x0] =	vst.idx.add.f32.msk $0xffff, v58  }
0xdb5: {  	v9 =	vld [tilespmem:s23+$0x7AD0]  }
0xdb6: {  	[tilespmem:v7+s17+$0x0] =	vst.idx.add.f32.msk $0xffff, v1  }
0xdb7: {  	s19 =	simm.s32 $0xFC00;
	[tilespmem:v7+s18+$0x0] =	vst.idx.add.f32.msk $0xffff, v2  }
0xdb8: {  	[tilespmem:v8+s19+$0x0] =	vst.idx.add.f32.msk $0xffff, v61  }
0xdb9: {  	s20 =	simm.s32 $0x13C00;
	v7 =	vld [tilespmem:s23+$0x7AE0]  }
0xdba: {  	[tilespmem:v8+s20+$0x0] =	vst.idx.add.f32.msk $0xffff, v62  }
0xdbb: {  	v8 =	vld [tilespmem:s23+$0x7AF0];
	_ =	sdelay $0x1  }
0xdbc: {  	s21 =	simm.s32 $0xFD00  }
0xdbd: {  	s22 =	simm.s32 $0x13D00;
	[tilespmem:v9+s21+$0x0] =	vst.idx.add.f32.msk $0xffff, v3  }
0xdbe: {  	[tilespmem:v9+s22+$0x0] =	vst.idx.add.f32.msk $0xffff, v58  }
0xdbf: {  	v9 =	vld [tilespmem:s23+$0x7B50]  }
0xdc0: {  	[tilespmem:v7+s21+$0x0] =	vst.idx.add.f32.msk $0xffff, v1  }
0xdc1: {  	s24 =	simm.s32 $0xFD00;
	[tilespmem:v7+s22+$0x0] =	vst.idx.add.f32.msk $0xffff, v2  }
0xdc2: {  	[tilespmem:v8+s24+$0x0] =	vst.idx.add.f32.msk $0xffff, v61  }
0xdc3: {  	s26 =	simm.s32 $0x13D00;
	v7 =	vld [tilespmem:s23+$0x7B60]  }
0xdc4: {  	[tilespmem:v8+s26+$0x0] =	vst.idx.add.f32.msk $0xffff, v62  }
0xdc5: {  	v8 =	vld [tilespmem:s23+$0x7B70];
	_ =	sdelay $0x1  }
0xdc6: {  	s28 =	simm.s32 $0xFE00  }
0xdc7: {  	s29 =	simm.s32 $0x13E00;
	[tilespmem:v9+s28+$0x0] =	vst.idx.add.f32.msk $0xffff, v3  }
0xdc8: {  	[tilespmem:v9+s29+$0x0] =	vst.idx.add.f32.msk $0xffff, v58  }
0xdc9: {  	v9 =	vld [tilespmem:s23+$0x7BD0]  }
0xdca: {  	[tilespmem:v7+s28+$0x0] =	vst.idx.add.f32.msk $0xffff, v1  }
0xdcb: {  	s30 =	simm.s32 $0xFE00;
	[tilespmem:v7+s29+$0x0] =	vst.idx.add.f32.msk $0xffff, v2  }
0xdcc: {  	[tilespmem:v8+s30+$0x0] =	vst.idx.add.f32.msk $0xffff, v61  }
0xdcd: {  	s31 =	simm.s32 $0x13E00;
	v7 =	vld [tilespmem:s23+$0x7BE0]  }
0xdce: {  	[tilespmem:v8+s31+$0x0] =	vst.idx.add.f32.msk $0xffff, v62  }
0xdcf: {  	v8 =	vld [tilespmem:s23+$0x7BF0];
	_ =	sdelay $0x3  }
0xdd0: {  	p2 =	por p1, p1;
	[tilespmem:v9+s13+$0x0] =	vst.idx.add.f32.msk $0xffff, v3  }
.Ltmp4:
0xdd1: {  	[tilespmem:v9+s12+$0x0] =	vst.idx.add.f32.msk $0xffff, v58;
	(pc) =	sbr.rel @p2 .LBB2_7-.Ltmp4, $4  }
0xdd2: {  	[tilespmem:v7+s13+$0x0] =	vst.idx.add.f32.msk $0xffff, v1  }
0xdd3: {  	[tilespmem:v7+s12+$0x0] =	vst.idx.add.f32.msk $0xffff, v2  }
0xdd4: {  	[tilespmem:v8+s13+$0x0] =	vst.idx.add.f32.msk $0xffff, v61  }
0xdd5: {  	p1 =	por $0x0, $0x0;
	s25 =	simm.s32 $0xC000;
	s24 =	simm.s32 $0x8;
	[tilespmem:v8+s12+$0x0] =	vst.idx.add.f32.msk $0xffff, v62  }
.Ltmp5:
0xdd6: {  	(pc) =	sbr.rel @p0 .LBB2_10-.Ltmp5, $1  }
0xdd7: {  	_ =	sdelay $0x3  }
0xdd8: {  	s23 =	rddreg [dreg:$0xa]  }
0xdd9: {  	s0 =	rddreg [dreg:$0x10];
	s24 =	simm.s32 $0x800  }
0xdda: {  	s25 =	simm.s32 $0x200000;
	s26 =	simm.s32 $0x4000;
	s31 =	rddreg [dreg:$0xf]  }
0xddb: {  	s29 =	simm.s32 $0x10100;
	s30 =	simm.s32 $0xC200;
	s28 =	simm.s32 $0x10200  }
.Ltmp6:
0xddc: {  	s1 =	simm.s32 $0xC300;
	s12 =	simm.s32 $0xC400;
	(pc) =	sbr.rel .LBB2_4-.Ltmp6, $4  }
0xddd: {  	s13 =	simm.s32 $0x10400;
	s4 =	simm.s32 $0xC500;
	s5 =	simm.s32 $0x10500  }
0xdde: {  	s7 =	simm.s32 $0xC600;
	s9 =	simm.s32 $0x10600;
	s23 =	sadd.s32 s0, s23  }
0xddf: {  	[tilespmem:s26], [sflag:$0x2] =	stream.strided.gather [hbm4b:s23+s24], $0x4000, s25, s24, $0x38;
	[tilespmem:$0x14000] =	vst v63  }
0xde0: {  	s0 =	simm.s32 $0xC700;
	s24 =	sadd.s32 $0x1, s31;
	s26 =	simm.s32 $0x10300  }
.LBB2_11:
0xde1: {  	_ =	sfence.sel $0x180000  }
0xde2: {  	[bflag:$0x0] =	sbarrier.arrive $0xFFFF  }
0xde3: {  	_ =	strace $0x90000047  }
0xde4: {  	s0 =	stileid.u32;
	[bflag:$0x2] =	sbarrier.arrive $0xFFFF  }
0xde5: {  	p0 =	sne.s32 s0, $0x0;
	s0 =	rddreg [dreg:$0x4]  }
0xde6: {  	s0 =	sadd.s32 @!p0 $0x100000, s0  }
0xde7: {  	[sflag:s0] =	ssyncadd.tile.s32 @!p0 $0x1;
	_ =	shalt  }
.Lfunc_end2:
_tile_overlayer_lowered:
.L_overlay_start_2:
0xde8: {  	(tag) =	ssettag $0x2  }
0xde9: {  	s0 =	rddreg [dreg:$0x0];
	s2 =	stileid.u32  }
0xdea: {  	s1 =	rddreg [dreg:$0x1];
	p0 =	sne.s32 s2, $0x0  }
0xdeb: {  	s3 =	rddreg [dreg:$0x2];
	[bflag:$0x3] =	sbarrier.arrive $0xFFFF;
	s2 =	simm.s32 @!p0 $0x1C04  }
0xdec: {  	[timem:s3], [sflag:s2] =	dma.local @!p0 [hbm:s0], s1  }
0xded: {  	s0 =	simm.s32 @!p0 $0x4  }
0xdee: {  	_ =	swait.ge @!p0 [sflag:s0], s1  }
0xdef: {  	s1 =	ssub.s32 @!p0 $0x0, s1;
	[sflag:s0] =	ssyncset.done @!p0 $0x0  }
0xdf0: {  	[sflag:s0] =	ssyncadd.s32 @!p0 s1  }
0xdf1: {  	[bflag:$0x3] =	sbarrier.arrive $0xFFFF  }
0xdf2: {  	_ =	shalt  }

</sc_bundles>
